<compile_context>
chip_gen: v7x
topology: tpu7x:2x2x1
jax: 0.10.2.dev20260603
libtpu: 0.0.44.dev20260713+nightly
codegen_flags: <defaults>
</compile_context>

<pallas_src>
import functools

import jax
import jax.numpy as jnp
from jax import lax
from jax.experimental import pallas as pl
from jax.experimental.pallas import tpu as pltpu
from jax.experimental.pallas import tpu_sc as plsc

_DH = 128
_TILES = 16
_CHUNK = 80


def _make_sc_scatter(NP, E):
  rows_per_tile = NP // _TILES
  edges_per_tile = E // _TILES
  nchunk = edges_per_tile // _CHUNK
  mesh = plsc.VectorSubcoreMesh(core_axis_name="c", subcore_axis_name="s")

  @functools.partial(
      pl.kernel,
      mesh=mesh,
      out_type=jax.ShapeDtypeStruct((2 * NP, _DH), jnp.float32),
      scratch_types=[
          pltpu.VMEM((_CHUNK,), jnp.int32),
          pltpu.VMEM((_CHUNK,), jnp.int32),
          pltpu.VMEM((_CHUNK, _DH), jnp.float32),
          pltpu.VMEM_SHARED((NP, _DH), jnp.float32),
          pltpu.SemaphoreType.DMA,
      ],
  )
  def sc_scatter(u_hbm, src_hbm, dst_hbm, z_hbm, out_hbm,
                 src_v, dst_v, rows_v, acc_sh, sem):
    c = lax.axis_index("c")
    s = lax.axis_index("s")
    row0 = s * rows_per_tile
    pltpu.sync_copy(z_hbm, acc_sh.at[pl.ds(row0, rows_per_tile)])
    plsc.subcore_barrier()

    ebase = s * edges_per_tile

    def step(i, carry):
      off = ebase + i * _CHUNK
      pltpu.sync_copy(src_hbm.at[pl.ds(c * E + off, _CHUNK)], src_v)
      pltpu.sync_copy(dst_hbm.at[pl.ds(off, _CHUNK)], dst_v)
      pltpu.async_copy(u_hbm.at[src_v], rows_v, sem).wait()
      pltpu.sync_copy(rows_v, acc_sh.at[dst_v], add=True)
      return carry

    lax.fori_loop(0, nchunk, step, 0)
    plsc.subcore_barrier()
    pltpu.sync_copy(acc_sh.at[pl.ds(row0, rows_per_tile)],
                    out_hbm.at[pl.ds(c * NP + row0, rows_per_tile)])

  return sc_scatter


def _t0_body(x_ref, deg_ref, u0_ref, nrm_ref):
  nrm = lax.rsqrt(jnp.maximum(deg_ref[...], 1.0))
  nrm_ref[...] = nrm
  u0_ref[...] = x_ref[...] * nrm[:, 0:1]


def _tscale_body(s_ref, n_ref, f_ref, u_ref):
  a = n_ref[:, 0:1]
  f = s_ref[...] * a
  f_ref[...] = f
  u_ref[...] = f * a


def _tmm_body(f_ref, w_ref, b_ref, y_ref, ps_ref, pq_ref, acc_ref, *, nk):
  k = pl.program_id(1)

  @pl.when(k == 0)
  def _():
    acc_ref[...] = jnp.zeros_like(acc_ref)

  acc_ref[...] += jnp.dot(f_ref[0], w_ref[0],
                          preferred_element_type=jnp.float32)

  @pl.when(k == nk - 1)
  def _():
    y = acc_ref[...] + b_ref[...]
    y_ref[...] = y
    ps_ref[...] = jnp.sum(y, axis=0, keepdims=True)[None]
    pq_ref[...] = jnp.sum(y * y, axis=0, keepdims=True)[None]


def _bn_scale_shift(ps_ref, pq_ref, g_ref, be_ref, n):
  mu = jnp.sum(ps_ref[...], axis=0) / n
  ex2 = jnp.sum(pq_ref[...], axis=0) / n
  var = ex2 - mu * mu
  scale = g_ref[...] * lax.rsqrt(var + 1e-5)
  shift = be_ref[...] - mu * scale
  return scale, shift


def _tbn_body(y_ref, ps_ref, pq_ref, g_ref, be_ref, n_ref, h_ref, u_ref, *, n):
  scale, shift = _bn_scale_shift(ps_ref, pq_ref, g_ref, be_ref, n)
  h = jax.nn.relu(y_ref[...] * scale + shift)
  h_ref[...] = h
  u_ref[...] = h * n_ref[:, 0:1]


def _tfinal_body(y_ref, ps_ref, pq_ref, g_ref, be_ref, w_ref, bf_ref, x_ref,
                 o_ref, *, n):
  scale, shift = _bn_scale_shift(ps_ref, pq_ref, g_ref, be_ref, n)
  z = jax.nn.relu(y_ref[...] * scale + shift)
  o_ref[...] = (jnp.dot(z, w_ref[...], preferred_element_type=jnp.float32)
                + bf_ref[...] + x_ref[...])


def kernel(node_features, edge_index, W1, b1, g1, be1, W2, b2, g2, be2,
           Wf, bf):
  x = node_features
  N, D = x.shape
  E = edge_index.shape[1]
  K = W1.shape[1] // D - 1
  NK = 2 * (K + 1)
  TN = 1000
  GN = N // TN
  f32 = jnp.float32

  NP = ((N + 127) // 128) * 128
  TS = 2 * NP // 32
  zpad = jnp.zeros((NP - N, _DH), f32)

  src = edge_index[0]
  dst = edge_index[1]
  src2 = jnp.concatenate([src, src + NP])
  zeros_tile = jnp.zeros((NP // _TILES, _DH), f32)

  sc_scatter = _make_sc_scatter(NP, E)

  def split(h):
    return jnp.concatenate([h[:, :_DH], zpad, h[:, _DH:], zpad], axis=0)

  degrep = sc_scatter(jnp.ones((2 * NP, _DH), f32), src2, dst, zeros_tile)

  u0, nrmrep = pl.pallas_call(
      _t0_body,
      grid=(GN,),
      in_specs=[
          pl.BlockSpec((TN, D), lambda n: (n, 0)),
          pl.BlockSpec((TN, _DH), lambda n: (n, 0)),
      ],
      out_specs=[
          pl.BlockSpec((TN, D), lambda n: (n, 0)),
          pl.BlockSpec((TN, _DH), lambda n: (n, 0)),
      ],
      out_shape=[
          jax.ShapeDtypeStruct((N, D), f32),
          jax.ShapeDtypeStruct((N, _DH), f32),
      ],
  )(x, degrep[:N])
  nrm2N = jnp.concatenate([nrmrep, zpad, nrmrep, zpad], axis=0)

  tscale = pl.pallas_call(
      _tscale_body,
      grid=(2 * NP // TS,),
      in_specs=[pl.BlockSpec((TS, _DH), lambda n: (n, 0))] * 2,
      out_specs=[pl.BlockSpec((TS, _DH), lambda n: (n, 0))] * 2,
      out_shape=[jax.ShapeDtypeStruct((2 * NP, _DH), f32)] * 2,
  )

  def tag_stack(h0, u0s):
    parts = [split(h0)]
    u = u0s
    for _ in range(K):
      s2 = sc_scatter(u, src2, dst, zeros_tile)
      f, u = tscale(s2, nrm2N)
      parts.append(f)
    stk = jnp.stack(parts).reshape(K + 1, 2, NP, _DH)
    return stk[:, :, :N, :].reshape(NK, N, _DH)

  tmm = pl.pallas_call(
      functools.partial(_tmm_body, nk=NK),
      grid=(GN, NK),
      in_specs=[
          pl.BlockSpec((1, TN, _DH), lambda n, k: (k, n, 0)),
          pl.BlockSpec((1, _DH, D), lambda n, k: (k, 0, 0)),
          pl.BlockSpec((1, D), lambda n, k: (0, 0)),
      ],
      out_specs=[
          pl.BlockSpec((TN, D), lambda n, k: (n, 0)),
          pl.BlockSpec((1, 1, D), lambda n, k: (n, 0, 0)),
          pl.BlockSpec((1, 1, D), lambda n, k: (n, 0, 0)),
      ],
      out_shape=[
          jax.ShapeDtypeStruct((N, D), f32),
          jax.ShapeDtypeStruct((GN, 1, D), f32),
          jax.ShapeDtypeStruct((GN, 1, D), f32),
      ],
      scratch_shapes=[pltpu.VMEM((TN, D), f32)],
  )

  tbn = pl.pallas_call(
      functools.partial(_tbn_body, n=float(N)),
      grid=(GN,),
      in_specs=[
          pl.BlockSpec((TN, D), lambda n: (n, 0)),
          pl.BlockSpec((GN, 1, D), lambda n: (0, 0, 0)),
          pl.BlockSpec((GN, 1, D), lambda n: (0, 0, 0)),
          pl.BlockSpec((1, D), lambda n: (0, 0)),
          pl.BlockSpec((1, D), lambda n: (0, 0)),
          pl.BlockSpec((TN, _DH), lambda n: (n, 0)),
      ],
      out_specs=[pl.BlockSpec((TN, D), lambda n: (n, 0))] * 2,
      out_shape=[jax.ShapeDtypeStruct((N, D), f32)] * 2,
  )

  tfinal = pl.pallas_call(
      functools.partial(_tfinal_body, n=float(N)),
      grid=(GN,),
      in_specs=[
          pl.BlockSpec((TN, D), lambda n: (n, 0)),
          pl.BlockSpec((GN, 1, D), lambda n: (0, 0, 0)),
          pl.BlockSpec((GN, 1, D), lambda n: (0, 0, 0)),
          pl.BlockSpec((1, D), lambda n: (0, 0)),
          pl.BlockSpec((1, D), lambda n: (0, 0)),
          pl.BlockSpec((D, D), lambda n: (0, 0)),
          pl.BlockSpec((1, D), lambda n: (0, 0)),
          pl.BlockSpec((TN, D), lambda n: (n, 0)),
      ],
      out_specs=pl.BlockSpec((TN, D), lambda n: (n, 0)),
      out_shape=jax.ShapeDtypeStruct((N, D), f32),
  )

  W1r = W1.T.reshape(NK, _DH, D)
  W2r = W2.T.reshape(NK, _DH, D)

  Fs1 = tag_stack(x, split(u0))
  Y1, ps1, pq1 = tmm(Fs1, W1r, b1.reshape(1, D))
  h1, u1 = tbn(Y1, ps1, pq1, g1.reshape(1, D), be1.reshape(1, D), nrmrep)
  Fs2 = tag_stack(h1, split(u1))
  Y2, ps2, pq2 = tmm(Fs2, W2r, b2.reshape(1, D))
  return tfinal(Y2, ps2, pq2, g2.reshape(1, D), be2.reshape(1, D),
                Wf.T, bf.reshape(1, D), x)

# --- scband reference (transcript-rebuilt; emitter-appended) ---
"""Pipeline reference for scband-tagconv-module-14516989461134 (READ-ONLY COPY).

The authoritative reference and input builder live on the scoring server;
editing this copy changes nothing except your own understanding.
"""

import jax, jax.numpy as jnp
import numpy as np

N = 10000
E = 160000
D = 256
K = 5


def setup_inputs(seed: int = 0) -> dict:
    key = jax.random.key(seed)
    ks = jax.random.split(key, 8)
    x = jax.random.normal(ks[0], (N, D), dtype=jnp.float32)
    edge_index = jax.random.randint(ks[1], (2, E), 0, N, dtype=jnp.int32)
    s1 = 1.0 / np.sqrt(D * (K + 1))
    W1 = jax.random.normal(ks[2], (D, D * (K + 1)), dtype=jnp.float32) * s1
    b1 = jnp.zeros((D,), jnp.float32)
    g1 = jnp.ones((D,), jnp.float32)
    be1 = jnp.zeros((D,), jnp.float32)
    W2 = jax.random.normal(ks[3], (D, D * (K + 1)), dtype=jnp.float32) * s1
    b2 = jnp.zeros((D,), jnp.float32)
    g2 = jnp.ones((D,), jnp.float32)
    be2 = jnp.zeros((D,), jnp.float32)
    Wf = jax.random.normal(ks[4], (D, D), dtype=jnp.float32) * (1.0 / np.sqrt(D))
    bf = jnp.zeros((D,), jnp.float32)
    return {"node_features": x, "edge_index": edge_index, "W1": W1, "b1": b1, "g1": g1, "be1": be1, "W2": W2, "b2": b2, "g2": g2, "be2": be2, "Wf": Wf, "bf": bf}


def _tagconv(x, edge_index, W, b):
    # DGL TAGConv with k=K: fstack of symmetric-normalized hops, then single Linear over concat.
    src = edge_index[0]
    dst = edge_index[1]
    deg = jnp.zeros((x.shape[0],), x.dtype).at[dst].add(1.0)
    norm = jnp.power(jnp.maximum(deg, 1.0), -0.5)[:, None]
    fstack = [x]
    h = x
    for _ in range(K):
        h = h * norm
        h = jnp.zeros_like(h).at[dst].add(h[src, :])  # copy_u + sum message passing
        h = h * norm
        fstack.append(h)
    return jnp.concatenate(fstack, axis=-1) @ W.T + b


def _bn(x, gamma, beta):
    # BatchNorm1d in training mode: biased batch statistics over the node axis
    mu = jnp.mean(x, axis=0)
    var = jnp.var(x, axis=0)
    return gamma * (x - mu) * jax.lax.rsqrt(var + 1e-5) + beta


def reference(node_features, edge_index, W1, b1, g1, be1, W2, b2, g2, be2, Wf, bf):
    h_in = node_features
    h = _tagconv(node_features, edge_index, W1, b1)
    h = jax.nn.relu(_bn(h, g1, be1))
    h = _tagconv(h, edge_index, W2, b2)
    h = _bn(h, g2, be2)
    # dropout: identity (deterministic reference / eval mode)
    h = jax.nn.relu(h)
    h = h @ Wf.T + bf
    return h + h_in

if __name__ == "__main__":
    import jax
    _d = setup_inputs()
    print(jax.jit(kernel)(*tuple(_d.values())))

</pallas_src>

<mosaic_0001>
#map = affine_map<(d0, d1) -> (0, 0)>
#map1 = affine_map<(d0, d1) -> (0)>
module attributes {stable_mosaic.version = 14 : i64} {
  func.func @sc_scatter(%arg0: i32, %arg1: i32, %arg2: memref<20224x128xf32, #tpu.memory_space<hbm>>, %arg3: memref<320000xi32, #tpu.memory_space<hbm>>, %arg4: memref<160000xi32, #tpu.memory_space<hbm>>, %arg5: memref<632x128xf32, #tpu.memory_space<hbm>>, %arg6: memref<20224x128xf32, #tpu.memory_space<hbm>>, %arg7: memref<80xi32, #tpu.memory_space<vmem>>, %arg8: memref<80xi32, #tpu.memory_space<vmem>>, %arg9: memref<80x128xf32, #tpu.memory_space<vmem>>, %arg10: memref<10112x128xf32, #tpu.memory_space<vmem_shared>>, %arg11: memref<!tpu.dma_semaphore, #tpu.memory_space<semaphore_mem>>) attributes {dimension_semantics = [#tpu.dimension_semantics<core_parallel>, #tpu.dimension_semantics<subcore_parallel>], iteration_bounds = array<i64: 2, 16>, scalar_prefetch = 0 : i64, scratch_operands = 5 : i64, tpu.core_type = #tpu.core_type<sc_vector_subcore>, window_params = [{transform_indices = #map}, {transform_indices = #map1}, {transform_indices = #map1}, {transform_indices = #map}, {transform_indices = #map}]} {
    %mul3A = arith.constant 632 : i32
    %mul3A_0 = arith.muli %arg1, %mul3A : i32
    "tpu.region"() ({
      %run_scoped3A = tpu.sem_alloc : memref<!tpu.dma_semaphore, #tpu.memory_space<semaphore_mem>>
      %dma_start3A = arith.constant 0 : i32
      %dma_start3A_11 = tpu.memref_slice %arg10[%mul3A_0, %dma_start3A] : memref<10112x128xf32, #tpu.memory_space<vmem_shared>> -> memref<632x128xf32, #tpu.memory_space<vmem_shared>>
      tpu.enqueue_dma source(%arg5 : memref<632x128xf32, #tpu.memory_space<hbm>>) target(%dma_start3A_11 : memref<632x128xf32, #tpu.memory_space<vmem_shared>>) target_semaphore(%run_scoped3A : memref<!tpu.dma_semaphore, #tpu.memory_space<semaphore_mem>>)
      %dma_wait3A = arith.constant 0 : i32
      %dma_wait3A_12 = tpu.memref_slice %arg10[%mul3A_0, %dma_wait3A] : memref<10112x128xf32, #tpu.memory_space<vmem_shared>> -> memref<632x128xf32, #tpu.memory_space<vmem_shared>>
      tpu.wait_dma2 semaphore(%run_scoped3A : memref<!tpu.dma_semaphore, #tpu.memory_space<semaphore_mem>>) src(%arg5 : memref<632x128xf32, #tpu.memory_space<hbm>>) dst(%dma_wait3A_12 : memref<632x128xf32, #tpu.memory_space<vmem_shared>>)
      tpu.yield
    }) : () -> ()
    %barrier3A = arith.constant 0 : index
    tpu.barrier barrier_id(%barrier3A)
    %mul3A_1 = arith.constant 10000 : i32
    %mul3A_2 = arith.muli %arg1, %mul3A_1 : i32
    %scan3A = arith.constant 0 : i32
    %scan3A_3 = arith.constant 0 : i32
    %scan3A_4 = arith.constant 125 : i32
    %scan3A_5 = arith.addi %scan3A_3, %scan3A_4 : i32
    %scan3A_6 = arith.constant 1 : i32
    scf.for %scan3A_11 = %scan3A_3 to %scan3A_5 step %scan3A_6  : i32 {
      %mul3A_12 = arith.constant 80 : i32
      %mul3A_13 = arith.muli %scan3A_11, %mul3A_12 : i32
      %add3A_14 = arith.addi %mul3A_2, %mul3A_13 : i32
      %mul3A_15 = arith.constant 160000 : i32
      %mul3A_16 = arith.muli %arg0, %mul3A_15 : i32
      %add3A_17 = arith.addi %mul3A_16, %add3A_14 : i32
      "tpu.region"() ({
        %run_scoped3A = tpu.sem_alloc : memref<!tpu.dma_semaphore, #tpu.memory_space<semaphore_mem>>
        %dma_start3A_22 = tpu.memref_slice %arg3[%add3A_17] : memref<320000xi32, #tpu.memory_space<hbm>> -> memref<80xi32, #tpu.memory_space<hbm>>
        %dma_start3A_23 = tpu.memref_slice %arg3[%add3A_17] : memref<320000xi32, #tpu.memory_space<hbm>> -> memref<80xi32, #tpu.memory_space<hbm>>
        tpu.enqueue_dma source(%dma_start3A_23 : memref<80xi32, #tpu.memory_space<hbm>>) target(%arg7 : memref<80xi32, #tpu.memory_space<vmem>>) target_semaphore(%run_scoped3A : memref<!tpu.dma_semaphore, #tpu.memory_space<semaphore_mem>>)
        %dma_wait3A_24 = tpu.memref_slice %arg3[%add3A_17] : memref<320000xi32, #tpu.memory_space<hbm>> -> memref<80xi32, #tpu.memory_space<hbm>>
        %dma_wait3A_25 = tpu.memref_slice %arg3[%add3A_17] : memref<320000xi32, #tpu.memory_space<hbm>> -> memref<80xi32, #tpu.memory_space<hbm>>
        tpu.wait_dma2 semaphore(%run_scoped3A : memref<!tpu.dma_semaphore, #tpu.memory_space<semaphore_mem>>) src(%dma_wait3A_25 : memref<80xi32, #tpu.memory_space<hbm>>) dst(%arg7 : memref<80xi32, #tpu.memory_space<vmem>>)
        tpu.yield
      }) : () -> ()
      "tpu.region"() ({
        %run_scoped3A = tpu.sem_alloc : memref<!tpu.dma_semaphore, #tpu.memory_space<semaphore_mem>>
        %dma_start3A_22 = tpu.memref_slice %arg4[%add3A_14] : memref<160000xi32, #tpu.memory_space<hbm>> -> memref<80xi32, #tpu.memory_space<hbm>>
        %dma_start3A_23 = tpu.memref_slice %arg4[%add3A_14] : memref<160000xi32, #tpu.memory_space<hbm>> -> memref<80xi32, #tpu.memory_space<hbm>>
        tpu.enqueue_dma source(%dma_start3A_23 : memref<80xi32, #tpu.memory_space<hbm>>) target(%arg8 : memref<80xi32, #tpu.memory_space<vmem>>) target_semaphore(%run_scoped3A : memref<!tpu.dma_semaphore, #tpu.memory_space<semaphore_mem>>)
        %dma_wait3A_24 = tpu.memref_slice %arg4[%add3A_14] : memref<160000xi32, #tpu.memory_space<hbm>> -> memref<80xi32, #tpu.memory_space<hbm>>
        %dma_wait3A_25 = tpu.memref_slice %arg4[%add3A_14] : memref<160000xi32, #tpu.memory_space<hbm>> -> memref<80xi32, #tpu.memory_space<hbm>>
        tpu.wait_dma2 semaphore(%run_scoped3A : memref<!tpu.dma_semaphore, #tpu.memory_space<semaphore_mem>>) src(%dma_wait3A_25 : memref<80xi32, #tpu.memory_space<hbm>>) dst(%arg8 : memref<80xi32, #tpu.memory_space<vmem>>)
        tpu.yield
      }) : () -> ()
      %dma_start3A = arith.constant 0 : i32
      %dma_start3A_18 = arith.constant 0 : i32
      %dma_start3A_19 = tpu.memref_slice %arg2[%dma_start3A, %dma_start3A_18] : memref<20224x128xf32, #tpu.memory_space<hbm>> -> memref<20224x128xf32, #tpu.memory_space<hbm>>
      tpu.enqueue_indirect_dma source(%dma_start3A_19 : memref<20224x128xf32, #tpu.memory_space<hbm>>) target(%arg9 : memref<80x128xf32, #tpu.memory_space<vmem>>) offsets(%arg7 : memref<80xi32, #tpu.memory_space<vmem>>) semaphore(%arg11 : memref<!tpu.dma_semaphore, #tpu.memory_space<semaphore_mem>>)
      %dma_wait3A = arith.constant 0 : i32
      %dma_wait3A_20 = arith.constant 0 : i32
      %dma_wait3A_21 = tpu.memref_slice %arg2[%dma_wait3A, %dma_wait3A_20] : memref<20224x128xf32, #tpu.memory_space<hbm>> -> memref<20224x128xf32, #tpu.memory_space<hbm>>
      tpu.wait_indirect_dma semaphore(%arg11 : memref<!tpu.dma_semaphore, #tpu.memory_space<semaphore_mem>>) src(%dma_wait3A_21 : memref<20224x128xf32, #tpu.memory_space<hbm>>) dst(%arg9 : memref<80x128xf32, #tpu.memory_space<vmem>>)
      "tpu.region"() ({
        %run_scoped3A = tpu.sem_alloc : memref<!tpu.dma_semaphore, #tpu.memory_space<semaphore_mem>>
        %dma_start3A_22 = arith.constant 0 : i32
        %dma_start3A_23 = arith.constant 0 : i32
        %dma_start3A_24 = tpu.memref_slice %arg10[%dma_start3A_22, %dma_start3A_23] : memref<10112x128xf32, #tpu.memory_space<vmem_shared>> -> memref<10112x128xf32, #tpu.memory_space<vmem_shared>>
        tpu.enqueue_indirect_dma source(%arg9 : memref<80x128xf32, #tpu.memory_space<vmem>>) target(%dma_start3A_24 : memref<10112x128xf32, #tpu.memory_space<vmem_shared>>) offsets(%arg8 : memref<80xi32, #tpu.memory_space<vmem>>) semaphore(%run_scoped3A : memref<!tpu.dma_semaphore, #tpu.memory_space<semaphore_mem>>) {add = true}
        %dma_wait3A_25 = arith.constant 0 : i32
        %dma_wait3A_26 = arith.constant 0 : i32
        %dma_wait3A_27 = tpu.memref_slice %arg10[%dma_wait3A_25, %dma_wait3A_26] : memref<10112x128xf32, #tpu.memory_space<vmem_shared>> -> memref<10112x128xf32, #tpu.memory_space<vmem_shared>>
        tpu.wait_indirect_dma semaphore(%run_scoped3A : memref<!tpu.dma_semaphore, #tpu.memory_space<semaphore_mem>>) src(%arg9 : memref<80x128xf32, #tpu.memory_space<vmem>>) dst(%dma_wait3A_27 : memref<10112x128xf32, #tpu.memory_space<vmem_shared>>)
        tpu.yield
      }) : () -> ()
    }
    %scan3A_7 = arith.constant 125 : i32
    %barrier3A_8 = arith.constant 0 : index
    tpu.barrier barrier_id(%barrier3A_8)
    %mul3A_9 = arith.constant 10112 : i32
    %mul3A_10 = arith.muli %arg0, %mul3A_9 : i32
    %add3A = arith.addi %mul3A_10, %mul3A_0 : i32
    "tpu.region"() ({
      %run_scoped3A = tpu.sem_alloc : memref<!tpu.dma_semaphore, #tpu.memory_space<semaphore_mem>>
      %dma_start3A = arith.constant 0 : i32
      %dma_start3A_11 = tpu.memref_slice %arg6[%add3A, %dma_start3A] : memref<20224x128xf32, #tpu.memory_space<hbm>> -> memref<632x128xf32, #tpu.memory_space<hbm>>
      %dma_start3A_12 = arith.constant 0 : i32
      %dma_start3A_13 = tpu.memref_slice %arg10[%mul3A_0, %dma_start3A_12] : memref<10112x128xf32, #tpu.memory_space<vmem_shared>> -> memref<632x128xf32, #tpu.memory_space<vmem_shared>>
      tpu.enqueue_dma source(%dma_start3A_13 : memref<632x128xf32, #tpu.memory_space<vmem_shared>>) target(%dma_start3A_11 : memref<632x128xf32, #tpu.memory_space<hbm>>) target_semaphore(%run_scoped3A : memref<!tpu.dma_semaphore, #tpu.memory_space<semaphore_mem>>)
      %dma_wait3A = arith.constant 0 : i32
      %dma_wait3A_14 = tpu.memref_slice %arg6[%add3A, %dma_wait3A] : memref<20224x128xf32, #tpu.memory_space<hbm>> -> memref<632x128xf32, #tpu.memory_space<hbm>>
      %dma_wait3A_15 = arith.constant 0 : i32
      %dma_wait3A_16 = tpu.memref_slice %arg10[%mul3A_0, %dma_wait3A_15] : memref<10112x128xf32, #tpu.memory_space<vmem_shared>> -> memref<632x128xf32, #tpu.memory_space<vmem_shared>>
      tpu.wait_dma2 semaphore(%run_scoped3A : memref<!tpu.dma_semaphore, #tpu.memory_space<semaphore_mem>>) src(%dma_wait3A_16 : memref<632x128xf32, #tpu.memory_space<vmem_shared>>) dst(%dma_wait3A_14 : memref<632x128xf32, #tpu.memory_space<hbm>>)
      tpu.yield
    }) : () -> ()
    return
  }
}

#map = affine_map<(d0, d1) -> (0, 0)>
#map1 = affine_map<(d0, d1) -> (0)>
module attributes {stable_mosaic.version = 14 : i64} {
  func.func @sc_scatter(%arg0: i32, %arg1: i32, %arg2: memref<20224x128xf32, #tpu.memory_space<hbm>>, %arg3: memref<320000xi32, #tpu.memory_space<hbm>>, %arg4: memref<160000xi32, #tpu.memory_space<hbm>>, %arg5: memref<632x128xf32, #tpu.memory_space<hbm>>, %arg6: memref<20224x128xf32, #tpu.memory_space<hbm>>, %arg7: memref<80xi32, #tpu.memory_space<vmem>>, %arg8: memref<80xi32, #tpu.memory_space<vmem>>, %arg9: memref<80x128xf32, #tpu.memory_space<vmem>>, %arg10: memref<10112x128xf32, #tpu.memory_space<vmem_shared>>, %arg11: memref<!tpu.dma_semaphore, #tpu.memory_space<semaphore_mem>>) attributes {dimension_semantics = [#tpu.dimension_semantics<core_parallel>, #tpu.dimension_semantics<subcore_parallel>], iteration_bounds = array<i64: 2, 16>, scalar_prefetch = 0 : i64, scratch_operands = 5 : i64, tpu.core_type = #tpu.core_type<sc_vector_subcore>, window_params = [{transform_indices = #map}, {transform_indices = #map1}, {transform_indices = #map1}, {transform_indices = #map}, {transform_indices = #map}]} {
    %mul3A = arith.constant 632 : i32
    %mul3A_0 = arith.muli %arg1, %mul3A : i32
    "tpu.region"() ({
      %run_scoped3A = tpu.sem_alloc : memref<!tpu.dma_semaphore, #tpu.memory_space<semaphore_mem>>
      %dma_start3A = arith.constant 0 : i32
      %dma_start3A_11 = tpu.memref_slice %arg10[%mul3A_0, %dma_start3A] : memref<10112x128xf32, #tpu.memory_space<vmem_shared>> -> memref<632x128xf32, #tpu.memory_space<vmem_shared>>
      tpu.enqueue_dma source(%arg5 : memref<632x128xf32, #tpu.memory_space<hbm>>) target(%dma_start3A_11 : memref<632x128xf32, #tpu.memory_space<vmem_shared>>) target_semaphore(%run_scoped3A : memref<!tpu.dma_semaphore, #tpu.memory_space<semaphore_mem>>)
      %dma_wait3A = arith.constant 0 : i32
      %dma_wait3A_12 = tpu.memref_slice %arg10[%mul3A_0, %dma_wait3A] : memref<10112x128xf32, #tpu.memory_space<vmem_shared>> -> memref<632x128xf32, #tpu.memory_space<vmem_shared>>
      tpu.wait_dma2 semaphore(%run_scoped3A : memref<!tpu.dma_semaphore, #tpu.memory_space<semaphore_mem>>) src(%arg5 : memref<632x128xf32, #tpu.memory_space<hbm>>) dst(%dma_wait3A_12 : memref<632x128xf32, #tpu.memory_space<vmem_shared>>)
      tpu.yield
    }) : () -> ()
    %barrier3A = arith.constant 0 : index
    tpu.barrier barrier_id(%barrier3A)
    %mul3A_1 = arith.constant 10000 : i32
    %mul3A_2 = arith.muli %arg1, %mul3A_1 : i32
    %scan3A = arith.constant 0 : i32
    %scan3A_3 = arith.constant 0 : i32
    %scan3A_4 = arith.constant 125 : i32
    %scan3A_5 = arith.addi %scan3A_3, %scan3A_4 : i32
    %scan3A_6 = arith.constant 1 : i32
    scf.for %scan3A_11 = %scan3A_3 to %scan3A_5 step %scan3A_6  : i32 {
      %mul3A_12 = arith.constant 80 : i32
      %mul3A_13 = arith.muli %scan3A_11, %mul3A_12 : i32
      %add3A_14 = arith.addi %mul3A_2, %mul3A_13 : i32
      %mul3A_15 = arith.constant 160000 : i32
      %mul3A_16 = arith.muli %arg0, %mul3A_15 : i32
      %add3A_17 = arith.addi %mul3A_16, %add3A_14 : i32
      "tpu.region"() ({
        %run_scoped3A = tpu.sem_alloc : memref<!tpu.dma_semaphore, #tpu.memory_space<semaphore_mem>>
        %dma_start3A_22 = tpu.memref_slice %arg3[%add3A_17] : memref<320000xi32, #tpu.memory_space<hbm>> -> memref<80xi32, #tpu.memory_space<hbm>>
        %dma_start3A_23 = tpu.memref_slice %arg3[%add3A_17] : memref<320000xi32, #tpu.memory_space<hbm>> -> memref<80xi32, #tpu.memory_space<hbm>>
        tpu.enqueue_dma source(%dma_start3A_23 : memref<80xi32, #tpu.memory_space<hbm>>) target(%arg7 : memref<80xi32, #tpu.memory_space<vmem>>) target_semaphore(%run_scoped3A : memref<!tpu.dma_semaphore, #tpu.memory_space<semaphore_mem>>)
        %dma_wait3A_24 = tpu.memref_slice %arg3[%add3A_17] : memref<320000xi32, #tpu.memory_space<hbm>> -> memref<80xi32, #tpu.memory_space<hbm>>
        %dma_wait3A_25 = tpu.memref_slice %arg3[%add3A_17] : memref<320000xi32, #tpu.memory_space<hbm>> -> memref<80xi32, #tpu.memory_space<hbm>>
        tpu.wait_dma2 semaphore(%run_scoped3A : memref<!tpu.dma_semaphore, #tpu.memory_space<semaphore_mem>>) src(%dma_wait3A_25 : memref<80xi32, #tpu.memory_space<hbm>>) dst(%arg7 : memref<80xi32, #tpu.memory_space<vmem>>)
        tpu.yield
      }) : () -> ()
      "tpu.region"() ({
        %run_scoped3A = tpu.sem_alloc : memref<!tpu.dma_semaphore, #tpu.memory_space<semaphore_mem>>
        %dma_start3A_22 = tpu.memref_slice %arg4[%add3A_14] : memref<160000xi32, #tpu.memory_space<hbm>> -> memref<80xi32, #tpu.memory_space<hbm>>
        %dma_start3A_23 = tpu.memref_slice %arg4[%add3A_14] : memref<160000xi32, #tpu.memory_space<hbm>> -> memref<80xi32, #tpu.memory_space<hbm>>
        tpu.enqueue_dma source(%dma_start3A_23 : memref<80xi32, #tpu.memory_space<hbm>>) target(%arg8 : memref<80xi32, #tpu.memory_space<vmem>>) target_semaphore(%run_scoped3A : memref<!tpu.dma_semaphore, #tpu.memory_space<semaphore_mem>>)
        %dma_wait3A_24 = tpu.memref_slice %arg4[%add3A_14] : memref<160000xi32, #tpu.memory_space<hbm>> -> memref<80xi32, #tpu.memory_space<hbm>>
        %dma_wait3A_25 = tpu.memref_slice %arg4[%add3A_14] : memref<160000xi32, #tpu.memory_space<hbm>> -> memref<80xi32, #tpu.memory_space<hbm>>
        tpu.wait_dma2 semaphore(%run_scoped3A : memref<!tpu.dma_semaphore, #tpu.memory_space<semaphore_mem>>) src(%dma_wait3A_25 : memref<80xi32, #tpu.memory_space<hbm>>) dst(%arg8 : memref<80xi32, #tpu.memory_space<vmem>>)
        tpu.yield
      }) : () -> ()
      %dma_start3A = arith.constant 0 : i32
      %dma_start3A_18 = arith.constant 0 : i32
      %dma_start3A_19 = tpu.memref_slice %arg2[%dma_start3A, %dma_start3A_18] : memref<20224x128xf32, #tpu.memory_space<hbm>> -> memref<20224x128xf32, #tpu.memory_space<hbm>>
      tpu.enqueue_indirect_dma source(%dma_start3A_19 : memref<20224x128xf32, #tpu.memory_space<hbm>>) target(%arg9 : memref<80x128xf32, #tpu.memory_space<vmem>>) offsets(%arg7 : memref<80xi32, #tpu.memory_space<vmem>>) semaphore(%arg11 : memref<!tpu.dma_semaphore, #tpu.memory_space<semaphore_mem>>)
      %dma_wait3A = arith.constant 0 : i32
      %dma_wait3A_20 = arith.constant 0 : i32
      %dma_wait3A_21 = tpu.memref_slice %arg2[%dma_wait3A, %dma_wait3A_20] : memref<20224x128xf32, #tpu.memory_space<hbm>> -> memref<20224x128xf32, #tpu.memory_space<hbm>>
      tpu.wait_indirect_dma semaphore(%arg11 : memref<!tpu.dma_semaphore, #tpu.memory_space<semaphore_mem>>) src(%dma_wait3A_21 : memref<20224x128xf32, #tpu.memory_space<hbm>>) dst(%arg9 : memref<80x128xf32, #tpu.memory_space<vmem>>)
      "tpu.region"() ({
        %run_scoped3A = tpu.sem_alloc : memref<!tpu.dma_semaphore, #tpu.memory_space<semaphore_mem>>
        %dma_start3A_22 = arith.constant 0 : i32
        %dma_start3A_23 = arith.constant 0 : i32
        %dma_start3A_24 = tpu.memref_slice %arg10[%dma_start3A_22, %dma_start3A_23] : memref<10112x128xf32, #tpu.memory_space<vmem_shared>> -> memref<10112x128xf32, #tpu.memory_space<vmem_shared>>
        tpu.enqueue_indirect_dma source(%arg9 : memref<80x128xf32, #tpu.memory_space<vmem>>) target(%dma_start3A_24 : memref<10112x128xf32, #tpu.memory_space<vmem_shared>>) offsets(%arg8 : memref<80xi32, #tpu.memory_space<vmem>>) semaphore(%run_scoped3A : memref<!tpu.dma_semaphore, #tpu.memory_space<semaphore_mem>>) {add = true}
        %dma_wait3A_25 = arith.constant 0 : i32
        %dma_wait3A_26 = arith.constant 0 : i32
        %dma_wait3A_27 = tpu.memref_slice %arg10[%dma_wait3A_25, %dma_wait3A_26] : memref<10112x128xf32, #tpu.memory_space<vmem_shared>> -> memref<10112x128xf32, #tpu.memory_space<vmem_shared>>
        tpu.wait_indirect_dma semaphore(%run_scoped3A : memref<!tpu.dma_semaphore, #tpu.memory_space<semaphore_mem>>) src(%arg9 : memref<80x128xf32, #tpu.memory_space<vmem>>) dst(%dma_wait3A_27 : memref<10112x128xf32, #tpu.memory_space<vmem_shared>>)
        tpu.yield
      }) : () -> ()
    }
    %scan3A_7 = arith.constant 125 : i32
    %barrier3A_8 = arith.constant 0 : index
    tpu.barrier barrier_id(%barrier3A_8)
    %mul3A_9 = arith.constant 10112 : i32
    %mul3A_10 = arith.muli %arg0, %mul3A_9 : i32
    %add3A = arith.addi %mul3A_10, %mul3A_0 : i32
    "tpu.region"() ({
      %run_scoped3A = tpu.sem_alloc : memref<!tpu.dma_semaphore, #tpu.memory_space<semaphore_mem>>
      %dma_start3A = arith.constant 0 : i32
      %dma_start3A_11 = tpu.memref_slice %arg6[%add3A, %dma_start3A] : memref<20224x128xf32, #tpu.memory_space<hbm>> -> memref<632x128xf32, #tpu.memory_space<hbm>>
      %dma_start3A_12 = arith.constant 0 : i32
      %dma_start3A_13 = tpu.memref_slice %arg10[%mul3A_0, %dma_start3A_12] : memref<10112x128xf32, #tpu.memory_space<vmem_shared>> -> memref<632x128xf32, #tpu.memory_space<vmem_shared>>
      tpu.enqueue_dma source(%dma_start3A_13 : memref<632x128xf32, #tpu.memory_space<vmem_shared>>) target(%dma_start3A_11 : memref<632x128xf32, #tpu.memory_space<hbm>>) target_semaphore(%run_scoped3A : memref<!tpu.dma_semaphore, #tpu.memory_space<semaphore_mem>>)
      %dma_wait3A = arith.constant 0 : i32
      %dma_wait3A_14 = tpu.memref_slice %arg6[%add3A, %dma_wait3A] : memref<20224x128xf32, #tpu.memory_space<hbm>> -> memref<632x128xf32, #tpu.memory_space<hbm>>
      %dma_wait3A_15 = arith.constant 0 : i32
      %dma_wait3A_16 = tpu.memref_slice %arg10[%mul3A_0, %dma_wait3A_15] : memref<10112x128xf32, #tpu.memory_space<vmem_shared>> -> memref<632x128xf32, #tpu.memory_space<vmem_shared>>
      tpu.wait_dma2 semaphore(%run_scoped3A : memref<!tpu.dma_semaphore, #tpu.memory_space<semaphore_mem>>) src(%dma_wait3A_16 : memref<632x128xf32, #tpu.memory_space<vmem_shared>>) dst(%dma_wait3A_14 : memref<632x128xf32, #tpu.memory_space<hbm>>)
      tpu.yield
    }) : () -> ()
    return
  }
}

#map = affine_map<(d0, d1) -> (0, 0)>
#map1 = affine_map<(d0, d1) -> (0)>
module attributes {stable_mosaic.version = 14 : i64} {
  func.func @sc_scatter(%arg0: i32, %arg1: i32, %arg2: memref<20224x128xf32, #tpu.memory_space<hbm>>, %arg3: memref<320000xi32, #tpu.memory_space<hbm>>, %arg4: memref<160000xi32, #tpu.memory_space<hbm>>, %arg5: memref<632x128xf32, #tpu.memory_space<hbm>>, %arg6: memref<20224x128xf32, #tpu.memory_space<hbm>>, %arg7: memref<80xi32, #tpu.memory_space<vmem>>, %arg8: memref<80xi32, #tpu.memory_space<vmem>>, %arg9: memref<80x128xf32, #tpu.memory_space<vmem>>, %arg10: memref<10112x128xf32, #tpu.memory_space<vmem_shared>>, %arg11: memref<!tpu.dma_semaphore, #tpu.memory_space<semaphore_mem>>) attributes {dimension_semantics = [#tpu.dimension_semantics<core_parallel>, #tpu.dimension_semantics<subcore_parallel>], iteration_bounds = array<i64: 2, 16>, scalar_prefetch = 0 : i64, scratch_operands = 5 : i64, tpu.core_type = #tpu.core_type<sc_vector_subcore>, window_params = [{transform_indices = #map}, {transform_indices = #map1}, {transform_indices = #map1}, {transform_indices = #map}, {transform_indices = #map}]} {
    %mul3A = arith.constant 632 : i32
    %mul3A_0 = arith.muli %arg1, %mul3A : i32
    "tpu.region"() ({
      %run_scoped3A = tpu.sem_alloc : memref<!tpu.dma_semaphore, #tpu.memory_space<semaphore_mem>>
      %dma_start3A = arith.constant 0 : i32
      %dma_start3A_11 = tpu.memref_slice %arg10[%mul3A_0, %dma_start3A] : memref<10112x128xf32, #tpu.memory_space<vmem_shared>> -> memref<632x128xf32, #tpu.memory_space<vmem_shared>>
      tpu.enqueue_dma source(%arg5 : memref<632x128xf32, #tpu.memory_space<hbm>>) target(%dma_start3A_11 : memref<632x128xf32, #tpu.memory_space<vmem_shared>>) target_semaphore(%run_scoped3A : memref<!tpu.dma_semaphore, #tpu.memory_space<semaphore_mem>>)
      %dma_wait3A = arith.constant 0 : i32
      %dma_wait3A_12 = tpu.memref_slice %arg10[%mul3A_0, %dma_wait3A] : memref<10112x128xf32, #tpu.memory_space<vmem_shared>> -> memref<632x128xf32, #tpu.memory_space<vmem_shared>>
      tpu.wait_dma2 semaphore(%run_scoped3A : memref<!tpu.dma_semaphore, #tpu.memory_space<semaphore_mem>>) src(%arg5 : memref<632x128xf32, #tpu.memory_space<hbm>>) dst(%dma_wait3A_12 : memref<632x128xf32, #tpu.memory_space<vmem_shared>>)
      tpu.yield
    }) : () -> ()
    %barrier3A = arith.constant 0 : index
    tpu.barrier barrier_id(%barrier3A)
    %mul3A_1 = arith.constant 10000 : i32
    %mul3A_2 = arith.muli %arg1, %mul3A_1 : i32
    %scan3A = arith.constant 0 : i32
    %scan3A_3 = arith.constant 0 : i32
    %scan3A_4 = arith.constant 125 : i32
    %scan3A_5 = arith.addi %scan3A_3, %scan3A_4 : i32
    %scan3A_6 = arith.constant 1 : i32
    scf.for %scan3A_11 = %scan3A_3 to %scan3A_5 step %scan3A_6  : i32 {
      %mul3A_12 = arith.constant 80 : i32
      %mul3A_13 = arith.muli %scan3A_11, %mul3A_12 : i32
      %add3A_14 = arith.addi %mul3A_2, %mul3A_13 : i32
      %mul3A_15 = arith.constant 160000 : i32
      %mul3A_16 = arith.muli %arg0, %mul3A_15 : i32
      %add3A_17 = arith.addi %mul3A_16, %add3A_14 : i32
      "tpu.region"() ({
        %run_scoped3A = tpu.sem_alloc : memref<!tpu.dma_semaphore, #tpu.memory_space<semaphore_mem>>
        %dma_start3A_22 = tpu.memref_slice %arg3[%add3A_17] : memref<320000xi32, #tpu.memory_space<hbm>> -> memref<80xi32, #tpu.memory_space<hbm>>
        %dma_start3A_23 = tpu.memref_slice %arg3[%add3A_17] : memref<320000xi32, #tpu.memory_space<hbm>> -> memref<80xi32, #tpu.memory_space<hbm>>
        tpu.enqueue_dma source(%dma_start3A_23 : memref<80xi32, #tpu.memory_space<hbm>>) target(%arg7 : memref<80xi32, #tpu.memory_space<vmem>>) target_semaphore(%run_scoped3A : memref<!tpu.dma_semaphore, #tpu.memory_space<semaphore_mem>>)
        %dma_wait3A_24 = tpu.memref_slice %arg3[%add3A_17] : memref<320000xi32, #tpu.memory_space<hbm>> -> memref<80xi32, #tpu.memory_space<hbm>>
        %dma_wait3A_25 = tpu.memref_slice %arg3[%add3A_17] : memref<320000xi32, #tpu.memory_space<hbm>> -> memref<80xi32, #tpu.memory_space<hbm>>
        tpu.wait_dma2 semaphore(%run_scoped3A : memref<!tpu.dma_semaphore, #tpu.memory_space<semaphore_mem>>) src(%dma_wait3A_25 : memref<80xi32, #tpu.memory_space<hbm>>) dst(%arg7 : memref<80xi32, #tpu.memory_space<vmem>>)
        tpu.yield
      }) : () -> ()
      "tpu.region"() ({
        %run_scoped3A = tpu.sem_alloc : memref<!tpu.dma_semaphore, #tpu.memory_space<semaphore_mem>>
        %dma_start3A_22 = tpu.memref_slice %arg4[%add3A_14] : memref<160000xi32, #tpu.memory_space<hbm>> -> memref<80xi32, #tpu.memory_space<hbm>>
        %dma_start3A_23 = tpu.memref_slice %arg4[%add3A_14] : memref<160000xi32, #tpu.memory_space<hbm>> -> memref<80xi32, #tpu.memory_space<hbm>>
        tpu.enqueue_dma source(%dma_start3A_23 : memref<80xi32, #tpu.memory_space<hbm>>) target(%arg8 : memref<80xi32, #tpu.memory_space<vmem>>) target_semaphore(%run_scoped3A : memref<!tpu.dma_semaphore, #tpu.memory_space<semaphore_mem>>)
        %dma_wait3A_24 = tpu.memref_slice %arg4[%add3A_14] : memref<160000xi32, #tpu.memory_space<hbm>> -> memref<80xi32, #tpu.memory_space<hbm>>
        %dma_wait3A_25 = tpu.memref_slice %arg4[%add3A_14] : memref<160000xi32, #tpu.memory_space<hbm>> -> memref<80xi32, #tpu.memory_space<hbm>>
        tpu.wait_dma2 semaphore(%run_scoped3A : memref<!tpu.dma_semaphore, #tpu.memory_space<semaphore_mem>>) src(%dma_wait3A_25 : memref<80xi32, #tpu.memory_space<hbm>>) dst(%arg8 : memref<80xi32, #tpu.memory_space<vmem>>)
        tpu.yield
      }) : () -> ()
      %dma_start3A = arith.constant 0 : i32
      %dma_start3A_18 = arith.constant 0 : i32
      %dma_start3A_19 = tpu.memref_slice %arg2[%dma_start3A, %dma_start3A_18] : memref<20224x128xf32, #tpu.memory_space<hbm>> -> memref<20224x128xf32, #tpu.memory_space<hbm>>
      tpu.enqueue_indirect_dma source(%dma_start3A_19 : memref<20224x128xf32, #tpu.memory_space<hbm>>) target(%arg9 : memref<80x128xf32, #tpu.memory_space<vmem>>) offsets(%arg7 : memref<80xi32, #tpu.memory_space<vmem>>) semaphore(%arg11 : memref<!tpu.dma_semaphore, #tpu.memory_space<semaphore_mem>>)
      %dma_wait3A = arith.constant 0 : i32
      %dma_wait3A_20 = arith.constant 0 : i32
      %dma_wait3A_21 = tpu.memref_slice %arg2[%dma_wait3A, %dma_wait3A_20] : memref<20224x128xf32, #tpu.memory_space<hbm>> -> memref<20224x128xf32, #tpu.memory_space<hbm>>
      tpu.wait_indirect_dma semaphore(%arg11 : memref<!tpu.dma_semaphore, #tpu.memory_space<semaphore_mem>>) src(%dma_wait3A_21 : memref<20224x128xf32, #tpu.memory_space<hbm>>) dst(%arg9 : memref<80x128xf32, #tpu.memory_space<vmem>>)
      "tpu.region"() ({
        %run_scoped3A = tpu.sem_alloc : memref<!tpu.dma_semaphore, #tpu.memory_space<semaphore_mem>>
        %dma_start3A_22 = arith.constant 0 : i32
        %dma_start3A_23 = arith.constant 0 : i32
        %dma_start3A_24 = tpu.memref_slice %arg10[%dma_start3A_22, %dma_start3A_23] : memref<10112x128xf32, #tpu.memory_space<vmem_shared>> -> memref<10112x128xf32, #tpu.memory_space<vmem_shared>>
        tpu.enqueue_indirect_dma source(%arg9 : memref<80x128xf32, #tpu.memory_space<vmem>>) target(%dma_start3A_24 : memref<10112x128xf32, #tpu.memory_space<vmem_shared>>) offsets(%arg8 : memref<80xi32, #tpu.memory_space<vmem>>) semaphore(%run_scoped3A : memref<!tpu.dma_semaphore, #tpu.memory_space<semaphore_mem>>) {add = true}
        %dma_wait3A_25 = arith.constant 0 : i32
        %dma_wait3A_26 = arith.constant 0 : i32
        %dma_wait3A_27 = tpu.memref_slice %arg10[%dma_wait3A_25, %dma_wait3A_26] : memref<10112x128xf32, #tpu.memory_space<vmem_shared>> -> memref<10112x128xf32, #tpu.memory_space<vmem_shared>>
        tpu.wait_indirect_dma semaphore(%run_scoped3A : memref<!tpu.dma_semaphore, #tpu.memory_space<semaphore_mem>>) src(%arg9 : memref<80x128xf32, #tpu.memory_space<vmem>>) dst(%dma_wait3A_27 : memref<10112x128xf32, #tpu.memory_space<vmem_shared>>)
        tpu.yield
      }) : () -> ()
    }
    %scan3A_7 = arith.constant 125 : i32
    %barrier3A_8 = arith.constant 0 : index
    tpu.barrier barrier_id(%barrier3A_8)
    %mul3A_9 = arith.constant 10112 : i32
    %mul3A_10 = arith.muli %arg0, %mul3A_9 : i32
    %add3A = arith.addi %mul3A_10, %mul3A_0 : i32
    "tpu.region"() ({
      %run_scoped3A = tpu.sem_alloc : memref<!tpu.dma_semaphore, #tpu.memory_space<semaphore_mem>>
      %dma_start3A = arith.constant 0 : i32
      %dma_start3A_11 = tpu.memref_slice %arg6[%add3A, %dma_start3A] : memref<20224x128xf32, #tpu.memory_space<hbm>> -> memref<632x128xf32, #tpu.memory_space<hbm>>
      %dma_start3A_12 = arith.constant 0 : i32
      %dma_start3A_13 = tpu.memref_slice %arg10[%mul3A_0, %dma_start3A_12] : memref<10112x128xf32, #tpu.memory_space<vmem_shared>> -> memref<632x128xf32, #tpu.memory_space<vmem_shared>>
      tpu.enqueue_dma source(%dma_start3A_13 : memref<632x128xf32, #tpu.memory_space<vmem_shared>>) target(%dma_start3A_11 : memref<632x128xf32, #tpu.memory_space<hbm>>) target_semaphore(%run_scoped3A : memref<!tpu.dma_semaphore, #tpu.memory_space<semaphore_mem>>)
      %dma_wait3A = arith.constant 0 : i32
      %dma_wait3A_14 = tpu.memref_slice %arg6[%add3A, %dma_wait3A] : memref<20224x128xf32, #tpu.memory_space<hbm>> -> memref<632x128xf32, #tpu.memory_space<hbm>>
      %dma_wait3A_15 = arith.constant 0 : i32
      %dma_wait3A_16 = tpu.memref_slice %arg10[%mul3A_0, %dma_wait3A_15] : memref<10112x128xf32, #tpu.memory_space<vmem_shared>> -> memref<632x128xf32, #tpu.memory_space<vmem_shared>>
      tpu.wait_dma2 semaphore(%run_scoped3A : memref<!tpu.dma_semaphore, #tpu.memory_space<semaphore_mem>>) src(%dma_wait3A_16 : memref<632x128xf32, #tpu.memory_space<vmem_shared>>) dst(%dma_wait3A_14 : memref<632x128xf32, #tpu.memory_space<hbm>>)
      tpu.yield
    }) : () -> ()
    return
  }
}

#map = affine_map<(d0, d1) -> (0, 0)>
#map1 = affine_map<(d0, d1) -> (0)>
module attributes {stable_mosaic.version = 14 : i64} {
  func.func @sc_scatter(%arg0: i32, %arg1: i32, %arg2: memref<20224x128xf32, #tpu.memory_space<hbm>>, %arg3: memref<320000xi32, #tpu.memory_space<hbm>>, %arg4: memref<160000xi32, #tpu.memory_space<hbm>>, %arg5: memref<632x128xf32, #tpu.memory_space<hbm>>, %arg6: memref<20224x128xf32, #tpu.memory_space<hbm>>, %arg7: memref<80xi32, #tpu.memory_space<vmem>>, %arg8: memref<80xi32, #tpu.memory_space<vmem>>, %arg9: memref<80x128xf32, #tpu.memory_space<vmem>>, %arg10: memref<10112x128xf32, #tpu.memory_space<vmem_shared>>, %arg11: memref<!tpu.dma_semaphore, #tpu.memory_space<semaphore_mem>>) attributes {dimension_semantics = [#tpu.dimension_semantics<core_parallel>, #tpu.dimension_semantics<subcore_parallel>], iteration_bounds = array<i64: 2, 16>, scalar_prefetch = 0 : i64, scratch_operands = 5 : i64, tpu.core_type = #tpu.core_type<sc_vector_subcore>, window_params = [{transform_indices = #map}, {transform_indices = #map1}, {transform_indices = #map1}, {transform_indices = #map}, {transform_indices = #map}]} {
    %mul3A = arith.constant 632 : i32
    %mul3A_0 = arith.muli %arg1, %mul3A : i32
    "tpu.region"() ({
      %run_scoped3A = tpu.sem_alloc : memref<!tpu.dma_semaphore, #tpu.memory_space<semaphore_mem>>
      %dma_start3A = arith.constant 0 : i32
      %dma_start3A_11 = tpu.memref_slice %arg10[%mul3A_0, %dma_start3A] : memref<10112x128xf32, #tpu.memory_space<vmem_shared>> -> memref<632x128xf32, #tpu.memory_space<vmem_shared>>
      tpu.enqueue_dma source(%arg5 : memref<632x128xf32, #tpu.memory_space<hbm>>) target(%dma_start3A_11 : memref<632x128xf32, #tpu.memory_space<vmem_shared>>) target_semaphore(%run_scoped3A : memref<!tpu.dma_semaphore, #tpu.memory_space<semaphore_mem>>)
      %dma_wait3A = arith.constant 0 : i32
      %dma_wait3A_12 = tpu.memref_slice %arg10[%mul3A_0, %dma_wait3A] : memref<10112x128xf32, #tpu.memory_space<vmem_shared>> -> memref<632x128xf32, #tpu.memory_space<vmem_shared>>
      tpu.wait_dma2 semaphore(%run_scoped3A : memref<!tpu.dma_semaphore, #tpu.memory_space<semaphore_mem>>) src(%arg5 : memref<632x128xf32, #tpu.memory_space<hbm>>) dst(%dma_wait3A_12 : memref<632x128xf32, #tpu.memory_space<vmem_shared>>)
      tpu.yield
    }) : () -> ()
    %barrier3A = arith.constant 0 : index
    tpu.barrier barrier_id(%barrier3A)
    %mul3A_1 = arith.constant 10000 : i32
    %mul3A_2 = arith.muli %arg1, %mul3A_1 : i32
    %scan3A = arith.constant 0 : i32
    %scan3A_3 = arith.constant 0 : i32
    %scan3A_4 = arith.constant 125 : i32
    %scan3A_5 = arith.addi %scan3A_3, %scan3A_4 : i32
    %scan3A_6 = arith.constant 1 : i32
    scf.for %scan3A_11 = %scan3A_3 to %scan3A_5 step %scan3A_6  : i32 {
      %mul3A_12 = arith.constant 80 : i32
      %mul3A_13 = arith.muli %scan3A_11, %mul3A_12 : i32
      %add3A_14 = arith.addi %mul3A_2, %mul3A_13 : i32
      %mul3A_15 = arith.constant 160000 : i32
      %mul3A_16 = arith.muli %arg0, %mul3A_15 : i32
      %add3A_17 = arith.addi %mul3A_16, %add3A_14 : i32
      "tpu.region"() ({
        %run_scoped3A = tpu.sem_alloc : memref<!tpu.dma_semaphore, #tpu.memory_space<semaphore_mem>>
        %dma_start3A_22 = tpu.memref_slice %arg3[%add3A_17] : memref<320000xi32, #tpu.memory_space<hbm>> -> memref<80xi32, #tpu.memory_space<hbm>>
        %dma_start3A_23 = tpu.memref_slice %arg3[%add3A_17] : memref<320000xi32, #tpu.memory_space<hbm>> -> memref<80xi32, #tpu.memory_space<hbm>>
        tpu.enqueue_dma source(%dma_start3A_23 : memref<80xi32, #tpu.memory_space<hbm>>) target(%arg7 : memref<80xi32, #tpu.memory_space<vmem>>) target_semaphore(%run_scoped3A : memref<!tpu.dma_semaphore, #tpu.memory_space<semaphore_mem>>)
        %dma_wait3A_24 = tpu.memref_slice %arg3[%add3A_17] : memref<320000xi32, #tpu.memory_space<hbm>> -> memref<80xi32, #tpu.memory_space<hbm>>
        %dma_wait3A_25 = tpu.memref_slice %arg3[%add3A_17] : memref<320000xi32, #tpu.memory_space<hbm>> -> memref<80xi32, #tpu.memory_space<hbm>>
        tpu.wait_dma2 semaphore(%run_scoped3A : memref<!tpu.dma_semaphore, #tpu.memory_space<semaphore_mem>>) src(%dma_wait3A_25 : memref<80xi32, #tpu.memory_space<hbm>>) dst(%arg7 : memref<80xi32, #tpu.memory_space<vmem>>)
        tpu.yield
      }) : () -> ()
      "tpu.region"() ({
        %run_scoped3A = tpu.sem_alloc : memref<!tpu.dma_semaphore, #tpu.memory_space<semaphore_mem>>
        %dma_start3A_22 = tpu.memref_slice %arg4[%add3A_14] : memref<160000xi32, #tpu.memory_space<hbm>> -> memref<80xi32, #tpu.memory_space<hbm>>
        %dma_start3A_23 = tpu.memref_slice %arg4[%add3A_14] : memref<160000xi32, #tpu.memory_space<hbm>> -> memref<80xi32, #tpu.memory_space<hbm>>
        tpu.enqueue_dma source(%dma_start3A_23 : memref<80xi32, #tpu.memory_space<hbm>>) target(%arg8 : memref<80xi32, #tpu.memory_space<vmem>>) target_semaphore(%run_scoped3A : memref<!tpu.dma_semaphore, #tpu.memory_space<semaphore_mem>>)
        %dma_wait3A_24 = tpu.memref_slice %arg4[%add3A_14] : memref<160000xi32, #tpu.memory_space<hbm>> -> memref<80xi32, #tpu.memory_space<hbm>>
        %dma_wait3A_25 = tpu.memref_slice %arg4[%add3A_14] : memref<160000xi32, #tpu.memory_space<hbm>> -> memref<80xi32, #tpu.memory_space<hbm>>
        tpu.wait_dma2 semaphore(%run_scoped3A : memref<!tpu.dma_semaphore, #tpu.memory_space<semaphore_mem>>) src(%dma_wait3A_25 : memref<80xi32, #tpu.memory_space<hbm>>) dst(%arg8 : memref<80xi32, #tpu.memory_space<vmem>>)
        tpu.yield
      }) : () -> ()
      %dma_start3A = arith.constant 0 : i32
      %dma_start3A_18 = arith.constant 0 : i32
      %dma_start3A_19 = tpu.memref_slice %arg2[%dma_start3A, %dma_start3A_18] : memref<20224x128xf32, #tpu.memory_space<hbm>> -> memref<20224x128xf32, #tpu.memory_space<hbm>>
      tpu.enqueue_indirect_dma source(%dma_start3A_19 : memref<20224x128xf32, #tpu.memory_space<hbm>>) target(%arg9 : memref<80x128xf32, #tpu.memory_space<vmem>>) offsets(%arg7 : memref<80xi32, #tpu.memory_space<vmem>>) semaphore(%arg11 : memref<!tpu.dma_semaphore, #tpu.memory_space<semaphore_mem>>)
      %dma_wait3A = arith.constant 0 : i32
      %dma_wait3A_20 = arith.constant 0 : i32
      %dma_wait3A_21 = tpu.memref_slice %arg2[%dma_wait3A, %dma_wait3A_20] : memref<20224x128xf32, #tpu.memory_space<hbm>> -> memref<20224x128xf32, #tpu.memory_space<hbm>>
      tpu.wait_indirect_dma semaphore(%arg11 : memref<!tpu.dma_semaphore, #tpu.memory_space<semaphore_mem>>) src(%dma_wait3A_21 : memref<20224x128xf32, #tpu.memory_space<hbm>>) dst(%arg9 : memref<80x128xf32, #tpu.memory_space<vmem>>)
      "tpu.region"() ({
        %run_scoped3A = tpu.sem_alloc : memref<!tpu.dma_semaphore, #tpu.memory_space<semaphore_mem>>
        %dma_start3A_22 = arith.constant 0 : i32
        %dma_start3A_23 = arith.constant 0 : i32
        %dma_start3A_24 = tpu.memref_slice %arg10[%dma_start3A_22, %dma_start3A_23] : memref<10112x128xf32, #tpu.memory_space<vmem_shared>> -> memref<10112x128xf32, #tpu.memory_space<vmem_shared>>
        tpu.enqueue_indirect_dma source(%arg9 : memref<80x128xf32, #tpu.memory_space<vmem>>) target(%dma_start3A_24 : memref<10112x128xf32, #tpu.memory_space<vmem_shared>>) offsets(%arg8 : memref<80xi32, #tpu.memory_space<vmem>>) semaphore(%run_scoped3A : memref<!tpu.dma_semaphore, #tpu.memory_space<semaphore_mem>>) {add = true}
        %dma_wait3A_25 = arith.constant 0 : i32
        %dma_wait3A_26 = arith.constant 0 : i32
        %dma_wait3A_27 = tpu.memref_slice %arg10[%dma_wait3A_25, %dma_wait3A_26] : memref<10112x128xf32, #tpu.memory_space<vmem_shared>> -> memref<10112x128xf32, #tpu.memory_space<vmem_shared>>
        tpu.wait_indirect_dma semaphore(%run_scoped3A : memref<!tpu.dma_semaphore, #tpu.memory_space<semaphore_mem>>) src(%arg9 : memref<80x128xf32, #tpu.memory_space<vmem>>) dst(%dma_wait3A_27 : memref<10112x128xf32, #tpu.memory_space<vmem_shared>>)
        tpu.yield
      }) : () -> ()
    }
    %scan3A_7 = arith.constant 125 : i32
    %barrier3A_8 = arith.constant 0 : index
    tpu.barrier barrier_id(%barrier3A_8)
    %mul3A_9 = arith.constant 10112 : i32
    %mul3A_10 = arith.muli %arg0, %mul3A_9 : i32
    %add3A = arith.addi %mul3A_10, %mul3A_0 : i32
    "tpu.region"() ({
      %run_scoped3A = tpu.sem_alloc : memref<!tpu.dma_semaphore, #tpu.memory_space<semaphore_mem>>
      %dma_start3A = arith.constant 0 : i32
      %dma_start3A_11 = tpu.memref_slice %arg6[%add3A, %dma_start3A] : memref<20224x128xf32, #tpu.memory_space<hbm>> -> memref<632x128xf32, #tpu.memory_space<hbm>>
      %dma_start3A_12 = arith.constant 0 : i32
      %dma_start3A_13 = tpu.memref_slice %arg10[%mul3A_0, %dma_start3A_12] : memref<10112x128xf32, #tpu.memory_space<vmem_shared>> -> memref<632x128xf32, #tpu.memory_space<vmem_shared>>
      tpu.enqueue_dma source(%dma_start3A_13 : memref<632x128xf32, #tpu.memory_space<vmem_shared>>) target(%dma_start3A_11 : memref<632x128xf32, #tpu.memory_space<hbm>>) target_semaphore(%run_scoped3A : memref<!tpu.dma_semaphore, #tpu.memory_space<semaphore_mem>>)
      %dma_wait3A = arith.constant 0 : i32
      %dma_wait3A_14 = tpu.memref_slice %arg6[%add3A, %dma_wait3A] : memref<20224x128xf32, #tpu.memory_space<hbm>> -> memref<632x128xf32, #tpu.memory_space<hbm>>
      %dma_wait3A_15 = arith.constant 0 : i32
      %dma_wait3A_16 = tpu.memref_slice %arg10[%mul3A_0, %dma_wait3A_15] : memref<10112x128xf32, #tpu.memory_space<vmem_shared>> -> memref<632x128xf32, #tpu.memory_space<vmem_shared>>
      tpu.wait_dma2 semaphore(%run_scoped3A : memref<!tpu.dma_semaphore, #tpu.memory_space<semaphore_mem>>) src(%dma_wait3A_16 : memref<632x128xf32, #tpu.memory_space<vmem_shared>>) dst(%dma_wait3A_14 : memref<632x128xf32, #tpu.memory_space<hbm>>)
      tpu.yield
    }) : () -> ()
    return
  }
}

#map = affine_map<(d0, d1) -> (0, 0)>
#map1 = affine_map<(d0, d1) -> (0)>
module attributes {stable_mosaic.version = 14 : i64} {
  func.func @sc_scatter(%arg0: i32, %arg1: i32, %arg2: memref<20224x128xf32, #tpu.memory_space<hbm>>, %arg3: memref<320000xi32, #tpu.memory_space<hbm>>, %arg4: memref<160000xi32, #tpu.memory_space<hbm>>, %arg5: memref<632x128xf32, #tpu.memory_space<hbm>>, %arg6: memref<20224x128xf32, #tpu.memory_space<hbm>>, %arg7: memref<80xi32, #tpu.memory_space<vmem>>, %arg8: memref<80xi32, #tpu.memory_space<vmem>>, %arg9: memref<80x128xf32, #tpu.memory_space<vmem>>, %arg10: memref<10112x128xf32, #tpu.memory_space<vmem_shared>>, %arg11: memref<!tpu.dma_semaphore, #tpu.memory_space<semaphore_mem>>) attributes {dimension_semantics = [#tpu.dimension_semantics<core_parallel>, #tpu.dimension_semantics<subcore_parallel>], iteration_bounds = array<i64: 2, 16>, scalar_prefetch = 0 : i64, scratch_operands = 5 : i64, tpu.core_type = #tpu.core_type<sc_vector_subcore>, window_params = [{transform_indices = #map}, {transform_indices = #map1}, {transform_indices = #map1}, {transform_indices = #map}, {transform_indices = #map}]} {
    %mul3A = arith.constant 632 : i32
    %mul3A_0 = arith.muli %arg1, %mul3A : i32
    "tpu.region"() ({
      %run_scoped3A = tpu.sem_alloc : memref<!tpu.dma_semaphore, #tpu.memory_space<semaphore_mem>>
      %dma_start3A = arith.constant 0 : i32
      %dma_start3A_11 = tpu.memref_slice %arg10[%mul3A_0, %dma_start3A] : memref<10112x128xf32, #tpu.memory_space<vmem_shared>> -> memref<632x128xf32, #tpu.memory_space<vmem_shared>>
      tpu.enqueue_dma source(%arg5 : memref<632x128xf32, #tpu.memory_space<hbm>>) target(%dma_start3A_11 : memref<632x128xf32, #tpu.memory_space<vmem_shared>>) target_semaphore(%run_scoped3A : memref<!tpu.dma_semaphore, #tpu.memory_space<semaphore_mem>>)
      %dma_wait3A = arith.constant 0 : i32
      %dma_wait3A_12 = tpu.memref_slice %arg10[%mul3A_0, %dma_wait3A] : memref<10112x128xf32, #tpu.memory_space<vmem_shared>> -> memref<632x128xf32, #tpu.memory_space<vmem_shared>>
      tpu.wait_dma2 semaphore(%run_scoped3A : memref<!tpu.dma_semaphore, #tpu.memory_space<semaphore_mem>>) src(%arg5 : memref<632x128xf32, #tpu.memory_space<hbm>>) dst(%dma_wait3A_12 : memref<632x128xf32, #tpu.memory_space<vmem_shared>>)
      tpu.yield
    }) : () -> ()
    %barrier3A = arith.constant 0 : index
    tpu.barrier barrier_id(%barrier3A)
    %mul3A_1 = arith.constant 10000 : i32
    %mul3A_2 = arith.muli %arg1, %mul3A_1 : i32
    %scan3A = arith.constant 0 : i32
    %scan3A_3 = arith.constant 0 : i32
    %scan3A_4 = arith.constant 125 : i32
    %scan3A_5 = arith.addi %scan3A_3, %scan3A_4 : i32
    %scan3A_6 = arith.constant 1 : i32
    scf.for %scan3A_11 = %scan3A_3 to %scan3A_5 step %scan3A_6  : i32 {
      %mul3A_12 = arith.constant 80 : i32
      %mul3A_13 = arith.muli %scan3A_11, %mul3A_12 : i32
      %add3A_14 = arith.addi %mul3A_2, %mul3A_13 : i32
      %mul3A_15 = arith.constant 160000 : i32
      %mul3A_16 = arith.muli %arg0, %mul3A_15 : i32
      %add3A_17 = arith.addi %mul3A_16, %add3A_14 : i32
      "tpu.region"() ({
        %run_scoped3A = tpu.sem_alloc : memref<!tpu.dma_semaphore, #tpu.memory_space<semaphore_mem>>
        %dma_start3A_22 = tpu.memref_slice %arg3[%add3A_17] : memref<320000xi32, #tpu.memory_space<hbm>> -> memref<80xi32, #tpu.memory_space<hbm>>
        %dma_start3A_23 = tpu.memref_slice %arg3[%add3A_17] : memref<320000xi32, #tpu.memory_space<hbm>> -> memref<80xi32, #tpu.memory_space<hbm>>
        tpu.enqueue_dma source(%dma_start3A_23 : memref<80xi32, #tpu.memory_space<hbm>>) target(%arg7 : memref<80xi32, #tpu.memory_space<vmem>>) target_semaphore(%run_scoped3A : memref<!tpu.dma_semaphore, #tpu.memory_space<semaphore_mem>>)
        %dma_wait3A_24 = tpu.memref_slice %arg3[%add3A_17] : memref<320000xi32, #tpu.memory_space<hbm>> -> memref<80xi32, #tpu.memory_space<hbm>>
        %dma_wait3A_25 = tpu.memref_slice %arg3[%add3A_17] : memref<320000xi32, #tpu.memory_space<hbm>> -> memref<80xi32, #tpu.memory_space<hbm>>
        tpu.wait_dma2 semaphore(%run_scoped3A : memref<!tpu.dma_semaphore, #tpu.memory_space<semaphore_mem>>) src(%dma_wait3A_25 : memref<80xi32, #tpu.memory_space<hbm>>) dst(%arg7 : memref<80xi32, #tpu.memory_space<vmem>>)
        tpu.yield
      }) : () -> ()
      "tpu.region"() ({
        %run_scoped3A = tpu.sem_alloc : memref<!tpu.dma_semaphore, #tpu.memory_space<semaphore_mem>>
        %dma_start3A_22 = tpu.memref_slice %arg4[%add3A_14] : memref<160000xi32, #tpu.memory_space<hbm>> -> memref<80xi32, #tpu.memory_space<hbm>>
        %dma_start3A_23 = tpu.memref_slice %arg4[%add3A_14] : memref<160000xi32, #tpu.memory_space<hbm>> -> memref<80xi32, #tpu.memory_space<hbm>>
        tpu.enqueue_dma source(%dma_start3A_23 : memref<80xi32, #tpu.memory_space<hbm>>) target(%arg8 : memref<80xi32, #tpu.memory_space<vmem>>) target_semaphore(%run_scoped3A : memref<!tpu.dma_semaphore, #tpu.memory_space<semaphore_mem>>)
        %dma_wait3A_24 = tpu.memref_slice %arg4[%add3A_14] : memref<160000xi32, #tpu.memory_space<hbm>> -> memref<80xi32, #tpu.memory_space<hbm>>
        %dma_wait3A_25 = tpu.memref_slice %arg4[%add3A_14] : memref<160000xi32, #tpu.memory_space<hbm>> -> memref<80xi32, #tpu.memory_space<hbm>>
        tpu.wait_dma2 semaphore(%run_scoped3A : memref<!tpu.dma_semaphore, #tpu.memory_space<semaphore_mem>>) src(%dma_wait3A_25 : memref<80xi32, #tpu.memory_space<hbm>>) dst(%arg8 : memref<80xi32, #tpu.memory_space<vmem>>)
        tpu.yield
      }) : () -> ()
      %dma_start3A = arith.constant 0 : i32
      %dma_start3A_18 = arith.constant 0 : i32
      %dma_start3A_19 = tpu.memref_slice %arg2[%dma_start3A, %dma_start3A_18] : memref<20224x128xf32, #tpu.memory_space<hbm>> -> memref<20224x128xf32, #tpu.memory_space<hbm>>
      tpu.enqueue_indirect_dma source(%dma_start3A_19 : memref<20224x128xf32, #tpu.memory_space<hbm>>) target(%arg9 : memref<80x128xf32, #tpu.memory_space<vmem>>) offsets(%arg7 : memref<80xi32, #tpu.memory_space<vmem>>) semaphore(%arg11 : memref<!tpu.dma_semaphore, #tpu.memory_space<semaphore_mem>>)
      %dma_wait3A = arith.constant 0 : i32
      %dma_wait3A_20 = arith.constant 0 : i32
      %dma_wait3A_21 = tpu.memref_slice %arg2[%dma_wait3A, %dma_wait3A_20] : memref<20224x128xf32, #tpu.memory_space<hbm>> -> memref<20224x128xf32, #tpu.memory_space<hbm>>
      tpu.wait_indirect_dma semaphore(%arg11 : memref<!tpu.dma_semaphore, #tpu.memory_space<semaphore_mem>>) src(%dma_wait3A_21 : memref<20224x128xf32, #tpu.memory_space<hbm>>) dst(%arg9 : memref<80x128xf32, #tpu.memory_space<vmem>>)
      "tpu.region"() ({
        %run_scoped3A = tpu.sem_alloc : memref<!tpu.dma_semaphore, #tpu.memory_space<semaphore_mem>>
        %dma_start3A_22 = arith.constant 0 : i32
        %dma_start3A_23 = arith.constant 0 : i32
        %dma_start3A_24 = tpu.memref_slice %arg10[%dma_start3A_22, %dma_start3A_23] : memref<10112x128xf32, #tpu.memory_space<vmem_shared>> -> memref<10112x128xf32, #tpu.memory_space<vmem_shared>>
        tpu.enqueue_indirect_dma source(%arg9 : memref<80x128xf32, #tpu.memory_space<vmem>>) target(%dma_start3A_24 : memref<10112x128xf32, #tpu.memory_space<vmem_shared>>) offsets(%arg8 : memref<80xi32, #tpu.memory_space<vmem>>) semaphore(%run_scoped3A : memref<!tpu.dma_semaphore, #tpu.memory_space<semaphore_mem>>) {add = true}
        %dma_wait3A_25 = arith.constant 0 : i32
        %dma_wait3A_26 = arith.constant 0 : i32
        %dma_wait3A_27 = tpu.memref_slice %arg10[%dma_wait3A_25, %dma_wait3A_26] : memref<10112x128xf32, #tpu.memory_space<vmem_shared>> -> memref<10112x128xf32, #tpu.memory_space<vmem_shared>>
        tpu.wait_indirect_dma semaphore(%run_scoped3A : memref<!tpu.dma_semaphore, #tpu.memory_space<semaphore_mem>>) src(%arg9 : memref<80x128xf32, #tpu.memory_space<vmem>>) dst(%dma_wait3A_27 : memref<10112x128xf32, #tpu.memory_space<vmem_shared>>)
        tpu.yield
      }) : () -> ()
    }
    %scan3A_7 = arith.constant 125 : i32
    %barrier3A_8 = arith.constant 0 : index
    tpu.barrier barrier_id(%barrier3A_8)
    %mul3A_9 = arith.constant 10112 : i32
    %mul3A_10 = arith.muli %arg0, %mul3A_9 : i32
    %add3A = arith.addi %mul3A_10, %mul3A_0 : i32
    "tpu.region"() ({
      %run_scoped3A = tpu.sem_alloc : memref<!tpu.dma_semaphore, #tpu.memory_space<semaphore_mem>>
      %dma_start3A = arith.constant 0 : i32
      %dma_start3A_11 = tpu.memref_slice %arg6[%add3A, %dma_start3A] : memref<20224x128xf32, #tpu.memory_space<hbm>> -> memref<632x128xf32, #tpu.memory_space<hbm>>
      %dma_start3A_12 = arith.constant 0 : i32
      %dma_start3A_13 = tpu.memref_slice %arg10[%mul3A_0, %dma_start3A_12] : memref<10112x128xf32, #tpu.memory_space<vmem_shared>> -> memref<632x128xf32, #tpu.memory_space<vmem_shared>>
      tpu.enqueue_dma source(%dma_start3A_13 : memref<632x128xf32, #tpu.memory_space<vmem_shared>>) target(%dma_start3A_11 : memref<632x128xf32, #tpu.memory_space<hbm>>) target_semaphore(%run_scoped3A : memref<!tpu.dma_semaphore, #tpu.memory_space<semaphore_mem>>)
      %dma_wait3A = arith.constant 0 : i32
      %dma_wait3A_14 = tpu.memref_slice %arg6[%add3A, %dma_wait3A] : memref<20224x128xf32, #tpu.memory_space<hbm>> -> memref<632x128xf32, #tpu.memory_space<hbm>>
      %dma_wait3A_15 = arith.constant 0 : i32
      %dma_wait3A_16 = tpu.memref_slice %arg10[%mul3A_0, %dma_wait3A_15] : memref<10112x128xf32, #tpu.memory_space<vmem_shared>> -> memref<632x128xf32, #tpu.memory_space<vmem_shared>>
      tpu.wait_dma2 semaphore(%run_scoped3A : memref<!tpu.dma_semaphore, #tpu.memory_space<semaphore_mem>>) src(%dma_wait3A_16 : memref<632x128xf32, #tpu.memory_space<vmem_shared>>) dst(%dma_wait3A_14 : memref<632x128xf32, #tpu.memory_space<hbm>>)
      tpu.yield
    }) : () -> ()
    return
  }
}

#map = affine_map<(d0, d1) -> (0, 0)>
#map1 = affine_map<(d0, d1) -> (0)>
module attributes {stable_mosaic.version = 14 : i64} {
  func.func @sc_scatter(%arg0: i32, %arg1: i32, %arg2: memref<20224x128xf32, #tpu.memory_space<hbm>>, %arg3: memref<320000xi32, #tpu.memory_space<hbm>>, %arg4: memref<160000xi32, #tpu.memory_space<hbm>>, %arg5: memref<632x128xf32, #tpu.memory_space<hbm>>, %arg6: memref<20224x128xf32, #tpu.memory_space<hbm>>, %arg7: memref<80xi32, #tpu.memory_space<vmem>>, %arg8: memref<80xi32, #tpu.memory_space<vmem>>, %arg9: memref<80x128xf32, #tpu.memory_space<vmem>>, %arg10: memref<10112x128xf32, #tpu.memory_space<vmem_shared>>, %arg11: memref<!tpu.dma_semaphore, #tpu.memory_space<semaphore_mem>>) attributes {dimension_semantics = [#tpu.dimension_semantics<core_parallel>, #tpu.dimension_semantics<subcore_parallel>], iteration_bounds = array<i64: 2, 16>, scalar_prefetch = 0 : i64, scratch_operands = 5 : i64, tpu.core_type = #tpu.core_type<sc_vector_subcore>, window_params = [{transform_indices = #map}, {transform_indices = #map1}, {transform_indices = #map1}, {transform_indices = #map}, {transform_indices = #map}]} {
    %mul3A = arith.constant 632 : i32
    %mul3A_0 = arith.muli %arg1, %mul3A : i32
    "tpu.region"() ({
      %run_scoped3A = tpu.sem_alloc : memref<!tpu.dma_semaphore, #tpu.memory_space<semaphore_mem>>
      %dma_start3A = arith.constant 0 : i32
      %dma_start3A_11 = tpu.memref_slice %arg10[%mul3A_0, %dma_start3A] : memref<10112x128xf32, #tpu.memory_space<vmem_shared>> -> memref<632x128xf32, #tpu.memory_space<vmem_shared>>
      tpu.enqueue_dma source(%arg5 : memref<632x128xf32, #tpu.memory_space<hbm>>) target(%dma_start3A_11 : memref<632x128xf32, #tpu.memory_space<vmem_shared>>) target_semaphore(%run_scoped3A : memref<!tpu.dma_semaphore, #tpu.memory_space<semaphore_mem>>)
      %dma_wait3A = arith.constant 0 : i32
      %dma_wait3A_12 = tpu.memref_slice %arg10[%mul3A_0, %dma_wait3A] : memref<10112x128xf32, #tpu.memory_space<vmem_shared>> -> memref<632x128xf32, #tpu.memory_space<vmem_shared>>
      tpu.wait_dma2 semaphore(%run_scoped3A : memref<!tpu.dma_semaphore, #tpu.memory_space<semaphore_mem>>) src(%arg5 : memref<632x128xf32, #tpu.memory_space<hbm>>) dst(%dma_wait3A_12 : memref<632x128xf32, #tpu.memory_space<vmem_shared>>)
      tpu.yield
    }) : () -> ()
    %barrier3A = arith.constant 0 : index
    tpu.barrier barrier_id(%barrier3A)
    %mul3A_1 = arith.constant 10000 : i32
    %mul3A_2 = arith.muli %arg1, %mul3A_1 : i32
    %scan3A = arith.constant 0 : i32
    %scan3A_3 = arith.constant 0 : i32
    %scan3A_4 = arith.constant 125 : i32
    %scan3A_5 = arith.addi %scan3A_3, %scan3A_4 : i32
    %scan3A_6 = arith.constant 1 : i32
    scf.for %scan3A_11 = %scan3A_3 to %scan3A_5 step %scan3A_6  : i32 {
      %mul3A_12 = arith.constant 80 : i32
      %mul3A_13 = arith.muli %scan3A_11, %mul3A_12 : i32
      %add3A_14 = arith.addi %mul3A_2, %mul3A_13 : i32
      %mul3A_15 = arith.constant 160000 : i32
      %mul3A_16 = arith.muli %arg0, %mul3A_15 : i32
      %add3A_17 = arith.addi %mul3A_16, %add3A_14 : i32
      "tpu.region"() ({
        %run_scoped3A = tpu.sem_alloc : memref<!tpu.dma_semaphore, #tpu.memory_space<semaphore_mem>>
        %dma_start3A_22 = tpu.memref_slice %arg3[%add3A_17] : memref<320000xi32, #tpu.memory_space<hbm>> -> memref<80xi32, #tpu.memory_space<hbm>>
        %dma_start3A_23 = tpu.memref_slice %arg3[%add3A_17] : memref<320000xi32, #tpu.memory_space<hbm>> -> memref<80xi32, #tpu.memory_space<hbm>>
        tpu.enqueue_dma source(%dma_start3A_23 : memref<80xi32, #tpu.memory_space<hbm>>) target(%arg7 : memref<80xi32, #tpu.memory_space<vmem>>) target_semaphore(%run_scoped3A : memref<!tpu.dma_semaphore, #tpu.memory_space<semaphore_mem>>)
        %dma_wait3A_24 = tpu.memref_slice %arg3[%add3A_17] : memref<320000xi32, #tpu.memory_space<hbm>> -> memref<80xi32, #tpu.memory_space<hbm>>
        %dma_wait3A_25 = tpu.memref_slice %arg3[%add3A_17] : memref<320000xi32, #tpu.memory_space<hbm>> -> memref<80xi32, #tpu.memory_space<hbm>>
        tpu.wait_dma2 semaphore(%run_scoped3A : memref<!tpu.dma_semaphore, #tpu.memory_space<semaphore_mem>>) src(%dma_wait3A_25 : memref<80xi32, #tpu.memory_space<hbm>>) dst(%arg7 : memref<80xi32, #tpu.memory_space<vmem>>)
        tpu.yield
      }) : () -> ()
      "tpu.region"() ({
        %run_scoped3A = tpu.sem_alloc : memref<!tpu.dma_semaphore, #tpu.memory_space<semaphore_mem>>
        %dma_start3A_22 = tpu.memref_slice %arg4[%add3A_14] : memref<160000xi32, #tpu.memory_space<hbm>> -> memref<80xi32, #tpu.memory_space<hbm>>
        %dma_start3A_23 = tpu.memref_slice %arg4[%add3A_14] : memref<160000xi32, #tpu.memory_space<hbm>> -> memref<80xi32, #tpu.memory_space<hbm>>
        tpu.enqueue_dma source(%dma_start3A_23 : memref<80xi32, #tpu.memory_space<hbm>>) target(%arg8 : memref<80xi32, #tpu.memory_space<vmem>>) target_semaphore(%run_scoped3A : memref<!tpu.dma_semaphore, #tpu.memory_space<semaphore_mem>>)
        %dma_wait3A_24 = tpu.memref_slice %arg4[%add3A_14] : memref<160000xi32, #tpu.memory_space<hbm>> -> memref<80xi32, #tpu.memory_space<hbm>>
        %dma_wait3A_25 = tpu.memref_slice %arg4[%add3A_14] : memref<160000xi32, #tpu.memory_space<hbm>> -> memref<80xi32, #tpu.memory_space<hbm>>
        tpu.wait_dma2 semaphore(%run_scoped3A : memref<!tpu.dma_semaphore, #tpu.memory_space<semaphore_mem>>) src(%dma_wait3A_25 : memref<80xi32, #tpu.memory_space<hbm>>) dst(%arg8 : memref<80xi32, #tpu.memory_space<vmem>>)
        tpu.yield
      }) : () -> ()
      %dma_start3A = arith.constant 0 : i32
      %dma_start3A_18 = arith.constant 0 : i32
      %dma_start3A_19 = tpu.memref_slice %arg2[%dma_start3A, %dma_start3A_18] : memref<20224x128xf32, #tpu.memory_space<hbm>> -> memref<20224x128xf32, #tpu.memory_space<hbm>>
      tpu.enqueue_indirect_dma source(%dma_start3A_19 : memref<20224x128xf32, #tpu.memory_space<hbm>>) target(%arg9 : memref<80x128xf32, #tpu.memory_space<vmem>>) offsets(%arg7 : memref<80xi32, #tpu.memory_space<vmem>>) semaphore(%arg11 : memref<!tpu.dma_semaphore, #tpu.memory_space<semaphore_mem>>)
      %dma_wait3A = arith.constant 0 : i32
      %dma_wait3A_20 = arith.constant 0 : i32
      %dma_wait3A_21 = tpu.memref_slice %arg2[%dma_wait3A, %dma_wait3A_20] : memref<20224x128xf32, #tpu.memory_space<hbm>> -> memref<20224x128xf32, #tpu.memory_space<hbm>>
      tpu.wait_indirect_dma semaphore(%arg11 : memref<!tpu.dma_semaphore, #tpu.memory_space<semaphore_mem>>) src(%dma_wait3A_21 : memref<20224x128xf32, #tpu.memory_space<hbm>>) dst(%arg9 : memref<80x128xf32, #tpu.memory_space<vmem>>)
      "tpu.region"() ({
        %run_scoped3A = tpu.sem_alloc : memref<!tpu.dma_semaphore, #tpu.memory_space<semaphore_mem>>
        %dma_start3A_22 = arith.constant 0 : i32
        %dma_start3A_23 = arith.constant 0 : i32
        %dma_start3A_24 = tpu.memref_slice %arg10[%dma_start3A_22, %dma_start3A_23] : memref<10112x128xf32, #tpu.memory_space<vmem_shared>> -> memref<10112x128xf32, #tpu.memory_space<vmem_shared>>
        tpu.enqueue_indirect_dma source(%arg9 : memref<80x128xf32, #tpu.memory_space<vmem>>) target(%dma_start3A_24 : memref<10112x128xf32, #tpu.memory_space<vmem_shared>>) offsets(%arg8 : memref<80xi32, #tpu.memory_space<vmem>>) semaphore(%run_scoped3A : memref<!tpu.dma_semaphore, #tpu.memory_space<semaphore_mem>>) {add = true}
        %dma_wait3A_25 = arith.constant 0 : i32
        %dma_wait3A_26 = arith.constant 0 : i32
        %dma_wait3A_27 = tpu.memref_slice %arg10[%dma_wait3A_25, %dma_wait3A_26] : memref<10112x128xf32, #tpu.memory_space<vmem_shared>> -> memref<10112x128xf32, #tpu.memory_space<vmem_shared>>
        tpu.wait_indirect_dma semaphore(%run_scoped3A : memref<!tpu.dma_semaphore, #tpu.memory_space<semaphore_mem>>) src(%arg9 : memref<80x128xf32, #tpu.memory_space<vmem>>) dst(%dma_wait3A_27 : memref<10112x128xf32, #tpu.memory_space<vmem_shared>>)
        tpu.yield
      }) : () -> ()
    }
    %scan3A_7 = arith.constant 125 : i32
    %barrier3A_8 = arith.constant 0 : index
    tpu.barrier barrier_id(%barrier3A_8)
    %mul3A_9 = arith.constant 10112 : i32
    %mul3A_10 = arith.muli %arg0, %mul3A_9 : i32
    %add3A = arith.addi %mul3A_10, %mul3A_0 : i32
    "tpu.region"() ({
      %run_scoped3A = tpu.sem_alloc : memref<!tpu.dma_semaphore, #tpu.memory_space<semaphore_mem>>
      %dma_start3A = arith.constant 0 : i32
      %dma_start3A_11 = tpu.memref_slice %arg6[%add3A, %dma_start3A] : memref<20224x128xf32, #tpu.memory_space<hbm>> -> memref<632x128xf32, #tpu.memory_space<hbm>>
      %dma_start3A_12 = arith.constant 0 : i32
      %dma_start3A_13 = tpu.memref_slice %arg10[%mul3A_0, %dma_start3A_12] : memref<10112x128xf32, #tpu.memory_space<vmem_shared>> -> memref<632x128xf32, #tpu.memory_space<vmem_shared>>
      tpu.enqueue_dma source(%dma_start3A_13 : memref<632x128xf32, #tpu.memory_space<vmem_shared>>) target(%dma_start3A_11 : memref<632x128xf32, #tpu.memory_space<hbm>>) target_semaphore(%run_scoped3A : memref<!tpu.dma_semaphore, #tpu.memory_space<semaphore_mem>>)
      %dma_wait3A = arith.constant 0 : i32
      %dma_wait3A_14 = tpu.memref_slice %arg6[%add3A, %dma_wait3A] : memref<20224x128xf32, #tpu.memory_space<hbm>> -> memref<632x128xf32, #tpu.memory_space<hbm>>
      %dma_wait3A_15 = arith.constant 0 : i32
      %dma_wait3A_16 = tpu.memref_slice %arg10[%mul3A_0, %dma_wait3A_15] : memref<10112x128xf32, #tpu.memory_space<vmem_shared>> -> memref<632x128xf32, #tpu.memory_space<vmem_shared>>
      tpu.wait_dma2 semaphore(%run_scoped3A : memref<!tpu.dma_semaphore, #tpu.memory_space<semaphore_mem>>) src(%dma_wait3A_16 : memref<632x128xf32, #tpu.memory_space<vmem_shared>>) dst(%dma_wait3A_14 : memref<632x128xf32, #tpu.memory_space<hbm>>)
      tpu.yield
    }) : () -> ()
    return
  }
}

#map = affine_map<(d0, d1) -> (0, 0)>
#map1 = affine_map<(d0, d1) -> (0)>
module attributes {stable_mosaic.version = 14 : i64} {
  func.func @sc_scatter(%arg0: i32, %arg1: i32, %arg2: memref<20224x128xf32, #tpu.memory_space<hbm>>, %arg3: memref<320000xi32, #tpu.memory_space<hbm>>, %arg4: memref<160000xi32, #tpu.memory_space<hbm>>, %arg5: memref<632x128xf32, #tpu.memory_space<hbm>>, %arg6: memref<20224x128xf32, #tpu.memory_space<hbm>>, %arg7: memref<80xi32, #tpu.memory_space<vmem>>, %arg8: memref<80xi32, #tpu.memory_space<vmem>>, %arg9: memref<80x128xf32, #tpu.memory_space<vmem>>, %arg10: memref<10112x128xf32, #tpu.memory_space<vmem_shared>>, %arg11: memref<!tpu.dma_semaphore, #tpu.memory_space<semaphore_mem>>) attributes {dimension_semantics = [#tpu.dimension_semantics<core_parallel>, #tpu.dimension_semantics<subcore_parallel>], iteration_bounds = array<i64: 2, 16>, scalar_prefetch = 0 : i64, scratch_operands = 5 : i64, tpu.core_type = #tpu.core_type<sc_vector_subcore>, window_params = [{transform_indices = #map}, {transform_indices = #map1}, {transform_indices = #map1}, {transform_indices = #map}, {transform_indices = #map}]} {
    %mul3A = arith.constant 632 : i32
    %mul3A_0 = arith.muli %arg1, %mul3A : i32
    "tpu.region"() ({
      %run_scoped3A = tpu.sem_alloc : memref<!tpu.dma_semaphore, #tpu.memory_space<semaphore_mem>>
      %dma_start3A = arith.constant 0 : i32
      %dma_start3A_11 = tpu.memref_slice %arg10[%mul3A_0, %dma_start3A] : memref<10112x128xf32, #tpu.memory_space<vmem_shared>> -> memref<632x128xf32, #tpu.memory_space<vmem_shared>>
      tpu.enqueue_dma source(%arg5 : memref<632x128xf32, #tpu.memory_space<hbm>>) target(%dma_start3A_11 : memref<632x128xf32, #tpu.memory_space<vmem_shared>>) target_semaphore(%run_scoped3A : memref<!tpu.dma_semaphore, #tpu.memory_space<semaphore_mem>>)
      %dma_wait3A = arith.constant 0 : i32
      %dma_wait3A_12 = tpu.memref_slice %arg10[%mul3A_0, %dma_wait3A] : memref<10112x128xf32, #tpu.memory_space<vmem_shared>> -> memref<632x128xf32, #tpu.memory_space<vmem_shared>>
      tpu.wait_dma2 semaphore(%run_scoped3A : memref<!tpu.dma_semaphore, #tpu.memory_space<semaphore_mem>>) src(%arg5 : memref<632x128xf32, #tpu.memory_space<hbm>>) dst(%dma_wait3A_12 : memref<632x128xf32, #tpu.memory_space<vmem_shared>>)
      tpu.yield
    }) : () -> ()
    %barrier3A = arith.constant 0 : index
    tpu.barrier barrier_id(%barrier3A)
    %mul3A_1 = arith.constant 10000 : i32
    %mul3A_2 = arith.muli %arg1, %mul3A_1 : i32
    %scan3A = arith.constant 0 : i32
    %scan3A_3 = arith.constant 0 : i32
    %scan3A_4 = arith.constant 125 : i32
    %scan3A_5 = arith.addi %scan3A_3, %scan3A_4 : i32
    %scan3A_6 = arith.constant 1 : i32
    scf.for %scan3A_11 = %scan3A_3 to %scan3A_5 step %scan3A_6  : i32 {
      %mul3A_12 = arith.constant 80 : i32
      %mul3A_13 = arith.muli %scan3A_11, %mul3A_12 : i32
      %add3A_14 = arith.addi %mul3A_2, %mul3A_13 : i32
      %mul3A_15 = arith.constant 160000 : i32
      %mul3A_16 = arith.muli %arg0, %mul3A_15 : i32
      %add3A_17 = arith.addi %mul3A_16, %add3A_14 : i32
      "tpu.region"() ({
        %run_scoped3A = tpu.sem_alloc : memref<!tpu.dma_semaphore, #tpu.memory_space<semaphore_mem>>
        %dma_start3A_22 = tpu.memref_slice %arg3[%add3A_17] : memref<320000xi32, #tpu.memory_space<hbm>> -> memref<80xi32, #tpu.memory_space<hbm>>
        %dma_start3A_23 = tpu.memref_slice %arg3[%add3A_17] : memref<320000xi32, #tpu.memory_space<hbm>> -> memref<80xi32, #tpu.memory_space<hbm>>
        tpu.enqueue_dma source(%dma_start3A_23 : memref<80xi32, #tpu.memory_space<hbm>>) target(%arg7 : memref<80xi32, #tpu.memory_space<vmem>>) target_semaphore(%run_scoped3A : memref<!tpu.dma_semaphore, #tpu.memory_space<semaphore_mem>>)
        %dma_wait3A_24 = tpu.memref_slice %arg3[%add3A_17] : memref<320000xi32, #tpu.memory_space<hbm>> -> memref<80xi32, #tpu.memory_space<hbm>>
        %dma_wait3A_25 = tpu.memref_slice %arg3[%add3A_17] : memref<320000xi32, #tpu.memory_space<hbm>> -> memref<80xi32, #tpu.memory_space<hbm>>
        tpu.wait_dma2 semaphore(%run_scoped3A : memref<!tpu.dma_semaphore, #tpu.memory_space<semaphore_mem>>) src(%dma_wait3A_25 : memref<80xi32, #tpu.memory_space<hbm>>) dst(%arg7 : memref<80xi32, #tpu.memory_space<vmem>>)
        tpu.yield
      }) : () -> ()
      "tpu.region"() ({
        %run_scoped3A = tpu.sem_alloc : memref<!tpu.dma_semaphore, #tpu.memory_space<semaphore_mem>>
        %dma_start3A_22 = tpu.memref_slice %arg4[%add3A_14] : memref<160000xi32, #tpu.memory_space<hbm>> -> memref<80xi32, #tpu.memory_space<hbm>>
        %dma_start3A_23 = tpu.memref_slice %arg4[%add3A_14] : memref<160000xi32, #tpu.memory_space<hbm>> -> memref<80xi32, #tpu.memory_space<hbm>>
        tpu.enqueue_dma source(%dma_start3A_23 : memref<80xi32, #tpu.memory_space<hbm>>) target(%arg8 : memref<80xi32, #tpu.memory_space<vmem>>) target_semaphore(%run_scoped3A : memref<!tpu.dma_semaphore, #tpu.memory_space<semaphore_mem>>)
        %dma_wait3A_24 = tpu.memref_slice %arg4[%add3A_14] : memref<160000xi32, #tpu.memory_space<hbm>> -> memref<80xi32, #tpu.memory_space<hbm>>
        %dma_wait3A_25 = tpu.memref_slice %arg4[%add3A_14] : memref<160000xi32, #tpu.memory_space<hbm>> -> memref<80xi32, #tpu.memory_space<hbm>>
        tpu.wait_dma2 semaphore(%run_scoped3A : memref<!tpu.dma_semaphore, #tpu.memory_space<semaphore_mem>>) src(%dma_wait3A_25 : memref<80xi32, #tpu.memory_space<hbm>>) dst(%arg8 : memref<80xi32, #tpu.memory_space<vmem>>)
        tpu.yield
      }) : () -> ()
      %dma_start3A = arith.constant 0 : i32
      %dma_start3A_18 = arith.constant 0 : i32
      %dma_start3A_19 = tpu.memref_slice %arg2[%dma_start3A, %dma_start3A_18] : memref<20224x128xf32, #tpu.memory_space<hbm>> -> memref<20224x128xf32, #tpu.memory_space<hbm>>
      tpu.enqueue_indirect_dma source(%dma_start3A_19 : memref<20224x128xf32, #tpu.memory_space<hbm>>) target(%arg9 : memref<80x128xf32, #tpu.memory_space<vmem>>) offsets(%arg7 : memref<80xi32, #tpu.memory_space<vmem>>) semaphore(%arg11 : memref<!tpu.dma_semaphore, #tpu.memory_space<semaphore_mem>>)
      %dma_wait3A = arith.constant 0 : i32
      %dma_wait3A_20 = arith.constant 0 : i32
      %dma_wait3A_21 = tpu.memref_slice %arg2[%dma_wait3A, %dma_wait3A_20] : memref<20224x128xf32, #tpu.memory_space<hbm>> -> memref<20224x128xf32, #tpu.memory_space<hbm>>
      tpu.wait_indirect_dma semaphore(%arg11 : memref<!tpu.dma_semaphore, #tpu.memory_space<semaphore_mem>>) src(%dma_wait3A_21 : memref<20224x128xf32, #tpu.memory_space<hbm>>) dst(%arg9 : memref<80x128xf32, #tpu.memory_space<vmem>>)
      "tpu.region"() ({
        %run_scoped3A = tpu.sem_alloc : memref<!tpu.dma_semaphore, #tpu.memory_space<semaphore_mem>>
        %dma_start3A_22 = arith.constant 0 : i32
        %dma_start3A_23 = arith.constant 0 : i32
        %dma_start3A_24 = tpu.memref_slice %arg10[%dma_start3A_22, %dma_start3A_23] : memref<10112x128xf32, #tpu.memory_space<vmem_shared>> -> memref<10112x128xf32, #tpu.memory_space<vmem_shared>>
        tpu.enqueue_indirect_dma source(%arg9 : memref<80x128xf32, #tpu.memory_space<vmem>>) target(%dma_start3A_24 : memref<10112x128xf32, #tpu.memory_space<vmem_shared>>) offsets(%arg8 : memref<80xi32, #tpu.memory_space<vmem>>) semaphore(%run_scoped3A : memref<!tpu.dma_semaphore, #tpu.memory_space<semaphore_mem>>) {add = true}
        %dma_wait3A_25 = arith.constant 0 : i32
        %dma_wait3A_26 = arith.constant 0 : i32
        %dma_wait3A_27 = tpu.memref_slice %arg10[%dma_wait3A_25, %dma_wait3A_26] : memref<10112x128xf32, #tpu.memory_space<vmem_shared>> -> memref<10112x128xf32, #tpu.memory_space<vmem_shared>>
        tpu.wait_indirect_dma semaphore(%run_scoped3A : memref<!tpu.dma_semaphore, #tpu.memory_space<semaphore_mem>>) src(%arg9 : memref<80x128xf32, #tpu.memory_space<vmem>>) dst(%dma_wait3A_27 : memref<10112x128xf32, #tpu.memory_space<vmem_shared>>)
        tpu.yield
      }) : () -> ()
    }
    %scan3A_7 = arith.constant 125 : i32
    %barrier3A_8 = arith.constant 0 : index
    tpu.barrier barrier_id(%barrier3A_8)
    %mul3A_9 = arith.constant 10112 : i32
    %mul3A_10 = arith.muli %arg0, %mul3A_9 : i32
    %add3A = arith.addi %mul3A_10, %mul3A_0 : i32
    "tpu.region"() ({
      %run_scoped3A = tpu.sem_alloc : memref<!tpu.dma_semaphore, #tpu.memory_space<semaphore_mem>>
      %dma_start3A = arith.constant 0 : i32
      %dma_start3A_11 = tpu.memref_slice %arg6[%add3A, %dma_start3A] : memref<20224x128xf32, #tpu.memory_space<hbm>> -> memref<632x128xf32, #tpu.memory_space<hbm>>
      %dma_start3A_12 = arith.constant 0 : i32
      %dma_start3A_13 = tpu.memref_slice %arg10[%mul3A_0, %dma_start3A_12] : memref<10112x128xf32, #tpu.memory_space<vmem_shared>> -> memref<632x128xf32, #tpu.memory_space<vmem_shared>>
      tpu.enqueue_dma source(%dma_start3A_13 : memref<632x128xf32, #tpu.memory_space<vmem_shared>>) target(%dma_start3A_11 : memref<632x128xf32, #tpu.memory_space<hbm>>) target_semaphore(%run_scoped3A : memref<!tpu.dma_semaphore, #tpu.memory_space<semaphore_mem>>)
      %dma_wait3A = arith.constant 0 : i32
      %dma_wait3A_14 = tpu.memref_slice %arg6[%add3A, %dma_wait3A] : memref<20224x128xf32, #tpu.memory_space<hbm>> -> memref<632x128xf32, #tpu.memory_space<hbm>>
      %dma_wait3A_15 = arith.constant 0 : i32
      %dma_wait3A_16 = tpu.memref_slice %arg10[%mul3A_0, %dma_wait3A_15] : memref<10112x128xf32, #tpu.memory_space<vmem_shared>> -> memref<632x128xf32, #tpu.memory_space<vmem_shared>>
      tpu.wait_dma2 semaphore(%run_scoped3A : memref<!tpu.dma_semaphore, #tpu.memory_space<semaphore_mem>>) src(%dma_wait3A_16 : memref<632x128xf32, #tpu.memory_space<vmem_shared>>) dst(%dma_wait3A_14 : memref<632x128xf32, #tpu.memory_space<hbm>>)
      tpu.yield
    }) : () -> ()
    return
  }
}

#map = affine_map<(d0, d1) -> (0, 0)>
#map1 = affine_map<(d0, d1) -> (0)>
module attributes {stable_mosaic.version = 14 : i64} {
  func.func @sc_scatter(%arg0: i32, %arg1: i32, %arg2: memref<20224x128xf32, #tpu.memory_space<hbm>>, %arg3: memref<320000xi32, #tpu.memory_space<hbm>>, %arg4: memref<160000xi32, #tpu.memory_space<hbm>>, %arg5: memref<632x128xf32, #tpu.memory_space<hbm>>, %arg6: memref<20224x128xf32, #tpu.memory_space<hbm>>, %arg7: memref<80xi32, #tpu.memory_space<vmem>>, %arg8: memref<80xi32, #tpu.memory_space<vmem>>, %arg9: memref<80x128xf32, #tpu.memory_space<vmem>>, %arg10: memref<10112x128xf32, #tpu.memory_space<vmem_shared>>, %arg11: memref<!tpu.dma_semaphore, #tpu.memory_space<semaphore_mem>>) attributes {dimension_semantics = [#tpu.dimension_semantics<core_parallel>, #tpu.dimension_semantics<subcore_parallel>], iteration_bounds = array<i64: 2, 16>, scalar_prefetch = 0 : i64, scratch_operands = 5 : i64, tpu.core_type = #tpu.core_type<sc_vector_subcore>, window_params = [{transform_indices = #map}, {transform_indices = #map1}, {transform_indices = #map1}, {transform_indices = #map}, {transform_indices = #map}]} {
    %mul3A = arith.constant 632 : i32
    %mul3A_0 = arith.muli %arg1, %mul3A : i32
    "tpu.region"() ({
      %run_scoped3A = tpu.sem_alloc : memref<!tpu.dma_semaphore, #tpu.memory_space<semaphore_mem>>
      %dma_start3A = arith.constant 0 : i32
      %dma_start3A_11 = tpu.memref_slice %arg10[%mul3A_0, %dma_start3A] : memref<10112x128xf32, #tpu.memory_space<vmem_shared>> -> memref<632x128xf32, #tpu.memory_space<vmem_shared>>
      tpu.enqueue_dma source(%arg5 : memref<632x128xf32, #tpu.memory_space<hbm>>) target(%dma_start3A_11 : memref<632x128xf32, #tpu.memory_space<vmem_shared>>) target_semaphore(%run_scoped3A : memref<!tpu.dma_semaphore, #tpu.memory_space<semaphore_mem>>)
      %dma_wait3A = arith.constant 0 : i32
      %dma_wait3A_12 = tpu.memref_slice %arg10[%mul3A_0, %dma_wait3A] : memref<10112x128xf32, #tpu.memory_space<vmem_shared>> -> memref<632x128xf32, #tpu.memory_space<vmem_shared>>
      tpu.wait_dma2 semaphore(%run_scoped3A : memref<!tpu.dma_semaphore, #tpu.memory_space<semaphore_mem>>) src(%arg5 : memref<632x128xf32, #tpu.memory_space<hbm>>) dst(%dma_wait3A_12 : memref<632x128xf32, #tpu.memory_space<vmem_shared>>)
      tpu.yield
    }) : () -> ()
    %barrier3A = arith.constant 0 : index
    tpu.barrier barrier_id(%barrier3A)
    %mul3A_1 = arith.constant 10000 : i32
    %mul3A_2 = arith.muli %arg1, %mul3A_1 : i32
    %scan3A = arith.constant 0 : i32
    %scan3A_3 = arith.constant 0 : i32
    %scan3A_4 = arith.constant 125 : i32
    %scan3A_5 = arith.addi %scan3A_3, %scan3A_4 : i32
    %scan3A_6 = arith.constant 1 : i32
    scf.for %scan3A_11 = %scan3A_3 to %scan3A_5 step %scan3A_6  : i32 {
      %mul3A_12 = arith.constant 80 : i32
      %mul3A_13 = arith.muli %scan3A_11, %mul3A_12 : i32
      %add3A_14 = arith.addi %mul3A_2, %mul3A_13 : i32
      %mul3A_15 = arith.constant 160000 : i32
      %mul3A_16 = arith.muli %arg0, %mul3A_15 : i32
      %add3A_17 = arith.addi %mul3A_16, %add3A_14 : i32
      "tpu.region"() ({
        %run_scoped3A = tpu.sem_alloc : memref<!tpu.dma_semaphore, #tpu.memory_space<semaphore_mem>>
        %dma_start3A_22 = tpu.memref_slice %arg3[%add3A_17] : memref<320000xi32, #tpu.memory_space<hbm>> -> memref<80xi32, #tpu.memory_space<hbm>>
        %dma_start3A_23 = tpu.memref_slice %arg3[%add3A_17] : memref<320000xi32, #tpu.memory_space<hbm>> -> memref<80xi32, #tpu.memory_space<hbm>>
        tpu.enqueue_dma source(%dma_start3A_23 : memref<80xi32, #tpu.memory_space<hbm>>) target(%arg7 : memref<80xi32, #tpu.memory_space<vmem>>) target_semaphore(%run_scoped3A : memref<!tpu.dma_semaphore, #tpu.memory_space<semaphore_mem>>)
        %dma_wait3A_24 = tpu.memref_slice %arg3[%add3A_17] : memref<320000xi32, #tpu.memory_space<hbm>> -> memref<80xi32, #tpu.memory_space<hbm>>
        %dma_wait3A_25 = tpu.memref_slice %arg3[%add3A_17] : memref<320000xi32, #tpu.memory_space<hbm>> -> memref<80xi32, #tpu.memory_space<hbm>>
        tpu.wait_dma2 semaphore(%run_scoped3A : memref<!tpu.dma_semaphore, #tpu.memory_space<semaphore_mem>>) src(%dma_wait3A_25 : memref<80xi32, #tpu.memory_space<hbm>>) dst(%arg7 : memref<80xi32, #tpu.memory_space<vmem>>)
        tpu.yield
      }) : () -> ()
      "tpu.region"() ({
        %run_scoped3A = tpu.sem_alloc : memref<!tpu.dma_semaphore, #tpu.memory_space<semaphore_mem>>
        %dma_start3A_22 = tpu.memref_slice %arg4[%add3A_14] : memref<160000xi32, #tpu.memory_space<hbm>> -> memref<80xi32, #tpu.memory_space<hbm>>
        %dma_start3A_23 = tpu.memref_slice %arg4[%add3A_14] : memref<160000xi32, #tpu.memory_space<hbm>> -> memref<80xi32, #tpu.memory_space<hbm>>
        tpu.enqueue_dma source(%dma_start3A_23 : memref<80xi32, #tpu.memory_space<hbm>>) target(%arg8 : memref<80xi32, #tpu.memory_space<vmem>>) target_semaphore(%run_scoped3A : memref<!tpu.dma_semaphore, #tpu.memory_space<semaphore_mem>>)
        %dma_wait3A_24 = tpu.memref_slice %arg4[%add3A_14] : memref<160000xi32, #tpu.memory_space<hbm>> -> memref<80xi32, #tpu.memory_space<hbm>>
        %dma_wait3A_25 = tpu.memref_slice %arg4[%add3A_14] : memref<160000xi32, #tpu.memory_space<hbm>> -> memref<80xi32, #tpu.memory_space<hbm>>
        tpu.wait_dma2 semaphore(%run_scoped3A : memref<!tpu.dma_semaphore, #tpu.memory_space<semaphore_mem>>) src(%dma_wait3A_25 : memref<80xi32, #tpu.memory_space<hbm>>) dst(%arg8 : memref<80xi32, #tpu.memory_space<vmem>>)
        tpu.yield
      }) : () -> ()
      %dma_start3A = arith.constant 0 : i32
      %dma_start3A_18 = arith.constant 0 : i32
      %dma_start3A_19 = tpu.memref_slice %arg2[%dma_start3A, %dma_start3A_18] : memref<20224x128xf32, #tpu.memory_space<hbm>> -> memref<20224x128xf32, #tpu.memory_space<hbm>>
      tpu.enqueue_indirect_dma source(%dma_start3A_19 : memref<20224x128xf32, #tpu.memory_space<hbm>>) target(%arg9 : memref<80x128xf32, #tpu.memory_space<vmem>>) offsets(%arg7 : memref<80xi32, #tpu.memory_space<vmem>>) semaphore(%arg11 : memref<!tpu.dma_semaphore, #tpu.memory_space<semaphore_mem>>)
      %dma_wait3A = arith.constant 0 : i32
      %dma_wait3A_20 = arith.constant 0 : i32
      %dma_wait3A_21 = tpu.memref_slice %arg2[%dma_wait3A, %dma_wait3A_20] : memref<20224x128xf32, #tpu.memory_space<hbm>> -> memref<20224x128xf32, #tpu.memory_space<hbm>>
      tpu.wait_indirect_dma semaphore(%arg11 : memref<!tpu.dma_semaphore, #tpu.memory_space<semaphore_mem>>) src(%dma_wait3A_21 : memref<20224x128xf32, #tpu.memory_space<hbm>>) dst(%arg9 : memref<80x128xf32, #tpu.memory_space<vmem>>)
      "tpu.region"() ({
        %run_scoped3A = tpu.sem_alloc : memref<!tpu.dma_semaphore, #tpu.memory_space<semaphore_mem>>
        %dma_start3A_22 = arith.constant 0 : i32
        %dma_start3A_23 = arith.constant 0 : i32
        %dma_start3A_24 = tpu.memref_slice %arg10[%dma_start3A_22, %dma_start3A_23] : memref<10112x128xf32, #tpu.memory_space<vmem_shared>> -> memref<10112x128xf32, #tpu.memory_space<vmem_shared>>
        tpu.enqueue_indirect_dma source(%arg9 : memref<80x128xf32, #tpu.memory_space<vmem>>) target(%dma_start3A_24 : memref<10112x128xf32, #tpu.memory_space<vmem_shared>>) offsets(%arg8 : memref<80xi32, #tpu.memory_space<vmem>>) semaphore(%run_scoped3A : memref<!tpu.dma_semaphore, #tpu.memory_space<semaphore_mem>>) {add = true}
        %dma_wait3A_25 = arith.constant 0 : i32
        %dma_wait3A_26 = arith.constant 0 : i32
        %dma_wait3A_27 = tpu.memref_slice %arg10[%dma_wait3A_25, %dma_wait3A_26] : memref<10112x128xf32, #tpu.memory_space<vmem_shared>> -> memref<10112x128xf32, #tpu.memory_space<vmem_shared>>
        tpu.wait_indirect_dma semaphore(%run_scoped3A : memref<!tpu.dma_semaphore, #tpu.memory_space<semaphore_mem>>) src(%arg9 : memref<80x128xf32, #tpu.memory_space<vmem>>) dst(%dma_wait3A_27 : memref<10112x128xf32, #tpu.memory_space<vmem_shared>>)
        tpu.yield
      }) : () -> ()
    }
    %scan3A_7 = arith.constant 125 : i32
    %barrier3A_8 = arith.constant 0 : index
    tpu.barrier barrier_id(%barrier3A_8)
    %mul3A_9 = arith.constant 10112 : i32
    %mul3A_10 = arith.muli %arg0, %mul3A_9 : i32
    %add3A = arith.addi %mul3A_10, %mul3A_0 : i32
    "tpu.region"() ({
      %run_scoped3A = tpu.sem_alloc : memref<!tpu.dma_semaphore, #tpu.memory_space<semaphore_mem>>
      %dma_start3A = arith.constant 0 : i32
      %dma_start3A_11 = tpu.memref_slice %arg6[%add3A, %dma_start3A] : memref<20224x128xf32, #tpu.memory_space<hbm>> -> memref<632x128xf32, #tpu.memory_space<hbm>>
      %dma_start3A_12 = arith.constant 0 : i32
      %dma_start3A_13 = tpu.memref_slice %arg10[%mul3A_0, %dma_start3A_12] : memref<10112x128xf32, #tpu.memory_space<vmem_shared>> -> memref<632x128xf32, #tpu.memory_space<vmem_shared>>
      tpu.enqueue_dma source(%dma_start3A_13 : memref<632x128xf32, #tpu.memory_space<vmem_shared>>) target(%dma_start3A_11 : memref<632x128xf32, #tpu.memory_space<hbm>>) target_semaphore(%run_scoped3A : memref<!tpu.dma_semaphore, #tpu.memory_space<semaphore_mem>>)
      %dma_wait3A = arith.constant 0 : i32
      %dma_wait3A_14 = tpu.memref_slice %arg6[%add3A, %dma_wait3A] : memref<20224x128xf32, #tpu.memory_space<hbm>> -> memref<632x128xf32, #tpu.memory_space<hbm>>
      %dma_wait3A_15 = arith.constant 0 : i32
      %dma_wait3A_16 = tpu.memref_slice %arg10[%mul3A_0, %dma_wait3A_15] : memref<10112x128xf32, #tpu.memory_space<vmem_shared>> -> memref<632x128xf32, #tpu.memory_space<vmem_shared>>
      tpu.wait_dma2 semaphore(%run_scoped3A : memref<!tpu.dma_semaphore, #tpu.memory_space<semaphore_mem>>) src(%dma_wait3A_16 : memref<632x128xf32, #tpu.memory_space<vmem_shared>>) dst(%dma_wait3A_14 : memref<632x128xf32, #tpu.memory_space<hbm>>)
      tpu.yield
    }) : () -> ()
    return
  }
}

#map = affine_map<(d0, d1) -> (0, 0)>
#map1 = affine_map<(d0, d1) -> (0)>
module attributes {stable_mosaic.version = 14 : i64} {
  func.func @sc_scatter(%arg0: i32, %arg1: i32, %arg2: memref<20224x128xf32, #tpu.memory_space<hbm>>, %arg3: memref<320000xi32, #tpu.memory_space<hbm>>, %arg4: memref<160000xi32, #tpu.memory_space<hbm>>, %arg5: memref<632x128xf32, #tpu.memory_space<hbm>>, %arg6: memref<20224x128xf32, #tpu.memory_space<hbm>>, %arg7: memref<80xi32, #tpu.memory_space<vmem>>, %arg8: memref<80xi32, #tpu.memory_space<vmem>>, %arg9: memref<80x128xf32, #tpu.memory_space<vmem>>, %arg10: memref<10112x128xf32, #tpu.memory_space<vmem_shared>>, %arg11: memref<!tpu.dma_semaphore, #tpu.memory_space<semaphore_mem>>) attributes {dimension_semantics = [#tpu.dimension_semantics<core_parallel>, #tpu.dimension_semantics<subcore_parallel>], iteration_bounds = array<i64: 2, 16>, scalar_prefetch = 0 : i64, scratch_operands = 5 : i64, tpu.core_type = #tpu.core_type<sc_vector_subcore>, window_params = [{transform_indices = #map}, {transform_indices = #map1}, {transform_indices = #map1}, {transform_indices = #map}, {transform_indices = #map}]} {
    %mul3A = arith.constant 632 : i32
    %mul3A_0 = arith.muli %arg1, %mul3A : i32
    "tpu.region"() ({
      %run_scoped3A = tpu.sem_alloc : memref<!tpu.dma_semaphore, #tpu.memory_space<semaphore_mem>>
      %dma_start3A = arith.constant 0 : i32
      %dma_start3A_11 = tpu.memref_slice %arg10[%mul3A_0, %dma_start3A] : memref<10112x128xf32, #tpu.memory_space<vmem_shared>> -> memref<632x128xf32, #tpu.memory_space<vmem_shared>>
      tpu.enqueue_dma source(%arg5 : memref<632x128xf32, #tpu.memory_space<hbm>>) target(%dma_start3A_11 : memref<632x128xf32, #tpu.memory_space<vmem_shared>>) target_semaphore(%run_scoped3A : memref<!tpu.dma_semaphore, #tpu.memory_space<semaphore_mem>>)
      %dma_wait3A = arith.constant 0 : i32
      %dma_wait3A_12 = tpu.memref_slice %arg10[%mul3A_0, %dma_wait3A] : memref<10112x128xf32, #tpu.memory_space<vmem_shared>> -> memref<632x128xf32, #tpu.memory_space<vmem_shared>>
      tpu.wait_dma2 semaphore(%run_scoped3A : memref<!tpu.dma_semaphore, #tpu.memory_space<semaphore_mem>>) src(%arg5 : memref<632x128xf32, #tpu.memory_space<hbm>>) dst(%dma_wait3A_12 : memref<632x128xf32, #tpu.memory_space<vmem_shared>>)
      tpu.yield
    }) : () -> ()
    %barrier3A = arith.constant 0 : index
    tpu.barrier barrier_id(%barrier3A)
    %mul3A_1 = arith.constant 10000 : i32
    %mul3A_2 = arith.muli %arg1, %mul3A_1 : i32
    %scan3A = arith.constant 0 : i32
    %scan3A_3 = arith.constant 0 : i32
    %scan3A_4 = arith.constant 125 : i32
    %scan3A_5 = arith.addi %scan3A_3, %scan3A_4 : i32
    %scan3A_6 = arith.constant 1 : i32
    scf.for %scan3A_11 = %scan3A_3 to %scan3A_5 step %scan3A_6  : i32 {
      %mul3A_12 = arith.constant 80 : i32
      %mul3A_13 = arith.muli %scan3A_11, %mul3A_12 : i32
      %add3A_14 = arith.addi %mul3A_2, %mul3A_13 : i32
      %mul3A_15 = arith.constant 160000 : i32
      %mul3A_16 = arith.muli %arg0, %mul3A_15 : i32
      %add3A_17 = arith.addi %mul3A_16, %add3A_14 : i32
      "tpu.region"() ({
        %run_scoped3A = tpu.sem_alloc : memref<!tpu.dma_semaphore, #tpu.memory_space<semaphore_mem>>
        %dma_start3A_22 = tpu.memref_slice %arg3[%add3A_17] : memref<320000xi32, #tpu.memory_space<hbm>> -> memref<80xi32, #tpu.memory_space<hbm>>
        %dma_start3A_23 = tpu.memref_slice %arg3[%add3A_17] : memref<320000xi32, #tpu.memory_space<hbm>> -> memref<80xi32, #tpu.memory_space<hbm>>
        tpu.enqueue_dma source(%dma_start3A_23 : memref<80xi32, #tpu.memory_space<hbm>>) target(%arg7 : memref<80xi32, #tpu.memory_space<vmem>>) target_semaphore(%run_scoped3A : memref<!tpu.dma_semaphore, #tpu.memory_space<semaphore_mem>>)
        %dma_wait3A_24 = tpu.memref_slice %arg3[%add3A_17] : memref<320000xi32, #tpu.memory_space<hbm>> -> memref<80xi32, #tpu.memory_space<hbm>>
        %dma_wait3A_25 = tpu.memref_slice %arg3[%add3A_17] : memref<320000xi32, #tpu.memory_space<hbm>> -> memref<80xi32, #tpu.memory_space<hbm>>
        tpu.wait_dma2 semaphore(%run_scoped3A : memref<!tpu.dma_semaphore, #tpu.memory_space<semaphore_mem>>) src(%dma_wait3A_25 : memref<80xi32, #tpu.memory_space<hbm>>) dst(%arg7 : memref<80xi32, #tpu.memory_space<vmem>>)
        tpu.yield
      }) : () -> ()
      "tpu.region"() ({
        %run_scoped3A = tpu.sem_alloc : memref<!tpu.dma_semaphore, #tpu.memory_space<semaphore_mem>>
        %dma_start3A_22 = tpu.memref_slice %arg4[%add3A_14] : memref<160000xi32, #tpu.memory_space<hbm>> -> memref<80xi32, #tpu.memory_space<hbm>>
        %dma_start3A_23 = tpu.memref_slice %arg4[%add3A_14] : memref<160000xi32, #tpu.memory_space<hbm>> -> memref<80xi32, #tpu.memory_space<hbm>>
        tpu.enqueue_dma source(%dma_start3A_23 : memref<80xi32, #tpu.memory_space<hbm>>) target(%arg8 : memref<80xi32, #tpu.memory_space<vmem>>) target_semaphore(%run_scoped3A : memref<!tpu.dma_semaphore, #tpu.memory_space<semaphore_mem>>)
        %dma_wait3A_24 = tpu.memref_slice %arg4[%add3A_14] : memref<160000xi32, #tpu.memory_space<hbm>> -> memref<80xi32, #tpu.memory_space<hbm>>
        %dma_wait3A_25 = tpu.memref_slice %arg4[%add3A_14] : memref<160000xi32, #tpu.memory_space<hbm>> -> memref<80xi32, #tpu.memory_space<hbm>>
        tpu.wait_dma2 semaphore(%run_scoped3A : memref<!tpu.dma_semaphore, #tpu.memory_space<semaphore_mem>>) src(%dma_wait3A_25 : memref<80xi32, #tpu.memory_space<hbm>>) dst(%arg8 : memref<80xi32, #tpu.memory_space<vmem>>)
        tpu.yield
      }) : () -> ()
      %dma_start3A = arith.constant 0 : i32
      %dma_start3A_18 = arith.constant 0 : i32
      %dma_start3A_19 = tpu.memref_slice %arg2[%dma_start3A, %dma_start3A_18] : memref<20224x128xf32, #tpu.memory_space<hbm>> -> memref<20224x128xf32, #tpu.memory_space<hbm>>
      tpu.enqueue_indirect_dma source(%dma_start3A_19 : memref<20224x128xf32, #tpu.memory_space<hbm>>) target(%arg9 : memref<80x128xf32, #tpu.memory_space<vmem>>) offsets(%arg7 : memref<80xi32, #tpu.memory_space<vmem>>) semaphore(%arg11 : memref<!tpu.dma_semaphore, #tpu.memory_space<semaphore_mem>>)
      %dma_wait3A = arith.constant 0 : i32
      %dma_wait3A_20 = arith.constant 0 : i32
      %dma_wait3A_21 = tpu.memref_slice %arg2[%dma_wait3A, %dma_wait3A_20] : memref<20224x128xf32, #tpu.memory_space<hbm>> -> memref<20224x128xf32, #tpu.memory_space<hbm>>
      tpu.wait_indirect_dma semaphore(%arg11 : memref<!tpu.dma_semaphore, #tpu.memory_space<semaphore_mem>>) src(%dma_wait3A_21 : memref<20224x128xf32, #tpu.memory_space<hbm>>) dst(%arg9 : memref<80x128xf32, #tpu.memory_space<vmem>>)
      "tpu.region"() ({
        %run_scoped3A = tpu.sem_alloc : memref<!tpu.dma_semaphore, #tpu.memory_space<semaphore_mem>>
        %dma_start3A_22 = arith.constant 0 : i32
        %dma_start3A_23 = arith.constant 0 : i32
        %dma_start3A_24 = tpu.memref_slice %arg10[%dma_start3A_22, %dma_start3A_23] : memref<10112x128xf32, #tpu.memory_space<vmem_shared>> -> memref<10112x128xf32, #tpu.memory_space<vmem_shared>>
        tpu.enqueue_indirect_dma source(%arg9 : memref<80x128xf32, #tpu.memory_space<vmem>>) target(%dma_start3A_24 : memref<10112x128xf32, #tpu.memory_space<vmem_shared>>) offsets(%arg8 : memref<80xi32, #tpu.memory_space<vmem>>) semaphore(%run_scoped3A : memref<!tpu.dma_semaphore, #tpu.memory_space<semaphore_mem>>) {add = true}
        %dma_wait3A_25 = arith.constant 0 : i32
        %dma_wait3A_26 = arith.constant 0 : i32
        %dma_wait3A_27 = tpu.memref_slice %arg10[%dma_wait3A_25, %dma_wait3A_26] : memref<10112x128xf32, #tpu.memory_space<vmem_shared>> -> memref<10112x128xf32, #tpu.memory_space<vmem_shared>>
        tpu.wait_indirect_dma semaphore(%run_scoped3A : memref<!tpu.dma_semaphore, #tpu.memory_space<semaphore_mem>>) src(%arg9 : memref<80x128xf32, #tpu.memory_space<vmem>>) dst(%dma_wait3A_27 : memref<10112x128xf32, #tpu.memory_space<vmem_shared>>)
        tpu.yield
      }) : () -> ()
    }
    %scan3A_7 = arith.constant 125 : i32
    %barrier3A_8 = arith.constant 0 : index
    tpu.barrier barrier_id(%barrier3A_8)
    %mul3A_9 = arith.constant 10112 : i32
    %mul3A_10 = arith.muli %arg0, %mul3A_9 : i32
    %add3A = arith.addi %mul3A_10, %mul3A_0 : i32
    "tpu.region"() ({
      %run_scoped3A = tpu.sem_alloc : memref<!tpu.dma_semaphore, #tpu.memory_space<semaphore_mem>>
      %dma_start3A = arith.constant 0 : i32
      %dma_start3A_11 = tpu.memref_slice %arg6[%add3A, %dma_start3A] : memref<20224x128xf32, #tpu.memory_space<hbm>> -> memref<632x128xf32, #tpu.memory_space<hbm>>
      %dma_start3A_12 = arith.constant 0 : i32
      %dma_start3A_13 = tpu.memref_slice %arg10[%mul3A_0, %dma_start3A_12] : memref<10112x128xf32, #tpu.memory_space<vmem_shared>> -> memref<632x128xf32, #tpu.memory_space<vmem_shared>>
      tpu.enqueue_dma source(%dma_start3A_13 : memref<632x128xf32, #tpu.memory_space<vmem_shared>>) target(%dma_start3A_11 : memref<632x128xf32, #tpu.memory_space<hbm>>) target_semaphore(%run_scoped3A : memref<!tpu.dma_semaphore, #tpu.memory_space<semaphore_mem>>)
      %dma_wait3A = arith.constant 0 : i32
      %dma_wait3A_14 = tpu.memref_slice %arg6[%add3A, %dma_wait3A] : memref<20224x128xf32, #tpu.memory_space<hbm>> -> memref<632x128xf32, #tpu.memory_space<hbm>>
      %dma_wait3A_15 = arith.constant 0 : i32
      %dma_wait3A_16 = tpu.memref_slice %arg10[%mul3A_0, %dma_wait3A_15] : memref<10112x128xf32, #tpu.memory_space<vmem_shared>> -> memref<632x128xf32, #tpu.memory_space<vmem_shared>>
      tpu.wait_dma2 semaphore(%run_scoped3A : memref<!tpu.dma_semaphore, #tpu.memory_space<semaphore_mem>>) src(%dma_wait3A_16 : memref<632x128xf32, #tpu.memory_space<vmem_shared>>) dst(%dma_wait3A_14 : memref<632x128xf32, #tpu.memory_space<hbm>>)
      tpu.yield
    }) : () -> ()
    return
  }
}

#map = affine_map<(d0, d1) -> (0, 0)>
#map1 = affine_map<(d0, d1) -> (0)>
module attributes {stable_mosaic.version = 14 : i64} {
  func.func @sc_scatter(%arg0: i32, %arg1: i32, %arg2: memref<20224x128xf32, #tpu.memory_space<hbm>>, %arg3: memref<320000xi32, #tpu.memory_space<hbm>>, %arg4: memref<160000xi32, #tpu.memory_space<hbm>>, %arg5: memref<632x128xf32, #tpu.memory_space<hbm>>, %arg6: memref<20224x128xf32, #tpu.memory_space<hbm>>, %arg7: memref<80xi32, #tpu.memory_space<vmem>>, %arg8: memref<80xi32, #tpu.memory_space<vmem>>, %arg9: memref<80x128xf32, #tpu.memory_space<vmem>>, %arg10: memref<10112x128xf32, #tpu.memory_space<vmem_shared>>, %arg11: memref<!tpu.dma_semaphore, #tpu.memory_space<semaphore_mem>>) attributes {dimension_semantics = [#tpu.dimension_semantics<core_parallel>, #tpu.dimension_semantics<subcore_parallel>], iteration_bounds = array<i64: 2, 16>, scalar_prefetch = 0 : i64, scratch_operands = 5 : i64, tpu.core_type = #tpu.core_type<sc_vector_subcore>, window_params = [{transform_indices = #map}, {transform_indices = #map1}, {transform_indices = #map1}, {transform_indices = #map}, {transform_indices = #map}]} {
    %mul3A = arith.constant 632 : i32
    %mul3A_0 = arith.muli %arg1, %mul3A : i32
    "tpu.region"() ({
      %run_scoped3A = tpu.sem_alloc : memref<!tpu.dma_semaphore, #tpu.memory_space<semaphore_mem>>
      %dma_start3A = arith.constant 0 : i32
      %dma_start3A_11 = tpu.memref_slice %arg10[%mul3A_0, %dma_start3A] : memref<10112x128xf32, #tpu.memory_space<vmem_shared>> -> memref<632x128xf32, #tpu.memory_space<vmem_shared>>
      tpu.enqueue_dma source(%arg5 : memref<632x128xf32, #tpu.memory_space<hbm>>) target(%dma_start3A_11 : memref<632x128xf32, #tpu.memory_space<vmem_shared>>) target_semaphore(%run_scoped3A : memref<!tpu.dma_semaphore, #tpu.memory_space<semaphore_mem>>)
      %dma_wait3A = arith.constant 0 : i32
      %dma_wait3A_12 = tpu.memref_slice %arg10[%mul3A_0, %dma_wait3A] : memref<10112x128xf32, #tpu.memory_space<vmem_shared>> -> memref<632x128xf32, #tpu.memory_space<vmem_shared>>
      tpu.wait_dma2 semaphore(%run_scoped3A : memref<!tpu.dma_semaphore, #tpu.memory_space<semaphore_mem>>) src(%arg5 : memref<632x128xf32, #tpu.memory_space<hbm>>) dst(%dma_wait3A_12 : memref<632x128xf32, #tpu.memory_space<vmem_shared>>)
      tpu.yield
    }) : () -> ()
    %barrier3A = arith.constant 0 : index
    tpu.barrier barrier_id(%barrier3A)
    %mul3A_1 = arith.constant 10000 : i32
    %mul3A_2 = arith.muli %arg1, %mul3A_1 : i32
    %scan3A = arith.constant 0 : i32
    %scan3A_3 = arith.constant 0 : i32
    %scan3A_4 = arith.constant 125 : i32
    %scan3A_5 = arith.addi %scan3A_3, %scan3A_4 : i32
    %scan3A_6 = arith.constant 1 : i32
    scf.for %scan3A_11 = %scan3A_3 to %scan3A_5 step %scan3A_6  : i32 {
      %mul3A_12 = arith.constant 80 : i32
      %mul3A_13 = arith.muli %scan3A_11, %mul3A_12 : i32
      %add3A_14 = arith.addi %mul3A_2, %mul3A_13 : i32
      %mul3A_15 = arith.constant 160000 : i32
      %mul3A_16 = arith.muli %arg0, %mul3A_15 : i32
      %add3A_17 = arith.addi %mul3A_16, %add3A_14 : i32
      "tpu.region"() ({
        %run_scoped3A = tpu.sem_alloc : memref<!tpu.dma_semaphore, #tpu.memory_space<semaphore_mem>>
        %dma_start3A_22 = tpu.memref_slice %arg3[%add3A_17] : memref<320000xi32, #tpu.memory_space<hbm>> -> memref<80xi32, #tpu.memory_space<hbm>>
        %dma_start3A_23 = tpu.memref_slice %arg3[%add3A_17] : memref<320000xi32, #tpu.memory_space<hbm>> -> memref<80xi32, #tpu.memory_space<hbm>>
        tpu.enqueue_dma source(%dma_start3A_23 : memref<80xi32, #tpu.memory_space<hbm>>) target(%arg7 : memref<80xi32, #tpu.memory_space<vmem>>) target_semaphore(%run_scoped3A : memref<!tpu.dma_semaphore, #tpu.memory_space<semaphore_mem>>)
        %dma_wait3A_24 = tpu.memref_slice %arg3[%add3A_17] : memref<320000xi32, #tpu.memory_space<hbm>> -> memref<80xi32, #tpu.memory_space<hbm>>
        %dma_wait3A_25 = tpu.memref_slice %arg3[%add3A_17] : memref<320000xi32, #tpu.memory_space<hbm>> -> memref<80xi32, #tpu.memory_space<hbm>>
        tpu.wait_dma2 semaphore(%run_scoped3A : memref<!tpu.dma_semaphore, #tpu.memory_space<semaphore_mem>>) src(%dma_wait3A_25 : memref<80xi32, #tpu.memory_space<hbm>>) dst(%arg7 : memref<80xi32, #tpu.memory_space<vmem>>)
        tpu.yield
      }) : () -> ()
      "tpu.region"() ({
        %run_scoped3A = tpu.sem_alloc : memref<!tpu.dma_semaphore, #tpu.memory_space<semaphore_mem>>
        %dma_start3A_22 = tpu.memref_slice %arg4[%add3A_14] : memref<160000xi32, #tpu.memory_space<hbm>> -> memref<80xi32, #tpu.memory_space<hbm>>
        %dma_start3A_23 = tpu.memref_slice %arg4[%add3A_14] : memref<160000xi32, #tpu.memory_space<hbm>> -> memref<80xi32, #tpu.memory_space<hbm>>
        tpu.enqueue_dma source(%dma_start3A_23 : memref<80xi32, #tpu.memory_space<hbm>>) target(%arg8 : memref<80xi32, #tpu.memory_space<vmem>>) target_semaphore(%run_scoped3A : memref<!tpu.dma_semaphore, #tpu.memory_space<semaphore_mem>>)
        %dma_wait3A_24 = tpu.memref_slice %arg4[%add3A_14] : memref<160000xi32, #tpu.memory_space<hbm>> -> memref<80xi32, #tpu.memory_space<hbm>>
        %dma_wait3A_25 = tpu.memref_slice %arg4[%add3A_14] : memref<160000xi32, #tpu.memory_space<hbm>> -> memref<80xi32, #tpu.memory_space<hbm>>
        tpu.wait_dma2 semaphore(%run_scoped3A : memref<!tpu.dma_semaphore, #tpu.memory_space<semaphore_mem>>) src(%dma_wait3A_25 : memref<80xi32, #tpu.memory_space<hbm>>) dst(%arg8 : memref<80xi32, #tpu.memory_space<vmem>>)
        tpu.yield
      }) : () -> ()
      %dma_start3A = arith.constant 0 : i32
      %dma_start3A_18 = arith.constant 0 : i32
      %dma_start3A_19 = tpu.memref_slice %arg2[%dma_start3A, %dma_start3A_18] : memref<20224x128xf32, #tpu.memory_space<hbm>> -> memref<20224x128xf32, #tpu.memory_space<hbm>>
      tpu.enqueue_indirect_dma source(%dma_start3A_19 : memref<20224x128xf32, #tpu.memory_space<hbm>>) target(%arg9 : memref<80x128xf32, #tpu.memory_space<vmem>>) offsets(%arg7 : memref<80xi32, #tpu.memory_space<vmem>>) semaphore(%arg11 : memref<!tpu.dma_semaphore, #tpu.memory_space<semaphore_mem>>)
      %dma_wait3A = arith.constant 0 : i32
      %dma_wait3A_20 = arith.constant 0 : i32
      %dma_wait3A_21 = tpu.memref_slice %arg2[%dma_wait3A, %dma_wait3A_20] : memref<20224x128xf32, #tpu.memory_space<hbm>> -> memref<20224x128xf32, #tpu.memory_space<hbm>>
      tpu.wait_indirect_dma semaphore(%arg11 : memref<!tpu.dma_semaphore, #tpu.memory_space<semaphore_mem>>) src(%dma_wait3A_21 : memref<20224x128xf32, #tpu.memory_space<hbm>>) dst(%arg9 : memref<80x128xf32, #tpu.memory_space<vmem>>)
      "tpu.region"() ({
        %run_scoped3A = tpu.sem_alloc : memref<!tpu.dma_semaphore, #tpu.memory_space<semaphore_mem>>
        %dma_start3A_22 = arith.constant 0 : i32
        %dma_start3A_23 = arith.constant 0 : i32
        %dma_start3A_24 = tpu.memref_slice %arg10[%dma_start3A_22, %dma_start3A_23] : memref<10112x128xf32, #tpu.memory_space<vmem_shared>> -> memref<10112x128xf32, #tpu.memory_space<vmem_shared>>
        tpu.enqueue_indirect_dma source(%arg9 : memref<80x128xf32, #tpu.memory_space<vmem>>) target(%dma_start3A_24 : memref<10112x128xf32, #tpu.memory_space<vmem_shared>>) offsets(%arg8 : memref<80xi32, #tpu.memory_space<vmem>>) semaphore(%run_scoped3A : memref<!tpu.dma_semaphore, #tpu.memory_space<semaphore_mem>>) {add = true}
        %dma_wait3A_25 = arith.constant 0 : i32
        %dma_wait3A_26 = arith.constant 0 : i32
        %dma_wait3A_27 = tpu.memref_slice %arg10[%dma_wait3A_25, %dma_wait3A_26] : memref<10112x128xf32, #tpu.memory_space<vmem_shared>> -> memref<10112x128xf32, #tpu.memory_space<vmem_shared>>
        tpu.wait_indirect_dma semaphore(%run_scoped3A : memref<!tpu.dma_semaphore, #tpu.memory_space<semaphore_mem>>) src(%arg9 : memref<80x128xf32, #tpu.memory_space<vmem>>) dst(%dma_wait3A_27 : memref<10112x128xf32, #tpu.memory_space<vmem_shared>>)
        tpu.yield
      }) : () -> ()
    }
    %scan3A_7 = arith.constant 125 : i32
    %barrier3A_8 = arith.constant 0 : index
    tpu.barrier barrier_id(%barrier3A_8)
    %mul3A_9 = arith.constant 10112 : i32
    %mul3A_10 = arith.muli %arg0, %mul3A_9 : i32
    %add3A = arith.addi %mul3A_10, %mul3A_0 : i32
    "tpu.region"() ({
      %run_scoped3A = tpu.sem_alloc : memref<!tpu.dma_semaphore, #tpu.memory_space<semaphore_mem>>
      %dma_start3A = arith.constant 0 : i32
      %dma_start3A_11 = tpu.memref_slice %arg6[%add3A, %dma_start3A] : memref<20224x128xf32, #tpu.memory_space<hbm>> -> memref<632x128xf32, #tpu.memory_space<hbm>>
      %dma_start3A_12 = arith.constant 0 : i32
      %dma_start3A_13 = tpu.memref_slice %arg10[%mul3A_0, %dma_start3A_12] : memref<10112x128xf32, #tpu.memory_space<vmem_shared>> -> memref<632x128xf32, #tpu.memory_space<vmem_shared>>
      tpu.enqueue_dma source(%dma_start3A_13 : memref<632x128xf32, #tpu.memory_space<vmem_shared>>) target(%dma_start3A_11 : memref<632x128xf32, #tpu.memory_space<hbm>>) target_semaphore(%run_scoped3A : memref<!tpu.dma_semaphore, #tpu.memory_space<semaphore_mem>>)
      %dma_wait3A = arith.constant 0 : i32
      %dma_wait3A_14 = tpu.memref_slice %arg6[%add3A, %dma_wait3A] : memref<20224x128xf32, #tpu.memory_space<hbm>> -> memref<632x128xf32, #tpu.memory_space<hbm>>
      %dma_wait3A_15 = arith.constant 0 : i32
      %dma_wait3A_16 = tpu.memref_slice %arg10[%mul3A_0, %dma_wait3A_15] : memref<10112x128xf32, #tpu.memory_space<vmem_shared>> -> memref<632x128xf32, #tpu.memory_space<vmem_shared>>
      tpu.wait_dma2 semaphore(%run_scoped3A : memref<!tpu.dma_semaphore, #tpu.memory_space<semaphore_mem>>) src(%dma_wait3A_16 : memref<632x128xf32, #tpu.memory_space<vmem_shared>>) dst(%dma_wait3A_14 : memref<632x128xf32, #tpu.memory_space<hbm>>)
      tpu.yield
    }) : () -> ()
    return
  }
}

#map = affine_map<(d0, d1) -> (0, 0)>
#map1 = affine_map<(d0, d1) -> (0)>
module attributes {stable_mosaic.version = 14 : i64} {
  func.func @sc_scatter(%arg0: i32, %arg1: i32, %arg2: memref<20224x128xf32, #tpu.memory_space<hbm>>, %arg3: memref<320000xi32, #tpu.memory_space<hbm>>, %arg4: memref<160000xi32, #tpu.memory_space<hbm>>, %arg5: memref<632x128xf32, #tpu.memory_space<hbm>>, %arg6: memref<20224x128xf32, #tpu.memory_space<hbm>>, %arg7: memref<80xi32, #tpu.memory_space<vmem>>, %arg8: memref<80xi32, #tpu.memory_space<vmem>>, %arg9: memref<80x128xf32, #tpu.memory_space<vmem>>, %arg10: memref<10112x128xf32, #tpu.memory_space<vmem_shared>>, %arg11: memref<!tpu.dma_semaphore, #tpu.memory_space<semaphore_mem>>) attributes {dimension_semantics = [#tpu.dimension_semantics<core_parallel>, #tpu.dimension_semantics<subcore_parallel>], iteration_bounds = array<i64: 2, 16>, scalar_prefetch = 0 : i64, scratch_operands = 5 : i64, tpu.core_type = #tpu.core_type<sc_vector_subcore>, window_params = [{transform_indices = #map}, {transform_indices = #map1}, {transform_indices = #map1}, {transform_indices = #map}, {transform_indices = #map}]} {
    %mul3A = arith.constant 632 : i32
    %mul3A_0 = arith.muli %arg1, %mul3A : i32
    "tpu.region"() ({
      %run_scoped3A = tpu.sem_alloc : memref<!tpu.dma_semaphore, #tpu.memory_space<semaphore_mem>>
      %dma_start3A = arith.constant 0 : i32
      %dma_start3A_11 = tpu.memref_slice %arg10[%mul3A_0, %dma_start3A] : memref<10112x128xf32, #tpu.memory_space<vmem_shared>> -> memref<632x128xf32, #tpu.memory_space<vmem_shared>>
      tpu.enqueue_dma source(%arg5 : memref<632x128xf32, #tpu.memory_space<hbm>>) target(%dma_start3A_11 : memref<632x128xf32, #tpu.memory_space<vmem_shared>>) target_semaphore(%run_scoped3A : memref<!tpu.dma_semaphore, #tpu.memory_space<semaphore_mem>>)
      %dma_wait3A = arith.constant 0 : i32
      %dma_wait3A_12 = tpu.memref_slice %arg10[%mul3A_0, %dma_wait3A] : memref<10112x128xf32, #tpu.memory_space<vmem_shared>> -> memref<632x128xf32, #tpu.memory_space<vmem_shared>>
      tpu.wait_dma2 semaphore(%run_scoped3A : memref<!tpu.dma_semaphore, #tpu.memory_space<semaphore_mem>>) src(%arg5 : memref<632x128xf32, #tpu.memory_space<hbm>>) dst(%dma_wait3A_12 : memref<632x128xf32, #tpu.memory_space<vmem_shared>>)
      tpu.yield
    }) : () -> ()
    %barrier3A = arith.constant 0 : index
    tpu.barrier barrier_id(%barrier3A)
    %mul3A_1 = arith.constant 10000 : i32
    %mul3A_2 = arith.muli %arg1, %mul3A_1 : i32
    %scan3A = arith.constant 0 : i32
    %scan3A_3 = arith.constant 0 : i32
    %scan3A_4 = arith.constant 125 : i32
    %scan3A_5 = arith.addi %scan3A_3, %scan3A_4 : i32
    %scan3A_6 = arith.constant 1 : i32
    scf.for %scan3A_11 = %scan3A_3 to %scan3A_5 step %scan3A_6  : i32 {
      %mul3A_12 = arith.constant 80 : i32
      %mul3A_13 = arith.muli %scan3A_11, %mul3A_12 : i32
      %add3A_14 = arith.addi %mul3A_2, %mul3A_13 : i32
      %mul3A_15 = arith.constant 160000 : i32
      %mul3A_16 = arith.muli %arg0, %mul3A_15 : i32
      %add3A_17 = arith.addi %mul3A_16, %add3A_14 : i32
      "tpu.region"() ({
        %run_scoped3A = tpu.sem_alloc : memref<!tpu.dma_semaphore, #tpu.memory_space<semaphore_mem>>
        %dma_start3A_22 = tpu.memref_slice %arg3[%add3A_17] : memref<320000xi32, #tpu.memory_space<hbm>> -> memref<80xi32, #tpu.memory_space<hbm>>
        %dma_start3A_23 = tpu.memref_slice %arg3[%add3A_17] : memref<320000xi32, #tpu.memory_space<hbm>> -> memref<80xi32, #tpu.memory_space<hbm>>
        tpu.enqueue_dma source(%dma_start3A_23 : memref<80xi32, #tpu.memory_space<hbm>>) target(%arg7 : memref<80xi32, #tpu.memory_space<vmem>>) target_semaphore(%run_scoped3A : memref<!tpu.dma_semaphore, #tpu.memory_space<semaphore_mem>>)
        %dma_wait3A_24 = tpu.memref_slice %arg3[%add3A_17] : memref<320000xi32, #tpu.memory_space<hbm>> -> memref<80xi32, #tpu.memory_space<hbm>>
        %dma_wait3A_25 = tpu.memref_slice %arg3[%add3A_17] : memref<320000xi32, #tpu.memory_space<hbm>> -> memref<80xi32, #tpu.memory_space<hbm>>
        tpu.wait_dma2 semaphore(%run_scoped3A : memref<!tpu.dma_semaphore, #tpu.memory_space<semaphore_mem>>) src(%dma_wait3A_25 : memref<80xi32, #tpu.memory_space<hbm>>) dst(%arg7 : memref<80xi32, #tpu.memory_space<vmem>>)
        tpu.yield
      }) : () -> ()
      "tpu.region"() ({
        %run_scoped3A = tpu.sem_alloc : memref<!tpu.dma_semaphore, #tpu.memory_space<semaphore_mem>>
        %dma_start3A_22 = tpu.memref_slice %arg4[%add3A_14] : memref<160000xi32, #tpu.memory_space<hbm>> -> memref<80xi32, #tpu.memory_space<hbm>>
        %dma_start3A_23 = tpu.memref_slice %arg4[%add3A_14] : memref<160000xi32, #tpu.memory_space<hbm>> -> memref<80xi32, #tpu.memory_space<hbm>>
        tpu.enqueue_dma source(%dma_start3A_23 : memref<80xi32, #tpu.memory_space<hbm>>) target(%arg8 : memref<80xi32, #tpu.memory_space<vmem>>) target_semaphore(%run_scoped3A : memref<!tpu.dma_semaphore, #tpu.memory_space<semaphore_mem>>)
        %dma_wait3A_24 = tpu.memref_slice %arg4[%add3A_14] : memref<160000xi32, #tpu.memory_space<hbm>> -> memref<80xi32, #tpu.memory_space<hbm>>
        %dma_wait3A_25 = tpu.memref_slice %arg4[%add3A_14] : memref<160000xi32, #tpu.memory_space<hbm>> -> memref<80xi32, #tpu.memory_space<hbm>>
        tpu.wait_dma2 semaphore(%run_scoped3A : memref<!tpu.dma_semaphore, #tpu.memory_space<semaphore_mem>>) src(%dma_wait3A_25 : memref<80xi32, #tpu.memory_space<hbm>>) dst(%arg8 : memref<80xi32, #tpu.memory_space<vmem>>)
        tpu.yield
      }) : () -> ()
      %dma_start3A = arith.constant 0 : i32
      %dma_start3A_18 = arith.constant 0 : i32
      %dma_start3A_19 = tpu.memref_slice %arg2[%dma_start3A, %dma_start3A_18] : memref<20224x128xf32, #tpu.memory_space<hbm>> -> memref<20224x128xf32, #tpu.memory_space<hbm>>
      tpu.enqueue_indirect_dma source(%dma_start3A_19 : memref<20224x128xf32, #tpu.memory_space<hbm>>) target(%arg9 : memref<80x128xf32, #tpu.memory_space<vmem>>) offsets(%arg7 : memref<80xi32, #tpu.memory_space<vmem>>) semaphore(%arg11 : memref<!tpu.dma_semaphore, #tpu.memory_space<semaphore_mem>>)
      %dma_wait3A = arith.constant 0 : i32
      %dma_wait3A_20 = arith.constant 0 : i32
      %dma_wait3A_21 = tpu.memref_slice %arg2[%dma_wait3A, %dma_wait3A_20] : memref<20224x128xf32, #tpu.memory_space<hbm>> -> memref<20224x128xf32, #tpu.memory_space<hbm>>
      tpu.wait_indirect_dma semaphore(%arg11 : memref<!tpu.dma_semaphore, #tpu.memory_space<semaphore_mem>>) src(%dma_wait3A_21 : memref<20224x128xf32, #tpu.memory_space<hbm>>) dst(%arg9 : memref<80x128xf32, #tpu.memory_space<vmem>>)
      "tpu.region"() ({
        %run_scoped3A = tpu.sem_alloc : memref<!tpu.dma_semaphore, #tpu.memory_space<semaphore_mem>>
        %dma_start3A_22 = arith.constant 0 : i32
        %dma_start3A_23 = arith.constant 0 : i32
        %dma_start3A_24 = tpu.memref_slice %arg10[%dma_start3A_22, %dma_start3A_23] : memref<10112x128xf32, #tpu.memory_space<vmem_shared>> -> memref<10112x128xf32, #tpu.memory_space<vmem_shared>>
        tpu.enqueue_indirect_dma source(%arg9 : memref<80x128xf32, #tpu.memory_space<vmem>>) target(%dma_start3A_24 : memref<10112x128xf32, #tpu.memory_space<vmem_shared>>) offsets(%arg8 : memref<80xi32, #tpu.memory_space<vmem>>) semaphore(%run_scoped3A : memref<!tpu.dma_semaphore, #tpu.memory_space<semaphore_mem>>) {add = true}
        %dma_wait3A_25 = arith.constant 0 : i32
        %dma_wait3A_26 = arith.constant 0 : i32
        %dma_wait3A_27 = tpu.memref_slice %arg10[%dma_wait3A_25, %dma_wait3A_26] : memref<10112x128xf32, #tpu.memory_space<vmem_shared>> -> memref<10112x128xf32, #tpu.memory_space<vmem_shared>>
        tpu.wait_indirect_dma semaphore(%run_scoped3A : memref<!tpu.dma_semaphore, #tpu.memory_space<semaphore_mem>>) src(%arg9 : memref<80x128xf32, #tpu.memory_space<vmem>>) dst(%dma_wait3A_27 : memref<10112x128xf32, #tpu.memory_space<vmem_shared>>)
        tpu.yield
      }) : () -> ()
    }
    %scan3A_7 = arith.constant 125 : i32
    %barrier3A_8 = arith.constant 0 : index
    tpu.barrier barrier_id(%barrier3A_8)
    %mul3A_9 = arith.constant 10112 : i32
    %mul3A_10 = arith.muli %arg0, %mul3A_9 : i32
    %add3A = arith.addi %mul3A_10, %mul3A_0 : i32
    "tpu.region"() ({
      %run_scoped3A = tpu.sem_alloc : memref<!tpu.dma_semaphore, #tpu.memory_space<semaphore_mem>>
      %dma_start3A = arith.constant 0 : i32
      %dma_start3A_11 = tpu.memref_slice %arg6[%add3A, %dma_start3A] : memref<20224x128xf32, #tpu.memory_space<hbm>> -> memref<632x128xf32, #tpu.memory_space<hbm>>
      %dma_start3A_12 = arith.constant 0 : i32
      %dma_start3A_13 = tpu.memref_slice %arg10[%mul3A_0, %dma_start3A_12] : memref<10112x128xf32, #tpu.memory_space<vmem_shared>> -> memref<632x128xf32, #tpu.memory_space<vmem_shared>>
      tpu.enqueue_dma source(%dma_start3A_13 : memref<632x128xf32, #tpu.memory_space<vmem_shared>>) target(%dma_start3A_11 : memref<632x128xf32, #tpu.memory_space<hbm>>) target_semaphore(%run_scoped3A : memref<!tpu.dma_semaphore, #tpu.memory_space<semaphore_mem>>)
      %dma_wait3A = arith.constant 0 : i32
      %dma_wait3A_14 = tpu.memref_slice %arg6[%add3A, %dma_wait3A] : memref<20224x128xf32, #tpu.memory_space<hbm>> -> memref<632x128xf32, #tpu.memory_space<hbm>>
      %dma_wait3A_15 = arith.constant 0 : i32
      %dma_wait3A_16 = tpu.memref_slice %arg10[%mul3A_0, %dma_wait3A_15] : memref<10112x128xf32, #tpu.memory_space<vmem_shared>> -> memref<632x128xf32, #tpu.memory_space<vmem_shared>>
      tpu.wait_dma2 semaphore(%run_scoped3A : memref<!tpu.dma_semaphore, #tpu.memory_space<semaphore_mem>>) src(%dma_wait3A_16 : memref<632x128xf32, #tpu.memory_space<vmem_shared>>) dst(%dma_wait3A_14 : memref<632x128xf32, #tpu.memory_space<hbm>>)
      tpu.yield
    }) : () -> ()
    return
  }
}

module attributes {stable_mosaic.version = 14 : i64} {
  func.func @_t0_body(%arg0: i32, %arg1: memref<1000x256xf32, #tpu.memory_space<vmem>>, %arg2: memref<1000x128xf32, #tpu.memory_space<vmem>>, %arg3: memref<1000x256xf32, #tpu.memory_space<vmem>>, %arg4: memref<1000x128xf32, #tpu.memory_space<vmem>>) attributes {dimension_semantics = [#tpu.dimension_semantics<arbitrary>], iteration_bounds = array<i64: 10>, scalar_prefetch = 0 : i64, scratch_operands = 0 : i64, tpu.core_type = #tpu.core_type<tc>, window_params = [{transform_indices = @transform_0, window_bounds = array<i64: 1000, 256>}, {transform_indices = @transform_1, window_bounds = array<i64: 1000, 128>}, {transform_indices = @transform_2, window_bounds = array<i64: 1000, 256>}, {transform_indices = @transform_3, window_bounds = array<i64: 1000, 128>}]} {
    %get3A = arith.constant 0 : index
    %get3A_0 = arith.constant 0 : index
    %get3A_1 = vector.load %arg2[%get3A, %get3A_0] : memref<1000x128xf32, #tpu.memory_space<vmem>>, vector<1000x128xf32>
    %max3A = arith.constant 1.000000e+00 : f32
    %max3A_2 = vector.broadcast %max3A : f32 to vector<1000x128xf32>
    %max3A_3 = arith.maximumf %get3A_1, %max3A_2 : vector<1000x128xf32>
    %rsqrt3A = math.rsqrt %max3A_3 : vector<1000x128xf32>
    %swap3A = arith.constant 0 : index
    %swap3A_4 = arith.constant 0 : index
    %swap3A_5 = vector.load %arg4[%swap3A, %swap3A_4] : memref<1000x128xf32, #tpu.memory_space<vmem>>, vector<1000x128xf32>
    tpu.vector_store %arg4[%swap3A, %swap3A_4], %rsqrt3A {strides = array<i32>} : memref<1000x128xf32, #tpu.memory_space<vmem>>, vector<1000x128xf32>,
    %get3A_6 = arith.constant 0 : index
    %get3A_7 = arith.constant 0 : index
    %get3A_8 = vector.load %arg1[%get3A_6, %get3A_7] : memref<1000x256xf32, #tpu.memory_space<vmem>>, vector<1000x256xf32>
    %slice3A = vector.extract_strided_slice %rsqrt3A {offsets = [0, 0], sizes = [1000, 1], strides = [1, 1]} : vector<1000x128xf32> to vector<1000x1xf32>
    %mul3A = vector.broadcast %slice3A : vector<1000x1xf32> to vector<1000x256xf32>
    %mul3A_9 = arith.mulf %get3A_8, %mul3A : vector<1000x256xf32>
    %swap3A_10 = arith.constant 0 : index
    %swap3A_11 = arith.constant 0 : index
    %swap3A_12 = vector.load %arg3[%swap3A_10, %swap3A_11] : memref<1000x256xf32, #tpu.memory_space<vmem>>, vector<1000x256xf32>
    tpu.vector_store %arg3[%swap3A_10, %swap3A_11], %mul3A_9 {strides = array<i32>} : memref<1000x256xf32, #tpu.memory_space<vmem>>, vector<1000x256xf32>,
    return
  }
  func.func @transform_0(%arg0: i32) -> (i32, i32) {
    %c0_i32 = arith.constant 0 : i32
    %c0_i32_0 = arith.constant 0 : i32
    return %arg0, %c0_i32 : i32, i32
  }
  func.func @transform_1(%arg0: i32) -> (i32, i32) {
    %c0_i32 = arith.constant 0 : i32
    %c0_i32_0 = arith.constant 0 : i32
    return %arg0, %c0_i32 : i32, i32
  }
  func.func @transform_2(%arg0: i32) -> (i32, i32) {
    %c0_i32 = arith.constant 0 : i32
    %c0_i32_0 = arith.constant 0 : i32
    return %arg0, %c0_i32 : i32, i32
  }
  func.func @transform_3(%arg0: i32) -> (i32, i32) {
    %c0_i32 = arith.constant 0 : i32
    %c0_i32_0 = arith.constant 0 : i32
    return %arg0, %c0_i32 : i32, i32
  }
}

module attributes {stable_mosaic.version = 14 : i64} {
  func.func @_tscale_body(%arg0: i32, %arg1: memref<632x128xf32, #tpu.memory_space<vmem>>, %arg2: memref<632x128xf32, #tpu.memory_space<vmem>>, %arg3: memref<632x128xf32, #tpu.memory_space<vmem>>, %arg4: memref<632x128xf32, #tpu.memory_space<vmem>>) attributes {dimension_semantics = [#tpu.dimension_semantics<arbitrary>], iteration_bounds = array<i64: 32>, scalar_prefetch = 0 : i64, scratch_operands = 0 : i64, tpu.core_type = #tpu.core_type<tc>, window_params = [{transform_indices = @transform_0, window_bounds = array<i64: 632, 128>}, {transform_indices = @transform_1, window_bounds = array<i64: 632, 128>}, {transform_indices = @transform_2, window_bounds = array<i64: 632, 128>}, {transform_indices = @transform_3, window_bounds = array<i64: 632, 128>}]} {
    %get3A = arith.constant 0 : index
    %get3A_0 = arith.constant 0 : index
    %get3A_1 = vector.load %arg2[%get3A, %get3A_0] : memref<632x128xf32, #tpu.memory_space<vmem>>, vector<632x1xf32>
    %get3A_2 = arith.constant 0 : index
    %get3A_3 = arith.constant 0 : index
    %get3A_4 = vector.load %arg1[%get3A_2, %get3A_3] : memref<632x128xf32, #tpu.memory_space<vmem>>, vector<632x128xf32>
    %mul3A = vector.broadcast %get3A_1 : vector<632x1xf32> to vector<632x128xf32>
    %mul3A_5 = arith.mulf %get3A_4, %mul3A : vector<632x128xf32>
    %swap3A = arith.constant 0 : index
    %swap3A_6 = arith.constant 0 : index
    %swap3A_7 = vector.load %arg3[%swap3A, %swap3A_6] : memref<632x128xf32, #tpu.memory_space<vmem>>, vector<632x128xf32>
    tpu.vector_store %arg3[%swap3A, %swap3A_6], %mul3A_5 {strides = array<i32>} : memref<632x128xf32, #tpu.memory_space<vmem>>, vector<632x128xf32>,
    %mul3A_8 = vector.broadcast %get3A_1 : vector<632x1xf32> to vector<632x128xf32>
    %mul3A_9 = arith.mulf %mul3A_5, %mul3A_8 : vector<632x128xf32>
    %swap3A_10 = arith.constant 0 : index
    %swap3A_11 = arith.constant 0 : index
    %swap3A_12 = vector.load %arg4[%swap3A_10, %swap3A_11] : memref<632x128xf32, #tpu.memory_space<vmem>>, vector<632x128xf32>
    tpu.vector_store %arg4[%swap3A_10, %swap3A_11], %mul3A_9 {strides = array<i32>} : memref<632x128xf32, #tpu.memory_space<vmem>>, vector<632x128xf32>,
    return
  }
  func.func @transform_0(%arg0: i32) -> (i32, i32) {
    %c0_i32 = arith.constant 0 : i32
    %c0_i32_0 = arith.constant 0 : i32
    return %arg0, %c0_i32 : i32, i32
  }
  func.func @transform_1(%arg0: i32) -> (i32, i32) {
    %c0_i32 = arith.constant 0 : i32
    %c0_i32_0 = arith.constant 0 : i32
    return %arg0, %c0_i32 : i32, i32
  }
  func.func @transform_2(%arg0: i32) -> (i32, i32) {
    %c0_i32 = arith.constant 0 : i32
    %c0_i32_0 = arith.constant 0 : i32
    return %arg0, %c0_i32 : i32, i32
  }
  func.func @transform_3(%arg0: i32) -> (i32, i32) {
    %c0_i32 = arith.constant 0 : i32
    %c0_i32_0 = arith.constant 0 : i32
    return %arg0, %c0_i32 : i32, i32
  }
}

module attributes {stable_mosaic.version = 14 : i64} {
  func.func @_tscale_body(%arg0: i32, %arg1: memref<632x128xf32, #tpu.memory_space<vmem>>, %arg2: memref<632x128xf32, #tpu.memory_space<vmem>>, %arg3: memref<632x128xf32, #tpu.memory_space<vmem>>, %arg4: memref<632x128xf32, #tpu.memory_space<vmem>>) attributes {dimension_semantics = [#tpu.dimension_semantics<arbitrary>], iteration_bounds = array<i64: 32>, scalar_prefetch = 0 : i64, scratch_operands = 0 : i64, tpu.core_type = #tpu.core_type<tc>, window_params = [{transform_indices = @transform_0, window_bounds = array<i64: 632, 128>}, {transform_indices = @transform_1, window_bounds = array<i64: 632, 128>}, {transform_indices = @transform_2, window_bounds = array<i64: 632, 128>}, {transform_indices = @transform_3, window_bounds = array<i64: 632, 128>}]} {
    %get3A = arith.constant 0 : index
    %get3A_0 = arith.constant 0 : index
    %get3A_1 = vector.load %arg2[%get3A, %get3A_0] : memref<632x128xf32, #tpu.memory_space<vmem>>, vector<632x1xf32>
    %get3A_2 = arith.constant 0 : index
    %get3A_3 = arith.constant 0 : index
    %get3A_4 = vector.load %arg1[%get3A_2, %get3A_3] : memref<632x128xf32, #tpu.memory_space<vmem>>, vector<632x128xf32>
    %mul3A = vector.broadcast %get3A_1 : vector<632x1xf32> to vector<632x128xf32>
    %mul3A_5 = arith.mulf %get3A_4, %mul3A : vector<632x128xf32>
    %swap3A = arith.constant 0 : index
    %swap3A_6 = arith.constant 0 : index
    %swap3A_7 = vector.load %arg3[%swap3A, %swap3A_6] : memref<632x128xf32, #tpu.memory_space<vmem>>, vector<632x128xf32>
    tpu.vector_store %arg3[%swap3A, %swap3A_6], %mul3A_5 {strides = array<i32>} : memref<632x128xf32, #tpu.memory_space<vmem>>, vector<632x128xf32>,
    %mul3A_8 = vector.broadcast %get3A_1 : vector<632x1xf32> to vector<632x128xf32>
    %mul3A_9 = arith.mulf %mul3A_5, %mul3A_8 : vector<632x128xf32>
    %swap3A_10 = arith.constant 0 : index
    %swap3A_11 = arith.constant 0 : index
    %swap3A_12 = vector.load %arg4[%swap3A_10, %swap3A_11] : memref<632x128xf32, #tpu.memory_space<vmem>>, vector<632x128xf32>
    tpu.vector_store %arg4[%swap3A_10, %swap3A_11], %mul3A_9 {strides = array<i32>} : memref<632x128xf32, #tpu.memory_space<vmem>>, vector<632x128xf32>,
    return
  }
  func.func @transform_0(%arg0: i32) -> (i32, i32) {
    %c0_i32 = arith.constant 0 : i32
    %c0_i32_0 = arith.constant 0 : i32
    return %arg0, %c0_i32 : i32, i32
  }
  func.func @transform_1(%arg0: i32) -> (i32, i32) {
    %c0_i32 = arith.constant 0 : i32
    %c0_i32_0 = arith.constant 0 : i32
    return %arg0, %c0_i32 : i32, i32
  }
  func.func @transform_2(%arg0: i32) -> (i32, i32) {
    %c0_i32 = arith.constant 0 : i32
    %c0_i32_0 = arith.constant 0 : i32
    return %arg0, %c0_i32 : i32, i32
  }
  func.func @transform_3(%arg0: i32) -> (i32, i32) {
    %c0_i32 = arith.constant 0 : i32
    %c0_i32_0 = arith.constant 0 : i32
    return %arg0, %c0_i32 : i32, i32
  }
}

module attributes {stable_mosaic.version = 14 : i64} {
  func.func @_tmm_body(%arg0: i32, %arg1: i32, %arg2: memref<1x1000x128xf32, #tpu.memory_space<vmem>>, %arg3: memref<1x128x256xf32, #tpu.memory_space<vmem>>, %arg4: memref<1x256xf32, #tpu.memory_space<vmem>>, %arg5: memref<1000x256xf32, #tpu.memory_space<vmem>>, %arg6: memref<1x1x256xf32, #tpu.memory_space<vmem>>, %arg7: memref<1x1x256xf32, #tpu.memory_space<vmem>>, %arg8: memref<1000x256xf32, #tpu.memory_space<vmem>>) attributes {dimension_semantics = [#tpu.dimension_semantics<arbitrary>, #tpu.dimension_semantics<arbitrary>], iteration_bounds = array<i64: 10, 12>, scalar_prefetch = 0 : i64, scratch_operands = 1 : i64, tpu.core_type = #tpu.core_type<tc>, window_params = [{transform_indices = @transform_0, window_bounds = array<i64: 1, 1000, 128>}, {transform_indices = @transform_1, window_bounds = array<i64: 1, 128, 256>}, {pipeline_mode = #tpu.pipeline_mode<synchronous>, transform_indices = @transform_2, window_bounds = array<i64: 1, 256>}, {transform_indices = @transform_3, window_bounds = array<i64: 1000, 256>}, {transform_indices = @transform_4, window_bounds = array<i64: 1, 1, 256>}, {transform_indices = @transform_5, window_bounds = array<i64: 1, 1, 256>}]} {
    %eq3A = arith.constant 0 : i32
    %eq3A_0 = arith.cmpi eq, %arg1, %eq3A : i32
    %convert_element_type3A = arith.extui %eq3A_0 : i1 to i32
    %cond3A = arith.constant 0 : i32
    %cond3A_1 = arith.cmpi ne, %convert_element_type3A, %cond3A : i32
    scf.if %cond3A_1 {
      %broadcast_in_dim3A = arith.constant 0.000000e+00 : f32
      %broadcast_in_dim3A_22 = vector.broadcast %broadcast_in_dim3A : f32 to vector<1000x256xf32>
      %swap3A_23 = arith.constant 0 : index
      %swap3A_24 = arith.constant 0 : index
      %swap3A_25 = vector.load %arg8[%swap3A_23, %swap3A_24] : memref<1000x256xf32, #tpu.memory_space<vmem>>, vector<1000x256xf32>
      tpu.vector_store %arg8[%swap3A_23, %swap3A_24], %broadcast_in_dim3A_22 {strides = array<i32>} : memref<1000x256xf32, #tpu.memory_space<vmem>>, vector<1000x256xf32>,
    } else {
    }
    %get3A = arith.constant 0 : index
    %get3A_2 = arith.constant 0 : index
    %get3A_3 = vector.load %arg8[%get3A, %get3A_2] : memref<1000x256xf32, #tpu.memory_space<vmem>>, vector<1000x256xf32>
    %get3A_4 = arith.constant 0 : index
    %get3A_5 = arith.constant 0 : index
    %get3A_6 = arith.constant 0 : index
    %get3A_7 = vector.load %arg2[%get3A_4, %get3A_5, %get3A_6] : memref<1x1000x128xf32, #tpu.memory_space<vmem>>, vector<1x1000x128xf32>
    %get3A_8 = vector.shape_cast %get3A_7 : vector<1x1000x128xf32> to vector<1000x128xf32>
    %get3A_9 = arith.constant 0 : index
    %get3A_10 = arith.constant 0 : index
    %get3A_11 = arith.constant 0 : index
    %get3A_12 = vector.load %arg3[%get3A_9, %get3A_10, %get3A_11] : memref<1x128x256xf32, #tpu.memory_space<vmem>>, vector<1x128x256xf32>
    %get3A_13 = vector.shape_cast %get3A_12 : vector<1x128x256xf32> to vector<128x256xf32>
    %dot_general3A = arith.constant dense<0.000000e+00> : vector<1000x256xf32>
    %dot_general3A_14 = tpu.matmul %get3A_8, %get3A_13, %dot_general3A {dimension_numbers = #tpu.dot_dimension_numbers<[1], [0], [0], [1], [0, 0, 1, 1], [], []>, transpose_lhs_hint = false} : vector<1000x128xf32>, vector<128x256xf32>, vector<1000x256xf32> -> vector<1000x256xf32>
    %add3A = arith.addf %get3A_3, %dot_general3A_14 : vector<1000x256xf32>
    %swap3A = arith.constant 0 : index
    %swap3A_15 = arith.constant 0 : index
    %swap3A_16 = vector.load %arg8[%swap3A, %swap3A_15] : memref<1000x256xf32, #tpu.memory_space<vmem>>, vector<1000x256xf32>
    tpu.vector_store %arg8[%swap3A, %swap3A_15], %add3A {strides = array<i32>} : memref<1000x256xf32, #tpu.memory_space<vmem>>, vector<1000x256xf32>,
    %eq3A_17 = arith.constant 11 : i32
    %eq3A_18 = arith.cmpi eq, %arg1, %eq3A_17 : i32
    %convert_element_type3A_19 = arith.extui %eq3A_18 : i1 to i32
    %cond3A_20 = arith.constant 0 : i32
    %cond3A_21 = arith.cmpi ne, %convert_element_type3A_19, %cond3A_20 : i32
    scf.if %cond3A_21 {
      %get3A_22 = arith.constant 0 : index
      %get3A_23 = arith.constant 0 : index
      %get3A_24 = vector.load %arg8[%get3A_22, %get3A_23] : memref<1000x256xf32, #tpu.memory_space<vmem>>, vector<1000x256xf32>
      %get3A_25 = arith.constant 0 : index
      %get3A_26 = arith.constant 0 : index
      %get3A_27 = vector.load %arg4[%get3A_25, %get3A_26] : memref<1x256xf32, #tpu.memory_space<vmem>>, vector<1x256xf32>
      %add3A_28 = vector.broadcast %get3A_27 : vector<1x256xf32> to vector<1000x256xf32>
      %add3A_29 = arith.addf %get3A_24, %add3A_28 : vector<1000x256xf32>
      %swap3A_30 = arith.constant 0 : index
      %swap3A_31 = arith.constant 0 : index
      %swap3A_32 = vector.load %arg5[%swap3A_30, %swap3A_31] : memref<1000x256xf32, #tpu.memory_space<vmem>>, vector<1000x256xf32>
      tpu.vector_store %arg5[%swap3A_30, %swap3A_31], %add3A_29 {strides = array<i32>} : memref<1000x256xf32, #tpu.memory_space<vmem>>, vector<1000x256xf32>,
      %reduce_sum3A = arith.constant dense<0.000000e+00> : vector<256xf32>
      %reduce_sum3A_33 = vector.multi_reduction <add>, %add3A_29, %reduce_sum3A [0] : vector<1000x256xf32> to vector<256xf32>
      %broadcast_in_dim3A = vector.shape_cast %reduce_sum3A_33 : vector<256xf32> to vector<1x256xf32>
      %broadcast_in_dim3A_34 = vector.shape_cast %broadcast_in_dim3A : vector<1x256xf32> to vector<1x1x256xf32>
      %swap3A_35 = arith.constant 0 : index
      %swap3A_36 = arith.constant 0 : index
      %swap3A_37 = arith.constant 0 : index
      %swap3A_38 = vector.load %arg6[%swap3A_35, %swap3A_36, %swap3A_37] : memref<1x1x256xf32, #tpu.memory_space<vmem>>, vector<1x1x256xf32>
      tpu.vector_store %arg6[%swap3A_35, %swap3A_36, %swap3A_37], %broadcast_in_dim3A_34 {strides = array<i32>} : memref<1x1x256xf32, #tpu.memory_space<vmem>>, vector<1x1x256xf32>,
      %mul3A = arith.mulf %add3A_29, %add3A_29 : vector<1000x256xf32>
      %reduce_sum3A_39 = arith.constant dense<0.000000e+00> : vector<256xf32>
      %reduce_sum3A_40 = vector.multi_reduction <add>, %mul3A, %reduce_sum3A_39 [0] : vector<1000x256xf32> to vector<256xf32>
      %broadcast_in_dim3A_41 = vector.shape_cast %reduce_sum3A_40 : vector<256xf32> to vector<1x256xf32>
      %broadcast_in_dim3A_42 = vector.shape_cast %broadcast_in_dim3A_41 : vector<1x256xf32> to vector<1x1x256xf32>
      %swap3A_43 = arith.constant 0 : index
      %swap3A_44 = arith.constant 0 : index
      %swap3A_45 = arith.constant 0 : index
      %swap3A_46 = vector.load %arg7[%swap3A_43, %swap3A_44, %swap3A_45] : memref<1x1x256xf32, #tpu.memory_space<vmem>>, vector<1x1x256xf32>
      tpu.vector_store %arg7[%swap3A_43, %swap3A_44, %swap3A_45], %broadcast_in_dim3A_42 {strides = array<i32>} : memref<1x1x256xf32, #tpu.memory_space<vmem>>, vector<1x1x256xf32>,
    } else {
    }
    return
  }
  func.func @transform_0(%arg0: i32, %arg1: i32) -> (i32, i32, i32) {
    %c0_i32 = arith.constant 0 : i32
    %c0_i32_0 = arith.constant 0 : i32
    return %arg1, %arg0, %c0_i32 : i32, i32, i32
  }
  func.func @transform_1(%arg0: i32, %arg1: i32) -> (i32, i32, i32) {
    %c0_i32 = arith.constant 0 : i32
    %c0_i32_0 = arith.constant 0 : i32
    %c0_i32_1 = arith.constant 0 : i32
    return %arg1, %c0_i32, %c0_i32_0 : i32, i32, i32
  }
  func.func @transform_2(%arg0: i32, %arg1: i32) -> (i32, i32) {
    %c0_i32 = arith.constant 0 : i32
    %c0_i32_0 = arith.constant 0 : i32
    %c0_i32_1 = arith.constant 0 : i32
    return %c0_i32, %c0_i32_0 : i32, i32
  }
  func.func @transform_3(%arg0: i32, %arg1: i32) -> (i32, i32) {
    %c0_i32 = arith.constant 0 : i32
    %c0_i32_0 = arith.constant 0 : i32
    return %arg0, %c0_i32 : i32, i32
  }
  func.func @transform_4(%arg0: i32, %arg1: i32) -> (i32, i32, i32) {
    %c0_i32 = arith.constant 0 : i32
    %c0_i32_0 = arith.constant 0 : i32
    %c0_i32_1 = arith.constant 0 : i32
    return %arg0, %c0_i32, %c0_i32_0 : i32, i32, i32
  }
  func.func @transform_5(%arg0: i32, %arg1: i32) -> (i32, i32, i32) {
    %c0_i32 = arith.constant 0 : i32
    %c0_i32_0 = arith.constant 0 : i32
    %c0_i32_1 = arith.constant 0 : i32
    return %arg0, %c0_i32, %c0_i32_0 : i32, i32, i32
  }
}

module attributes {stable_mosaic.version = 14 : i64} {
  func.func @_tbn_body(%arg0: i32, %arg1: memref<1000x256xf32, #tpu.memory_space<vmem>>, %arg2: memref<10x1x256xf32, #tpu.memory_space<vmem>>, %arg3: memref<10x1x256xf32, #tpu.memory_space<vmem>>, %arg4: memref<1x256xf32, #tpu.memory_space<vmem>>, %arg5: memref<1x256xf32, #tpu.memory_space<vmem>>, %arg6: memref<1000x128xf32, #tpu.memory_space<vmem>>, %arg7: memref<1000x256xf32, #tpu.memory_space<vmem>>, %arg8: memref<1000x256xf32, #tpu.memory_space<vmem>>) attributes {dimension_semantics = [#tpu.dimension_semantics<arbitrary>], iteration_bounds = array<i64: 10>, scalar_prefetch = 0 : i64, scratch_operands = 0 : i64, tpu.core_type = #tpu.core_type<tc>, window_params = [{transform_indices = @transform_0, window_bounds = array<i64: 1000, 256>}, {pipeline_mode = #tpu.pipeline_mode<synchronous>, transform_indices = @transform_1, window_bounds = array<i64: 10, 1, 256>}, {pipeline_mode = #tpu.pipeline_mode<synchronous>, transform_indices = @transform_2, window_bounds = array<i64: 10, 1, 256>}, {pipeline_mode = #tpu.pipeline_mode<synchronous>, transform_indices = @transform_3, window_bounds = array<i64: 1, 256>}, {pipeline_mode = #tpu.pipeline_mode<synchronous>, transform_indices = @transform_4, window_bounds = array<i64: 1, 256>}, {transform_indices = @transform_5, window_bounds = array<i64: 1000, 128>}, {transform_indices = @transform_6, window_bounds = array<i64: 1000, 256>}, {transform_indices = @transform_7, window_bounds = array<i64: 1000, 256>}]} {
    %get3A = arith.constant 0 : index
    %get3A_0 = arith.constant 0 : index
    %get3A_1 = arith.constant 0 : index
    %get3A_2 = vector.load %arg2[%get3A, %get3A_0, %get3A_1] : memref<10x1x256xf32, #tpu.memory_space<vmem>>, vector<10x1x256xf32>
    %reduce_sum3A = arith.constant dense<0.000000e+00> : vector<1x256xf32>
    %reduce_sum3A_3 = vector.multi_reduction <add>, %get3A_2, %reduce_sum3A [0] : vector<10x1x256xf32> to vector<1x256xf32>
    %div3A = arith.constant 1.000000e+04 : f32
    %div3A_4 = vector.broadcast %div3A : f32 to vector<1x256xf32>
    %div3A_5 = arith.divf %reduce_sum3A_3, %div3A_4 : vector<1x256xf32>
    %get3A_6 = arith.constant 0 : index
    %get3A_7 = arith.constant 0 : index
    %get3A_8 = arith.constant 0 : index
    %get3A_9 = vector.load %arg3[%get3A_6, %get3A_7, %get3A_8] : memref<10x1x256xf32, #tpu.memory_space<vmem>>, vector<10x1x256xf32>
    %reduce_sum3A_10 = arith.constant dense<0.000000e+00> : vector<1x256xf32>
    %reduce_sum3A_11 = vector.multi_reduction <add>, %get3A_9, %reduce_sum3A_10 [0] : vector<10x1x256xf32> to vector<1x256xf32>
    %div3A_12 = arith.constant 1.000000e+04 : f32
    %div3A_13 = vector.broadcast %div3A_12 : f32 to vector<1x256xf32>
    %div3A_14 = arith.divf %reduce_sum3A_11, %div3A_13 : vector<1x256xf32>
    %mul3A = arith.mulf %div3A_5, %div3A_5 : vector<1x256xf32>
    %sub3A = arith.subf %div3A_14, %mul3A : vector<1x256xf32>
    %get3A_15 = arith.constant 0 : index
    %get3A_16 = arith.constant 0 : index
    %get3A_17 = vector.load %arg4[%get3A_15, %get3A_16] : memref<1x256xf32, #tpu.memory_space<vmem>>, vector<1x256xf32>
    %add3A = arith.constant 9.99999974E-6 : f32
    %add3A_18 = vector.broadcast %add3A : f32 to vector<1x256xf32>
    %add3A_19 = arith.addf %sub3A, %add3A_18 : vector<1x256xf32>
    %rsqrt3A = math.rsqrt %add3A_19 : vector<1x256xf32>
    %mul3A_20 = arith.mulf %get3A_17, %rsqrt3A : vector<1x256xf32>
    %get3A_21 = arith.constant 0 : index
    %get3A_22 = arith.constant 0 : index
    %get3A_23 = vector.load %arg5[%get3A_21, %get3A_22] : memref<1x256xf32, #tpu.memory_space<vmem>>, vector<1x256xf32>
    %mul3A_24 = arith.mulf %div3A_5, %mul3A_20 : vector<1x256xf32>
    %sub3A_25 = arith.subf %get3A_23, %mul3A_24 : vector<1x256xf32>
    %get3A_26 = arith.constant 0 : index
    %get3A_27 = arith.constant 0 : index
    %get3A_28 = vector.load %arg1[%get3A_26, %get3A_27] : memref<1000x256xf32, #tpu.memory_space<vmem>>, vector<1000x256xf32>
    %mul3A_29 = vector.broadcast %mul3A_20 : vector<1x256xf32> to vector<1000x256xf32>
    %mul3A_30 = arith.mulf %get3A_28, %mul3A_29 : vector<1000x256xf32>
    %add3A_31 = vector.broadcast %sub3A_25 : vector<1x256xf32> to vector<1000x256xf32>
    %add3A_32 = arith.addf %mul3A_30, %add3A_31 : vector<1000x256xf32>
    %max3A = arith.constant 0.000000e+00 : f32
    %max3A_33 = vector.broadcast %max3A : f32 to vector<1000x256xf32>
    %max3A_34 = arith.maximumf %add3A_32, %max3A_33 : vector<1000x256xf32>
    %swap3A = arith.constant 0 : index
    %swap3A_35 = arith.constant 0 : index
    %swap3A_36 = vector.load %arg7[%swap3A, %swap3A_35] : memref<1000x256xf32, #tpu.memory_space<vmem>>, vector<1000x256xf32>
    tpu.vector_store %arg7[%swap3A, %swap3A_35], %max3A_34 {strides = array<i32>} : memref<1000x256xf32, #tpu.memory_space<vmem>>, vector<1000x256xf32>,
    %get3A_37 = arith.constant 0 : index
    %get3A_38 = arith.constant 0 : index
    %get3A_39 = vector.load %arg6[%get3A_37, %get3A_38] : memref<1000x128xf32, #tpu.memory_space<vmem>>, vector<1000x1xf32>
    %mul3A_40 = vector.broadcast %get3A_39 : vector<1000x1xf32> to vector<1000x256xf32>
    %mul3A_41 = arith.mulf %max3A_34, %mul3A_40 : vector<1000x256xf32>
    %swap3A_42 = arith.constant 0 : index
    %swap3A_43 = arith.constant 0 : index
    %swap3A_44 = vector.load %arg8[%swap3A_42, %swap3A_43] : memref<1000x256xf32, #tpu.memory_space<vmem>>, vector<1000x256xf32>
    tpu.vector_store %arg8[%swap3A_42, %swap3A_43], %mul3A_41 {strides = array<i32>} : memref<1000x256xf32, #tpu.memory_space<vmem>>, vector<1000x256xf32>,
    return
  }
  func.func @transform_0(%arg0: i32) -> (i32, i32) {
    %c0_i32 = arith.constant 0 : i32
    %c0_i32_0 = arith.constant 0 : i32
    return %arg0, %c0_i32 : i32, i32
  }
  func.func @transform_1(%arg0: i32) -> (i32, i32, i32) {
    %c0_i32 = arith.constant 0 : i32
    %c0_i32_0 = arith.constant 0 : i32
    %c0_i32_1 = arith.constant 0 : i32
    %c0_i32_2 = arith.constant 0 : i32
    return %c0_i32, %c0_i32_0, %c0_i32_1 : i32, i32, i32
  }
  func.func @transform_2(%arg0: i32) -> (i32, i32, i32) {
    %c0_i32 = arith.constant 0 : i32
    %c0_i32_0 = arith.constant 0 : i32
    %c0_i32_1 = arith.constant 0 : i32
    %c0_i32_2 = arith.constant 0 : i32
    return %c0_i32, %c0_i32_0, %c0_i32_1 : i32, i32, i32
  }
  func.func @transform_3(%arg0: i32) -> (i32, i32) {
    %c0_i32 = arith.constant 0 : i32
    %c0_i32_0 = arith.constant 0 : i32
    %c0_i32_1 = arith.constant 0 : i32
    return %c0_i32, %c0_i32_0 : i32, i32
  }
  func.func @transform_4(%arg0: i32) -> (i32, i32) {
    %c0_i32 = arith.constant 0 : i32
    %c0_i32_0 = arith.constant 0 : i32
    %c0_i32_1 = arith.constant 0 : i32
    return %c0_i32, %c0_i32_0 : i32, i32
  }
  func.func @transform_5(%arg0: i32) -> (i32, i32) {
    %c0_i32 = arith.constant 0 : i32
    %c0_i32_0 = arith.constant 0 : i32
    return %arg0, %c0_i32 : i32, i32
  }
  func.func @transform_6(%arg0: i32) -> (i32, i32) {
    %c0_i32 = arith.constant 0 : i32
    %c0_i32_0 = arith.constant 0 : i32
    return %arg0, %c0_i32 : i32, i32
  }
  func.func @transform_7(%arg0: i32) -> (i32, i32) {
    %c0_i32 = arith.constant 0 : i32
    %c0_i32_0 = arith.constant 0 : i32
    return %arg0, %c0_i32 : i32, i32
  }
}

module attributes {stable_mosaic.version = 14 : i64} {
  func.func @_tfinal_body(%arg0: i32, %arg1: memref<1000x256xf32, #tpu.memory_space<vmem>>, %arg2: memref<10x1x256xf32, #tpu.memory_space<vmem>>, %arg3: memref<10x1x256xf32, #tpu.memory_space<vmem>>, %arg4: memref<1x256xf32, #tpu.memory_space<vmem>>, %arg5: memref<1x256xf32, #tpu.memory_space<vmem>>, %arg6: memref<256x256xf32, #tpu.memory_space<vmem>>, %arg7: memref<1x256xf32, #tpu.memory_space<vmem>>, %arg8: memref<1000x256xf32, #tpu.memory_space<vmem>>, %arg9: memref<1000x256xf32, #tpu.memory_space<vmem>>) attributes {dimension_semantics = [#tpu.dimension_semantics<arbitrary>], iteration_bounds = array<i64: 10>, scalar_prefetch = 0 : i64, scratch_operands = 0 : i64, tpu.core_type = #tpu.core_type<tc>, window_params = [{transform_indices = @transform_0, window_bounds = array<i64: 1000, 256>}, {pipeline_mode = #tpu.pipeline_mode<synchronous>, transform_indices = @transform_1, window_bounds = array<i64: 10, 1, 256>}, {pipeline_mode = #tpu.pipeline_mode<synchronous>, transform_indices = @transform_2, window_bounds = array<i64: 10, 1, 256>}, {pipeline_mode = #tpu.pipeline_mode<synchronous>, transform_indices = @transform_3, window_bounds = array<i64: 1, 256>}, {pipeline_mode = #tpu.pipeline_mode<synchronous>, transform_indices = @transform_4, window_bounds = array<i64: 1, 256>}, {pipeline_mode = #tpu.pipeline_mode<synchronous>, transform_indices = @transform_5, window_bounds = array<i64: 256, 256>}, {pipeline_mode = #tpu.pipeline_mode<synchronous>, transform_indices = @transform_6, window_bounds = array<i64: 1, 256>}, {transform_indices = @transform_7, window_bounds = array<i64: 1000, 256>}, {transform_indices = @transform_8, window_bounds = array<i64: 1000, 256>}]} {
    %get3A = arith.constant 0 : index
    %get3A_0 = arith.constant 0 : index
    %get3A_1 = arith.constant 0 : index
    %get3A_2 = vector.load %arg2[%get3A, %get3A_0, %get3A_1] : memref<10x1x256xf32, #tpu.memory_space<vmem>>, vector<10x1x256xf32>
    %reduce_sum3A = arith.constant dense<0.000000e+00> : vector<1x256xf32>
    %reduce_sum3A_3 = vector.multi_reduction <add>, %get3A_2, %reduce_sum3A [0] : vector<10x1x256xf32> to vector<1x256xf32>
    %div3A = arith.constant 1.000000e+04 : f32
    %div3A_4 = vector.broadcast %div3A : f32 to vector<1x256xf32>
    %div3A_5 = arith.divf %reduce_sum3A_3, %div3A_4 : vector<1x256xf32>
    %get3A_6 = arith.constant 0 : index
    %get3A_7 = arith.constant 0 : index
    %get3A_8 = arith.constant 0 : index
    %get3A_9 = vector.load %arg3[%get3A_6, %get3A_7, %get3A_8] : memref<10x1x256xf32, #tpu.memory_space<vmem>>, vector<10x1x256xf32>
    %reduce_sum3A_10 = arith.constant dense<0.000000e+00> : vector<1x256xf32>
    %reduce_sum3A_11 = vector.multi_reduction <add>, %get3A_9, %reduce_sum3A_10 [0] : vector<10x1x256xf32> to vector<1x256xf32>
    %div3A_12 = arith.constant 1.000000e+04 : f32
    %div3A_13 = vector.broadcast %div3A_12 : f32 to vector<1x256xf32>
    %div3A_14 = arith.divf %reduce_sum3A_11, %div3A_13 : vector<1x256xf32>
    %mul3A = arith.mulf %div3A_5, %div3A_5 : vector<1x256xf32>
    %sub3A = arith.subf %div3A_14, %mul3A : vector<1x256xf32>
    %get3A_15 = arith.constant 0 : index
    %get3A_16 = arith.constant 0 : index
    %get3A_17 = vector.load %arg4[%get3A_15, %get3A_16] : memref<1x256xf32, #tpu.memory_space<vmem>>, vector<1x256xf32>
    %add3A = arith.constant 9.99999974E-6 : f32
    %add3A_18 = vector.broadcast %add3A : f32 to vector<1x256xf32>
    %add3A_19 = arith.addf %sub3A, %add3A_18 : vector<1x256xf32>
    %rsqrt3A = math.rsqrt %add3A_19 : vector<1x256xf32>
    %mul3A_20 = arith.mulf %get3A_17, %rsqrt3A : vector<1x256xf32>
    %get3A_21 = arith.constant 0 : index
    %get3A_22 = arith.constant 0 : index
    %get3A_23 = vector.load %arg5[%get3A_21, %get3A_22] : memref<1x256xf32, #tpu.memory_space<vmem>>, vector<1x256xf32>
    %mul3A_24 = arith.mulf %div3A_5, %mul3A_20 : vector<1x256xf32>
    %sub3A_25 = arith.subf %get3A_23, %mul3A_24 : vector<1x256xf32>
    %get3A_26 = arith.constant 0 : index
    %get3A_27 = arith.constant 0 : index
    %get3A_28 = vector.load %arg1[%get3A_26, %get3A_27] : memref<1000x256xf32, #tpu.memory_space<vmem>>, vector<1000x256xf32>
    %mul3A_29 = vector.broadcast %mul3A_20 : vector<1x256xf32> to vector<1000x256xf32>
    %mul3A_30 = arith.mulf %get3A_28, %mul3A_29 : vector<1000x256xf32>
    %add3A_31 = vector.broadcast %sub3A_25 : vector<1x256xf32> to vector<1000x256xf32>
    %add3A_32 = arith.addf %mul3A_30, %add3A_31 : vector<1000x256xf32>
    %max3A = arith.constant 0.000000e+00 : f32
    %max3A_33 = vector.broadcast %max3A : f32 to vector<1000x256xf32>
    %max3A_34 = arith.maximumf %add3A_32, %max3A_33 : vector<1000x256xf32>
    %get3A_35 = arith.constant 0 : index
    %get3A_36 = arith.constant 0 : index
    %get3A_37 = vector.load %arg6[%get3A_35, %get3A_36] : memref<256x256xf32, #tpu.memory_space<vmem>>, vector<256x256xf32>
    %dot_general3A = arith.constant dense<0.000000e+00> : vector<1000x256xf32>
    %dot_general3A_38 = tpu.matmul %max3A_34, %get3A_37, %dot_general3A {dimension_numbers = #tpu.dot_dimension_numbers<[1], [0], [0], [1], [0, 0, 1, 1], [], []>, transpose_lhs_hint = false} : vector<1000x256xf32>, vector<256x256xf32>, vector<1000x256xf32> -> vector<1000x256xf32>
    %get3A_39 = arith.constant 0 : index
    %get3A_40 = arith.constant 0 : index
    %get3A_41 = vector.load %arg7[%get3A_39, %get3A_40] : memref<1x256xf32, #tpu.memory_space<vmem>>, vector<1x256xf32>
    %add3A_42 = vector.broadcast %get3A_41 : vector<1x256xf32> to vector<1000x256xf32>
    %add3A_43 = arith.addf %dot_general3A_38, %add3A_42 : vector<1000x256xf32>
    %get3A_44 = arith.constant 0 : index
    %get3A_45 = arith.constant 0 : index
    %get3A_46 = vector.load %arg8[%get3A_44, %get3A_45] : memref<1000x256xf32, #tpu.memory_space<vmem>>, vector<1000x256xf32>
    %add3A_47 = arith.addf %add3A_43, %get3A_46 : vector<1000x256xf32>
    %swap3A = arith.constant 0 : index
    %swap3A_48 = arith.constant 0 : index
    %swap3A_49 = vector.load %arg9[%swap3A, %swap3A_48] : memref<1000x256xf32, #tpu.memory_space<vmem>>, vector<1000x256xf32>
    tpu.vector_store %arg9[%swap3A, %swap3A_48], %add3A_47 {strides = array<i32>} : memref<1000x256xf32, #tpu.memory_space<vmem>>, vector<1000x256xf32>,
    return
  }
  func.func @transform_0(%arg0: i32) -> (i32, i32) {
    %c0_i32 = arith.constant 0 : i32
    %c0_i32_0 = arith.constant 0 : i32
    return %arg0, %c0_i32 : i32, i32
  }
  func.func @transform_1(%arg0: i32) -> (i32, i32, i32) {
    %c0_i32 = arith.constant 0 : i32
    %c0_i32_0 = arith.constant 0 : i32
    %c0_i32_1 = arith.constant 0 : i32
    %c0_i32_2 = arith.constant 0 : i32
    return %c0_i32, %c0_i32_0, %c0_i32_1 : i32, i32, i32
  }
  func.func @transform_2(%arg0: i32) -> (i32, i32, i32) {
    %c0_i32 = arith.constant 0 : i32
    %c0_i32_0 = arith.constant 0 : i32
    %c0_i32_1 = arith.constant 0 : i32
    %c0_i32_2 = arith.constant 0 : i32
    return %c0_i32, %c0_i32_0, %c0_i32_1 : i32, i32, i32
  }
  func.func @transform_3(%arg0: i32) -> (i32, i32) {
    %c0_i32 = arith.constant 0 : i32
    %c0_i32_0 = arith.constant 0 : i32
    %c0_i32_1 = arith.constant 0 : i32
    return %c0_i32, %c0_i32_0 : i32, i32
  }
  func.func @transform_4(%arg0: i32) -> (i32, i32) {
    %c0_i32 = arith.constant 0 : i32
    %c0_i32_0 = arith.constant 0 : i32
    %c0_i32_1 = arith.constant 0 : i32
    return %c0_i32, %c0_i32_0 : i32, i32
  }
  func.func @transform_5(%arg0: i32) -> (i32, i32) {
    %c0_i32 = arith.constant 0 : i32
    %c0_i32_0 = arith.constant 0 : i32
    %c0_i32_1 = arith.constant 0 : i32
    return %c0_i32, %c0_i32_0 : i32, i32
  }
  func.func @transform_6(%arg0: i32) -> (i32, i32) {
    %c0_i32 = arith.constant 0 : i32
    %c0_i32_0 = arith.constant 0 : i32
    %c0_i32_1 = arith.constant 0 : i32
    return %c0_i32, %c0_i32_0 : i32, i32
  }
  func.func @transform_7(%arg0: i32) -> (i32, i32) {
    %c0_i32 = arith.constant 0 : i32
    %c0_i32_0 = arith.constant 0 : i32
    return %arg0, %c0_i32 : i32, i32
  }
  func.func @transform_8(%arg0: i32) -> (i32, i32) {
    %c0_i32 = arith.constant 0 : i32
    %c0_i32_0 = arith.constant 0 : i32
    return %arg0, %c0_i32 : i32, i32
  }
}

</mosaic_0001>

<sc_bundles>
// kernel: kernel.28.cloned.1.call-start
scs
__scs_entry_jumppad:
0x0: {  	(pc) =	sbr.rel $0x88, $3  }
0x1: {  	(tag) =	ssettag $0x0;
	lr =	simm.s32 $0x1  }
0x2: {  	[smem:$0x3F95] =	sst lr;
	_ =	strace $0xD0000000  }
0x3: {  	_ = 	snop  }
0x4: {  	_ = 	snop  }
0x5: {  	_ = 	snop  }
0x6: {  	_ = 	snop  }
0x7: {  	_ = 	snop  }
__scs_overlays_trampoline_lowered:
0x8: {  	[smem:$0x3FA4] =	sst s0  }
0x9: {  	[smem:$0x3FA5] =	sst s1  }
0xa: {  	[smem:$0x3FA6] =	sst s2  }
0xb: {  	[smem:$0x3FA7] =	sst s3  }
0xc: {  	[smem:$0x3FA8] =	sst s4  }
0xd: {  	[smem:$0x3FA9] =	sst s5  }
0xe: {  	[smem:$0x3FAA] =	sst s6  }
0xf: {  	[smem:$0x3FAB] =	sst s7  }
0x10: {  	[smem:$0x3FAC] =	sst s8  }
0x11: {  	[smem:$0x3FAD] =	sst s9;
	s0 =	simm.s32 @!p0 $0x0  }
0x12: {  	s1 =	sld [smem:$0x3F93];
	s0 =	simm.s32 @p0 $0x1  }
0x13: {  	[smem:$0x3FAE] =	sst s0;
	s0 =	simm.s32 @!p1 $0x0  }
0x14: {  	s2 =	sld [smem:$0x3F92];
	s0 =	simm.s32 @p1 $0x1  }
0x15: {  	[smem:$0x3FAF] =	sst s0;
	s0 =	simm.s32 @!p2 $0x0  }
0x16: {  	s3 =	sld [smem:$0x3FDB];
	s0 =	simm.s32 @p2 $0x1  }
0x17: {  	s4 =	simm.s32 $0x1BF5;
	[smem:$0x3FB1] =	sst s0  }
0x18: {  	s0 =	sld [smem:$0x3F94];
	_ =	swait.ge [sflag:s4], $0x0  }
0x19: {  	s7 =	sld [smem:$0x3F95]  }
0x1a: {  	s8 =	sadd.s32 $0xFFFFE003, lr  }
0x1b: {  	s9 =	sadd.s32 $0xFFFFFEF7, lr;
	s5 =	simm.s32 $0xFFFFFFFF;
	p2 =	slt.u32 s8, $0xFFFFF086  }
0x1c: {  	p1 =	slt.u32 s9, $0xF7A;
	s5 =	simm.s32 @!p2 $0x0  }
0x1d: {  	s5 =	simm.s32 @p1 $0x1;
	p0 =	seq.s32 s7, s2  }
0x1e: {  	s7 =	smul.u32 @!p0 $0xF7A, s2;
	p2 =	seq.s32 @!p0 s5, $0x0  }
0x1f: {  	s9 =	smul.u32 $0xF7A, s1;
	s8 =	simm.s32 @!p0 $0x1BF5;
	p2 =	por !p2, p0  }
0x20: {  	[sflag:s8] =	ssyncset.s32 @!p0 $0xFFFFF086;
	s6 =	sadd.s32 @!p0 s3, s7;
	s7 =	simm.s32 @!p0 $0x108  }
0x21: {  	s3 =	sadd.s32 s3, s9;
	s6 =	sadd.s32 @!p0 $0x88, s6;
	s7 =	simm.s32 @p2 $0x1082  }
0x22: {  	[simem:s7], [sflag:s8] =	dma.local @!p0 [hbm:s6], $0xF7A  }
0x23: {  	s9 =	sor.u32 $0xD0000000, s2;
	s6 =	simm.s32 $0x108;
	_ =	swait.ge @!p0 [sflag:s8], $0x0  }
0x24: {  	s3 =	sadd.s32 $0x88, s3;
	s6 =	simm.s32 @!p1 $0x1082;
	[sflag:s4] =	ssyncset.s32 $0xFFFFF086  }
0x25: {  	[simem:s6], [sflag:s4] =	dma.local [hbm:s3], $0xF7A  }
0x26: {  	[smem:$0x3F95] =	sst s1;
	(tag) =	ssettag s2;
	_ =	strace s9  }
0x27: {  	s1 =	sld [smem:$0x3FA5]  }
0x28: {  	s2 =	sld [smem:$0x3FA6]  }
0x29: {  	s4 =	sld [smem:$0x3FA8]  }
0x2a: {  	p0 =	seq.s32 s5, $0x0;
	s5 =	sld [smem:$0x3FA9]  }
0x2b: {  	s6 =	sld [smem:$0x3FAA]  }
0x2c: {  	s7 =	sld [smem:$0x3FAB]  }
0x2d: {  	s3 =	simm.s32 $0x108;
	s8 =	sld [smem:$0x3FAC]  }
0x2e: {  	s3 =	simm.s32 @!p0 $0x1082;
	s9 =	sld [smem:$0x3FAD]  }
0x2f: {  	lr =	sadd.s32 s0, s3;
	s0 =	sld [smem:$0x3FA4]  }
0x30: {  	s3 =	sld [smem:$0x3FA7]  }
0x31: {  	[smem:$0x3FB0] =	sst s10  }
0x32: {  	s10 =	sld [smem:$0x3FAE];
	_ =	sdelay $0x3  }
0x33: {  	p0 =	seq.s32 s10, $0x1;
	s10 =	sld [smem:$0x3FB0];
	_ =	sdelay $0x3  }
0x34: {  	[smem:$0x3FB0] =	sst s10  }
0x35: {  	s10 =	sld [smem:$0x3FAF];
	_ =	sdelay $0x3  }
0x36: {  	p1 =	seq.s32 s10, $0x1;
	s10 =	sld [smem:$0x3FB0];
	_ =	sdelay $0x3  }
0x37: {  	[smem:$0x3FB0] =	sst s10  }
0x38: {  	s10 =	sld [smem:$0x3FB1]  }
0x39: {  	_ = 	snop;
	(pc) =	sbr.ind lr, $3  }
0x3a: {  	_ = 	snop  }
0x3b: {  	_ = 	snop  }
0x3c: {  	p2 =	seq.s32 s10, $0x1;
	s10 =	sld [smem:$0x3FB0]  }
0x3d: {  	_ =	shalt  }
0x3e: {  	_ =	shalt  }
0x3f: {  	_ =	shalt  }
0x40: {  	_ =	shalt  }
0x41: {  	_ =	shalt  }
0x42: {  	_ =	shalt  }
0x43: {  	_ =	shalt  }
0x44: {  	_ =	shalt  }
0x45: {  	_ =	shalt  }
0x46: {  	_ =	shalt  }
0x47: {  	_ =	shalt  }
0x48: {  	_ =	shalt  }
0x49: {  	_ =	shalt  }
0x4a: {  	_ =	shalt  }
0x4b: {  	_ =	shalt  }
0x4c: {  	_ =	shalt  }
0x4d: {  	_ =	shalt  }
0x4e: {  	_ =	shalt  }
0x4f: {  	_ =	shalt  }
0x50: {  	_ =	shalt  }
0x51: {  	_ =	shalt  }
0x52: {  	_ =	shalt  }
0x53: {  	_ =	shalt  }
0x54: {  	_ =	shalt  }
0x55: {  	_ =	shalt  }
0x56: {  	_ =	shalt  }
0x57: {  	_ =	shalt  }
0x58: {  	_ =	shalt  }
0x59: {  	_ =	shalt  }
0x5a: {  	_ =	shalt  }
0x5b: {  	_ =	shalt  }
0x5c: {  	_ =	shalt  }
0x5d: {  	_ =	shalt  }
0x5e: {  	_ =	shalt  }
0x5f: {  	_ =	shalt  }
0x60: {  	_ =	shalt  }
0x61: {  	_ =	shalt  }
0x62: {  	_ =	shalt  }
0x63: {  	_ =	shalt  }
0x64: {  	_ =	shalt  }
0x65: {  	_ =	shalt  }
0x66: {  	_ =	shalt  }
0x67: {  	_ =	shalt  }
0x68: {  	_ =	shalt  }
0x69: {  	_ =	shalt  }
0x6a: {  	_ =	shalt  }
0x6b: {  	_ =	shalt  }
0x6c: {  	_ =	shalt  }
0x6d: {  	_ =	shalt  }
0x6e: {  	_ =	shalt  }
0x6f: {  	_ =	shalt  }
0x70: {  	_ =	shalt  }
0x71: {  	_ =	shalt  }
0x72: {  	_ =	shalt  }
0x73: {  	_ =	shalt  }
0x74: {  	_ =	shalt  }
0x75: {  	_ =	shalt  }
0x76: {  	_ =	shalt  }
0x77: {  	_ =	shalt  }
0x78: {  	_ =	shalt  }
0x79: {  	_ =	shalt  }
0x7a: {  	_ =	shalt  }
0x7b: {  	_ =	shalt  }
0x7c: {  	_ =	shalt  }
0x7d: {  	_ =	shalt  }
0x7e: {  	_ =	shalt  }
0x7f: {  	_ =	shalt  }
0x80: {  	_ =	shalt  }
0x81: {  	_ =	shalt  }
0x82: {  	_ =	shalt  }
0x83: {  	_ =	shalt  }
0x84: {  	_ =	shalt  }
0x85: {  	_ =	shalt  }
0x86: {  	_ =	shalt  }
0x87: {  	_ =	shalt  }
.Lfunc_end0:
.L_simem_size_0:
called_computation_lowered:
.L_overlay_start_0:
0x88: {  	s2 =	sld [smem:$0x3FD9]  }
0x89: {  	s3 =	sld [smem:$0x3FFE];
	_ =	sdelay $0x1  }
0x8a: {  	s1 =	srdreg.scid  }
0x8b: {  	s0 =	sand.u32 $0x1, s1  }
0x8c: {  	s16 =	sshll.u32 s0, $0xA;
	s2 =	sadd.s32 s3, s2  }
0x8d: {  	s2 =	sadd.s32 s2, s16  }
0x8e: {  	[smem:$0x3FBC] =	sst s2  }
0x8f: {  	_ = 	snop  }
0x90: {  	(tm) =	ssettm $0x1  }
0x91: {  	s17 =	sld [smem:$0x3FFB];
	_ =	sdelay $0x3  }
0x92: {  	_ =	strace s17  }
0x93: {  	s2 =	sld [smem:$0x3FFC];
	_ =	sdelay $0x3  }
0x94: {  	_ =	strace s2  }
0x95: {  	s2 =	sld [smem:$0x3FFD];
	_ =	sdelay $0x3  }
0x96: {  	_ =	strace s2  }
0x97: {  	_ =	strace $0x8FFFFFFF  }
0x98: {  	s18 =	sld [smem:$0x3FDB];
	_ =	sdelay $0x1  }
0x99: {  	s19 =	simm.s32 $_scs_section_size  }
0x9a: {  	s4 =	simm.s32 $_size__tile_overlayer_lowered;
	s5 =	simm.s32 $_tile_overlayer_lowered  }
0x9b: {  	s22 =	simm.s32 $0x1BFF;
	s21 =	sshll.u32 s5, $0x1;
	s2 =	sadd.s32 s19, s18  }
0x9c: {  	s6 =	simm.s32 $0x0;
	s20 =	sshll.u32 s4, $0x1;
	s4 =	sadd.s32 s21, s2  }
0x9d: {  	[timem:s6], [sflag:s22] =	dma.local [hbm:s4], s20  }
0x9e: {  	_ =	swait.ge [sflag:s22], s20  }
0x9f: {  	s3 =	ssub.s32 $0x0, s20;
	[sflag:s22] =	ssyncset.done $0x0  }
0xa0: {  	[sflag:s22] =	ssyncadd.s32 s3;
	_ =	sdelay $0x1  }
0xa1: {  	s23 =	simm.s32 $0x1B8B  }
0xa2: {  	_ =	swait.ge [sflag:s23], $0x1  }
0xa3: {  	[sflag:s23] =	ssyncset.done $0x0  }
0xa4: {  	s25 =	simm.s32 $0x1B8E;
	s24 =	sld [smem:$0x3FFE];
	[sflag:s23] =	ssyncadd.s32 $0xFFFFFFFF  }
0xa5: {  	s26 =	simm.s32 $execute0_lowered;
	[smem:$0x3FD2] =	sst s25  }
0xa6: {  	s4 =	sshll.u32 s26, $0x1;
	_ =	strace $0x80000046;
	[dreg:$0x1] =	wrdreg $0xFFFFFFFF  }
0xa7: {  	s28 =	simm.s32 $_size_execute0_lowered;
	s2 =	sadd.s32 s2, s4;
	[dreg:$0x0] =	wrdreg $0x0  }
0xa8: {  	s4 =	sshll.u32 s28, $0x1;
	[dreg:$0x2] =	wrdreg s2  }
0xa9: {  	[dreg:$0x3] =	wrdreg s4  }
0xaa: {  	[dreg:$0x4] =	wrdreg $0xC0  }
0xab: {  	_ =	task [dreg:s6], $0x5FFFF  }
0xac: {  	[dreg:$0x1] =	wrdreg $0xFFFFFFFF  }
0xad: {  	[dreg:$0x0] =	wrdreg $0x60  }
0xae: {  	[dreg:$0x2] =	wrdreg s24  }
0xaf: {  	[dreg:$0x3] =	wrdreg $0x29000  }
0xb0: {  	[dreg:$0x4] =	wrdreg $0x9  }
0xb1: {  	_ =	task.clear_ibuf [dreg:s6], $0x5FFFF;
	_ =	strace $0x90000046  }
0xb2: {  	s29 =	simm.s32 $0x9;
	_ =	strace $0x80000048  }
0xb3: {  	_ =	swait.ge [sflag:s29], $0x1  }
0xb4: {  	[sflag:s29] =	ssyncadd.s32 $0xFFFFFFFF  }
0xb5: {  	_ =	strace $0x90000048  }
0xb6: {  	_ =	sfence  }
0xb7: {  	s30 =	sld [smem:$0x0];
	_ =	sdelay $0x2  }
0xb8: {  	s31 =	sshll.u32 s1, $0xD;
	s1 =	sshrl.u32 s1, $0x2  }
0xb9: {  	s3 =	sand.u32 $0x4000, s31;
	s1 =	sadd.s32 s1, s30  }
0xba: {  	s0 =	sor.u32 s3, s0;
	s1 =	sshll.u32 s1, $0x11  }
0xbb: {  	s0 =	sor.u32 s1, s0  }
0xbc: {  	s0 =	sadd.s32 $0x8F2B, s0  }
0xbd: {  	[sflag:s0] =	ssyncadd.remote.s32 $0x1  }
0xbe: {  	_ =	sfence.sel $0xFFFF  }
0xbf: {  	[dreg:$0x0] =	wrdreg $0xFFFFFFFF;
	(pc) =	sbr.abs _section_cstart, $3  }
0xc0: {  	[dreg:$0x1] =	wrdreg $0xFFFFFFFF  }
0xc1: {  	_ =	task.clear_ibuf [dreg:s6], $0x2FFFF;
	_ =	strace $0x9FFFFFFF  }
0xc2: {  	(tm) =	ssettm $0x7FFFFFFF  }
0xc3: {  	_ =	shalt  }
tec
execute0_lowered:
.L_overlay_start_1:
0x0: {  	(tag) =	ssettag $0x1  }
0x1: {  	s6 =	rddreg [dreg:$0x0]  }
0x2: {  	s1 =	srdreg.scid;
	s0 =	stileid.u32  }
0x3: {  	s2 =	rddreg [dreg:$0x1];
	s4 =	smul.u32 $0x2710, s0  }
0x4: {  	s3 =	simm.s32 $0x0;
	s14 =	simm.s32 $0x50;
	s8 =	smul.u32 $0x4E2, s0  }
0x5: {  	s15 =	simm.s32 $0x100;
	s16 =	simm.s32 $0x1;
	s9 =	smul.u32 $0x2780, s0  }
0x6: {  	s7 =	sand.u32 $0x1, s1;
	s1 =	rddreg [dreg:$0x2];
	s28 =	smul.u32 $0x4F000, s0  }
0x7: {  	s17 =	simm.s32 $0x0;
	[smem:$0x7FF] =	sst s3;
	s5 =	smul.u32 $0x27100, s7  }
0x8: {  	s31 =	sshll.u32 s0, $0x6;
	s10 =	smul.u32 $0x27800, s7;
	s7 =	ssub.s32 $0x2, s7  }
0x9: {  	_ =	strace $0x80000047;
	s12 =	sadd.s32 s8, s6;
	s29 =	sshrl.u32 s7, $0x1  }
0xa: {  	s8 =	sshrl.u32 s28, $0x2;
	s5 =	sadd.s32 s4, s5;
	s4 =	sadd.s32 $0x1F000, s6  }
0xb: {  	s9 =	sadd.s32 s9, s10;
	s30 =	ssub.s32 s7, s29;
	s13 =	sadd.s32 s8, s2  }
0xc: {  	s5 =	sshrl.u32 s5, $0x3;
	s9 =	sadd.s32 s9, s6;
	s8 =	smax.u32 s30, $0x1  }
0xd: {  	s11 =	sadd.s32 s5, s6;
	s5 =	sadd.s32 $0x6E000, s6;
	s6 =	sor.u32 $0x1C02, s31  }
0xe: {  	s7 =	sadd.s32 $0x70800, s9;
	s9 =	sadd.s32 $0x10200, s12;
	s12 =	simm.s32 $0x2  }
0xf: {  	s10 =	sadd.s32 $0x15200, s11;
	s11 =	sshrl.u32 s13, $0x3;
	s13 =	simm.s32 $0x80  }
.LBB2_1:
0x10: {  	[spmem:s11], [sflag:s6] =	dma.local [hbm:s5], $0x2780  }
0x11: {  	_ =	swait.ge [sflag:s12], $0x2780  }
0x12: {  	[sflag:s12] =	ssyncset.done $0x0  }
0x13: {  	[sflag:s12] =	ssyncadd.s32 $0xFFFFD880  }
0x14: {  	s18 =	sadd.s32 $0x0, s10;
	[bflag:$0x0] =	sbarrier.arrive $0xFFFF  }
0x15: {  	[tilespmem:s3], [sflag:$0x2] =	stream.linear.gather [hbm4b:s18+s3], $0x50, $0x38;
	[tilespmem:$0x16500] =	vst v63  }
0x16: {  	_ =	swait.ge [sflag:s12], $0x50  }
0x17: {  	[sflag:s12] =	ssyncset.done $0x0  }
0x18: {  	s31 =	sadd.s32 $0x0, s9;
	[sflag:s12] =	ssyncadd.s32 $0xFFFFFFB0  }
0x19: {  	[tilespmem:s13], [sflag:$0x2] =	stream.linear.gather [hbm4b:s31+s3], $0x50, $0x38;
	[tilespmem:$0x16500] =	vst v63  }
0x1a: {  	_ =	swait.ge [sflag:s12], $0x50  }
0x1b: {  	[sflag:s12] =	ssyncset.done $0x0  }
0x1c: {  	[sflag:s12] =	ssyncadd.s32 $0xFFFFFFB0  }
0x1d: {  	[tilespmem:s15], [sflag:$0x1] =	stream.indirect.gather [hbm4b:s4+s14], $0x80, s3, s14, $0xb8;
	[tilespmem:$0x16500] =	vst v63  }
0x1e: {  	_ =	swait.ge [sflag:s16], $0x2800  }
0x1f: {  	[sflag:s16] =	ssyncset.done $0x0  }
0x20: {  	[sflag:s16] =	ssyncadd.s32 $0xFFFFD800  }
0x21: {  	[spmem:s2] =	stream.indirect.scatter.add.f32 [tilespmem:s15], [sflag:$0x2], $0x80, s13, s14, $0xb8;
	[tilespmem:$0x16500] =	vst v63  }
0x22: {  	_ =	swait.ge [sflag:s12], $0x2800  }
0x23: {  	s19 =	simm.s32 $0x14;
	s18 =	simm.s32 $0xA;
	[sflag:s12] =	ssyncset.done $0x0  }
.LBB2_2:
0x24: {  	s20 =	sadd.s32 s18, s10  }
0x25: {  	[sflag:s12] =	ssyncadd.s32 $0xFFFFD800;
	s21 =	smov.u32 s19;
	s22 =	sadd.s32 $0xA, s19  }
0x26: {  	[tilespmem:s3], [sflag:$0x2] =	stream.linear.gather [hbm4b:s20+s3], $0x50, $0x38;
	[tilespmem:$0x16500] =	vst v63  }
0x27: {  	p0 =	sne.s32 s19, $0x4D8;
	_ =	swait.ge [sflag:s12], $0x50  }
0x28: {  	[sflag:s12] =	ssyncset.done $0x0  }
0x29: {  	s19 =	sadd.s32 s18, s9;
	s18 =	smov.u32 s21;
	[sflag:s12] =	ssyncadd.s32 $0xFFFFFFB0  }
0x2a: {  	[tilespmem:s13], [sflag:$0x2] =	stream.linear.gather [hbm4b:s19+s3], $0x50, $0x38;
	[tilespmem:$0x16500] =	vst v63  }
0x2b: {  	_ =	swait.ge [sflag:s12], $0x50  }
0x2c: {  	[sflag:s12] =	ssyncset.done $0x0  }
0x2d: {  	[sflag:s12] =	ssyncadd.s32 $0xFFFFFFB0  }
0x2e: {  	[tilespmem:s15], [sflag:$0x1] =	stream.indirect.gather [hbm4b:s4+s14], $0x80, s3, s14, $0xb8;
	[tilespmem:$0x16500] =	vst v63  }
0x2f: {  	_ =	swait.ge [sflag:s16], $0x2800  }
.Ltmp0:
0x30: {  	[sflag:s16] =	ssyncset.done $0x0;
	(pc) =	sbr.rel @p0 .LBB2_2-.Ltmp0, $4  }
0x31: {  	[sflag:s16] =	ssyncadd.s32 $0xFFFFD800  }
0x32: {  	[spmem:s2] =	stream.indirect.scatter.add.f32 [tilespmem:s15], [sflag:$0x2], $0x80, s13, s14, $0xb8;
	[tilespmem:$0x16500] =	vst v63  }
0x33: {  	_ =	swait.ge [sflag:s12], $0x2800  }
0x34: {  	s19 =	smov.u32 s22;
	[sflag:s12] =	ssyncset.done $0x0  }
0x35: {  	s19 =	sadd.s32 s18, s10;
	[sflag:s12] =	ssyncadd.s32 $0xFFFFD800  }
0x36: {  	[tilespmem:s3], [sflag:$0x2] =	stream.linear.gather [hbm4b:s19+s3], $0x50, $0x38;
	[tilespmem:$0x16500] =	vst v63  }
0x37: {  	_ =	swait.ge [sflag:s12], $0x50  }
0x38: {  	[sflag:s12] =	ssyncset.done $0x0  }
0x39: {  	s31 =	sadd.s32 s18, s9;
	[sflag:s12] =	ssyncadd.s32 $0xFFFFFFB0  }
0x3a: {  	[tilespmem:s13], [sflag:$0x2] =	stream.linear.gather [hbm4b:s31+s3], $0x50, $0x38;
	[tilespmem:$0x16500] =	vst v63  }
0x3b: {  	_ =	swait.ge [sflag:s12], $0x50  }
0x3c: {  	[sflag:s12] =	ssyncset.done $0x0  }
0x3d: {  	[sflag:s12] =	ssyncadd.s32 $0xFFFFFFB0  }
0x3e: {  	[tilespmem:s15], [sflag:$0x1] =	stream.indirect.gather [hbm4b:s4+s14], $0x80, s3, s14, $0xb8;
	[tilespmem:$0x16500] =	vst v63  }
0x3f: {  	_ =	swait.ge [sflag:s16], $0x2800  }
0x40: {  	[sflag:s16] =	ssyncset.done $0x0  }
0x41: {  	[sflag:s16] =	ssyncadd.s32 $0xFFFFD800  }
0x42: {  	[spmem:s2] =	stream.indirect.scatter.add.f32 [tilespmem:s15], [sflag:$0x2], $0x80, s13, s14, $0xb8;
	[tilespmem:$0x16500] =	vst v63  }
0x43: {  	_ =	swait.ge [sflag:s12], $0x2800  }
0x44: {  	s17 =	sadd.s32 $0x1, s17;
	[sflag:s12] =	ssyncset.done $0x0  }
0x45: {  	p0 =	sne.s32 s17, s8;
	[sflag:s12] =	ssyncadd.s32 $0xFFFFD800  }
.Ltmp1:
0x46: {  	[bflag:$0x0] =	sbarrier.arrive $0xFFFF;
	(pc) =	sbr.rel @p0 .LBB2_1-.Ltmp1, $4  }
0x47: {  	[hbm:s7], [sflag:s6] =	dma.local [spmem:s11], $0x2780  }
0x48: {  	_ =	swait.ge [sflag:s12], $0x2780  }
0x49: {  	[sflag:s12] =	ssyncset.done $0x0  }
0x4a: {  	[sflag:s12] =	ssyncadd.s32 $0xFFFFD880  }
0x4b: {  	_ =	sfence.sel $0x180000  }
0x4c: {  	[bflag:$0x0] =	sbarrier.arrive $0xFFFF  }
0x4d: {  	p0 =	sne.s32 s0, $0x0;
	_ =	strace $0x90000047  }
0x4e: {  	s0 =	sadd.s32 @!p0 $0x100000, s1;
	[bflag:$0x2] =	sbarrier.arrive $0xFFFF  }
0x4f: {  	[sflag:s0] =	ssyncadd.tile.s32 @!p0 $0x1;
	_ =	shalt  }
.Lfunc_end2:
_tile_overlayer_lowered:
.L_overlay_start_2:
0x50: {  	(tag) =	ssettag $0x2  }
0x51: {  	s0 =	rddreg [dreg:$0x0];
	s2 =	stileid.u32  }
0x52: {  	s1 =	rddreg [dreg:$0x1];
	p0 =	sne.s32 s2, $0x0  }
0x53: {  	s3 =	rddreg [dreg:$0x2];
	[bflag:$0x3] =	sbarrier.arrive $0xFFFF;
	s2 =	simm.s32 @!p0 $0x1C02  }
0x54: {  	[timem:s3], [sflag:s2] =	dma.local @!p0 [hbm:s0], s1  }
0x55: {  	s0 =	simm.s32 @!p0 $0x2  }
0x56: {  	_ =	swait.ge @!p0 [sflag:s0], s1  }
0x57: {  	s1 =	ssub.s32 @!p0 $0x0, s1;
	[sflag:s0] =	ssyncset.done @!p0 $0x0  }
0x58: {  	[sflag:s0] =	ssyncadd.s32 @!p0 s1  }
0x59: {  	[bflag:$0x3] =	sbarrier.arrive $0xFFFF  }
0x5a: {  	_ =	shalt  }

// kernel: kernel.31.cloned.1.call-start
scs
__scs_entry_jumppad:
0x0: {  	(pc) =	sbr.rel $0x88, $3  }
0x1: {  	(tag) =	ssettag $0x0;
	lr =	simm.s32 $0x1  }
0x2: {  	[smem:$0x3F95] =	sst lr;
	_ =	strace $0xD0000000  }
0x3: {  	_ = 	snop  }
0x4: {  	_ = 	snop  }
0x5: {  	_ = 	snop  }
0x6: {  	_ = 	snop  }
0x7: {  	_ = 	snop  }
__scs_overlays_trampoline_lowered:
0x8: {  	[smem:$0x3FA4] =	sst s0  }
0x9: {  	[smem:$0x3FA5] =	sst s1  }
0xa: {  	[smem:$0x3FA6] =	sst s2  }
0xb: {  	[smem:$0x3FA7] =	sst s3  }
0xc: {  	[smem:$0x3FA8] =	sst s4  }
0xd: {  	[smem:$0x3FA9] =	sst s5  }
0xe: {  	[smem:$0x3FAA] =	sst s6  }
0xf: {  	[smem:$0x3FAB] =	sst s7  }
0x10: {  	[smem:$0x3FAC] =	sst s8  }
0x11: {  	[smem:$0x3FAD] =	sst s9;
	s0 =	simm.s32 @!p0 $0x0  }
0x12: {  	s1 =	sld [smem:$0x3F93];
	s0 =	simm.s32 @p0 $0x1  }
0x13: {  	[smem:$0x3FAE] =	sst s0;
	s0 =	simm.s32 @!p1 $0x0  }
0x14: {  	s2 =	sld [smem:$0x3F92];
	s0 =	simm.s32 @p1 $0x1  }
0x15: {  	[smem:$0x3FAF] =	sst s0;
	s0 =	simm.s32 @!p2 $0x0  }
0x16: {  	s3 =	sld [smem:$0x3FDB];
	s0 =	simm.s32 @p2 $0x1  }
0x17: {  	s4 =	simm.s32 $0x1BF5;
	[smem:$0x3FB1] =	sst s0  }
0x18: {  	s0 =	sld [smem:$0x3F94];
	_ =	swait.ge [sflag:s4], $0x0  }
0x19: {  	s7 =	sld [smem:$0x3F95]  }
0x1a: {  	s8 =	sadd.s32 $0xFFFFE003, lr  }
0x1b: {  	s9 =	sadd.s32 $0xFFFFFEF7, lr;
	s5 =	simm.s32 $0xFFFFFFFF;
	p2 =	slt.u32 s8, $0xFFFFF086  }
0x1c: {  	p1 =	slt.u32 s9, $0xF7A;
	s5 =	simm.s32 @!p2 $0x0  }
0x1d: {  	s5 =	simm.s32 @p1 $0x1;
	p0 =	seq.s32 s7, s2  }
0x1e: {  	s7 =	smul.u32 @!p0 $0xF7A, s2;
	p2 =	seq.s32 @!p0 s5, $0x0  }
0x1f: {  	s9 =	smul.u32 $0xF7A, s1;
	s8 =	simm.s32 @!p0 $0x1BF5;
	p2 =	por !p2, p0  }
0x20: {  	[sflag:s8] =	ssyncset.s32 @!p0 $0xFFFFF086;
	s6 =	sadd.s32 @!p0 s3, s7;
	s7 =	simm.s32 @!p0 $0x108  }
0x21: {  	s3 =	sadd.s32 s3, s9;
	s6 =	sadd.s32 @!p0 $0x88, s6;
	s7 =	simm.s32 @p2 $0x1082  }
0x22: {  	[simem:s7], [sflag:s8] =	dma.local @!p0 [hbm:s6], $0xF7A  }
0x23: {  	s9 =	sor.u32 $0xD0000000, s2;
	s6 =	simm.s32 $0x108;
	_ =	swait.ge @!p0 [sflag:s8], $0x0  }
0x24: {  	s3 =	sadd.s32 $0x88, s3;
	s6 =	simm.s32 @!p1 $0x1082;
	[sflag:s4] =	ssyncset.s32 $0xFFFFF086  }
0x25: {  	[simem:s6], [sflag:s4] =	dma.local [hbm:s3], $0xF7A  }
0x26: {  	[smem:$0x3F95] =	sst s1;
	(tag) =	ssettag s2;
	_ =	strace s9  }
0x27: {  	s1 =	sld [smem:$0x3FA5]  }
0x28: {  	s2 =	sld [smem:$0x3FA6]  }
0x29: {  	s4 =	sld [smem:$0x3FA8]  }
0x2a: {  	p0 =	seq.s32 s5, $0x0;
	s5 =	sld [smem:$0x3FA9]  }
0x2b: {  	s6 =	sld [smem:$0x3FAA]  }
0x2c: {  	s7 =	sld [smem:$0x3FAB]  }
0x2d: {  	s3 =	simm.s32 $0x108;
	s8 =	sld [smem:$0x3FAC]  }
0x2e: {  	s3 =	simm.s32 @!p0 $0x1082;
	s9 =	sld [smem:$0x3FAD]  }
0x2f: {  	lr =	sadd.s32 s0, s3;
	s0 =	sld [smem:$0x3FA4]  }
0x30: {  	s3 =	sld [smem:$0x3FA7]  }
0x31: {  	[smem:$0x3FB0] =	sst s10  }
0x32: {  	s10 =	sld [smem:$0x3FAE];
	_ =	sdelay $0x3  }
0x33: {  	p0 =	seq.s32 s10, $0x1;
	s10 =	sld [smem:$0x3FB0];
	_ =	sdelay $0x3  }
0x34: {  	[smem:$0x3FB0] =	sst s10  }
0x35: {  	s10 =	sld [smem:$0x3FAF];
	_ =	sdelay $0x3  }
0x36: {  	p1 =	seq.s32 s10, $0x1;
	s10 =	sld [smem:$0x3FB0];
	_ =	sdelay $0x3  }
0x37: {  	[smem:$0x3FB0] =	sst s10  }
0x38: {  	s10 =	sld [smem:$0x3FB1]  }
0x39: {  	_ = 	snop;
	(pc) =	sbr.ind lr, $3  }
0x3a: {  	_ = 	snop  }
0x3b: {  	_ = 	snop  }
0x3c: {  	p2 =	seq.s32 s10, $0x1;
	s10 =	sld [smem:$0x3FB0]  }
0x3d: {  	_ =	shalt  }
0x3e: {  	_ =	shalt  }
0x3f: {  	_ =	shalt  }
0x40: {  	_ =	shalt  }
0x41: {  	_ =	shalt  }
0x42: {  	_ =	shalt  }
0x43: {  	_ =	shalt  }
0x44: {  	_ =	shalt  }
0x45: {  	_ =	shalt  }
0x46: {  	_ =	shalt  }
0x47: {  	_ =	shalt  }
0x48: {  	_ =	shalt  }
0x49: {  	_ =	shalt  }
0x4a: {  	_ =	shalt  }
0x4b: {  	_ =	shalt  }
0x4c: {  	_ =	shalt  }
0x4d: {  	_ =	shalt  }
0x4e: {  	_ =	shalt  }
0x4f: {  	_ =	shalt  }
0x50: {  	_ =	shalt  }
0x51: {  	_ =	shalt  }
0x52: {  	_ =	shalt  }
0x53: {  	_ =	shalt  }
0x54: {  	_ =	shalt  }
0x55: {  	_ =	shalt  }
0x56: {  	_ =	shalt  }
0x57: {  	_ =	shalt  }
0x58: {  	_ =	shalt  }
0x59: {  	_ =	shalt  }
0x5a: {  	_ =	shalt  }
0x5b: {  	_ =	shalt  }
0x5c: {  	_ =	shalt  }
0x5d: {  	_ =	shalt  }
0x5e: {  	_ =	shalt  }
0x5f: {  	_ =	shalt  }
0x60: {  	_ =	shalt  }
0x61: {  	_ =	shalt  }
0x62: {  	_ =	shalt  }
0x63: {  	_ =	shalt  }
0x64: {  	_ =	shalt  }
0x65: {  	_ =	shalt  }
0x66: {  	_ =	shalt  }
0x67: {  	_ =	shalt  }
0x68: {  	_ =	shalt  }
0x69: {  	_ =	shalt  }
0x6a: {  	_ =	shalt  }
0x6b: {  	_ =	shalt  }
0x6c: {  	_ =	shalt  }
0x6d: {  	_ =	shalt  }
0x6e: {  	_ =	shalt  }
0x6f: {  	_ =	shalt  }
0x70: {  	_ =	shalt  }
0x71: {  	_ =	shalt  }
0x72: {  	_ =	shalt  }
0x73: {  	_ =	shalt  }
0x74: {  	_ =	shalt  }
0x75: {  	_ =	shalt  }
0x76: {  	_ =	shalt  }
0x77: {  	_ =	shalt  }
0x78: {  	_ =	shalt  }
0x79: {  	_ =	shalt  }
0x7a: {  	_ =	shalt  }
0x7b: {  	_ =	shalt  }
0x7c: {  	_ =	shalt  }
0x7d: {  	_ =	shalt  }
0x7e: {  	_ =	shalt  }
0x7f: {  	_ =	shalt  }
0x80: {  	_ =	shalt  }
0x81: {  	_ =	shalt  }
0x82: {  	_ =	shalt  }
0x83: {  	_ =	shalt  }
0x84: {  	_ =	shalt  }
0x85: {  	_ =	shalt  }
0x86: {  	_ =	shalt  }
0x87: {  	_ =	shalt  }
.Lfunc_end0:
.L_simem_size_0:
called_computation.1_lowered:
.L_overlay_start_0:
0x88: {  	s2 =	sld [smem:$0x3FD9]  }
0x89: {  	s3 =	sld [smem:$0x3FFE];
	_ =	sdelay $0x1  }
0x8a: {  	s1 =	srdreg.scid  }
0x8b: {  	s0 =	sand.u32 $0x1, s1  }
0x8c: {  	s16 =	sshll.u32 s0, $0xA;
	s2 =	sadd.s32 s3, s2  }
0x8d: {  	s2 =	sadd.s32 s2, s16  }
0x8e: {  	[smem:$0x3FBC] =	sst s2  }
0x8f: {  	_ = 	snop  }
0x90: {  	(tm) =	ssettm $0x1  }
0x91: {  	s17 =	sld [smem:$0x3FFB];
	_ =	sdelay $0x3  }
0x92: {  	_ =	strace s17  }
0x93: {  	s2 =	sld [smem:$0x3FFC];
	_ =	sdelay $0x3  }
0x94: {  	_ =	strace s2  }
0x95: {  	s2 =	sld [smem:$0x3FFD];
	_ =	sdelay $0x3  }
0x96: {  	_ =	strace s2  }
0x97: {  	_ =	strace $0x8FFFFFFF  }
0x98: {  	s18 =	sld [smem:$0x3FDB];
	_ =	sdelay $0x1  }
0x99: {  	s19 =	simm.s32 $_scs_section_size  }
0x9a: {  	s4 =	simm.s32 $_size__tile_overlayer_lowered;
	s5 =	simm.s32 $_tile_overlayer_lowered  }
0x9b: {  	s22 =	simm.s32 $0x1BFF;
	s21 =	sshll.u32 s5, $0x1;
	s2 =	sadd.s32 s19, s18  }
0x9c: {  	s6 =	simm.s32 $0x0;
	s20 =	sshll.u32 s4, $0x1;
	s4 =	sadd.s32 s21, s2  }
0x9d: {  	[timem:s6], [sflag:s22] =	dma.local [hbm:s4], s20  }
0x9e: {  	_ =	swait.ge [sflag:s22], s20  }
0x9f: {  	s3 =	ssub.s32 $0x0, s20;
	[sflag:s22] =	ssyncset.done $0x0  }
0xa0: {  	[sflag:s22] =	ssyncadd.s32 s3;
	_ =	sdelay $0x1  }
0xa1: {  	s23 =	simm.s32 $0x1B8B  }
0xa2: {  	_ =	swait.ge [sflag:s23], $0x1  }
0xa3: {  	[sflag:s23] =	ssyncset.done $0x0  }
0xa4: {  	s25 =	simm.s32 $0x1B8E;
	s24 =	sld [smem:$0x3FFE];
	[sflag:s23] =	ssyncadd.s32 $0xFFFFFFFF  }
0xa5: {  	s26 =	simm.s32 $execute0_lowered;
	[smem:$0x3FD2] =	sst s25  }
0xa6: {  	s4 =	sshll.u32 s26, $0x1;
	_ =	strace $0x80000049;
	[dreg:$0x1] =	wrdreg $0xFFFFFFFF  }
0xa7: {  	s28 =	simm.s32 $_size_execute0_lowered;
	s2 =	sadd.s32 s2, s4;
	[dreg:$0x0] =	wrdreg $0x0  }
0xa8: {  	s4 =	sshll.u32 s28, $0x1;
	[dreg:$0x2] =	wrdreg s2  }
0xa9: {  	[dreg:$0x3] =	wrdreg s4  }
0xaa: {  	[dreg:$0x4] =	wrdreg $0xC0  }
0xab: {  	_ =	task [dreg:s6], $0x5FFFF  }
0xac: {  	[dreg:$0x1] =	wrdreg $0xFFFFFFFF  }
0xad: {  	[dreg:$0x0] =	wrdreg $0x60  }
0xae: {  	[dreg:$0x2] =	wrdreg s24  }
0xaf: {  	[dreg:$0x3] =	wrdreg $0x29000  }
0xb0: {  	[dreg:$0x4] =	wrdreg $0x9  }
0xb1: {  	_ =	task.clear_ibuf [dreg:s6], $0x5FFFF;
	_ =	strace $0x90000049  }
0xb2: {  	s29 =	simm.s32 $0x9;
	_ =	strace $0x8000004B  }
0xb3: {  	_ =	swait.ge [sflag:s29], $0x1  }
0xb4: {  	[sflag:s29] =	ssyncadd.s32 $0xFFFFFFFF  }
0xb5: {  	_ =	strace $0x9000004B  }
0xb6: {  	_ =	sfence  }
0xb7: {  	s30 =	sld [smem:$0x0];
	_ =	sdelay $0x2  }
0xb8: {  	s31 =	sshll.u32 s1, $0xD;
	s1 =	sshrl.u32 s1, $0x2  }
0xb9: {  	s3 =	sand.u32 $0x4000, s31;
	s1 =	sadd.s32 s1, s30  }
0xba: {  	s0 =	sor.u32 s3, s0;
	s1 =	sshll.u32 s1, $0x11  }
0xbb: {  	s0 =	sor.u32 s1, s0  }
0xbc: {  	s0 =	sadd.s32 $0x8F2B, s0  }
0xbd: {  	[sflag:s0] =	ssyncadd.remote.s32 $0x1  }
0xbe: {  	_ =	sfence.sel $0xFFFF  }
0xbf: {  	[dreg:$0x0] =	wrdreg $0xFFFFFFFF;
	(pc) =	sbr.abs _section_cstart, $3  }
0xc0: {  	[dreg:$0x1] =	wrdreg $0xFFFFFFFF  }
0xc1: {  	_ =	task.clear_ibuf [dreg:s6], $0x2FFFF;
	_ =	strace $0x9FFFFFFF  }
0xc2: {  	(tm) =	ssettm $0x7FFFFFFF  }
0xc3: {  	_ =	shalt  }
tec
execute0_lowered:
.L_overlay_start_1:
0x0: {  	(tag) =	ssettag $0x1  }
0x1: {  	s6 =	rddreg [dreg:$0x0]  }
0x2: {  	s1 =	srdreg.scid;
	s0 =	stileid.u32  }
0x3: {  	s2 =	rddreg [dreg:$0x1];
	s4 =	smul.u32 $0x2710, s0  }
0x4: {  	s3 =	simm.s32 $0x0;
	s14 =	simm.s32 $0x50;
	s8 =	smul.u32 $0x4E2, s0  }
0x5: {  	s15 =	simm.s32 $0x100;
	s16 =	simm.s32 $0x1;
	s9 =	smul.u32 $0x2780, s0  }
0x6: {  	s7 =	sand.u32 $0x1, s1;
	s1 =	rddreg [dreg:$0x2];
	s28 =	smul.u32 $0x4F000, s0  }
0x7: {  	s17 =	simm.s32 $0x0;
	[smem:$0x7FF] =	sst s3;
	s5 =	smul.u32 $0x27100, s7  }
0x8: {  	s31 =	sshll.u32 s0, $0x6;
	s10 =	smul.u32 $0x27800, s7;
	s7 =	ssub.s32 $0x2, s7  }
0x9: {  	_ =	strace $0x8000004A;
	s12 =	sadd.s32 s8, s6;
	s29 =	sshrl.u32 s7, $0x1  }
0xa: {  	s8 =	sshrl.u32 s28, $0x2;
	s5 =	sadd.s32 s4, s5;
	s4 =	sadd.s32 $0x97A00, s6  }
0xb: {  	s9 =	sadd.s32 s9, s10;
	s30 =	ssub.s32 s7, s29;
	s13 =	sadd.s32 s8, s2  }
0xc: {  	s5 =	sshrl.u32 s5, $0x3;
	s9 =	sadd.s32 s9, s6;
	s8 =	smax.u32 s30, $0x1  }
0xd: {  	s11 =	sadd.s32 s5, s6;
	s5 =	sadd.s32 $0x6E000, s6;
	s6 =	sor.u32 $0x1C02, s31  }
0xe: {  	s7 =	sadd.s32 $0x184A00, s9;
	s9 =	sadd.s32 $0x10200, s12;
	s12 =	simm.s32 $0x2  }
0xf: {  	s10 =	sadd.s32 $0x15200, s11;
	s11 =	sshrl.u32 s13, $0x3;
	s13 =	simm.s32 $0x80  }
.LBB2_1:
0x10: {  	[spmem:s11], [sflag:s6] =	dma.local [hbm:s5], $0x2780  }
0x11: {  	_ =	swait.ge [sflag:s12], $0x2780  }
0x12: {  	[sflag:s12] =	ssyncset.done $0x0  }
0x13: {  	[sflag:s12] =	ssyncadd.s32 $0xFFFFD880  }
0x14: {  	s18 =	sadd.s32 $0x0, s10;
	[bflag:$0x0] =	sbarrier.arrive $0xFFFF  }
0x15: {  	[tilespmem:s3], [sflag:$0x2] =	stream.linear.gather [hbm4b:s18+s3], $0x50, $0x38;
	[tilespmem:$0x16500] =	vst v63  }
0x16: {  	_ =	swait.ge [sflag:s12], $0x50  }
0x17: {  	[sflag:s12] =	ssyncset.done $0x0  }
0x18: {  	s31 =	sadd.s32 $0x0, s9;
	[sflag:s12] =	ssyncadd.s32 $0xFFFFFFB0  }
0x19: {  	[tilespmem:s13], [sflag:$0x2] =	stream.linear.gather [hbm4b:s31+s3], $0x50, $0x38;
	[tilespmem:$0x16500] =	vst v63  }
0x1a: {  	_ =	swait.ge [sflag:s12], $0x50  }
0x1b: {  	[sflag:s12] =	ssyncset.done $0x0  }
0x1c: {  	[sflag:s12] =	ssyncadd.s32 $0xFFFFFFB0  }
0x1d: {  	[tilespmem:s15], [sflag:$0x1] =	stream.indirect.gather [hbm4b:s4+s14], $0x80, s3, s14, $0xb8;
	[tilespmem:$0x16500] =	vst v63  }
0x1e: {  	_ =	swait.ge [sflag:s16], $0x2800  }
0x1f: {  	[sflag:s16] =	ssyncset.done $0x0  }
0x20: {  	[sflag:s16] =	ssyncadd.s32 $0xFFFFD800  }
0x21: {  	[spmem:s2] =	stream.indirect.scatter.add.f32 [tilespmem:s15], [sflag:$0x2], $0x80, s13, s14, $0xb8;
	[tilespmem:$0x16500] =	vst v63  }
0x22: {  	_ =	swait.ge [sflag:s12], $0x2800  }
0x23: {  	s19 =	simm.s32 $0x14;
	s18 =	simm.s32 $0xA;
	[sflag:s12] =	ssyncset.done $0x0  }
.LBB2_2:
0x24: {  	s20 =	sadd.s32 s18, s10  }
0x25: {  	[sflag:s12] =	ssyncadd.s32 $0xFFFFD800;
	s21 =	smov.u32 s19;
	s22 =	sadd.s32 $0xA, s19  }
0x26: {  	[tilespmem:s3], [sflag:$0x2] =	stream.linear.gather [hbm4b:s20+s3], $0x50, $0x38;
	[tilespmem:$0x16500] =	vst v63  }
0x27: {  	p0 =	sne.s32 s19, $0x4D8;
	_ =	swait.ge [sflag:s12], $0x50  }
0x28: {  	[sflag:s12] =	ssyncset.done $0x0  }
0x29: {  	s19 =	sadd.s32 s18, s9;
	s18 =	smov.u32 s21;
	[sflag:s12] =	ssyncadd.s32 $0xFFFFFFB0  }
0x2a: {  	[tilespmem:s13], [sflag:$0x2] =	stream.linear.gather [hbm4b:s19+s3], $0x50, $0x38;
	[tilespmem:$0x16500] =	vst v63  }
0x2b: {  	_ =	swait.ge [sflag:s12], $0x50  }
0x2c: {  	[sflag:s12] =	ssyncset.done $0x0  }
0x2d: {  	[sflag:s12] =	ssyncadd.s32 $0xFFFFFFB0  }
0x2e: {  	[tilespmem:s15], [sflag:$0x1] =	stream.indirect.gather [hbm4b:s4+s14], $0x80, s3, s14, $0xb8;
	[tilespmem:$0x16500] =	vst v63  }
0x2f: {  	_ =	swait.ge [sflag:s16], $0x2800  }
.Ltmp0:
0x30: {  	[sflag:s16] =	ssyncset.done $0x0;
	(pc) =	sbr.rel @p0 .LBB2_2-.Ltmp0, $4  }
0x31: {  	[sflag:s16] =	ssyncadd.s32 $0xFFFFD800  }
0x32: {  	[spmem:s2] =	stream.indirect.scatter.add.f32 [tilespmem:s15], [sflag:$0x2], $0x80, s13, s14, $0xb8;
	[tilespmem:$0x16500] =	vst v63  }
0x33: {  	_ =	swait.ge [sflag:s12], $0x2800  }
0x34: {  	s19 =	smov.u32 s22;
	[sflag:s12] =	ssyncset.done $0x0  }
0x35: {  	s19 =	sadd.s32 s18, s10;
	[sflag:s12] =	ssyncadd.s32 $0xFFFFD800  }
0x36: {  	[tilespmem:s3], [sflag:$0x2] =	stream.linear.gather [hbm4b:s19+s3], $0x50, $0x38;
	[tilespmem:$0x16500] =	vst v63  }
0x37: {  	_ =	swait.ge [sflag:s12], $0x50  }
0x38: {  	[sflag:s12] =	ssyncset.done $0x0  }
0x39: {  	s31 =	sadd.s32 s18, s9;
	[sflag:s12] =	ssyncadd.s32 $0xFFFFFFB0  }
0x3a: {  	[tilespmem:s13], [sflag:$0x2] =	stream.linear.gather [hbm4b:s31+s3], $0x50, $0x38;
	[tilespmem:$0x16500] =	vst v63  }
0x3b: {  	_ =	swait.ge [sflag:s12], $0x50  }
0x3c: {  	[sflag:s12] =	ssyncset.done $0x0  }
0x3d: {  	[sflag:s12] =	ssyncadd.s32 $0xFFFFFFB0  }
0x3e: {  	[tilespmem:s15], [sflag:$0x1] =	stream.indirect.gather [hbm4b:s4+s14], $0x80, s3, s14, $0xb8;
	[tilespmem:$0x16500] =	vst v63  }
0x3f: {  	_ =	swait.ge [sflag:s16], $0x2800  }
0x40: {  	[sflag:s16] =	ssyncset.done $0x0  }
0x41: {  	[sflag:s16] =	ssyncadd.s32 $0xFFFFD800  }
0x42: {  	[spmem:s2] =	stream.indirect.scatter.add.f32 [tilespmem:s15], [sflag:$0x2], $0x80, s13, s14, $0xb8;
	[tilespmem:$0x16500] =	vst v63  }
0x43: {  	_ =	swait.ge [sflag:s12], $0x2800  }
0x44: {  	s17 =	sadd.s32 $0x1, s17;
	[sflag:s12] =	ssyncset.done $0x0  }
0x45: {  	p0 =	sne.s32 s17, s8;
	[sflag:s12] =	ssyncadd.s32 $0xFFFFD800  }
.Ltmp1:
0x46: {  	[bflag:$0x0] =	sbarrier.arrive $0xFFFF;
	(pc) =	sbr.rel @p0 .LBB2_1-.Ltmp1, $4  }
0x47: {  	[hbm:s7], [sflag:s6] =	dma.local [spmem:s11], $0x2780  }
0x48: {  	_ =	swait.ge [sflag:s12], $0x2780  }
0x49: {  	[sflag:s12] =	ssyncset.done $0x0  }
0x4a: {  	[sflag:s12] =	ssyncadd.s32 $0xFFFFD880  }
0x4b: {  	_ =	sfence.sel $0x180000  }
0x4c: {  	[bflag:$0x0] =	sbarrier.arrive $0xFFFF  }
0x4d: {  	p0 =	sne.s32 s0, $0x0;
	_ =	strace $0x9000004A  }
0x4e: {  	s0 =	sadd.s32 @!p0 $0x100000, s1;
	[bflag:$0x2] =	sbarrier.arrive $0xFFFF  }
0x4f: {  	[sflag:s0] =	ssyncadd.tile.s32 @!p0 $0x1;
	_ =	shalt  }
.Lfunc_end2:
_tile_overlayer_lowered:
.L_overlay_start_2:
0x50: {  	(tag) =	ssettag $0x2  }
0x51: {  	s0 =	rddreg [dreg:$0x0];
	s2 =	stileid.u32  }
0x52: {  	s1 =	rddreg [dreg:$0x1];
	p0 =	sne.s32 s2, $0x0  }
0x53: {  	s3 =	rddreg [dreg:$0x2];
	[bflag:$0x3] =	sbarrier.arrive $0xFFFF;
	s2 =	simm.s32 @!p0 $0x1C02  }
0x54: {  	[timem:s3], [sflag:s2] =	dma.local @!p0 [hbm:s0], s1  }
0x55: {  	s0 =	simm.s32 @!p0 $0x2  }
0x56: {  	_ =	swait.ge @!p0 [sflag:s0], s1  }
0x57: {  	s1 =	ssub.s32 @!p0 $0x0, s1;
	[sflag:s0] =	ssyncset.done @!p0 $0x0  }
0x58: {  	[sflag:s0] =	ssyncadd.s32 @!p0 s1  }
0x59: {  	[bflag:$0x3] =	sbarrier.arrive $0xFFFF  }
0x5a: {  	_ =	shalt  }

// kernel: kernel.34.cloned.1.call-start
scs
__scs_entry_jumppad:
0x0: {  	(pc) =	sbr.rel $0x88, $3  }
0x1: {  	(tag) =	ssettag $0x0;
	lr =	simm.s32 $0x1  }
0x2: {  	[smem:$0x3F95] =	sst lr;
	_ =	strace $0xD0000000  }
0x3: {  	_ = 	snop  }
0x4: {  	_ = 	snop  }
0x5: {  	_ = 	snop  }
0x6: {  	_ = 	snop  }
0x7: {  	_ = 	snop  }
__scs_overlays_trampoline_lowered:
0x8: {  	[smem:$0x3FA4] =	sst s0  }
0x9: {  	[smem:$0x3FA5] =	sst s1  }
0xa: {  	[smem:$0x3FA6] =	sst s2  }
0xb: {  	[smem:$0x3FA7] =	sst s3  }
0xc: {  	[smem:$0x3FA8] =	sst s4  }
0xd: {  	[smem:$0x3FA9] =	sst s5  }
0xe: {  	[smem:$0x3FAA] =	sst s6  }
0xf: {  	[smem:$0x3FAB] =	sst s7  }
0x10: {  	[smem:$0x3FAC] =	sst s8  }
0x11: {  	[smem:$0x3FAD] =	sst s9;
	s0 =	simm.s32 @!p0 $0x0  }
0x12: {  	s1 =	sld [smem:$0x3F93];
	s0 =	simm.s32 @p0 $0x1  }
0x13: {  	[smem:$0x3FAE] =	sst s0;
	s0 =	simm.s32 @!p1 $0x0  }
0x14: {  	s2 =	sld [smem:$0x3F92];
	s0 =	simm.s32 @p1 $0x1  }
0x15: {  	[smem:$0x3FAF] =	sst s0;
	s0 =	simm.s32 @!p2 $0x0  }
0x16: {  	s3 =	sld [smem:$0x3FDB];
	s0 =	simm.s32 @p2 $0x1  }
0x17: {  	s4 =	simm.s32 $0x1BF5;
	[smem:$0x3FB1] =	sst s0  }
0x18: {  	s0 =	sld [smem:$0x3F94];
	_ =	swait.ge [sflag:s4], $0x0  }
0x19: {  	s7 =	sld [smem:$0x3F95]  }
0x1a: {  	s8 =	sadd.s32 $0xFFFFE003, lr  }
0x1b: {  	s9 =	sadd.s32 $0xFFFFFEF7, lr;
	s5 =	simm.s32 $0xFFFFFFFF;
	p2 =	slt.u32 s8, $0xFFFFF086  }
0x1c: {  	p1 =	slt.u32 s9, $0xF7A;
	s5 =	simm.s32 @!p2 $0x0  }
0x1d: {  	s5 =	simm.s32 @p1 $0x1;
	p0 =	seq.s32 s7, s2  }
0x1e: {  	s7 =	smul.u32 @!p0 $0xF7A, s2;
	p2 =	seq.s32 @!p0 s5, $0x0  }
0x1f: {  	s9 =	smul.u32 $0xF7A, s1;
	s8 =	simm.s32 @!p0 $0x1BF5;
	p2 =	por !p2, p0  }
0x20: {  	[sflag:s8] =	ssyncset.s32 @!p0 $0xFFFFF086;
	s6 =	sadd.s32 @!p0 s3, s7;
	s7 =	simm.s32 @!p0 $0x108  }
0x21: {  	s3 =	sadd.s32 s3, s9;
	s6 =	sadd.s32 @!p0 $0x88, s6;
	s7 =	simm.s32 @p2 $0x1082  }
0x22: {  	[simem:s7], [sflag:s8] =	dma.local @!p0 [hbm:s6], $0xF7A  }
0x23: {  	s9 =	sor.u32 $0xD0000000, s2;
	s6 =	simm.s32 $0x108;
	_ =	swait.ge @!p0 [sflag:s8], $0x0  }
0x24: {  	s3 =	sadd.s32 $0x88, s3;
	s6 =	simm.s32 @!p1 $0x1082;
	[sflag:s4] =	ssyncset.s32 $0xFFFFF086  }
0x25: {  	[simem:s6], [sflag:s4] =	dma.local [hbm:s3], $0xF7A  }
0x26: {  	[smem:$0x3F95] =	sst s1;
	(tag) =	ssettag s2;
	_ =	strace s9  }
0x27: {  	s1 =	sld [smem:$0x3FA5]  }
0x28: {  	s2 =	sld [smem:$0x3FA6]  }
0x29: {  	s4 =	sld [smem:$0x3FA8]  }
0x2a: {  	p0 =	seq.s32 s5, $0x0;
	s5 =	sld [smem:$0x3FA9]  }
0x2b: {  	s6 =	sld [smem:$0x3FAA]  }
0x2c: {  	s7 =	sld [smem:$0x3FAB]  }
0x2d: {  	s3 =	simm.s32 $0x108;
	s8 =	sld [smem:$0x3FAC]  }
0x2e: {  	s3 =	simm.s32 @!p0 $0x1082;
	s9 =	sld [smem:$0x3FAD]  }
0x2f: {  	lr =	sadd.s32 s0, s3;
	s0 =	sld [smem:$0x3FA4]  }
0x30: {  	s3 =	sld [smem:$0x3FA7]  }
0x31: {  	[smem:$0x3FB0] =	sst s10  }
0x32: {  	s10 =	sld [smem:$0x3FAE];
	_ =	sdelay $0x3  }
0x33: {  	p0 =	seq.s32 s10, $0x1;
	s10 =	sld [smem:$0x3FB0];
	_ =	sdelay $0x3  }
0x34: {  	[smem:$0x3FB0] =	sst s10  }
0x35: {  	s10 =	sld [smem:$0x3FAF];
	_ =	sdelay $0x3  }
0x36: {  	p1 =	seq.s32 s10, $0x1;
	s10 =	sld [smem:$0x3FB0];
	_ =	sdelay $0x3  }
0x37: {  	[smem:$0x3FB0] =	sst s10  }
0x38: {  	s10 =	sld [smem:$0x3FB1]  }
0x39: {  	_ = 	snop;
	(pc) =	sbr.ind lr, $3  }
0x3a: {  	_ = 	snop  }
0x3b: {  	_ = 	snop  }
0x3c: {  	p2 =	seq.s32 s10, $0x1;
	s10 =	sld [smem:$0x3FB0]  }
0x3d: {  	_ =	shalt  }
0x3e: {  	_ =	shalt  }
0x3f: {  	_ =	shalt  }
0x40: {  	_ =	shalt  }
0x41: {  	_ =	shalt  }
0x42: {  	_ =	shalt  }
0x43: {  	_ =	shalt  }
0x44: {  	_ =	shalt  }
0x45: {  	_ =	shalt  }
0x46: {  	_ =	shalt  }
0x47: {  	_ =	shalt  }
0x48: {  	_ =	shalt  }
0x49: {  	_ =	shalt  }
0x4a: {  	_ =	shalt  }
0x4b: {  	_ =	shalt  }
0x4c: {  	_ =	shalt  }
0x4d: {  	_ =	shalt  }
0x4e: {  	_ =	shalt  }
0x4f: {  	_ =	shalt  }
0x50: {  	_ =	shalt  }
0x51: {  	_ =	shalt  }
0x52: {  	_ =	shalt  }
0x53: {  	_ =	shalt  }
0x54: {  	_ =	shalt  }
0x55: {  	_ =	shalt  }
0x56: {  	_ =	shalt  }
0x57: {  	_ =	shalt  }
0x58: {  	_ =	shalt  }
0x59: {  	_ =	shalt  }
0x5a: {  	_ =	shalt  }
0x5b: {  	_ =	shalt  }
0x5c: {  	_ =	shalt  }
0x5d: {  	_ =	shalt  }
0x5e: {  	_ =	shalt  }
0x5f: {  	_ =	shalt  }
0x60: {  	_ =	shalt  }
0x61: {  	_ =	shalt  }
0x62: {  	_ =	shalt  }
0x63: {  	_ =	shalt  }
0x64: {  	_ =	shalt  }
0x65: {  	_ =	shalt  }
0x66: {  	_ =	shalt  }
0x67: {  	_ =	shalt  }
0x68: {  	_ =	shalt  }
0x69: {  	_ =	shalt  }
0x6a: {  	_ =	shalt  }
0x6b: {  	_ =	shalt  }
0x6c: {  	_ =	shalt  }
0x6d: {  	_ =	shalt  }
0x6e: {  	_ =	shalt  }
0x6f: {  	_ =	shalt  }
0x70: {  	_ =	shalt  }
0x71: {  	_ =	shalt  }
0x72: {  	_ =	shalt  }
0x73: {  	_ =	shalt  }
0x74: {  	_ =	shalt  }
0x75: {  	_ =	shalt  }
0x76: {  	_ =	shalt  }
0x77: {  	_ =	shalt  }
0x78: {  	_ =	shalt  }
0x79: {  	_ =	shalt  }
0x7a: {  	_ =	shalt  }
0x7b: {  	_ =	shalt  }
0x7c: {  	_ =	shalt  }
0x7d: {  	_ =	shalt  }
0x7e: {  	_ =	shalt  }
0x7f: {  	_ =	shalt  }
0x80: {  	_ =	shalt  }
0x81: {  	_ =	shalt  }
0x82: {  	_ =	shalt  }
0x83: {  	_ =	shalt  }
0x84: {  	_ =	shalt  }
0x85: {  	_ =	shalt  }
0x86: {  	_ =	shalt  }
0x87: {  	_ =	shalt  }
.Lfunc_end0:
.L_simem_size_0:
called_computation.2_lowered:
.L_overlay_start_0:
0x88: {  	s2 =	sld [smem:$0x3FD9]  }
0x89: {  	s3 =	sld [smem:$0x3FFE];
	_ =	sdelay $0x1  }
0x8a: {  	s1 =	srdreg.scid  }
0x8b: {  	s0 =	sand.u32 $0x1, s1  }
0x8c: {  	s16 =	sshll.u32 s0, $0xA;
	s2 =	sadd.s32 s3, s2  }
0x8d: {  	s2 =	sadd.s32 s2, s16  }
0x8e: {  	[smem:$0x3FBC] =	sst s2  }
0x8f: {  	_ = 	snop  }
0x90: {  	(tm) =	ssettm $0x1  }
0x91: {  	s17 =	sld [smem:$0x3FFB];
	_ =	sdelay $0x3  }
0x92: {  	_ =	strace s17  }
0x93: {  	s2 =	sld [smem:$0x3FFC];
	_ =	sdelay $0x3  }
0x94: {  	_ =	strace s2  }
0x95: {  	s2 =	sld [smem:$0x3FFD];
	_ =	sdelay $0x3  }
0x96: {  	_ =	strace s2  }
0x97: {  	_ =	strace $0x8FFFFFFF  }
0x98: {  	s18 =	sld [smem:$0x3FDB];
	_ =	sdelay $0x1  }
0x99: {  	s19 =	simm.s32 $_scs_section_size  }
0x9a: {  	s4 =	simm.s32 $_size__tile_overlayer_lowered;
	s5 =	simm.s32 $_tile_overlayer_lowered  }
0x9b: {  	s22 =	simm.s32 $0x1BFF;
	s21 =	sshll.u32 s5, $0x1;
	s2 =	sadd.s32 s19, s18  }
0x9c: {  	s6 =	simm.s32 $0x0;
	s20 =	sshll.u32 s4, $0x1;
	s4 =	sadd.s32 s21, s2  }
0x9d: {  	[timem:s6], [sflag:s22] =	dma.local [hbm:s4], s20  }
0x9e: {  	_ =	swait.ge [sflag:s22], s20  }
0x9f: {  	s3 =	ssub.s32 $0x0, s20;
	[sflag:s22] =	ssyncset.done $0x0  }
0xa0: {  	[sflag:s22] =	ssyncadd.s32 s3;
	_ =	sdelay $0x1  }
0xa1: {  	s23 =	simm.s32 $0x1B8B  }
0xa2: {  	_ =	swait.ge [sflag:s23], $0x1  }
0xa3: {  	[sflag:s23] =	ssyncset.done $0x0  }
0xa4: {  	s25 =	simm.s32 $0x1B8E;
	s24 =	sld [smem:$0x3FFE];
	[sflag:s23] =	ssyncadd.s32 $0xFFFFFFFF  }
0xa5: {  	s26 =	simm.s32 $execute0_lowered;
	[smem:$0x3FD2] =	sst s25  }
0xa6: {  	s4 =	sshll.u32 s26, $0x1;
	_ =	strace $0x8000004C;
	[dreg:$0x1] =	wrdreg $0xFFFFFFFF  }
0xa7: {  	s28 =	simm.s32 $_size_execute0_lowered;
	s2 =	sadd.s32 s2, s4;
	[dreg:$0x0] =	wrdreg $0x0  }
0xa8: {  	s4 =	sshll.u32 s28, $0x1;
	[dreg:$0x2] =	wrdreg s2  }
0xa9: {  	[dreg:$0x3] =	wrdreg s4  }
0xaa: {  	[dreg:$0x4] =	wrdreg $0xC0  }
0xab: {  	_ =	task [dreg:s6], $0x5FFFF  }
0xac: {  	[dreg:$0x1] =	wrdreg $0xFFFFFFFF  }
0xad: {  	[dreg:$0x0] =	wrdreg $0x60  }
0xae: {  	[dreg:$0x2] =	wrdreg s24  }
0xaf: {  	[dreg:$0x3] =	wrdreg $0x29000  }
0xb0: {  	[dreg:$0x4] =	wrdreg $0x9  }
0xb1: {  	_ =	task.clear_ibuf [dreg:s6], $0x5FFFF;
	_ =	strace $0x9000004C  }
0xb2: {  	s29 =	simm.s32 $0x9;
	_ =	strace $0x8000004E  }
0xb3: {  	_ =	swait.ge [sflag:s29], $0x1  }
0xb4: {  	[sflag:s29] =	ssyncadd.s32 $0xFFFFFFFF  }
0xb5: {  	_ =	strace $0x9000004E  }
0xb6: {  	_ =	sfence  }
0xb7: {  	s30 =	sld [smem:$0x0];
	_ =	sdelay $0x2  }
0xb8: {  	s31 =	sshll.u32 s1, $0xD;
	s1 =	sshrl.u32 s1, $0x2  }
0xb9: {  	s3 =	sand.u32 $0x4000, s31;
	s1 =	sadd.s32 s1, s30  }
0xba: {  	s0 =	sor.u32 s3, s0;
	s1 =	sshll.u32 s1, $0x11  }
0xbb: {  	s0 =	sor.u32 s1, s0  }
0xbc: {  	s0 =	sadd.s32 $0x8F2B, s0  }
0xbd: {  	[sflag:s0] =	ssyncadd.remote.s32 $0x1  }
0xbe: {  	_ =	sfence.sel $0xFFFF  }
0xbf: {  	[dreg:$0x0] =	wrdreg $0xFFFFFFFF;
	(pc) =	sbr.abs _section_cstart, $3  }
0xc0: {  	[dreg:$0x1] =	wrdreg $0xFFFFFFFF  }
0xc1: {  	_ =	task.clear_ibuf [dreg:s6], $0x2FFFF;
	_ =	strace $0x9FFFFFFF  }
0xc2: {  	(tm) =	ssettm $0x7FFFFFFF  }
0xc3: {  	_ =	shalt  }
tec
execute0_lowered:
.L_overlay_start_1:
0x0: {  	(tag) =	ssettag $0x1  }
0x1: {  	s6 =	rddreg [dreg:$0x0]  }
0x2: {  	s1 =	srdreg.scid;
	s0 =	stileid.u32  }
0x3: {  	s2 =	rddreg [dreg:$0x1];
	s4 =	smul.u32 $0x2710, s0  }
0x4: {  	s3 =	simm.s32 $0x0;
	s14 =	simm.s32 $0x50;
	s8 =	smul.u32 $0x4E2, s0  }
0x5: {  	s15 =	simm.s32 $0x100;
	s16 =	simm.s32 $0x1;
	s9 =	smul.u32 $0x2780, s0  }
0x6: {  	s7 =	sand.u32 $0x1, s1;
	s1 =	rddreg [dreg:$0x2];
	s28 =	smul.u32 $0x4F000, s0  }
0x7: {  	s17 =	simm.s32 $0x0;
	[smem:$0x7FF] =	sst s3;
	s5 =	smul.u32 $0x27100, s7  }
0x8: {  	s31 =	sshll.u32 s0, $0x6;
	s10 =	smul.u32 $0x27800, s7;
	s7 =	ssub.s32 $0x2, s7  }
0x9: {  	_ =	strace $0x8000004D;
	s12 =	sadd.s32 s8, s6;
	s29 =	sshrl.u32 s7, $0x1  }
0xa: {  	s8 =	sshrl.u32 s28, $0x2;
	s5 =	sadd.s32 s4, s5;
	s4 =	sadd.s32 $0x70800, s6  }
0xb: {  	s9 =	sadd.s32 s9, s10;
	s30 =	ssub.s32 s7, s29;
	s13 =	sadd.s32 s8, s2  }
0xc: {  	s5 =	sshrl.u32 s5, $0x3;
	s9 =	sadd.s32 s9, s6;
	s8 =	smax.u32 s30, $0x1  }
0xd: {  	s11 =	sadd.s32 s5, s6;
	s5 =	sadd.s32 $0x6E000, s6;
	s6 =	sor.u32 $0x1C02, s31  }
0xe: {  	s7 =	sadd.s32 $0x184A00, s9;
	s9 =	sadd.s32 $0x10200, s12;
	s12 =	simm.s32 $0x2  }
0xf: {  	s10 =	sadd.s32 $0x15200, s11;
	s11 =	sshrl.u32 s13, $0x3;
	s13 =	simm.s32 $0x80  }
.LBB2_1:
0x10: {  	[spmem:s11], [sflag:s6] =	dma.local [hbm:s5], $0x2780  }
0x11: {  	_ =	swait.ge [sflag:s12], $0x2780  }
0x12: {  	[sflag:s12] =	ssyncset.done $0x0  }
0x13: {  	[sflag:s12] =	ssyncadd.s32 $0xFFFFD880  }
0x14: {  	s18 =	sadd.s32 $0x0, s10;
	[bflag:$0x0] =	sbarrier.arrive $0xFFFF  }
0x15: {  	[tilespmem:s3], [sflag:$0x2] =	stream.linear.gather [hbm4b:s18+s3], $0x50, $0x38;
	[tilespmem:$0x16500] =	vst v63  }
0x16: {  	_ =	swait.ge [sflag:s12], $0x50  }
0x17: {  	[sflag:s12] =	ssyncset.done $0x0  }
0x18: {  	s31 =	sadd.s32 $0x0, s9;
	[sflag:s12] =	ssyncadd.s32 $0xFFFFFFB0  }
0x19: {  	[tilespmem:s13], [sflag:$0x2] =	stream.linear.gather [hbm4b:s31+s3], $0x50, $0x38;
	[tilespmem:$0x16500] =	vst v63  }
0x1a: {  	_ =	swait.ge [sflag:s12], $0x50  }
0x1b: {  	[sflag:s12] =	ssyncset.done $0x0  }
0x1c: {  	[sflag:s12] =	ssyncadd.s32 $0xFFFFFFB0  }
0x1d: {  	[tilespmem:s15], [sflag:$0x1] =	stream.indirect.gather [hbm4b:s4+s14], $0x80, s3, s14, $0xb8;
	[tilespmem:$0x16500] =	vst v63  }
0x1e: {  	_ =	swait.ge [sflag:s16], $0x2800  }
0x1f: {  	[sflag:s16] =	ssyncset.done $0x0  }
0x20: {  	[sflag:s16] =	ssyncadd.s32 $0xFFFFD800  }
0x21: {  	[spmem:s2] =	stream.indirect.scatter.add.f32 [tilespmem:s15], [sflag:$0x2], $0x80, s13, s14, $0xb8;
	[tilespmem:$0x16500] =	vst v63  }
0x22: {  	_ =	swait.ge [sflag:s12], $0x2800  }
0x23: {  	s19 =	simm.s32 $0x14;
	s18 =	simm.s32 $0xA;
	[sflag:s12] =	ssyncset.done $0x0  }
.LBB2_2:
0x24: {  	s20 =	sadd.s32 s18, s10  }
0x25: {  	[sflag:s12] =	ssyncadd.s32 $0xFFFFD800;
	s21 =	smov.u32 s19;
	s22 =	sadd.s32 $0xA, s19  }
0x26: {  	[tilespmem:s3], [sflag:$0x2] =	stream.linear.gather [hbm4b:s20+s3], $0x50, $0x38;
	[tilespmem:$0x16500] =	vst v63  }
0x27: {  	p0 =	sne.s32 s19, $0x4D8;
	_ =	swait.ge [sflag:s12], $0x50  }
0x28: {  	[sflag:s12] =	ssyncset.done $0x0  }
0x29: {  	s19 =	sadd.s32 s18, s9;
	s18 =	smov.u32 s21;
	[sflag:s12] =	ssyncadd.s32 $0xFFFFFFB0  }
0x2a: {  	[tilespmem:s13], [sflag:$0x2] =	stream.linear.gather [hbm4b:s19+s3], $0x50, $0x38;
	[tilespmem:$0x16500] =	vst v63  }
0x2b: {  	_ =	swait.ge [sflag:s12], $0x50  }
0x2c: {  	[sflag:s12] =	ssyncset.done $0x0  }
0x2d: {  	[sflag:s12] =	ssyncadd.s32 $0xFFFFFFB0  }
0x2e: {  	[tilespmem:s15], [sflag:$0x1] =	stream.indirect.gather [hbm4b:s4+s14], $0x80, s3, s14, $0xb8;
	[tilespmem:$0x16500] =	vst v63  }
0x2f: {  	_ =	swait.ge [sflag:s16], $0x2800  }
.Ltmp0:
0x30: {  	[sflag:s16] =	ssyncset.done $0x0;
	(pc) =	sbr.rel @p0 .LBB2_2-.Ltmp0, $4  }
0x31: {  	[sflag:s16] =	ssyncadd.s32 $0xFFFFD800  }
0x32: {  	[spmem:s2] =	stream.indirect.scatter.add.f32 [tilespmem:s15], [sflag:$0x2], $0x80, s13, s14, $0xb8;
	[tilespmem:$0x16500] =	vst v63  }
0x33: {  	_ =	swait.ge [sflag:s12], $0x2800  }
0x34: {  	s19 =	smov.u32 s22;
	[sflag:s12] =	ssyncset.done $0x0  }
0x35: {  	s19 =	sadd.s32 s18, s10;
	[sflag:s12] =	ssyncadd.s32 $0xFFFFD800  }
0x36: {  	[tilespmem:s3], [sflag:$0x2] =	stream.linear.gather [hbm4b:s19+s3], $0x50, $0x38;
	[tilespmem:$0x16500] =	vst v63  }
0x37: {  	_ =	swait.ge [sflag:s12], $0x50  }
0x38: {  	[sflag:s12] =	ssyncset.done $0x0  }
0x39: {  	s31 =	sadd.s32 s18, s9;
	[sflag:s12] =	ssyncadd.s32 $0xFFFFFFB0  }
0x3a: {  	[tilespmem:s13], [sflag:$0x2] =	stream.linear.gather [hbm4b:s31+s3], $0x50, $0x38;
	[tilespmem:$0x16500] =	vst v63  }
0x3b: {  	_ =	swait.ge [sflag:s12], $0x50  }
0x3c: {  	[sflag:s12] =	ssyncset.done $0x0  }
0x3d: {  	[sflag:s12] =	ssyncadd.s32 $0xFFFFFFB0  }
0x3e: {  	[tilespmem:s15], [sflag:$0x1] =	stream.indirect.gather [hbm4b:s4+s14], $0x80, s3, s14, $0xb8;
	[tilespmem:$0x16500] =	vst v63  }
0x3f: {  	_ =	swait.ge [sflag:s16], $0x2800  }
0x40: {  	[sflag:s16] =	ssyncset.done $0x0  }
0x41: {  	[sflag:s16] =	ssyncadd.s32 $0xFFFFD800  }
0x42: {  	[spmem:s2] =	stream.indirect.scatter.add.f32 [tilespmem:s15], [sflag:$0x2], $0x80, s13, s14, $0xb8;
	[tilespmem:$0x16500] =	vst v63  }
0x43: {  	_ =	swait.ge [sflag:s12], $0x2800  }
0x44: {  	s17 =	sadd.s32 $0x1, s17;
	[sflag:s12] =	ssyncset.done $0x0  }
0x45: {  	p0 =	sne.s32 s17, s8;
	[sflag:s12] =	ssyncadd.s32 $0xFFFFD800  }
.Ltmp1:
0x46: {  	[bflag:$0x0] =	sbarrier.arrive $0xFFFF;
	(pc) =	sbr.rel @p0 .LBB2_1-.Ltmp1, $4  }
0x47: {  	[hbm:s7], [sflag:s6] =	dma.local [spmem:s11], $0x2780  }
0x48: {  	_ =	swait.ge [sflag:s12], $0x2780  }
0x49: {  	[sflag:s12] =	ssyncset.done $0x0  }
0x4a: {  	[sflag:s12] =	ssyncadd.s32 $0xFFFFD880  }
0x4b: {  	_ =	sfence.sel $0x180000  }
0x4c: {  	[bflag:$0x0] =	sbarrier.arrive $0xFFFF  }
0x4d: {  	p0 =	sne.s32 s0, $0x0;
	_ =	strace $0x9000004D  }
0x4e: {  	s0 =	sadd.s32 @!p0 $0x100000, s1;
	[bflag:$0x2] =	sbarrier.arrive $0xFFFF  }
0x4f: {  	[sflag:s0] =	ssyncadd.tile.s32 @!p0 $0x1;
	_ =	shalt  }
.Lfunc_end2:
_tile_overlayer_lowered:
.L_overlay_start_2:
0x50: {  	(tag) =	ssettag $0x2  }
0x51: {  	s0 =	rddreg [dreg:$0x0];
	s2 =	stileid.u32  }
0x52: {  	s1 =	rddreg [dreg:$0x1];
	p0 =	sne.s32 s2, $0x0  }
0x53: {  	s3 =	rddreg [dreg:$0x2];
	[bflag:$0x3] =	sbarrier.arrive $0xFFFF;
	s2 =	simm.s32 @!p0 $0x1C02  }
0x54: {  	[timem:s3], [sflag:s2] =	dma.local @!p0 [hbm:s0], s1  }
0x55: {  	s0 =	simm.s32 @!p0 $0x2  }
0x56: {  	_ =	swait.ge @!p0 [sflag:s0], s1  }
0x57: {  	s1 =	ssub.s32 @!p0 $0x0, s1;
	[sflag:s0] =	ssyncset.done @!p0 $0x0  }
0x58: {  	[sflag:s0] =	ssyncadd.s32 @!p0 s1  }
0x59: {  	[bflag:$0x3] =	sbarrier.arrive $0xFFFF  }
0x5a: {  	_ =	shalt  }

// kernel: kernel.37.cloned.1.call-start
scs
__scs_entry_jumppad:
0x0: {  	(pc) =	sbr.rel $0x88, $3  }
0x1: {  	(tag) =	ssettag $0x0;
	lr =	simm.s32 $0x1  }
0x2: {  	[smem:$0x3F95] =	sst lr;
	_ =	strace $0xD0000000  }
0x3: {  	_ = 	snop  }
0x4: {  	_ = 	snop  }
0x5: {  	_ = 	snop  }
0x6: {  	_ = 	snop  }
0x7: {  	_ = 	snop  }
__scs_overlays_trampoline_lowered:
0x8: {  	[smem:$0x3FA4] =	sst s0  }
0x9: {  	[smem:$0x3FA5] =	sst s1  }
0xa: {  	[smem:$0x3FA6] =	sst s2  }
0xb: {  	[smem:$0x3FA7] =	sst s3  }
0xc: {  	[smem:$0x3FA8] =	sst s4  }
0xd: {  	[smem:$0x3FA9] =	sst s5  }
0xe: {  	[smem:$0x3FAA] =	sst s6  }
0xf: {  	[smem:$0x3FAB] =	sst s7  }
0x10: {  	[smem:$0x3FAC] =	sst s8  }
0x11: {  	[smem:$0x3FAD] =	sst s9;
	s0 =	simm.s32 @!p0 $0x0  }
0x12: {  	s1 =	sld [smem:$0x3F93];
	s0 =	simm.s32 @p0 $0x1  }
0x13: {  	[smem:$0x3FAE] =	sst s0;
	s0 =	simm.s32 @!p1 $0x0  }
0x14: {  	s2 =	sld [smem:$0x3F92];
	s0 =	simm.s32 @p1 $0x1  }
0x15: {  	[smem:$0x3FAF] =	sst s0;
	s0 =	simm.s32 @!p2 $0x0  }
0x16: {  	s3 =	sld [smem:$0x3FDB];
	s0 =	simm.s32 @p2 $0x1  }
0x17: {  	s4 =	simm.s32 $0x1BF5;
	[smem:$0x3FB1] =	sst s0  }
0x18: {  	s0 =	sld [smem:$0x3F94];
	_ =	swait.ge [sflag:s4], $0x0  }
0x19: {  	s7 =	sld [smem:$0x3F95]  }
0x1a: {  	s8 =	sadd.s32 $0xFFFFE003, lr  }
0x1b: {  	s9 =	sadd.s32 $0xFFFFFEF7, lr;
	s5 =	simm.s32 $0xFFFFFFFF;
	p2 =	slt.u32 s8, $0xFFFFF086  }
0x1c: {  	p1 =	slt.u32 s9, $0xF7A;
	s5 =	simm.s32 @!p2 $0x0  }
0x1d: {  	s5 =	simm.s32 @p1 $0x1;
	p0 =	seq.s32 s7, s2  }
0x1e: {  	s7 =	smul.u32 @!p0 $0xF7A, s2;
	p2 =	seq.s32 @!p0 s5, $0x0  }
0x1f: {  	s9 =	smul.u32 $0xF7A, s1;
	s8 =	simm.s32 @!p0 $0x1BF5;
	p2 =	por !p2, p0  }
0x20: {  	[sflag:s8] =	ssyncset.s32 @!p0 $0xFFFFF086;
	s6 =	sadd.s32 @!p0 s3, s7;
	s7 =	simm.s32 @!p0 $0x108  }
0x21: {  	s3 =	sadd.s32 s3, s9;
	s6 =	sadd.s32 @!p0 $0x88, s6;
	s7 =	simm.s32 @p2 $0x1082  }
0x22: {  	[simem:s7], [sflag:s8] =	dma.local @!p0 [hbm:s6], $0xF7A  }
0x23: {  	s9 =	sor.u32 $0xD0000000, s2;
	s6 =	simm.s32 $0x108;
	_ =	swait.ge @!p0 [sflag:s8], $0x0  }
0x24: {  	s3 =	sadd.s32 $0x88, s3;
	s6 =	simm.s32 @!p1 $0x1082;
	[sflag:s4] =	ssyncset.s32 $0xFFFFF086  }
0x25: {  	[simem:s6], [sflag:s4] =	dma.local [hbm:s3], $0xF7A  }
0x26: {  	[smem:$0x3F95] =	sst s1;
	(tag) =	ssettag s2;
	_ =	strace s9  }
0x27: {  	s1 =	sld [smem:$0x3FA5]  }
0x28: {  	s2 =	sld [smem:$0x3FA6]  }
0x29: {  	s4 =	sld [smem:$0x3FA8]  }
0x2a: {  	p0 =	seq.s32 s5, $0x0;
	s5 =	sld [smem:$0x3FA9]  }
0x2b: {  	s6 =	sld [smem:$0x3FAA]  }
0x2c: {  	s7 =	sld [smem:$0x3FAB]  }
0x2d: {  	s3 =	simm.s32 $0x108;
	s8 =	sld [smem:$0x3FAC]  }
0x2e: {  	s3 =	simm.s32 @!p0 $0x1082;
	s9 =	sld [smem:$0x3FAD]  }
0x2f: {  	lr =	sadd.s32 s0, s3;
	s0 =	sld [smem:$0x3FA4]  }
0x30: {  	s3 =	sld [smem:$0x3FA7]  }
0x31: {  	[smem:$0x3FB0] =	sst s10  }
0x32: {  	s10 =	sld [smem:$0x3FAE];
	_ =	sdelay $0x3  }
0x33: {  	p0 =	seq.s32 s10, $0x1;
	s10 =	sld [smem:$0x3FB0];
	_ =	sdelay $0x3  }
0x34: {  	[smem:$0x3FB0] =	sst s10  }
0x35: {  	s10 =	sld [smem:$0x3FAF];
	_ =	sdelay $0x3  }
0x36: {  	p1 =	seq.s32 s10, $0x1;
	s10 =	sld [smem:$0x3FB0];
	_ =	sdelay $0x3  }
0x37: {  	[smem:$0x3FB0] =	sst s10  }
0x38: {  	s10 =	sld [smem:$0x3FB1]  }
0x39: {  	_ = 	snop;
	(pc) =	sbr.ind lr, $3  }
0x3a: {  	_ = 	snop  }
0x3b: {  	_ = 	snop  }
0x3c: {  	p2 =	seq.s32 s10, $0x1;
	s10 =	sld [smem:$0x3FB0]  }
0x3d: {  	_ =	shalt  }
0x3e: {  	_ =	shalt  }
0x3f: {  	_ =	shalt  }
0x40: {  	_ =	shalt  }
0x41: {  	_ =	shalt  }
0x42: {  	_ =	shalt  }
0x43: {  	_ =	shalt  }
0x44: {  	_ =	shalt  }
0x45: {  	_ =	shalt  }
0x46: {  	_ =	shalt  }
0x47: {  	_ =	shalt  }
0x48: {  	_ =	shalt  }
0x49: {  	_ =	shalt  }
0x4a: {  	_ =	shalt  }
0x4b: {  	_ =	shalt  }
0x4c: {  	_ =	shalt  }
0x4d: {  	_ =	shalt  }
0x4e: {  	_ =	shalt  }
0x4f: {  	_ =	shalt  }
0x50: {  	_ =	shalt  }
0x51: {  	_ =	shalt  }
0x52: {  	_ =	shalt  }
0x53: {  	_ =	shalt  }
0x54: {  	_ =	shalt  }
0x55: {  	_ =	shalt  }
0x56: {  	_ =	shalt  }
0x57: {  	_ =	shalt  }
0x58: {  	_ =	shalt  }
0x59: {  	_ =	shalt  }
0x5a: {  	_ =	shalt  }
0x5b: {  	_ =	shalt  }
0x5c: {  	_ =	shalt  }
0x5d: {  	_ =	shalt  }
0x5e: {  	_ =	shalt  }
0x5f: {  	_ =	shalt  }
0x60: {  	_ =	shalt  }
0x61: {  	_ =	shalt  }
0x62: {  	_ =	shalt  }
0x63: {  	_ =	shalt  }
0x64: {  	_ =	shalt  }
0x65: {  	_ =	shalt  }
0x66: {  	_ =	shalt  }
0x67: {  	_ =	shalt  }
0x68: {  	_ =	shalt  }
0x69: {  	_ =	shalt  }
0x6a: {  	_ =	shalt  }
0x6b: {  	_ =	shalt  }
0x6c: {  	_ =	shalt  }
0x6d: {  	_ =	shalt  }
0x6e: {  	_ =	shalt  }
0x6f: {  	_ =	shalt  }
0x70: {  	_ =	shalt  }
0x71: {  	_ =	shalt  }
0x72: {  	_ =	shalt  }
0x73: {  	_ =	shalt  }
0x74: {  	_ =	shalt  }
0x75: {  	_ =	shalt  }
0x76: {  	_ =	shalt  }
0x77: {  	_ =	shalt  }
0x78: {  	_ =	shalt  }
0x79: {  	_ =	shalt  }
0x7a: {  	_ =	shalt  }
0x7b: {  	_ =	shalt  }
0x7c: {  	_ =	shalt  }
0x7d: {  	_ =	shalt  }
0x7e: {  	_ =	shalt  }
0x7f: {  	_ =	shalt  }
0x80: {  	_ =	shalt  }
0x81: {  	_ =	shalt  }
0x82: {  	_ =	shalt  }
0x83: {  	_ =	shalt  }
0x84: {  	_ =	shalt  }
0x85: {  	_ =	shalt  }
0x86: {  	_ =	shalt  }
0x87: {  	_ =	shalt  }
.Lfunc_end0:
.L_simem_size_0:
called_computation.3_lowered:
.L_overlay_start_0:
0x88: {  	s2 =	sld [smem:$0x3FD9]  }
0x89: {  	s3 =	sld [smem:$0x3FFE];
	_ =	sdelay $0x1  }
0x8a: {  	s1 =	srdreg.scid  }
0x8b: {  	s0 =	sand.u32 $0x1, s1  }
0x8c: {  	s16 =	sshll.u32 s0, $0xA;
	s2 =	sadd.s32 s3, s2  }
0x8d: {  	s2 =	sadd.s32 s2, s16  }
0x8e: {  	[smem:$0x3FBC] =	sst s2  }
0x8f: {  	_ = 	snop  }
0x90: {  	(tm) =	ssettm $0x1  }
0x91: {  	s17 =	sld [smem:$0x3FFB];
	_ =	sdelay $0x3  }
0x92: {  	_ =	strace s17  }
0x93: {  	s2 =	sld [smem:$0x3FFC];
	_ =	sdelay $0x3  }
0x94: {  	_ =	strace s2  }
0x95: {  	s2 =	sld [smem:$0x3FFD];
	_ =	sdelay $0x3  }
0x96: {  	_ =	strace s2  }
0x97: {  	_ =	strace $0x8FFFFFFF  }
0x98: {  	s18 =	sld [smem:$0x3FDB];
	_ =	sdelay $0x1  }
0x99: {  	s19 =	simm.s32 $_scs_section_size  }
0x9a: {  	s4 =	simm.s32 $_size__tile_overlayer_lowered;
	s5 =	simm.s32 $_tile_overlayer_lowered  }
0x9b: {  	s22 =	simm.s32 $0x1BFF;
	s21 =	sshll.u32 s5, $0x1;
	s2 =	sadd.s32 s19, s18  }
0x9c: {  	s6 =	simm.s32 $0x0;
	s20 =	sshll.u32 s4, $0x1;
	s4 =	sadd.s32 s21, s2  }
0x9d: {  	[timem:s6], [sflag:s22] =	dma.local [hbm:s4], s20  }
0x9e: {  	_ =	swait.ge [sflag:s22], s20  }
0x9f: {  	s3 =	ssub.s32 $0x0, s20;
	[sflag:s22] =	ssyncset.done $0x0  }
0xa0: {  	[sflag:s22] =	ssyncadd.s32 s3;
	_ =	sdelay $0x1  }
0xa1: {  	s23 =	simm.s32 $0x1B8B  }
0xa2: {  	_ =	swait.ge [sflag:s23], $0x1  }
0xa3: {  	[sflag:s23] =	ssyncset.done $0x0  }
0xa4: {  	s25 =	simm.s32 $0x1B8E;
	s24 =	sld [smem:$0x3FFE];
	[sflag:s23] =	ssyncadd.s32 $0xFFFFFFFF  }
0xa5: {  	s26 =	simm.s32 $execute0_lowered;
	[smem:$0x3FD2] =	sst s25  }
0xa6: {  	s4 =	sshll.u32 s26, $0x1;
	_ =	strace $0x8000004F;
	[dreg:$0x1] =	wrdreg $0xFFFFFFFF  }
0xa7: {  	s28 =	simm.s32 $_size_execute0_lowered;
	s2 =	sadd.s32 s2, s4;
	[dreg:$0x0] =	wrdreg $0x0  }
0xa8: {  	s4 =	sshll.u32 s28, $0x1;
	[dreg:$0x2] =	wrdreg s2  }
0xa9: {  	[dreg:$0x3] =	wrdreg s4  }
0xaa: {  	[dreg:$0x4] =	wrdreg $0xC0  }
0xab: {  	_ =	task [dreg:s6], $0x5FFFF  }
0xac: {  	[dreg:$0x1] =	wrdreg $0xFFFFFFFF  }
0xad: {  	[dreg:$0x0] =	wrdreg $0x60  }
0xae: {  	[dreg:$0x2] =	wrdreg s24  }
0xaf: {  	[dreg:$0x3] =	wrdreg $0x29000  }
0xb0: {  	[dreg:$0x4] =	wrdreg $0x9  }
0xb1: {  	_ =	task.clear_ibuf [dreg:s6], $0x5FFFF;
	_ =	strace $0x9000004F  }
0xb2: {  	s29 =	simm.s32 $0x9;
	_ =	strace $0x80000051  }
0xb3: {  	_ =	swait.ge [sflag:s29], $0x1  }
0xb4: {  	[sflag:s29] =	ssyncadd.s32 $0xFFFFFFFF  }
0xb5: {  	_ =	strace $0x90000051  }
0xb6: {  	_ =	sfence  }
0xb7: {  	s30 =	sld [smem:$0x0];
	_ =	sdelay $0x2  }
0xb8: {  	s31 =	sshll.u32 s1, $0xD;
	s1 =	sshrl.u32 s1, $0x2  }
0xb9: {  	s3 =	sand.u32 $0x4000, s31;
	s1 =	sadd.s32 s1, s30  }
0xba: {  	s0 =	sor.u32 s3, s0;
	s1 =	sshll.u32 s1, $0x11  }
0xbb: {  	s0 =	sor.u32 s1, s0  }
0xbc: {  	s0 =	sadd.s32 $0x8F2B, s0  }
0xbd: {  	[sflag:s0] =	ssyncadd.remote.s32 $0x1  }
0xbe: {  	_ =	sfence.sel $0xFFFF  }
0xbf: {  	[dreg:$0x0] =	wrdreg $0xFFFFFFFF;
	(pc) =	sbr.abs _section_cstart, $3  }
0xc0: {  	[dreg:$0x1] =	wrdreg $0xFFFFFFFF  }
0xc1: {  	_ =	task.clear_ibuf [dreg:s6], $0x2FFFF;
	_ =	strace $0x9FFFFFFF  }
0xc2: {  	(tm) =	ssettm $0x7FFFFFFF  }
0xc3: {  	_ =	shalt  }
tec
execute0_lowered:
.L_overlay_start_1:
0x0: {  	(tag) =	ssettag $0x1  }
0x1: {  	s6 =	rddreg [dreg:$0x0]  }
0x2: {  	s1 =	srdreg.scid;
	s0 =	stileid.u32  }
0x3: {  	s2 =	rddreg [dreg:$0x1];
	s4 =	smul.u32 $0x2710, s0  }
0x4: {  	s3 =	simm.s32 $0x0;
	s14 =	simm.s32 $0x50;
	s8 =	smul.u32 $0x4E2, s0  }
0x5: {  	s15 =	simm.s32 $0x100;
	s16 =	simm.s32 $0x1;
	s9 =	smul.u32 $0x2780, s0  }
0x6: {  	s7 =	sand.u32 $0x1, s1;
	s1 =	rddreg [dreg:$0x2];
	s28 =	smul.u32 $0x4F000, s0  }
0x7: {  	s17 =	simm.s32 $0x0;
	[smem:$0x7FF] =	sst s3;
	s5 =	smul.u32 $0x27100, s7  }
0x8: {  	s31 =	sshll.u32 s0, $0x6;
	s10 =	smul.u32 $0x27800, s7;
	s7 =	ssub.s32 $0x2, s7  }
0x9: {  	_ =	strace $0x80000050;
	s12 =	sadd.s32 s8, s6;
	s29 =	sshrl.u32 s7, $0x1  }
0xa: {  	s8 =	sshrl.u32 s28, $0x2;
	s5 =	sadd.s32 s4, s5;
	s4 =	sadd.s32 $0x70800, s6  }
0xb: {  	s9 =	sadd.s32 s9, s10;
	s30 =	ssub.s32 s7, s29;
	s13 =	sadd.s32 s8, s2  }
0xc: {  	s5 =	sshrl.u32 s5, $0x3;
	s9 =	sadd.s32 s9, s6;
	s8 =	smax.u32 s30, $0x1  }
0xd: {  	s11 =	sadd.s32 s5, s6;
	s5 =	sadd.s32 $0x6E000, s6;
	s6 =	sor.u32 $0x1C02, s31  }
0xe: {  	s7 =	sadd.s32 $0x1D3A00, s9;
	s9 =	sadd.s32 $0x10200, s12;
	s12 =	simm.s32 $0x2  }
0xf: {  	s10 =	sadd.s32 $0x15200, s11;
	s11 =	sshrl.u32 s13, $0x3;
	s13 =	simm.s32 $0x80  }
.LBB2_1:
0x10: {  	[spmem:s11], [sflag:s6] =	dma.local [hbm:s5], $0x2780  }
0x11: {  	_ =	swait.ge [sflag:s12], $0x2780  }
0x12: {  	[sflag:s12] =	ssyncset.done $0x0  }
0x13: {  	[sflag:s12] =	ssyncadd.s32 $0xFFFFD880  }
0x14: {  	s18 =	sadd.s32 $0x0, s10;
	[bflag:$0x0] =	sbarrier.arrive $0xFFFF  }
0x15: {  	[tilespmem:s3], [sflag:$0x2] =	stream.linear.gather [hbm4b:s18+s3], $0x50, $0x38;
	[tilespmem:$0x16500] =	vst v63  }
0x16: {  	_ =	swait.ge [sflag:s12], $0x50  }
0x17: {  	[sflag:s12] =	ssyncset.done $0x0  }
0x18: {  	s31 =	sadd.s32 $0x0, s9;
	[sflag:s12] =	ssyncadd.s32 $0xFFFFFFB0  }
0x19: {  	[tilespmem:s13], [sflag:$0x2] =	stream.linear.gather [hbm4b:s31+s3], $0x50, $0x38;
	[tilespmem:$0x16500] =	vst v63  }
0x1a: {  	_ =	swait.ge [sflag:s12], $0x50  }
0x1b: {  	[sflag:s12] =	ssyncset.done $0x0  }
0x1c: {  	[sflag:s12] =	ssyncadd.s32 $0xFFFFFFB0  }
0x1d: {  	[tilespmem:s15], [sflag:$0x1] =	stream.indirect.gather [hbm4b:s4+s14], $0x80, s3, s14, $0xb8;
	[tilespmem:$0x16500] =	vst v63  }
0x1e: {  	_ =	swait.ge [sflag:s16], $0x2800  }
0x1f: {  	[sflag:s16] =	ssyncset.done $0x0  }
0x20: {  	[sflag:s16] =	ssyncadd.s32 $0xFFFFD800  }
0x21: {  	[spmem:s2] =	stream.indirect.scatter.add.f32 [tilespmem:s15], [sflag:$0x2], $0x80, s13, s14, $0xb8;
	[tilespmem:$0x16500] =	vst v63  }
0x22: {  	_ =	swait.ge [sflag:s12], $0x2800  }
0x23: {  	s19 =	simm.s32 $0x14;
	s18 =	simm.s32 $0xA;
	[sflag:s12] =	ssyncset.done $0x0  }
.LBB2_2:
0x24: {  	s20 =	sadd.s32 s18, s10  }
0x25: {  	[sflag:s12] =	ssyncadd.s32 $0xFFFFD800;
	s21 =	smov.u32 s19;
	s22 =	sadd.s32 $0xA, s19  }
0x26: {  	[tilespmem:s3], [sflag:$0x2] =	stream.linear.gather [hbm4b:s20+s3], $0x50, $0x38;
	[tilespmem:$0x16500] =	vst v63  }
0x27: {  	p0 =	sne.s32 s19, $0x4D8;
	_ =	swait.ge [sflag:s12], $0x50  }
0x28: {  	[sflag:s12] =	ssyncset.done $0x0  }
0x29: {  	s19 =	sadd.s32 s18, s9;
	s18 =	smov.u32 s21;
	[sflag:s12] =	ssyncadd.s32 $0xFFFFFFB0  }
0x2a: {  	[tilespmem:s13], [sflag:$0x2] =	stream.linear.gather [hbm4b:s19+s3], $0x50, $0x38;
	[tilespmem:$0x16500] =	vst v63  }
0x2b: {  	_ =	swait.ge [sflag:s12], $0x50  }
0x2c: {  	[sflag:s12] =	ssyncset.done $0x0  }
0x2d: {  	[sflag:s12] =	ssyncadd.s32 $0xFFFFFFB0  }
0x2e: {  	[tilespmem:s15], [sflag:$0x1] =	stream.indirect.gather [hbm4b:s4+s14], $0x80, s3, s14, $0xb8;
	[tilespmem:$0x16500] =	vst v63  }
0x2f: {  	_ =	swait.ge [sflag:s16], $0x2800  }
.Ltmp0:
0x30: {  	[sflag:s16] =	ssyncset.done $0x0;
	(pc) =	sbr.rel @p0 .LBB2_2-.Ltmp0, $4  }
0x31: {  	[sflag:s16] =	ssyncadd.s32 $0xFFFFD800  }
0x32: {  	[spmem:s2] =	stream.indirect.scatter.add.f32 [tilespmem:s15], [sflag:$0x2], $0x80, s13, s14, $0xb8;
	[tilespmem:$0x16500] =	vst v63  }
0x33: {  	_ =	swait.ge [sflag:s12], $0x2800  }
0x34: {  	s19 =	smov.u32 s22;
	[sflag:s12] =	ssyncset.done $0x0  }
0x35: {  	s19 =	sadd.s32 s18, s10;
	[sflag:s12] =	ssyncadd.s32 $0xFFFFD800  }
0x36: {  	[tilespmem:s3], [sflag:$0x2] =	stream.linear.gather [hbm4b:s19+s3], $0x50, $0x38;
	[tilespmem:$0x16500] =	vst v63  }
0x37: {  	_ =	swait.ge [sflag:s12], $0x50  }
0x38: {  	[sflag:s12] =	ssyncset.done $0x0  }
0x39: {  	s31 =	sadd.s32 s18, s9;
	[sflag:s12] =	ssyncadd.s32 $0xFFFFFFB0  }
0x3a: {  	[tilespmem:s13], [sflag:$0x2] =	stream.linear.gather [hbm4b:s31+s3], $0x50, $0x38;
	[tilespmem:$0x16500] =	vst v63  }
0x3b: {  	_ =	swait.ge [sflag:s12], $0x50  }
0x3c: {  	[sflag:s12] =	ssyncset.done $0x0  }
0x3d: {  	[sflag:s12] =	ssyncadd.s32 $0xFFFFFFB0  }
0x3e: {  	[tilespmem:s15], [sflag:$0x1] =	stream.indirect.gather [hbm4b:s4+s14], $0x80, s3, s14, $0xb8;
	[tilespmem:$0x16500] =	vst v63  }
0x3f: {  	_ =	swait.ge [sflag:s16], $0x2800  }
0x40: {  	[sflag:s16] =	ssyncset.done $0x0  }
0x41: {  	[sflag:s16] =	ssyncadd.s32 $0xFFFFD800  }
0x42: {  	[spmem:s2] =	stream.indirect.scatter.add.f32 [tilespmem:s15], [sflag:$0x2], $0x80, s13, s14, $0xb8;
	[tilespmem:$0x16500] =	vst v63  }
0x43: {  	_ =	swait.ge [sflag:s12], $0x2800  }
0x44: {  	s17 =	sadd.s32 $0x1, s17;
	[sflag:s12] =	ssyncset.done $0x0  }
0x45: {  	p0 =	sne.s32 s17, s8;
	[sflag:s12] =	ssyncadd.s32 $0xFFFFD800  }
.Ltmp1:
0x46: {  	[bflag:$0x0] =	sbarrier.arrive $0xFFFF;
	(pc) =	sbr.rel @p0 .LBB2_1-.Ltmp1, $4  }
0x47: {  	[hbm:s7], [sflag:s6] =	dma.local [spmem:s11], $0x2780  }
0x48: {  	_ =	swait.ge [sflag:s12], $0x2780  }
0x49: {  	[sflag:s12] =	ssyncset.done $0x0  }
0x4a: {  	[sflag:s12] =	ssyncadd.s32 $0xFFFFD880  }
0x4b: {  	_ =	sfence.sel $0x180000  }
0x4c: {  	[bflag:$0x0] =	sbarrier.arrive $0xFFFF  }
0x4d: {  	p0 =	sne.s32 s0, $0x0;
	_ =	strace $0x90000050  }
0x4e: {  	s0 =	sadd.s32 @!p0 $0x100000, s1;
	[bflag:$0x2] =	sbarrier.arrive $0xFFFF  }
0x4f: {  	[sflag:s0] =	ssyncadd.tile.s32 @!p0 $0x1;
	_ =	shalt  }
.Lfunc_end2:
_tile_overlayer_lowered:
.L_overlay_start_2:
0x50: {  	(tag) =	ssettag $0x2  }
0x51: {  	s0 =	rddreg [dreg:$0x0];
	s2 =	stileid.u32  }
0x52: {  	s1 =	rddreg [dreg:$0x1];
	p0 =	sne.s32 s2, $0x0  }
0x53: {  	s3 =	rddreg [dreg:$0x2];
	[bflag:$0x3] =	sbarrier.arrive $0xFFFF;
	s2 =	simm.s32 @!p0 $0x1C02  }
0x54: {  	[timem:s3], [sflag:s2] =	dma.local @!p0 [hbm:s0], s1  }
0x55: {  	s0 =	simm.s32 @!p0 $0x2  }
0x56: {  	_ =	swait.ge @!p0 [sflag:s0], s1  }
0x57: {  	s1 =	ssub.s32 @!p0 $0x0, s1;
	[sflag:s0] =	ssyncset.done @!p0 $0x0  }
0x58: {  	[sflag:s0] =	ssyncadd.s32 @!p0 s1  }
0x59: {  	[bflag:$0x3] =	sbarrier.arrive $0xFFFF  }
0x5a: {  	_ =	shalt  }

// kernel: kernel.40.cloned.1.call-start
scs
__scs_entry_jumppad:
0x0: {  	(pc) =	sbr.rel $0x88, $3  }
0x1: {  	(tag) =	ssettag $0x0;
	lr =	simm.s32 $0x1  }
0x2: {  	[smem:$0x3F95] =	sst lr;
	_ =	strace $0xD0000000  }
0x3: {  	_ = 	snop  }
0x4: {  	_ = 	snop  }
0x5: {  	_ = 	snop  }
0x6: {  	_ = 	snop  }
0x7: {  	_ = 	snop  }
__scs_overlays_trampoline_lowered:
0x8: {  	[smem:$0x3FA4] =	sst s0  }
0x9: {  	[smem:$0x3FA5] =	sst s1  }
0xa: {  	[smem:$0x3FA6] =	sst s2  }
0xb: {  	[smem:$0x3FA7] =	sst s3  }
0xc: {  	[smem:$0x3FA8] =	sst s4  }
0xd: {  	[smem:$0x3FA9] =	sst s5  }
0xe: {  	[smem:$0x3FAA] =	sst s6  }
0xf: {  	[smem:$0x3FAB] =	sst s7  }
0x10: {  	[smem:$0x3FAC] =	sst s8  }
0x11: {  	[smem:$0x3FAD] =	sst s9;
	s0 =	simm.s32 @!p0 $0x0  }
0x12: {  	s1 =	sld [smem:$0x3F93];
	s0 =	simm.s32 @p0 $0x1  }
0x13: {  	[smem:$0x3FAE] =	sst s0;
	s0 =	simm.s32 @!p1 $0x0  }
0x14: {  	s2 =	sld [smem:$0x3F92];
	s0 =	simm.s32 @p1 $0x1  }
0x15: {  	[smem:$0x3FAF] =	sst s0;
	s0 =	simm.s32 @!p2 $0x0  }
0x16: {  	s3 =	sld [smem:$0x3FDB];
	s0 =	simm.s32 @p2 $0x1  }
0x17: {  	s4 =	simm.s32 $0x1BF5;
	[smem:$0x3FB1] =	sst s0  }
0x18: {  	s0 =	sld [smem:$0x3F94];
	_ =	swait.ge [sflag:s4], $0x0  }
0x19: {  	s7 =	sld [smem:$0x3F95]  }
0x1a: {  	s8 =	sadd.s32 $0xFFFFE003, lr  }
0x1b: {  	s9 =	sadd.s32 $0xFFFFFEF7, lr;
	s5 =	simm.s32 $0xFFFFFFFF;
	p2 =	slt.u32 s8, $0xFFFFF086  }
0x1c: {  	p1 =	slt.u32 s9, $0xF7A;
	s5 =	simm.s32 @!p2 $0x0  }
0x1d: {  	s5 =	simm.s32 @p1 $0x1;
	p0 =	seq.s32 s7, s2  }
0x1e: {  	s7 =	smul.u32 @!p0 $0xF7A, s2;
	p2 =	seq.s32 @!p0 s5, $0x0  }
0x1f: {  	s9 =	smul.u32 $0xF7A, s1;
	s8 =	simm.s32 @!p0 $0x1BF5;
	p2 =	por !p2, p0  }
0x20: {  	[sflag:s8] =	ssyncset.s32 @!p0 $0xFFFFF086;
	s6 =	sadd.s32 @!p0 s3, s7;
	s7 =	simm.s32 @!p0 $0x108  }
0x21: {  	s3 =	sadd.s32 s3, s9;
	s6 =	sadd.s32 @!p0 $0x88, s6;
	s7 =	simm.s32 @p2 $0x1082  }
0x22: {  	[simem:s7], [sflag:s8] =	dma.local @!p0 [hbm:s6], $0xF7A  }
0x23: {  	s9 =	sor.u32 $0xD0000000, s2;
	s6 =	simm.s32 $0x108;
	_ =	swait.ge @!p0 [sflag:s8], $0x0  }
0x24: {  	s3 =	sadd.s32 $0x88, s3;
	s6 =	simm.s32 @!p1 $0x1082;
	[sflag:s4] =	ssyncset.s32 $0xFFFFF086  }
0x25: {  	[simem:s6], [sflag:s4] =	dma.local [hbm:s3], $0xF7A  }
0x26: {  	[smem:$0x3F95] =	sst s1;
	(tag) =	ssettag s2;
	_ =	strace s9  }
0x27: {  	s1 =	sld [smem:$0x3FA5]  }
0x28: {  	s2 =	sld [smem:$0x3FA6]  }
0x29: {  	s4 =	sld [smem:$0x3FA8]  }
0x2a: {  	p0 =	seq.s32 s5, $0x0;
	s5 =	sld [smem:$0x3FA9]  }
0x2b: {  	s6 =	sld [smem:$0x3FAA]  }
0x2c: {  	s7 =	sld [smem:$0x3FAB]  }
0x2d: {  	s3 =	simm.s32 $0x108;
	s8 =	sld [smem:$0x3FAC]  }
0x2e: {  	s3 =	simm.s32 @!p0 $0x1082;
	s9 =	sld [smem:$0x3FAD]  }
0x2f: {  	lr =	sadd.s32 s0, s3;
	s0 =	sld [smem:$0x3FA4]  }
0x30: {  	s3 =	sld [smem:$0x3FA7]  }
0x31: {  	[smem:$0x3FB0] =	sst s10  }
0x32: {  	s10 =	sld [smem:$0x3FAE];
	_ =	sdelay $0x3  }
0x33: {  	p0 =	seq.s32 s10, $0x1;
	s10 =	sld [smem:$0x3FB0];
	_ =	sdelay $0x3  }
0x34: {  	[smem:$0x3FB0] =	sst s10  }
0x35: {  	s10 =	sld [smem:$0x3FAF];
	_ =	sdelay $0x3  }
0x36: {  	p1 =	seq.s32 s10, $0x1;
	s10 =	sld [smem:$0x3FB0];
	_ =	sdelay $0x3  }
0x37: {  	[smem:$0x3FB0] =	sst s10  }
0x38: {  	s10 =	sld [smem:$0x3FB1]  }
0x39: {  	_ = 	snop;
	(pc) =	sbr.ind lr, $3  }
0x3a: {  	_ = 	snop  }
0x3b: {  	_ = 	snop  }
0x3c: {  	p2 =	seq.s32 s10, $0x1;
	s10 =	sld [smem:$0x3FB0]  }
0x3d: {  	_ =	shalt  }
0x3e: {  	_ =	shalt  }
0x3f: {  	_ =	shalt  }
0x40: {  	_ =	shalt  }
0x41: {  	_ =	shalt  }
0x42: {  	_ =	shalt  }
0x43: {  	_ =	shalt  }
0x44: {  	_ =	shalt  }
0x45: {  	_ =	shalt  }
0x46: {  	_ =	shalt  }
0x47: {  	_ =	shalt  }
0x48: {  	_ =	shalt  }
0x49: {  	_ =	shalt  }
0x4a: {  	_ =	shalt  }
0x4b: {  	_ =	shalt  }
0x4c: {  	_ =	shalt  }
0x4d: {  	_ =	shalt  }
0x4e: {  	_ =	shalt  }
0x4f: {  	_ =	shalt  }
0x50: {  	_ =	shalt  }
0x51: {  	_ =	shalt  }
0x52: {  	_ =	shalt  }
0x53: {  	_ =	shalt  }
0x54: {  	_ =	shalt  }
0x55: {  	_ =	shalt  }
0x56: {  	_ =	shalt  }
0x57: {  	_ =	shalt  }
0x58: {  	_ =	shalt  }
0x59: {  	_ =	shalt  }
0x5a: {  	_ =	shalt  }
0x5b: {  	_ =	shalt  }
0x5c: {  	_ =	shalt  }
0x5d: {  	_ =	shalt  }
0x5e: {  	_ =	shalt  }
0x5f: {  	_ =	shalt  }
0x60: {  	_ =	shalt  }
0x61: {  	_ =	shalt  }
0x62: {  	_ =	shalt  }
0x63: {  	_ =	shalt  }
0x64: {  	_ =	shalt  }
0x65: {  	_ =	shalt  }
0x66: {  	_ =	shalt  }
0x67: {  	_ =	shalt  }
0x68: {  	_ =	shalt  }
0x69: {  	_ =	shalt  }
0x6a: {  	_ =	shalt  }
0x6b: {  	_ =	shalt  }
0x6c: {  	_ =	shalt  }
0x6d: {  	_ =	shalt  }
0x6e: {  	_ =	shalt  }
0x6f: {  	_ =	shalt  }
0x70: {  	_ =	shalt  }
0x71: {  	_ =	shalt  }
0x72: {  	_ =	shalt  }
0x73: {  	_ =	shalt  }
0x74: {  	_ =	shalt  }
0x75: {  	_ =	shalt  }
0x76: {  	_ =	shalt  }
0x77: {  	_ =	shalt  }
0x78: {  	_ =	shalt  }
0x79: {  	_ =	shalt  }
0x7a: {  	_ =	shalt  }
0x7b: {  	_ =	shalt  }
0x7c: {  	_ =	shalt  }
0x7d: {  	_ =	shalt  }
0x7e: {  	_ =	shalt  }
0x7f: {  	_ =	shalt  }
0x80: {  	_ =	shalt  }
0x81: {  	_ =	shalt  }
0x82: {  	_ =	shalt  }
0x83: {  	_ =	shalt  }
0x84: {  	_ =	shalt  }
0x85: {  	_ =	shalt  }
0x86: {  	_ =	shalt  }
0x87: {  	_ =	shalt  }
.Lfunc_end0:
.L_simem_size_0:
called_computation.4_lowered:
.L_overlay_start_0:
0x88: {  	s2 =	sld [smem:$0x3FD9]  }
0x89: {  	s3 =	sld [smem:$0x3FFE];
	_ =	sdelay $0x1  }
0x8a: {  	s1 =	srdreg.scid  }
0x8b: {  	s0 =	sand.u32 $0x1, s1  }
0x8c: {  	s16 =	sshll.u32 s0, $0xA;
	s2 =	sadd.s32 s3, s2  }
0x8d: {  	s2 =	sadd.s32 s2, s16  }
0x8e: {  	[smem:$0x3FBC] =	sst s2  }
0x8f: {  	_ = 	snop  }
0x90: {  	(tm) =	ssettm $0x1  }
0x91: {  	s17 =	sld [smem:$0x3FFB];
	_ =	sdelay $0x3  }
0x92: {  	_ =	strace s17  }
0x93: {  	s2 =	sld [smem:$0x3FFC];
	_ =	sdelay $0x3  }
0x94: {  	_ =	strace s2  }
0x95: {  	s2 =	sld [smem:$0x3FFD];
	_ =	sdelay $0x3  }
0x96: {  	_ =	strace s2  }
0x97: {  	_ =	strace $0x8FFFFFFF  }
0x98: {  	s18 =	sld [smem:$0x3FDB];
	_ =	sdelay $0x1  }
0x99: {  	s19 =	simm.s32 $_scs_section_size  }
0x9a: {  	s4 =	simm.s32 $_size__tile_overlayer_lowered;
	s5 =	simm.s32 $_tile_overlayer_lowered  }
0x9b: {  	s22 =	simm.s32 $0x1BFF;
	s21 =	sshll.u32 s5, $0x1;
	s2 =	sadd.s32 s19, s18  }
0x9c: {  	s6 =	simm.s32 $0x0;
	s20 =	sshll.u32 s4, $0x1;
	s4 =	sadd.s32 s21, s2  }
0x9d: {  	[timem:s6], [sflag:s22] =	dma.local [hbm:s4], s20  }
0x9e: {  	_ =	swait.ge [sflag:s22], s20  }
0x9f: {  	s3 =	ssub.s32 $0x0, s20;
	[sflag:s22] =	ssyncset.done $0x0  }
0xa0: {  	[sflag:s22] =	ssyncadd.s32 s3;
	_ =	sdelay $0x1  }
0xa1: {  	s23 =	simm.s32 $0x1B8B  }
0xa2: {  	_ =	swait.ge [sflag:s23], $0x1  }
0xa3: {  	[sflag:s23] =	ssyncset.done $0x0  }
0xa4: {  	s25 =	simm.s32 $0x1B8E;
	s24 =	sld [smem:$0x3FFE];
	[sflag:s23] =	ssyncadd.s32 $0xFFFFFFFF  }
0xa5: {  	s26 =	simm.s32 $execute0_lowered;
	[smem:$0x3FD2] =	sst s25  }
0xa6: {  	s4 =	sshll.u32 s26, $0x1;
	_ =	strace $0x80000052;
	[dreg:$0x1] =	wrdreg $0xFFFFFFFF  }
0xa7: {  	s28 =	simm.s32 $_size_execute0_lowered;
	s2 =	sadd.s32 s2, s4;
	[dreg:$0x0] =	wrdreg $0x0  }
0xa8: {  	s4 =	sshll.u32 s28, $0x1;
	[dreg:$0x2] =	wrdreg s2  }
0xa9: {  	[dreg:$0x3] =	wrdreg s4  }
0xaa: {  	[dreg:$0x4] =	wrdreg $0xC0  }
0xab: {  	_ =	task [dreg:s6], $0x5FFFF  }
0xac: {  	[dreg:$0x1] =	wrdreg $0xFFFFFFFF  }
0xad: {  	[dreg:$0x0] =	wrdreg $0x60  }
0xae: {  	[dreg:$0x2] =	wrdreg s24  }
0xaf: {  	[dreg:$0x3] =	wrdreg $0x29000  }
0xb0: {  	[dreg:$0x4] =	wrdreg $0x9  }
0xb1: {  	_ =	task.clear_ibuf [dreg:s6], $0x5FFFF;
	_ =	strace $0x90000052  }
0xb2: {  	s29 =	simm.s32 $0x9;
	_ =	strace $0x80000054  }
0xb3: {  	_ =	swait.ge [sflag:s29], $0x1  }
0xb4: {  	[sflag:s29] =	ssyncadd.s32 $0xFFFFFFFF  }
0xb5: {  	_ =	strace $0x90000054  }
0xb6: {  	_ =	sfence  }
0xb7: {  	s30 =	sld [smem:$0x0];
	_ =	sdelay $0x2  }
0xb8: {  	s31 =	sshll.u32 s1, $0xD;
	s1 =	sshrl.u32 s1, $0x2  }
0xb9: {  	s3 =	sand.u32 $0x4000, s31;
	s1 =	sadd.s32 s1, s30  }
0xba: {  	s0 =	sor.u32 s3, s0;
	s1 =	sshll.u32 s1, $0x11  }
0xbb: {  	s0 =	sor.u32 s1, s0  }
0xbc: {  	s0 =	sadd.s32 $0x8F2B, s0  }
0xbd: {  	[sflag:s0] =	ssyncadd.remote.s32 $0x1  }
0xbe: {  	_ =	sfence.sel $0xFFFF  }
0xbf: {  	[dreg:$0x0] =	wrdreg $0xFFFFFFFF;
	(pc) =	sbr.abs _section_cstart, $3  }
0xc0: {  	[dreg:$0x1] =	wrdreg $0xFFFFFFFF  }
0xc1: {  	_ =	task.clear_ibuf [dreg:s6], $0x2FFFF;
	_ =	strace $0x9FFFFFFF  }
0xc2: {  	(tm) =	ssettm $0x7FFFFFFF  }
0xc3: {  	_ =	shalt  }
tec
execute0_lowered:
.L_overlay_start_1:
0x0: {  	(tag) =	ssettag $0x1  }
0x1: {  	s6 =	rddreg [dreg:$0x0]  }
0x2: {  	s1 =	srdreg.scid;
	s0 =	stileid.u32  }
0x3: {  	s2 =	rddreg [dreg:$0x1];
	s4 =	smul.u32 $0x2710, s0  }
0x4: {  	s3 =	simm.s32 $0x0;
	s14 =	simm.s32 $0x50;
	s8 =	smul.u32 $0x4E2, s0  }
0x5: {  	s15 =	simm.s32 $0x100;
	s16 =	simm.s32 $0x1;
	s9 =	smul.u32 $0x2780, s0  }
0x6: {  	s7 =	sand.u32 $0x1, s1;
	s1 =	rddreg [dreg:$0x2];
	s28 =	smul.u32 $0x4F000, s0  }
0x7: {  	s17 =	simm.s32 $0x0;
	[smem:$0x7FF] =	sst s3;
	s5 =	smul.u32 $0x27100, s7  }
0x8: {  	s31 =	sshll.u32 s0, $0x6;
	s10 =	smul.u32 $0x27800, s7;
	s7 =	ssub.s32 $0x2, s7  }
0x9: {  	_ =	strace $0x80000053;
	s12 =	sadd.s32 s8, s6;
	s29 =	sshrl.u32 s7, $0x1  }
0xa: {  	s8 =	sshrl.u32 s28, $0x2;
	s5 =	sadd.s32 s4, s5;
	s4 =	sadd.s32 $0x70800, s6  }
0xb: {  	s9 =	sadd.s32 s9, s10;
	s30 =	ssub.s32 s7, s29;
	s13 =	sadd.s32 s8, s2  }
0xc: {  	s5 =	sshrl.u32 s5, $0x3;
	s9 =	sadd.s32 s9, s6;
	s8 =	smax.u32 s30, $0x1  }
0xd: {  	s11 =	sadd.s32 s5, s6;
	s5 =	sadd.s32 $0x6E000, s6;
	s6 =	sor.u32 $0x1C02, s31  }
0xe: {  	s7 =	sadd.s32 $0x222A00, s9;
	s9 =	sadd.s32 $0x10200, s12;
	s12 =	simm.s32 $0x2  }
0xf: {  	s10 =	sadd.s32 $0x15200, s11;
	s11 =	sshrl.u32 s13, $0x3;
	s13 =	simm.s32 $0x80  }
.LBB2_1:
0x10: {  	[spmem:s11], [sflag:s6] =	dma.local [hbm:s5], $0x2780  }
0x11: {  	_ =	swait.ge [sflag:s12], $0x2780  }
0x12: {  	[sflag:s12] =	ssyncset.done $0x0  }
0x13: {  	[sflag:s12] =	ssyncadd.s32 $0xFFFFD880  }
0x14: {  	s18 =	sadd.s32 $0x0, s10;
	[bflag:$0x0] =	sbarrier.arrive $0xFFFF  }
0x15: {  	[tilespmem:s3], [sflag:$0x2] =	stream.linear.gather [hbm4b:s18+s3], $0x50, $0x38;
	[tilespmem:$0x16500] =	vst v63  }
0x16: {  	_ =	swait.ge [sflag:s12], $0x50  }
0x17: {  	[sflag:s12] =	ssyncset.done $0x0  }
0x18: {  	s31 =	sadd.s32 $0x0, s9;
	[sflag:s12] =	ssyncadd.s32 $0xFFFFFFB0  }
0x19: {  	[tilespmem:s13], [sflag:$0x2] =	stream.linear.gather [hbm4b:s31+s3], $0x50, $0x38;
	[tilespmem:$0x16500] =	vst v63  }
0x1a: {  	_ =	swait.ge [sflag:s12], $0x50  }
0x1b: {  	[sflag:s12] =	ssyncset.done $0x0  }
0x1c: {  	[sflag:s12] =	ssyncadd.s32 $0xFFFFFFB0  }
0x1d: {  	[tilespmem:s15], [sflag:$0x1] =	stream.indirect.gather [hbm4b:s4+s14], $0x80, s3, s14, $0xb8;
	[tilespmem:$0x16500] =	vst v63  }
0x1e: {  	_ =	swait.ge [sflag:s16], $0x2800  }
0x1f: {  	[sflag:s16] =	ssyncset.done $0x0  }
0x20: {  	[sflag:s16] =	ssyncadd.s32 $0xFFFFD800  }
0x21: {  	[spmem:s2] =	stream.indirect.scatter.add.f32 [tilespmem:s15], [sflag:$0x2], $0x80, s13, s14, $0xb8;
	[tilespmem:$0x16500] =	vst v63  }
0x22: {  	_ =	swait.ge [sflag:s12], $0x2800  }
0x23: {  	s19 =	simm.s32 $0x14;
	s18 =	simm.s32 $0xA;
	[sflag:s12] =	ssyncset.done $0x0  }
.LBB2_2:
0x24: {  	s20 =	sadd.s32 s18, s10  }
0x25: {  	[sflag:s12] =	ssyncadd.s32 $0xFFFFD800;
	s21 =	smov.u32 s19;
	s22 =	sadd.s32 $0xA, s19  }
0x26: {  	[tilespmem:s3], [sflag:$0x2] =	stream.linear.gather [hbm4b:s20+s3], $0x50, $0x38;
	[tilespmem:$0x16500] =	vst v63  }
0x27: {  	p0 =	sne.s32 s19, $0x4D8;
	_ =	swait.ge [sflag:s12], $0x50  }
0x28: {  	[sflag:s12] =	ssyncset.done $0x0  }
0x29: {  	s19 =	sadd.s32 s18, s9;
	s18 =	smov.u32 s21;
	[sflag:s12] =	ssyncadd.s32 $0xFFFFFFB0  }
0x2a: {  	[tilespmem:s13], [sflag:$0x2] =	stream.linear.gather [hbm4b:s19+s3], $0x50, $0x38;
	[tilespmem:$0x16500] =	vst v63  }
0x2b: {  	_ =	swait.ge [sflag:s12], $0x50  }
0x2c: {  	[sflag:s12] =	ssyncset.done $0x0  }
0x2d: {  	[sflag:s12] =	ssyncadd.s32 $0xFFFFFFB0  }
0x2e: {  	[tilespmem:s15], [sflag:$0x1] =	stream.indirect.gather [hbm4b:s4+s14], $0x80, s3, s14, $0xb8;
	[tilespmem:$0x16500] =	vst v63  }
0x2f: {  	_ =	swait.ge [sflag:s16], $0x2800  }
.Ltmp0:
0x30: {  	[sflag:s16] =	ssyncset.done $0x0;
	(pc) =	sbr.rel @p0 .LBB2_2-.Ltmp0, $4  }
0x31: {  	[sflag:s16] =	ssyncadd.s32 $0xFFFFD800  }
0x32: {  	[spmem:s2] =	stream.indirect.scatter.add.f32 [tilespmem:s15], [sflag:$0x2], $0x80, s13, s14, $0xb8;
	[tilespmem:$0x16500] =	vst v63  }
0x33: {  	_ =	swait.ge [sflag:s12], $0x2800  }
0x34: {  	s19 =	smov.u32 s22;
	[sflag:s12] =	ssyncset.done $0x0  }
0x35: {  	s19 =	sadd.s32 s18, s10;
	[sflag:s12] =	ssyncadd.s32 $0xFFFFD800  }
0x36: {  	[tilespmem:s3], [sflag:$0x2] =	stream.linear.gather [hbm4b:s19+s3], $0x50, $0x38;
	[tilespmem:$0x16500] =	vst v63  }
0x37: {  	_ =	swait.ge [sflag:s12], $0x50  }
0x38: {  	[sflag:s12] =	ssyncset.done $0x0  }
0x39: {  	s31 =	sadd.s32 s18, s9;
	[sflag:s12] =	ssyncadd.s32 $0xFFFFFFB0  }
0x3a: {  	[tilespmem:s13], [sflag:$0x2] =	stream.linear.gather [hbm4b:s31+s3], $0x50, $0x38;
	[tilespmem:$0x16500] =	vst v63  }
0x3b: {  	_ =	swait.ge [sflag:s12], $0x50  }
0x3c: {  	[sflag:s12] =	ssyncset.done $0x0  }
0x3d: {  	[sflag:s12] =	ssyncadd.s32 $0xFFFFFFB0  }
0x3e: {  	[tilespmem:s15], [sflag:$0x1] =	stream.indirect.gather [hbm4b:s4+s14], $0x80, s3, s14, $0xb8;
	[tilespmem:$0x16500] =	vst v63  }
0x3f: {  	_ =	swait.ge [sflag:s16], $0x2800  }
0x40: {  	[sflag:s16] =	ssyncset.done $0x0  }
0x41: {  	[sflag:s16] =	ssyncadd.s32 $0xFFFFD800  }
0x42: {  	[spmem:s2] =	stream.indirect.scatter.add.f32 [tilespmem:s15], [sflag:$0x2], $0x80, s13, s14, $0xb8;
	[tilespmem:$0x16500] =	vst v63  }
0x43: {  	_ =	swait.ge [sflag:s12], $0x2800  }
0x44: {  	s17 =	sadd.s32 $0x1, s17;
	[sflag:s12] =	ssyncset.done $0x0  }
0x45: {  	p0 =	sne.s32 s17, s8;
	[sflag:s12] =	ssyncadd.s32 $0xFFFFD800  }
.Ltmp1:
0x46: {  	[bflag:$0x0] =	sbarrier.arrive $0xFFFF;
	(pc) =	sbr.rel @p0 .LBB2_1-.Ltmp1, $4  }
0x47: {  	[hbm:s7], [sflag:s6] =	dma.local [spmem:s11], $0x2780  }
0x48: {  	_ =	swait.ge [sflag:s12], $0x2780  }
0x49: {  	[sflag:s12] =	ssyncset.done $0x0  }
0x4a: {  	[sflag:s12] =	ssyncadd.s32 $0xFFFFD880  }
0x4b: {  	_ =	sfence.sel $0x180000  }
0x4c: {  	[bflag:$0x0] =	sbarrier.arrive $0xFFFF  }
0x4d: {  	p0 =	sne.s32 s0, $0x0;
	_ =	strace $0x90000053  }
0x4e: {  	s0 =	sadd.s32 @!p0 $0x100000, s1;
	[bflag:$0x2] =	sbarrier.arrive $0xFFFF  }
0x4f: {  	[sflag:s0] =	ssyncadd.tile.s32 @!p0 $0x1;
	_ =	shalt  }
.Lfunc_end2:
_tile_overlayer_lowered:
.L_overlay_start_2:
0x50: {  	(tag) =	ssettag $0x2  }
0x51: {  	s0 =	rddreg [dreg:$0x0];
	s2 =	stileid.u32  }
0x52: {  	s1 =	rddreg [dreg:$0x1];
	p0 =	sne.s32 s2, $0x0  }
0x53: {  	s3 =	rddreg [dreg:$0x2];
	[bflag:$0x3] =	sbarrier.arrive $0xFFFF;
	s2 =	simm.s32 @!p0 $0x1C02  }
0x54: {  	[timem:s3], [sflag:s2] =	dma.local @!p0 [hbm:s0], s1  }
0x55: {  	s0 =	simm.s32 @!p0 $0x2  }
0x56: {  	_ =	swait.ge @!p0 [sflag:s0], s1  }
0x57: {  	s1 =	ssub.s32 @!p0 $0x0, s1;
	[sflag:s0] =	ssyncset.done @!p0 $0x0  }
0x58: {  	[sflag:s0] =	ssyncadd.s32 @!p0 s1  }
0x59: {  	[bflag:$0x3] =	sbarrier.arrive $0xFFFF  }
0x5a: {  	_ =	shalt  }

// kernel: kernel.43.cloned.1.call-start
scs
__scs_entry_jumppad:
0x0: {  	(pc) =	sbr.rel $0x88, $3  }
0x1: {  	(tag) =	ssettag $0x0;
	lr =	simm.s32 $0x1  }
0x2: {  	[smem:$0x3F95] =	sst lr;
	_ =	strace $0xD0000000  }
0x3: {  	_ = 	snop  }
0x4: {  	_ = 	snop  }
0x5: {  	_ = 	snop  }
0x6: {  	_ = 	snop  }
0x7: {  	_ = 	snop  }
__scs_overlays_trampoline_lowered:
0x8: {  	[smem:$0x3FA4] =	sst s0  }
0x9: {  	[smem:$0x3FA5] =	sst s1  }
0xa: {  	[smem:$0x3FA6] =	sst s2  }
0xb: {  	[smem:$0x3FA7] =	sst s3  }
0xc: {  	[smem:$0x3FA8] =	sst s4  }
0xd: {  	[smem:$0x3FA9] =	sst s5  }
0xe: {  	[smem:$0x3FAA] =	sst s6  }
0xf: {  	[smem:$0x3FAB] =	sst s7  }
0x10: {  	[smem:$0x3FAC] =	sst s8  }
0x11: {  	[smem:$0x3FAD] =	sst s9;
	s0 =	simm.s32 @!p0 $0x0  }
0x12: {  	s1 =	sld [smem:$0x3F93];
	s0 =	simm.s32 @p0 $0x1  }
0x13: {  	[smem:$0x3FAE] =	sst s0;
	s0 =	simm.s32 @!p1 $0x0  }
0x14: {  	s2 =	sld [smem:$0x3F92];
	s0 =	simm.s32 @p1 $0x1  }
0x15: {  	[smem:$0x3FAF] =	sst s0;
	s0 =	simm.s32 @!p2 $0x0  }
0x16: {  	s3 =	sld [smem:$0x3FDB];
	s0 =	simm.s32 @p2 $0x1  }
0x17: {  	s4 =	simm.s32 $0x1BF5;
	[smem:$0x3FB1] =	sst s0  }
0x18: {  	s0 =	sld [smem:$0x3F94];
	_ =	swait.ge [sflag:s4], $0x0  }
0x19: {  	s7 =	sld [smem:$0x3F95]  }
0x1a: {  	s8 =	sadd.s32 $0xFFFFE003, lr  }
0x1b: {  	s9 =	sadd.s32 $0xFFFFFEF7, lr;
	s5 =	simm.s32 $0xFFFFFFFF;
	p2 =	slt.u32 s8, $0xFFFFF086  }
0x1c: {  	p1 =	slt.u32 s9, $0xF7A;
	s5 =	simm.s32 @!p2 $0x0  }
0x1d: {  	s5 =	simm.s32 @p1 $0x1;
	p0 =	seq.s32 s7, s2  }
0x1e: {  	s7 =	smul.u32 @!p0 $0xF7A, s2;
	p2 =	seq.s32 @!p0 s5, $0x0  }
0x1f: {  	s9 =	smul.u32 $0xF7A, s1;
	s8 =	simm.s32 @!p0 $0x1BF5;
	p2 =	por !p2, p0  }
0x20: {  	[sflag:s8] =	ssyncset.s32 @!p0 $0xFFFFF086;
	s6 =	sadd.s32 @!p0 s3, s7;
	s7 =	simm.s32 @!p0 $0x108  }
0x21: {  	s3 =	sadd.s32 s3, s9;
	s6 =	sadd.s32 @!p0 $0x88, s6;
	s7 =	simm.s32 @p2 $0x1082  }
0x22: {  	[simem:s7], [sflag:s8] =	dma.local @!p0 [hbm:s6], $0xF7A  }
0x23: {  	s9 =	sor.u32 $0xD0000000, s2;
	s6 =	simm.s32 $0x108;
	_ =	swait.ge @!p0 [sflag:s8], $0x0  }
0x24: {  	s3 =	sadd.s32 $0x88, s3;
	s6 =	simm.s32 @!p1 $0x1082;
	[sflag:s4] =	ssyncset.s32 $0xFFFFF086  }
0x25: {  	[simem:s6], [sflag:s4] =	dma.local [hbm:s3], $0xF7A  }
0x26: {  	[smem:$0x3F95] =	sst s1;
	(tag) =	ssettag s2;
	_ =	strace s9  }
0x27: {  	s1 =	sld [smem:$0x3FA5]  }
0x28: {  	s2 =	sld [smem:$0x3FA6]  }
0x29: {  	s4 =	sld [smem:$0x3FA8]  }
0x2a: {  	p0 =	seq.s32 s5, $0x0;
	s5 =	sld [smem:$0x3FA9]  }
0x2b: {  	s6 =	sld [smem:$0x3FAA]  }
0x2c: {  	s7 =	sld [smem:$0x3FAB]  }
0x2d: {  	s3 =	simm.s32 $0x108;
	s8 =	sld [smem:$0x3FAC]  }
0x2e: {  	s3 =	simm.s32 @!p0 $0x1082;
	s9 =	sld [smem:$0x3FAD]  }
0x2f: {  	lr =	sadd.s32 s0, s3;
	s0 =	sld [smem:$0x3FA4]  }
0x30: {  	s3 =	sld [smem:$0x3FA7]  }
0x31: {  	[smem:$0x3FB0] =	sst s10  }
0x32: {  	s10 =	sld [smem:$0x3FAE];
	_ =	sdelay $0x3  }
0x33: {  	p0 =	seq.s32 s10, $0x1;
	s10 =	sld [smem:$0x3FB0];
	_ =	sdelay $0x3  }
0x34: {  	[smem:$0x3FB0] =	sst s10  }
0x35: {  	s10 =	sld [smem:$0x3FAF];
	_ =	sdelay $0x3  }
0x36: {  	p1 =	seq.s32 s10, $0x1;
	s10 =	sld [smem:$0x3FB0];
	_ =	sdelay $0x3  }
0x37: {  	[smem:$0x3FB0] =	sst s10  }
0x38: {  	s10 =	sld [smem:$0x3FB1]  }
0x39: {  	_ = 	snop;
	(pc) =	sbr.ind lr, $3  }
0x3a: {  	_ = 	snop  }
0x3b: {  	_ = 	snop  }
0x3c: {  	p2 =	seq.s32 s10, $0x1;
	s10 =	sld [smem:$0x3FB0]  }
0x3d: {  	_ =	shalt  }
0x3e: {  	_ =	shalt  }
0x3f: {  	_ =	shalt  }
0x40: {  	_ =	shalt  }
0x41: {  	_ =	shalt  }
0x42: {  	_ =	shalt  }
0x43: {  	_ =	shalt  }
0x44: {  	_ =	shalt  }
0x45: {  	_ =	shalt  }
0x46: {  	_ =	shalt  }
0x47: {  	_ =	shalt  }
0x48: {  	_ =	shalt  }
0x49: {  	_ =	shalt  }
0x4a: {  	_ =	shalt  }
0x4b: {  	_ =	shalt  }
0x4c: {  	_ =	shalt  }
0x4d: {  	_ =	shalt  }
0x4e: {  	_ =	shalt  }
0x4f: {  	_ =	shalt  }
0x50: {  	_ =	shalt  }
0x51: {  	_ =	shalt  }
0x52: {  	_ =	shalt  }
0x53: {  	_ =	shalt  }
0x54: {  	_ =	shalt  }
0x55: {  	_ =	shalt  }
0x56: {  	_ =	shalt  }
0x57: {  	_ =	shalt  }
0x58: {  	_ =	shalt  }
0x59: {  	_ =	shalt  }
0x5a: {  	_ =	shalt  }
0x5b: {  	_ =	shalt  }
0x5c: {  	_ =	shalt  }
0x5d: {  	_ =	shalt  }
0x5e: {  	_ =	shalt  }
0x5f: {  	_ =	shalt  }
0x60: {  	_ =	shalt  }
0x61: {  	_ =	shalt  }
0x62: {  	_ =	shalt  }
0x63: {  	_ =	shalt  }
0x64: {  	_ =	shalt  }
0x65: {  	_ =	shalt  }
0x66: {  	_ =	shalt  }
0x67: {  	_ =	shalt  }
0x68: {  	_ =	shalt  }
0x69: {  	_ =	shalt  }
0x6a: {  	_ =	shalt  }
0x6b: {  	_ =	shalt  }
0x6c: {  	_ =	shalt  }
0x6d: {  	_ =	shalt  }
0x6e: {  	_ =	shalt  }
0x6f: {  	_ =	shalt  }
0x70: {  	_ =	shalt  }
0x71: {  	_ =	shalt  }
0x72: {  	_ =	shalt  }
0x73: {  	_ =	shalt  }
0x74: {  	_ =	shalt  }
0x75: {  	_ =	shalt  }
0x76: {  	_ =	shalt  }
0x77: {  	_ =	shalt  }
0x78: {  	_ =	shalt  }
0x79: {  	_ =	shalt  }
0x7a: {  	_ =	shalt  }
0x7b: {  	_ =	shalt  }
0x7c: {  	_ =	shalt  }
0x7d: {  	_ =	shalt  }
0x7e: {  	_ =	shalt  }
0x7f: {  	_ =	shalt  }
0x80: {  	_ =	shalt  }
0x81: {  	_ =	shalt  }
0x82: {  	_ =	shalt  }
0x83: {  	_ =	shalt  }
0x84: {  	_ =	shalt  }
0x85: {  	_ =	shalt  }
0x86: {  	_ =	shalt  }
0x87: {  	_ =	shalt  }
.Lfunc_end0:
.L_simem_size_0:
called_computation.5_lowered:
.L_overlay_start_0:
0x88: {  	s2 =	sld [smem:$0x3FD9]  }
0x89: {  	s3 =	sld [smem:$0x3FFE];
	_ =	sdelay $0x1  }
0x8a: {  	s1 =	srdreg.scid  }
0x8b: {  	s0 =	sand.u32 $0x1, s1  }
0x8c: {  	s16 =	sshll.u32 s0, $0xA;
	s2 =	sadd.s32 s3, s2  }
0x8d: {  	s2 =	sadd.s32 s2, s16  }
0x8e: {  	[smem:$0x3FBC] =	sst s2  }
0x8f: {  	_ = 	snop  }
0x90: {  	(tm) =	ssettm $0x1  }
0x91: {  	s17 =	sld [smem:$0x3FFB];
	_ =	sdelay $0x3  }
0x92: {  	_ =	strace s17  }
0x93: {  	s2 =	sld [smem:$0x3FFC];
	_ =	sdelay $0x3  }
0x94: {  	_ =	strace s2  }
0x95: {  	s2 =	sld [smem:$0x3FFD];
	_ =	sdelay $0x3  }
0x96: {  	_ =	strace s2  }
0x97: {  	_ =	strace $0x8FFFFFFF  }
0x98: {  	s18 =	sld [smem:$0x3FDB];
	_ =	sdelay $0x1  }
0x99: {  	s19 =	simm.s32 $_scs_section_size  }
0x9a: {  	s4 =	simm.s32 $_size__tile_overlayer_lowered;
	s5 =	simm.s32 $_tile_overlayer_lowered  }
0x9b: {  	s22 =	simm.s32 $0x1BFF;
	s21 =	sshll.u32 s5, $0x1;
	s2 =	sadd.s32 s19, s18  }
0x9c: {  	s6 =	simm.s32 $0x0;
	s20 =	sshll.u32 s4, $0x1;
	s4 =	sadd.s32 s21, s2  }
0x9d: {  	[timem:s6], [sflag:s22] =	dma.local [hbm:s4], s20  }
0x9e: {  	_ =	swait.ge [sflag:s22], s20  }
0x9f: {  	s3 =	ssub.s32 $0x0, s20;
	[sflag:s22] =	ssyncset.done $0x0  }
0xa0: {  	[sflag:s22] =	ssyncadd.s32 s3;
	_ =	sdelay $0x1  }
0xa1: {  	s23 =	simm.s32 $0x1B8B  }
0xa2: {  	_ =	swait.ge [sflag:s23], $0x1  }
0xa3: {  	[sflag:s23] =	ssyncset.done $0x0  }
0xa4: {  	s25 =	simm.s32 $0x1B8E;
	s24 =	sld [smem:$0x3FFE];
	[sflag:s23] =	ssyncadd.s32 $0xFFFFFFFF  }
0xa5: {  	s26 =	simm.s32 $execute0_lowered;
	[smem:$0x3FD2] =	sst s25  }
0xa6: {  	s4 =	sshll.u32 s26, $0x1;
	_ =	strace $0x80000055;
	[dreg:$0x1] =	wrdreg $0xFFFFFFFF  }
0xa7: {  	s28 =	simm.s32 $_size_execute0_lowered;
	s2 =	sadd.s32 s2, s4;
	[dreg:$0x0] =	wrdreg $0x0  }
0xa8: {  	s4 =	sshll.u32 s28, $0x1;
	[dreg:$0x2] =	wrdreg s2  }
0xa9: {  	[dreg:$0x3] =	wrdreg s4  }
0xaa: {  	[dreg:$0x4] =	wrdreg $0xC0  }
0xab: {  	_ =	task [dreg:s6], $0x5FFFF  }
0xac: {  	[dreg:$0x1] =	wrdreg $0xFFFFFFFF  }
0xad: {  	[dreg:$0x0] =	wrdreg $0x60  }
0xae: {  	[dreg:$0x2] =	wrdreg s24  }
0xaf: {  	[dreg:$0x3] =	wrdreg $0x29000  }
0xb0: {  	[dreg:$0x4] =	wrdreg $0x9  }
0xb1: {  	_ =	task.clear_ibuf [dreg:s6], $0x5FFFF;
	_ =	strace $0x90000055  }
0xb2: {  	s29 =	simm.s32 $0x9;
	_ =	strace $0x80000057  }
0xb3: {  	_ =	swait.ge [sflag:s29], $0x1  }
0xb4: {  	[sflag:s29] =	ssyncadd.s32 $0xFFFFFFFF  }
0xb5: {  	_ =	strace $0x90000057  }
0xb6: {  	_ =	sfence  }
0xb7: {  	s30 =	sld [smem:$0x0];
	_ =	sdelay $0x2  }
0xb8: {  	s31 =	sshll.u32 s1, $0xD;
	s1 =	sshrl.u32 s1, $0x2  }
0xb9: {  	s3 =	sand.u32 $0x4000, s31;
	s1 =	sadd.s32 s1, s30  }
0xba: {  	s0 =	sor.u32 s3, s0;
	s1 =	sshll.u32 s1, $0x11  }
0xbb: {  	s0 =	sor.u32 s1, s0  }
0xbc: {  	s0 =	sadd.s32 $0x8F2B, s0  }
0xbd: {  	[sflag:s0] =	ssyncadd.remote.s32 $0x1  }
0xbe: {  	_ =	sfence.sel $0xFFFF  }
0xbf: {  	[dreg:$0x0] =	wrdreg $0xFFFFFFFF;
	(pc) =	sbr.abs _section_cstart, $3  }
0xc0: {  	[dreg:$0x1] =	wrdreg $0xFFFFFFFF  }
0xc1: {  	_ =	task.clear_ibuf [dreg:s6], $0x2FFFF;
	_ =	strace $0x9FFFFFFF  }
0xc2: {  	(tm) =	ssettm $0x7FFFFFFF  }
0xc3: {  	_ =	shalt  }
tec
execute0_lowered:
.L_overlay_start_1:
0x0: {  	(tag) =	ssettag $0x1  }
0x1: {  	s6 =	rddreg [dreg:$0x0]  }
0x2: {  	s1 =	srdreg.scid;
	s0 =	stileid.u32  }
0x3: {  	s2 =	rddreg [dreg:$0x1];
	s4 =	smul.u32 $0x2710, s0  }
0x4: {  	s3 =	simm.s32 $0x0;
	s14 =	simm.s32 $0x50;
	s8 =	smul.u32 $0x4E2, s0  }
0x5: {  	s15 =	simm.s32 $0x100;
	s16 =	simm.s32 $0x1;
	s9 =	smul.u32 $0x2780, s0  }
0x6: {  	s7 =	sand.u32 $0x1, s1;
	s1 =	rddreg [dreg:$0x2];
	s28 =	smul.u32 $0x4F000, s0  }
0x7: {  	s17 =	simm.s32 $0x0;
	[smem:$0x7FF] =	sst s3;
	s5 =	smul.u32 $0x27100, s7  }
0x8: {  	s31 =	sshll.u32 s0, $0x6;
	s10 =	smul.u32 $0x27800, s7;
	s7 =	ssub.s32 $0x2, s7  }
0x9: {  	_ =	strace $0x80000056;
	s12 =	sadd.s32 s8, s6;
	s29 =	sshrl.u32 s7, $0x1  }
0xa: {  	s8 =	sshrl.u32 s28, $0x2;
	s5 =	sadd.s32 s4, s5;
	s4 =	sadd.s32 $0x70800, s6  }
0xb: {  	s9 =	sadd.s32 s9, s10;
	s30 =	ssub.s32 s7, s29;
	s13 =	sadd.s32 s8, s2  }
0xc: {  	s5 =	sshrl.u32 s5, $0x3;
	s9 =	sadd.s32 s9, s6;
	s8 =	smax.u32 s30, $0x1  }
0xd: {  	s11 =	sadd.s32 s5, s6;
	s5 =	sadd.s32 $0x6E000, s6;
	s6 =	sor.u32 $0x1C02, s31  }
0xe: {  	s7 =	sadd.s32 $0x271A00, s9;
	s9 =	sadd.s32 $0x10200, s12;
	s12 =	simm.s32 $0x2  }
0xf: {  	s10 =	sadd.s32 $0x15200, s11;
	s11 =	sshrl.u32 s13, $0x3;
	s13 =	simm.s32 $0x80  }
.LBB2_1:
0x10: {  	[spmem:s11], [sflag:s6] =	dma.local [hbm:s5], $0x2780  }
0x11: {  	_ =	swait.ge [sflag:s12], $0x2780  }
0x12: {  	[sflag:s12] =	ssyncset.done $0x0  }
0x13: {  	[sflag:s12] =	ssyncadd.s32 $0xFFFFD880  }
0x14: {  	s18 =	sadd.s32 $0x0, s10;
	[bflag:$0x0] =	sbarrier.arrive $0xFFFF  }
0x15: {  	[tilespmem:s3], [sflag:$0x2] =	stream.linear.gather [hbm4b:s18+s3], $0x50, $0x38;
	[tilespmem:$0x16500] =	vst v63  }
0x16: {  	_ =	swait.ge [sflag:s12], $0x50  }
0x17: {  	[sflag:s12] =	ssyncset.done $0x0  }
0x18: {  	s31 =	sadd.s32 $0x0, s9;
	[sflag:s12] =	ssyncadd.s32 $0xFFFFFFB0  }
0x19: {  	[tilespmem:s13], [sflag:$0x2] =	stream.linear.gather [hbm4b:s31+s3], $0x50, $0x38;
	[tilespmem:$0x16500] =	vst v63  }
0x1a: {  	_ =	swait.ge [sflag:s12], $0x50  }
0x1b: {  	[sflag:s12] =	ssyncset.done $0x0  }
0x1c: {  	[sflag:s12] =	ssyncadd.s32 $0xFFFFFFB0  }
0x1d: {  	[tilespmem:s15], [sflag:$0x1] =	stream.indirect.gather [hbm4b:s4+s14], $0x80, s3, s14, $0xb8;
	[tilespmem:$0x16500] =	vst v63  }
0x1e: {  	_ =	swait.ge [sflag:s16], $0x2800  }
0x1f: {  	[sflag:s16] =	ssyncset.done $0x0  }
0x20: {  	[sflag:s16] =	ssyncadd.s32 $0xFFFFD800  }
0x21: {  	[spmem:s2] =	stream.indirect.scatter.add.f32 [tilespmem:s15], [sflag:$0x2], $0x80, s13, s14, $0xb8;
	[tilespmem:$0x16500] =	vst v63  }
0x22: {  	_ =	swait.ge [sflag:s12], $0x2800  }
0x23: {  	s19 =	simm.s32 $0x14;
	s18 =	simm.s32 $0xA;
	[sflag:s12] =	ssyncset.done $0x0  }
.LBB2_2:
0x24: {  	s20 =	sadd.s32 s18, s10  }
0x25: {  	[sflag:s12] =	ssyncadd.s32 $0xFFFFD800;
	s21 =	smov.u32 s19;
	s22 =	sadd.s32 $0xA, s19  }
0x26: {  	[tilespmem:s3], [sflag:$0x2] =	stream.linear.gather [hbm4b:s20+s3], $0x50, $0x38;
	[tilespmem:$0x16500] =	vst v63  }
0x27: {  	p0 =	sne.s32 s19, $0x4D8;
	_ =	swait.ge [sflag:s12], $0x50  }
0x28: {  	[sflag:s12] =	ssyncset.done $0x0  }
0x29: {  	s19 =	sadd.s32 s18, s9;
	s18 =	smov.u32 s21;
	[sflag:s12] =	ssyncadd.s32 $0xFFFFFFB0  }
0x2a: {  	[tilespmem:s13], [sflag:$0x2] =	stream.linear.gather [hbm4b:s19+s3], $0x50, $0x38;
	[tilespmem:$0x16500] =	vst v63  }
0x2b: {  	_ =	swait.ge [sflag:s12], $0x50  }
0x2c: {  	[sflag:s12] =	ssyncset.done $0x0  }
0x2d: {  	[sflag:s12] =	ssyncadd.s32 $0xFFFFFFB0  }
0x2e: {  	[tilespmem:s15], [sflag:$0x1] =	stream.indirect.gather [hbm4b:s4+s14], $0x80, s3, s14, $0xb8;
	[tilespmem:$0x16500] =	vst v63  }
0x2f: {  	_ =	swait.ge [sflag:s16], $0x2800  }
.Ltmp0:
0x30: {  	[sflag:s16] =	ssyncset.done $0x0;
	(pc) =	sbr.rel @p0 .LBB2_2-.Ltmp0, $4  }
0x31: {  	[sflag:s16] =	ssyncadd.s32 $0xFFFFD800  }
0x32: {  	[spmem:s2] =	stream.indirect.scatter.add.f32 [tilespmem:s15], [sflag:$0x2], $0x80, s13, s14, $0xb8;
	[tilespmem:$0x16500] =	vst v63  }
0x33: {  	_ =	swait.ge [sflag:s12], $0x2800  }
0x34: {  	s19 =	smov.u32 s22;
	[sflag:s12] =	ssyncset.done $0x0  }
0x35: {  	s19 =	sadd.s32 s18, s10;
	[sflag:s12] =	ssyncadd.s32 $0xFFFFD800  }
0x36: {  	[tilespmem:s3], [sflag:$0x2] =	stream.linear.gather [hbm4b:s19+s3], $0x50, $0x38;
	[tilespmem:$0x16500] =	vst v63  }
0x37: {  	_ =	swait.ge [sflag:s12], $0x50  }
0x38: {  	[sflag:s12] =	ssyncset.done $0x0  }
0x39: {  	s31 =	sadd.s32 s18, s9;
	[sflag:s12] =	ssyncadd.s32 $0xFFFFFFB0  }
0x3a: {  	[tilespmem:s13], [sflag:$0x2] =	stream.linear.gather [hbm4b:s31+s3], $0x50, $0x38;
	[tilespmem:$0x16500] =	vst v63  }
0x3b: {  	_ =	swait.ge [sflag:s12], $0x50  }
0x3c: {  	[sflag:s12] =	ssyncset.done $0x0  }
0x3d: {  	[sflag:s12] =	ssyncadd.s32 $0xFFFFFFB0  }
0x3e: {  	[tilespmem:s15], [sflag:$0x1] =	stream.indirect.gather [hbm4b:s4+s14], $0x80, s3, s14, $0xb8;
	[tilespmem:$0x16500] =	vst v63  }
0x3f: {  	_ =	swait.ge [sflag:s16], $0x2800  }
0x40: {  	[sflag:s16] =	ssyncset.done $0x0  }
0x41: {  	[sflag:s16] =	ssyncadd.s32 $0xFFFFD800  }
0x42: {  	[spmem:s2] =	stream.indirect.scatter.add.f32 [tilespmem:s15], [sflag:$0x2], $0x80, s13, s14, $0xb8;
	[tilespmem:$0x16500] =	vst v63  }
0x43: {  	_ =	swait.ge [sflag:s12], $0x2800  }
0x44: {  	s17 =	sadd.s32 $0x1, s17;
	[sflag:s12] =	ssyncset.done $0x0  }
0x45: {  	p0 =	sne.s32 s17, s8;
	[sflag:s12] =	ssyncadd.s32 $0xFFFFD800  }
.Ltmp1:
0x46: {  	[bflag:$0x0] =	sbarrier.arrive $0xFFFF;
	(pc) =	sbr.rel @p0 .LBB2_1-.Ltmp1, $4  }
0x47: {  	[hbm:s7], [sflag:s6] =	dma.local [spmem:s11], $0x2780  }
0x48: {  	_ =	swait.ge [sflag:s12], $0x2780  }
0x49: {  	[sflag:s12] =	ssyncset.done $0x0  }
0x4a: {  	[sflag:s12] =	ssyncadd.s32 $0xFFFFD880  }
0x4b: {  	_ =	sfence.sel $0x180000  }
0x4c: {  	[bflag:$0x0] =	sbarrier.arrive $0xFFFF  }
0x4d: {  	p0 =	sne.s32 s0, $0x0;
	_ =	strace $0x90000056  }
0x4e: {  	s0 =	sadd.s32 @!p0 $0x100000, s1;
	[bflag:$0x2] =	sbarrier.arrive $0xFFFF  }
0x4f: {  	[sflag:s0] =	ssyncadd.tile.s32 @!p0 $0x1;
	_ =	shalt  }
.Lfunc_end2:
_tile_overlayer_lowered:
.L_overlay_start_2:
0x50: {  	(tag) =	ssettag $0x2  }
0x51: {  	s0 =	rddreg [dreg:$0x0];
	s2 =	stileid.u32  }
0x52: {  	s1 =	rddreg [dreg:$0x1];
	p0 =	sne.s32 s2, $0x0  }
0x53: {  	s3 =	rddreg [dreg:$0x2];
	[bflag:$0x3] =	sbarrier.arrive $0xFFFF;
	s2 =	simm.s32 @!p0 $0x1C02  }
0x54: {  	[timem:s3], [sflag:s2] =	dma.local @!p0 [hbm:s0], s1  }
0x55: {  	s0 =	simm.s32 @!p0 $0x2  }
0x56: {  	_ =	swait.ge @!p0 [sflag:s0], s1  }
0x57: {  	s1 =	ssub.s32 @!p0 $0x0, s1;
	[sflag:s0] =	ssyncset.done @!p0 $0x0  }
0x58: {  	[sflag:s0] =	ssyncadd.s32 @!p0 s1  }
0x59: {  	[bflag:$0x3] =	sbarrier.arrive $0xFFFF  }
0x5a: {  	_ =	shalt  }

// kernel: kernel.46.cloned.1.call-start
scs
__scs_entry_jumppad:
0x0: {  	(pc) =	sbr.rel $0x88, $3  }
0x1: {  	(tag) =	ssettag $0x0;
	lr =	simm.s32 $0x1  }
0x2: {  	[smem:$0x3F95] =	sst lr;
	_ =	strace $0xD0000000  }
0x3: {  	_ = 	snop  }
0x4: {  	_ = 	snop  }
0x5: {  	_ = 	snop  }
0x6: {  	_ = 	snop  }
0x7: {  	_ = 	snop  }
__scs_overlays_trampoline_lowered:
0x8: {  	[smem:$0x3FA4] =	sst s0  }
0x9: {  	[smem:$0x3FA5] =	sst s1  }
0xa: {  	[smem:$0x3FA6] =	sst s2  }
0xb: {  	[smem:$0x3FA7] =	sst s3  }
0xc: {  	[smem:$0x3FA8] =	sst s4  }
0xd: {  	[smem:$0x3FA9] =	sst s5  }
0xe: {  	[smem:$0x3FAA] =	sst s6  }
0xf: {  	[smem:$0x3FAB] =	sst s7  }
0x10: {  	[smem:$0x3FAC] =	sst s8  }
0x11: {  	[smem:$0x3FAD] =	sst s9;
	s0 =	simm.s32 @!p0 $0x0  }
0x12: {  	s1 =	sld [smem:$0x3F93];
	s0 =	simm.s32 @p0 $0x1  }
0x13: {  	[smem:$0x3FAE] =	sst s0;
	s0 =	simm.s32 @!p1 $0x0  }
0x14: {  	s2 =	sld [smem:$0x3F92];
	s0 =	simm.s32 @p1 $0x1  }
0x15: {  	[smem:$0x3FAF] =	sst s0;
	s0 =	simm.s32 @!p2 $0x0  }
0x16: {  	s3 =	sld [smem:$0x3FDB];
	s0 =	simm.s32 @p2 $0x1  }
0x17: {  	s4 =	simm.s32 $0x1BF5;
	[smem:$0x3FB1] =	sst s0  }
0x18: {  	s0 =	sld [smem:$0x3F94];
	_ =	swait.ge [sflag:s4], $0x0  }
0x19: {  	s7 =	sld [smem:$0x3F95]  }
0x1a: {  	s8 =	sadd.s32 $0xFFFFE003, lr  }
0x1b: {  	s9 =	sadd.s32 $0xFFFFFEF7, lr;
	s5 =	simm.s32 $0xFFFFFFFF;
	p2 =	slt.u32 s8, $0xFFFFF086  }
0x1c: {  	p1 =	slt.u32 s9, $0xF7A;
	s5 =	simm.s32 @!p2 $0x0  }
0x1d: {  	s5 =	simm.s32 @p1 $0x1;
	p0 =	seq.s32 s7, s2  }
0x1e: {  	s7 =	smul.u32 @!p0 $0xF7A, s2;
	p2 =	seq.s32 @!p0 s5, $0x0  }
0x1f: {  	s9 =	smul.u32 $0xF7A, s1;
	s8 =	simm.s32 @!p0 $0x1BF5;
	p2 =	por !p2, p0  }
0x20: {  	[sflag:s8] =	ssyncset.s32 @!p0 $0xFFFFF086;
	s6 =	sadd.s32 @!p0 s3, s7;
	s7 =	simm.s32 @!p0 $0x108  }
0x21: {  	s3 =	sadd.s32 s3, s9;
	s6 =	sadd.s32 @!p0 $0x88, s6;
	s7 =	simm.s32 @p2 $0x1082  }
0x22: {  	[simem:s7], [sflag:s8] =	dma.local @!p0 [hbm:s6], $0xF7A  }
0x23: {  	s9 =	sor.u32 $0xD0000000, s2;
	s6 =	simm.s32 $0x108;
	_ =	swait.ge @!p0 [sflag:s8], $0x0  }
0x24: {  	s3 =	sadd.s32 $0x88, s3;
	s6 =	simm.s32 @!p1 $0x1082;
	[sflag:s4] =	ssyncset.s32 $0xFFFFF086  }
0x25: {  	[simem:s6], [sflag:s4] =	dma.local [hbm:s3], $0xF7A  }
0x26: {  	[smem:$0x3F95] =	sst s1;
	(tag) =	ssettag s2;
	_ =	strace s9  }
0x27: {  	s1 =	sld [smem:$0x3FA5]  }
0x28: {  	s2 =	sld [smem:$0x3FA6]  }
0x29: {  	s4 =	sld [smem:$0x3FA8]  }
0x2a: {  	p0 =	seq.s32 s5, $0x0;
	s5 =	sld [smem:$0x3FA9]  }
0x2b: {  	s6 =	sld [smem:$0x3FAA]  }
0x2c: {  	s7 =	sld [smem:$0x3FAB]  }
0x2d: {  	s3 =	simm.s32 $0x108;
	s8 =	sld [smem:$0x3FAC]  }
0x2e: {  	s3 =	simm.s32 @!p0 $0x1082;
	s9 =	sld [smem:$0x3FAD]  }
0x2f: {  	lr =	sadd.s32 s0, s3;
	s0 =	sld [smem:$0x3FA4]  }
0x30: {  	s3 =	sld [smem:$0x3FA7]  }
0x31: {  	[smem:$0x3FB0] =	sst s10  }
0x32: {  	s10 =	sld [smem:$0x3FAE];
	_ =	sdelay $0x3  }
0x33: {  	p0 =	seq.s32 s10, $0x1;
	s10 =	sld [smem:$0x3FB0];
	_ =	sdelay $0x3  }
0x34: {  	[smem:$0x3FB0] =	sst s10  }
0x35: {  	s10 =	sld [smem:$0x3FAF];
	_ =	sdelay $0x3  }
0x36: {  	p1 =	seq.s32 s10, $0x1;
	s10 =	sld [smem:$0x3FB0];
	_ =	sdelay $0x3  }
0x37: {  	[smem:$0x3FB0] =	sst s10  }
0x38: {  	s10 =	sld [smem:$0x3FB1]  }
0x39: {  	_ = 	snop;
	(pc) =	sbr.ind lr, $3  }
0x3a: {  	_ = 	snop  }
0x3b: {  	_ = 	snop  }
0x3c: {  	p2 =	seq.s32 s10, $0x1;
	s10 =	sld [smem:$0x3FB0]  }
0x3d: {  	_ =	shalt  }
0x3e: {  	_ =	shalt  }
0x3f: {  	_ =	shalt  }
0x40: {  	_ =	shalt  }
0x41: {  	_ =	shalt  }
0x42: {  	_ =	shalt  }
0x43: {  	_ =	shalt  }
0x44: {  	_ =	shalt  }
0x45: {  	_ =	shalt  }
0x46: {  	_ =	shalt  }
0x47: {  	_ =	shalt  }
0x48: {  	_ =	shalt  }
0x49: {  	_ =	shalt  }
0x4a: {  	_ =	shalt  }
0x4b: {  	_ =	shalt  }
0x4c: {  	_ =	shalt  }
0x4d: {  	_ =	shalt  }
0x4e: {  	_ =	shalt  }
0x4f: {  	_ =	shalt  }
0x50: {  	_ =	shalt  }
0x51: {  	_ =	shalt  }
0x52: {  	_ =	shalt  }
0x53: {  	_ =	shalt  }
0x54: {  	_ =	shalt  }
0x55: {  	_ =	shalt  }
0x56: {  	_ =	shalt  }
0x57: {  	_ =	shalt  }
0x58: {  	_ =	shalt  }
0x59: {  	_ =	shalt  }
0x5a: {  	_ =	shalt  }
0x5b: {  	_ =	shalt  }
0x5c: {  	_ =	shalt  }
0x5d: {  	_ =	shalt  }
0x5e: {  	_ =	shalt  }
0x5f: {  	_ =	shalt  }
0x60: {  	_ =	shalt  }
0x61: {  	_ =	shalt  }
0x62: {  	_ =	shalt  }
0x63: {  	_ =	shalt  }
0x64: {  	_ =	shalt  }
0x65: {  	_ =	shalt  }
0x66: {  	_ =	shalt  }
0x67: {  	_ =	shalt  }
0x68: {  	_ =	shalt  }
0x69: {  	_ =	shalt  }
0x6a: {  	_ =	shalt  }
0x6b: {  	_ =	shalt  }
0x6c: {  	_ =	shalt  }
0x6d: {  	_ =	shalt  }
0x6e: {  	_ =	shalt  }
0x6f: {  	_ =	shalt  }
0x70: {  	_ =	shalt  }
0x71: {  	_ =	shalt  }
0x72: {  	_ =	shalt  }
0x73: {  	_ =	shalt  }
0x74: {  	_ =	shalt  }
0x75: {  	_ =	shalt  }
0x76: {  	_ =	shalt  }
0x77: {  	_ =	shalt  }
0x78: {  	_ =	shalt  }
0x79: {  	_ =	shalt  }
0x7a: {  	_ =	shalt  }
0x7b: {  	_ =	shalt  }
0x7c: {  	_ =	shalt  }
0x7d: {  	_ =	shalt  }
0x7e: {  	_ =	shalt  }
0x7f: {  	_ =	shalt  }
0x80: {  	_ =	shalt  }
0x81: {  	_ =	shalt  }
0x82: {  	_ =	shalt  }
0x83: {  	_ =	shalt  }
0x84: {  	_ =	shalt  }
0x85: {  	_ =	shalt  }
0x86: {  	_ =	shalt  }
0x87: {  	_ =	shalt  }
.Lfunc_end0:
.L_simem_size_0:
called_computation.6_lowered:
.L_overlay_start_0:
0x88: {  	s2 =	sld [smem:$0x3FD9]  }
0x89: {  	s3 =	sld [smem:$0x3FFE];
	_ =	sdelay $0x1  }
0x8a: {  	s1 =	srdreg.scid  }
0x8b: {  	s0 =	sand.u32 $0x1, s1  }
0x8c: {  	s16 =	sshll.u32 s0, $0xA;
	s2 =	sadd.s32 s3, s2  }
0x8d: {  	s2 =	sadd.s32 s2, s16  }
0x8e: {  	[smem:$0x3FBC] =	sst s2  }
0x8f: {  	_ = 	snop  }
0x90: {  	(tm) =	ssettm $0x1  }
0x91: {  	s17 =	sld [smem:$0x3FFB];
	_ =	sdelay $0x3  }
0x92: {  	_ =	strace s17  }
0x93: {  	s2 =	sld [smem:$0x3FFC];
	_ =	sdelay $0x3  }
0x94: {  	_ =	strace s2  }
0x95: {  	s2 =	sld [smem:$0x3FFD];
	_ =	sdelay $0x3  }
0x96: {  	_ =	strace s2  }
0x97: {  	_ =	strace $0x8FFFFFFF  }
0x98: {  	s18 =	sld [smem:$0x3FDB];
	_ =	sdelay $0x1  }
0x99: {  	s19 =	simm.s32 $_scs_section_size  }
0x9a: {  	s4 =	simm.s32 $_size__tile_overlayer_lowered;
	s5 =	simm.s32 $_tile_overlayer_lowered  }
0x9b: {  	s22 =	simm.s32 $0x1BFF;
	s21 =	sshll.u32 s5, $0x1;
	s2 =	sadd.s32 s19, s18  }
0x9c: {  	s6 =	simm.s32 $0x0;
	s20 =	sshll.u32 s4, $0x1;
	s4 =	sadd.s32 s21, s2  }
0x9d: {  	[timem:s6], [sflag:s22] =	dma.local [hbm:s4], s20  }
0x9e: {  	_ =	swait.ge [sflag:s22], s20  }
0x9f: {  	s3 =	ssub.s32 $0x0, s20;
	[sflag:s22] =	ssyncset.done $0x0  }
0xa0: {  	[sflag:s22] =	ssyncadd.s32 s3;
	_ =	sdelay $0x1  }
0xa1: {  	s23 =	simm.s32 $0x1B8B  }
0xa2: {  	_ =	swait.ge [sflag:s23], $0x1  }
0xa3: {  	[sflag:s23] =	ssyncset.done $0x0  }
0xa4: {  	s25 =	simm.s32 $0x1B8E;
	s24 =	sld [smem:$0x3FFE];
	[sflag:s23] =	ssyncadd.s32 $0xFFFFFFFF  }
0xa5: {  	s26 =	simm.s32 $execute0_lowered;
	[smem:$0x3FD2] =	sst s25  }
0xa6: {  	s4 =	sshll.u32 s26, $0x1;
	_ =	strace $0x80000058;
	[dreg:$0x1] =	wrdreg $0xFFFFFFFF  }
0xa7: {  	s28 =	simm.s32 $_size_execute0_lowered;
	s2 =	sadd.s32 s2, s4;
	[dreg:$0x0] =	wrdreg $0x0  }
0xa8: {  	s4 =	sshll.u32 s28, $0x1;
	[dreg:$0x2] =	wrdreg s2  }
0xa9: {  	[dreg:$0x3] =	wrdreg s4  }
0xaa: {  	[dreg:$0x4] =	wrdreg $0xC0  }
0xab: {  	_ =	task [dreg:s6], $0x5FFFF  }
0xac: {  	[dreg:$0x1] =	wrdreg $0xFFFFFFFF  }
0xad: {  	[dreg:$0x0] =	wrdreg $0x60  }
0xae: {  	[dreg:$0x2] =	wrdreg s24  }
0xaf: {  	[dreg:$0x3] =	wrdreg $0x29000  }
0xb0: {  	[dreg:$0x4] =	wrdreg $0x9  }
0xb1: {  	_ =	task.clear_ibuf [dreg:s6], $0x5FFFF;
	_ =	strace $0x90000058  }
0xb2: {  	s29 =	simm.s32 $0x9;
	_ =	strace $0x8000005A  }
0xb3: {  	_ =	swait.ge [sflag:s29], $0x1  }
0xb4: {  	[sflag:s29] =	ssyncadd.s32 $0xFFFFFFFF  }
0xb5: {  	_ =	strace $0x9000005A  }
0xb6: {  	_ =	sfence  }
0xb7: {  	s30 =	sld [smem:$0x0];
	_ =	sdelay $0x2  }
0xb8: {  	s31 =	sshll.u32 s1, $0xD;
	s1 =	sshrl.u32 s1, $0x2  }
0xb9: {  	s3 =	sand.u32 $0x4000, s31;
	s1 =	sadd.s32 s1, s30  }
0xba: {  	s0 =	sor.u32 s3, s0;
	s1 =	sshll.u32 s1, $0x11  }
0xbb: {  	s0 =	sor.u32 s1, s0  }
0xbc: {  	s0 =	sadd.s32 $0x8F2B, s0  }
0xbd: {  	[sflag:s0] =	ssyncadd.remote.s32 $0x1  }
0xbe: {  	_ =	sfence.sel $0xFFFF  }
0xbf: {  	[dreg:$0x0] =	wrdreg $0xFFFFFFFF;
	(pc) =	sbr.abs _section_cstart, $3  }
0xc0: {  	[dreg:$0x1] =	wrdreg $0xFFFFFFFF  }
0xc1: {  	_ =	task.clear_ibuf [dreg:s6], $0x2FFFF;
	_ =	strace $0x9FFFFFFF  }
0xc2: {  	(tm) =	ssettm $0x7FFFFFFF  }
0xc3: {  	_ =	shalt  }
tec
execute0_lowered:
.L_overlay_start_1:
0x0: {  	(tag) =	ssettag $0x1  }
0x1: {  	s6 =	rddreg [dreg:$0x0]  }
0x2: {  	s1 =	srdreg.scid;
	s0 =	stileid.u32  }
0x3: {  	s2 =	rddreg [dreg:$0x1];
	s4 =	smul.u32 $0x2710, s0  }
0x4: {  	s3 =	simm.s32 $0x0;
	s14 =	simm.s32 $0x50;
	s8 =	smul.u32 $0x4E2, s0  }
0x5: {  	s15 =	simm.s32 $0x100;
	s16 =	simm.s32 $0x1;
	s9 =	smul.u32 $0x2780, s0  }
0x6: {  	s7 =	sand.u32 $0x1, s1;
	s1 =	rddreg [dreg:$0x2];
	s28 =	smul.u32 $0x4F000, s0  }
0x7: {  	s17 =	simm.s32 $0x0;
	[smem:$0x7FF] =	sst s3;
	s5 =	smul.u32 $0x27100, s7  }
0x8: {  	s31 =	sshll.u32 s0, $0x6;
	s10 =	smul.u32 $0x27800, s7;
	s7 =	ssub.s32 $0x2, s7  }
0x9: {  	_ =	strace $0x80000059;
	s12 =	sadd.s32 s8, s6;
	s29 =	sshrl.u32 s7, $0x1  }
0xa: {  	s8 =	sshrl.u32 s28, $0x2;
	s5 =	sadd.s32 s4, s5;
	s4 =	sadd.s32 $0x1F000, s6  }
0xb: {  	s9 =	sadd.s32 s9, s10;
	s30 =	ssub.s32 s7, s29;
	s13 =	sadd.s32 s8, s2  }
0xc: {  	s5 =	sshrl.u32 s5, $0x3;
	s9 =	sadd.s32 s9, s6;
	s8 =	smax.u32 s30, $0x1  }
0xd: {  	s11 =	sadd.s32 s5, s6;
	s5 =	sadd.s32 $0x6E000, s6;
	s6 =	sor.u32 $0x1C02, s31  }
0xe: {  	s7 =	sadd.s32 $0xBF800, s9;
	s9 =	sadd.s32 $0x10200, s12;
	s12 =	simm.s32 $0x2  }
0xf: {  	s10 =	sadd.s32 $0x15200, s11;
	s11 =	sshrl.u32 s13, $0x3;
	s13 =	simm.s32 $0x80  }
.LBB2_1:
0x10: {  	[spmem:s11], [sflag:s6] =	dma.local [hbm:s5], $0x2780  }
0x11: {  	_ =	swait.ge [sflag:s12], $0x2780  }
0x12: {  	[sflag:s12] =	ssyncset.done $0x0  }
0x13: {  	[sflag:s12] =	ssyncadd.s32 $0xFFFFD880  }
0x14: {  	s18 =	sadd.s32 $0x0, s10;
	[bflag:$0x0] =	sbarrier.arrive $0xFFFF  }
0x15: {  	[tilespmem:s3], [sflag:$0x2] =	stream.linear.gather [hbm4b:s18+s3], $0x50, $0x38;
	[tilespmem:$0x16500] =	vst v63  }
0x16: {  	_ =	swait.ge [sflag:s12], $0x50  }
0x17: {  	[sflag:s12] =	ssyncset.done $0x0  }
0x18: {  	s31 =	sadd.s32 $0x0, s9;
	[sflag:s12] =	ssyncadd.s32 $0xFFFFFFB0  }
0x19: {  	[tilespmem:s13], [sflag:$0x2] =	stream.linear.gather [hbm4b:s31+s3], $0x50, $0x38;
	[tilespmem:$0x16500] =	vst v63  }
0x1a: {  	_ =	swait.ge [sflag:s12], $0x50  }
0x1b: {  	[sflag:s12] =	ssyncset.done $0x0  }
0x1c: {  	[sflag:s12] =	ssyncadd.s32 $0xFFFFFFB0  }
0x1d: {  	[tilespmem:s15], [sflag:$0x1] =	stream.indirect.gather [hbm4b:s4+s14], $0x80, s3, s14, $0xb8;
	[tilespmem:$0x16500] =	vst v63  }
0x1e: {  	_ =	swait.ge [sflag:s16], $0x2800  }
0x1f: {  	[sflag:s16] =	ssyncset.done $0x0  }
0x20: {  	[sflag:s16] =	ssyncadd.s32 $0xFFFFD800  }
0x21: {  	[spmem:s2] =	stream.indirect.scatter.add.f32 [tilespmem:s15], [sflag:$0x2], $0x80, s13, s14, $0xb8;
	[tilespmem:$0x16500] =	vst v63  }
0x22: {  	_ =	swait.ge [sflag:s12], $0x2800  }
0x23: {  	s19 =	simm.s32 $0x14;
	s18 =	simm.s32 $0xA;
	[sflag:s12] =	ssyncset.done $0x0  }
.LBB2_2:
0x24: {  	s20 =	sadd.s32 s18, s10  }
0x25: {  	[sflag:s12] =	ssyncadd.s32 $0xFFFFD800;
	s21 =	smov.u32 s19;
	s22 =	sadd.s32 $0xA, s19  }
0x26: {  	[tilespmem:s3], [sflag:$0x2] =	stream.linear.gather [hbm4b:s20+s3], $0x50, $0x38;
	[tilespmem:$0x16500] =	vst v63  }
0x27: {  	p0 =	sne.s32 s19, $0x4D8;
	_ =	swait.ge [sflag:s12], $0x50  }
0x28: {  	[sflag:s12] =	ssyncset.done $0x0  }
0x29: {  	s19 =	sadd.s32 s18, s9;
	s18 =	smov.u32 s21;
	[sflag:s12] =	ssyncadd.s32 $0xFFFFFFB0  }
0x2a: {  	[tilespmem:s13], [sflag:$0x2] =	stream.linear.gather [hbm4b:s19+s3], $0x50, $0x38;
	[tilespmem:$0x16500] =	vst v63  }
0x2b: {  	_ =	swait.ge [sflag:s12], $0x50  }
0x2c: {  	[sflag:s12] =	ssyncset.done $0x0  }
0x2d: {  	[sflag:s12] =	ssyncadd.s32 $0xFFFFFFB0  }
0x2e: {  	[tilespmem:s15], [sflag:$0x1] =	stream.indirect.gather [hbm4b:s4+s14], $0x80, s3, s14, $0xb8;
	[tilespmem:$0x16500] =	vst v63  }
0x2f: {  	_ =	swait.ge [sflag:s16], $0x2800  }
.Ltmp0:
0x30: {  	[sflag:s16] =	ssyncset.done $0x0;
	(pc) =	sbr.rel @p0 .LBB2_2-.Ltmp0, $4  }
0x31: {  	[sflag:s16] =	ssyncadd.s32 $0xFFFFD800  }
0x32: {  	[spmem:s2] =	stream.indirect.scatter.add.f32 [tilespmem:s15], [sflag:$0x2], $0x80, s13, s14, $0xb8;
	[tilespmem:$0x16500] =	vst v63  }
0x33: {  	_ =	swait.ge [sflag:s12], $0x2800  }
0x34: {  	s19 =	smov.u32 s22;
	[sflag:s12] =	ssyncset.done $0x0  }
0x35: {  	s19 =	sadd.s32 s18, s10;
	[sflag:s12] =	ssyncadd.s32 $0xFFFFD800  }
0x36: {  	[tilespmem:s3], [sflag:$0x2] =	stream.linear.gather [hbm4b:s19+s3], $0x50, $0x38;
	[tilespmem:$0x16500] =	vst v63  }
0x37: {  	_ =	swait.ge [sflag:s12], $0x50  }
0x38: {  	[sflag:s12] =	ssyncset.done $0x0  }
0x39: {  	s31 =	sadd.s32 s18, s9;
	[sflag:s12] =	ssyncadd.s32 $0xFFFFFFB0  }
0x3a: {  	[tilespmem:s13], [sflag:$0x2] =	stream.linear.gather [hbm4b:s31+s3], $0x50, $0x38;
	[tilespmem:$0x16500] =	vst v63  }
0x3b: {  	_ =	swait.ge [sflag:s12], $0x50  }
0x3c: {  	[sflag:s12] =	ssyncset.done $0x0  }
0x3d: {  	[sflag:s12] =	ssyncadd.s32 $0xFFFFFFB0  }
0x3e: {  	[tilespmem:s15], [sflag:$0x1] =	stream.indirect.gather [hbm4b:s4+s14], $0x80, s3, s14, $0xb8;
	[tilespmem:$0x16500] =	vst v63  }
0x3f: {  	_ =	swait.ge [sflag:s16], $0x2800  }
0x40: {  	[sflag:s16] =	ssyncset.done $0x0  }
0x41: {  	[sflag:s16] =	ssyncadd.s32 $0xFFFFD800  }
0x42: {  	[spmem:s2] =	stream.indirect.scatter.add.f32 [tilespmem:s15], [sflag:$0x2], $0x80, s13, s14, $0xb8;
	[tilespmem:$0x16500] =	vst v63  }
0x43: {  	_ =	swait.ge [sflag:s12], $0x2800  }
0x44: {  	s17 =	sadd.s32 $0x1, s17;
	[sflag:s12] =	ssyncset.done $0x0  }
0x45: {  	p0 =	sne.s32 s17, s8;
	[sflag:s12] =	ssyncadd.s32 $0xFFFFD800  }
.Ltmp1:
0x46: {  	[bflag:$0x0] =	sbarrier.arrive $0xFFFF;
	(pc) =	sbr.rel @p0 .LBB2_1-.Ltmp1, $4  }
0x47: {  	[hbm:s7], [sflag:s6] =	dma.local [spmem:s11], $0x2780  }
0x48: {  	_ =	swait.ge [sflag:s12], $0x2780  }
0x49: {  	[sflag:s12] =	ssyncset.done $0x0  }
0x4a: {  	[sflag:s12] =	ssyncadd.s32 $0xFFFFD880  }
0x4b: {  	_ =	sfence.sel $0x180000  }
0x4c: {  	[bflag:$0x0] =	sbarrier.arrive $0xFFFF  }
0x4d: {  	p0 =	sne.s32 s0, $0x0;
	_ =	strace $0x90000059  }
0x4e: {  	s0 =	sadd.s32 @!p0 $0x100000, s1;
	[bflag:$0x2] =	sbarrier.arrive $0xFFFF  }
0x4f: {  	[sflag:s0] =	ssyncadd.tile.s32 @!p0 $0x1;
	_ =	shalt  }
.Lfunc_end2:
_tile_overlayer_lowered:
.L_overlay_start_2:
0x50: {  	(tag) =	ssettag $0x2  }
0x51: {  	s0 =	rddreg [dreg:$0x0];
	s2 =	stileid.u32  }
0x52: {  	s1 =	rddreg [dreg:$0x1];
	p0 =	sne.s32 s2, $0x0  }
0x53: {  	s3 =	rddreg [dreg:$0x2];
	[bflag:$0x3] =	sbarrier.arrive $0xFFFF;
	s2 =	simm.s32 @!p0 $0x1C02  }
0x54: {  	[timem:s3], [sflag:s2] =	dma.local @!p0 [hbm:s0], s1  }
0x55: {  	s0 =	simm.s32 @!p0 $0x2  }
0x56: {  	_ =	swait.ge @!p0 [sflag:s0], s1  }
0x57: {  	s1 =	ssub.s32 @!p0 $0x0, s1;
	[sflag:s0] =	ssyncset.done @!p0 $0x0  }
0x58: {  	[sflag:s0] =	ssyncadd.s32 @!p0 s1  }
0x59: {  	[bflag:$0x3] =	sbarrier.arrive $0xFFFF  }
0x5a: {  	_ =	shalt  }

// kernel: kernel.49.cloned.1.call-start
scs
__scs_entry_jumppad:
0x0: {  	(pc) =	sbr.rel $0x88, $3  }
0x1: {  	(tag) =	ssettag $0x0;
	lr =	simm.s32 $0x1  }
0x2: {  	[smem:$0x3F95] =	sst lr;
	_ =	strace $0xD0000000  }
0x3: {  	_ = 	snop  }
0x4: {  	_ = 	snop  }
0x5: {  	_ = 	snop  }
0x6: {  	_ = 	snop  }
0x7: {  	_ = 	snop  }
__scs_overlays_trampoline_lowered:
0x8: {  	[smem:$0x3FA4] =	sst s0  }
0x9: {  	[smem:$0x3FA5] =	sst s1  }
0xa: {  	[smem:$0x3FA6] =	sst s2  }
0xb: {  	[smem:$0x3FA7] =	sst s3  }
0xc: {  	[smem:$0x3FA8] =	sst s4  }
0xd: {  	[smem:$0x3FA9] =	sst s5  }
0xe: {  	[smem:$0x3FAA] =	sst s6  }
0xf: {  	[smem:$0x3FAB] =	sst s7  }
0x10: {  	[smem:$0x3FAC] =	sst s8  }
0x11: {  	[smem:$0x3FAD] =	sst s9;
	s0 =	simm.s32 @!p0 $0x0  }
0x12: {  	s1 =	sld [smem:$0x3F93];
	s0 =	simm.s32 @p0 $0x1  }
0x13: {  	[smem:$0x3FAE] =	sst s0;
	s0 =	simm.s32 @!p1 $0x0  }
0x14: {  	s2 =	sld [smem:$0x3F92];
	s0 =	simm.s32 @p1 $0x1  }
0x15: {  	[smem:$0x3FAF] =	sst s0;
	s0 =	simm.s32 @!p2 $0x0  }
0x16: {  	s3 =	sld [smem:$0x3FDB];
	s0 =	simm.s32 @p2 $0x1  }
0x17: {  	s4 =	simm.s32 $0x1BF5;
	[smem:$0x3FB1] =	sst s0  }
0x18: {  	s0 =	sld [smem:$0x3F94];
	_ =	swait.ge [sflag:s4], $0x0  }
0x19: {  	s7 =	sld [smem:$0x3F95]  }
0x1a: {  	s8 =	sadd.s32 $0xFFFFE003, lr  }
0x1b: {  	s9 =	sadd.s32 $0xFFFFFEF7, lr;
	s5 =	simm.s32 $0xFFFFFFFF;
	p2 =	slt.u32 s8, $0xFFFFF086  }
0x1c: {  	p1 =	slt.u32 s9, $0xF7A;
	s5 =	simm.s32 @!p2 $0x0  }
0x1d: {  	s5 =	simm.s32 @p1 $0x1;
	p0 =	seq.s32 s7, s2  }
0x1e: {  	s7 =	smul.u32 @!p0 $0xF7A, s2;
	p2 =	seq.s32 @!p0 s5, $0x0  }
0x1f: {  	s9 =	smul.u32 $0xF7A, s1;
	s8 =	simm.s32 @!p0 $0x1BF5;
	p2 =	por !p2, p0  }
0x20: {  	[sflag:s8] =	ssyncset.s32 @!p0 $0xFFFFF086;
	s6 =	sadd.s32 @!p0 s3, s7;
	s7 =	simm.s32 @!p0 $0x108  }
0x21: {  	s3 =	sadd.s32 s3, s9;
	s6 =	sadd.s32 @!p0 $0x88, s6;
	s7 =	simm.s32 @p2 $0x1082  }
0x22: {  	[simem:s7], [sflag:s8] =	dma.local @!p0 [hbm:s6], $0xF7A  }
0x23: {  	s9 =	sor.u32 $0xD0000000, s2;
	s6 =	simm.s32 $0x108;
	_ =	swait.ge @!p0 [sflag:s8], $0x0  }
0x24: {  	s3 =	sadd.s32 $0x88, s3;
	s6 =	simm.s32 @!p1 $0x1082;
	[sflag:s4] =	ssyncset.s32 $0xFFFFF086  }
0x25: {  	[simem:s6], [sflag:s4] =	dma.local [hbm:s3], $0xF7A  }
0x26: {  	[smem:$0x3F95] =	sst s1;
	(tag) =	ssettag s2;
	_ =	strace s9  }
0x27: {  	s1 =	sld [smem:$0x3FA5]  }
0x28: {  	s2 =	sld [smem:$0x3FA6]  }
0x29: {  	s4 =	sld [smem:$0x3FA8]  }
0x2a: {  	p0 =	seq.s32 s5, $0x0;
	s5 =	sld [smem:$0x3FA9]  }
0x2b: {  	s6 =	sld [smem:$0x3FAA]  }
0x2c: {  	s7 =	sld [smem:$0x3FAB]  }
0x2d: {  	s3 =	simm.s32 $0x108;
	s8 =	sld [smem:$0x3FAC]  }
0x2e: {  	s3 =	simm.s32 @!p0 $0x1082;
	s9 =	sld [smem:$0x3FAD]  }
0x2f: {  	lr =	sadd.s32 s0, s3;
	s0 =	sld [smem:$0x3FA4]  }
0x30: {  	s3 =	sld [smem:$0x3FA7]  }
0x31: {  	[smem:$0x3FB0] =	sst s10  }
0x32: {  	s10 =	sld [smem:$0x3FAE];
	_ =	sdelay $0x3  }
0x33: {  	p0 =	seq.s32 s10, $0x1;
	s10 =	sld [smem:$0x3FB0];
	_ =	sdelay $0x3  }
0x34: {  	[smem:$0x3FB0] =	sst s10  }
0x35: {  	s10 =	sld [smem:$0x3FAF];
	_ =	sdelay $0x3  }
0x36: {  	p1 =	seq.s32 s10, $0x1;
	s10 =	sld [smem:$0x3FB0];
	_ =	sdelay $0x3  }
0x37: {  	[smem:$0x3FB0] =	sst s10  }
0x38: {  	s10 =	sld [smem:$0x3FB1]  }
0x39: {  	_ = 	snop;
	(pc) =	sbr.ind lr, $3  }
0x3a: {  	_ = 	snop  }
0x3b: {  	_ = 	snop  }
0x3c: {  	p2 =	seq.s32 s10, $0x1;
	s10 =	sld [smem:$0x3FB0]  }
0x3d: {  	_ =	shalt  }
0x3e: {  	_ =	shalt  }
0x3f: {  	_ =	shalt  }
0x40: {  	_ =	shalt  }
0x41: {  	_ =	shalt  }
0x42: {  	_ =	shalt  }
0x43: {  	_ =	shalt  }
0x44: {  	_ =	shalt  }
0x45: {  	_ =	shalt  }
0x46: {  	_ =	shalt  }
0x47: {  	_ =	shalt  }
0x48: {  	_ =	shalt  }
0x49: {  	_ =	shalt  }
0x4a: {  	_ =	shalt  }
0x4b: {  	_ =	shalt  }
0x4c: {  	_ =	shalt  }
0x4d: {  	_ =	shalt  }
0x4e: {  	_ =	shalt  }
0x4f: {  	_ =	shalt  }
0x50: {  	_ =	shalt  }
0x51: {  	_ =	shalt  }
0x52: {  	_ =	shalt  }
0x53: {  	_ =	shalt  }
0x54: {  	_ =	shalt  }
0x55: {  	_ =	shalt  }
0x56: {  	_ =	shalt  }
0x57: {  	_ =	shalt  }
0x58: {  	_ =	shalt  }
0x59: {  	_ =	shalt  }
0x5a: {  	_ =	shalt  }
0x5b: {  	_ =	shalt  }
0x5c: {  	_ =	shalt  }
0x5d: {  	_ =	shalt  }
0x5e: {  	_ =	shalt  }
0x5f: {  	_ =	shalt  }
0x60: {  	_ =	shalt  }
0x61: {  	_ =	shalt  }
0x62: {  	_ =	shalt  }
0x63: {  	_ =	shalt  }
0x64: {  	_ =	shalt  }
0x65: {  	_ =	shalt  }
0x66: {  	_ =	shalt  }
0x67: {  	_ =	shalt  }
0x68: {  	_ =	shalt  }
0x69: {  	_ =	shalt  }
0x6a: {  	_ =	shalt  }
0x6b: {  	_ =	shalt  }
0x6c: {  	_ =	shalt  }
0x6d: {  	_ =	shalt  }
0x6e: {  	_ =	shalt  }
0x6f: {  	_ =	shalt  }
0x70: {  	_ =	shalt  }
0x71: {  	_ =	shalt  }
0x72: {  	_ =	shalt  }
0x73: {  	_ =	shalt  }
0x74: {  	_ =	shalt  }
0x75: {  	_ =	shalt  }
0x76: {  	_ =	shalt  }
0x77: {  	_ =	shalt  }
0x78: {  	_ =	shalt  }
0x79: {  	_ =	shalt  }
0x7a: {  	_ =	shalt  }
0x7b: {  	_ =	shalt  }
0x7c: {  	_ =	shalt  }
0x7d: {  	_ =	shalt  }
0x7e: {  	_ =	shalt  }
0x7f: {  	_ =	shalt  }
0x80: {  	_ =	shalt  }
0x81: {  	_ =	shalt  }
0x82: {  	_ =	shalt  }
0x83: {  	_ =	shalt  }
0x84: {  	_ =	shalt  }
0x85: {  	_ =	shalt  }
0x86: {  	_ =	shalt  }
0x87: {  	_ =	shalt  }
.Lfunc_end0:
.L_simem_size_0:
called_computation.7_lowered:
.L_overlay_start_0:
0x88: {  	s2 =	sld [smem:$0x3FD9]  }
0x89: {  	s3 =	sld [smem:$0x3FFE];
	_ =	sdelay $0x1  }
0x8a: {  	s1 =	srdreg.scid  }
0x8b: {  	s0 =	sand.u32 $0x1, s1  }
0x8c: {  	s16 =	sshll.u32 s0, $0xA;
	s2 =	sadd.s32 s3, s2  }
0x8d: {  	s2 =	sadd.s32 s2, s16  }
0x8e: {  	[smem:$0x3FBC] =	sst s2  }
0x8f: {  	_ = 	snop  }
0x90: {  	(tm) =	ssettm $0x1  }
0x91: {  	s17 =	sld [smem:$0x3FFB];
	_ =	sdelay $0x3  }
0x92: {  	_ =	strace s17  }
0x93: {  	s2 =	sld [smem:$0x3FFC];
	_ =	sdelay $0x3  }
0x94: {  	_ =	strace s2  }
0x95: {  	s2 =	sld [smem:$0x3FFD];
	_ =	sdelay $0x3  }
0x96: {  	_ =	strace s2  }
0x97: {  	_ =	strace $0x8FFFFFFF  }
0x98: {  	s18 =	sld [smem:$0x3FDB];
	_ =	sdelay $0x1  }
0x99: {  	s19 =	simm.s32 $_scs_section_size  }
0x9a: {  	s4 =	simm.s32 $_size__tile_overlayer_lowered;
	s5 =	simm.s32 $_tile_overlayer_lowered  }
0x9b: {  	s22 =	simm.s32 $0x1BFF;
	s21 =	sshll.u32 s5, $0x1;
	s2 =	sadd.s32 s19, s18  }
0x9c: {  	s6 =	simm.s32 $0x0;
	s20 =	sshll.u32 s4, $0x1;
	s4 =	sadd.s32 s21, s2  }
0x9d: {  	[timem:s6], [sflag:s22] =	dma.local [hbm:s4], s20  }
0x9e: {  	_ =	swait.ge [sflag:s22], s20  }
0x9f: {  	s3 =	ssub.s32 $0x0, s20;
	[sflag:s22] =	ssyncset.done $0x0  }
0xa0: {  	[sflag:s22] =	ssyncadd.s32 s3;
	_ =	sdelay $0x1  }
0xa1: {  	s23 =	simm.s32 $0x1B8B  }
0xa2: {  	_ =	swait.ge [sflag:s23], $0x1  }
0xa3: {  	[sflag:s23] =	ssyncset.done $0x0  }
0xa4: {  	s25 =	simm.s32 $0x1B8E;
	s24 =	sld [smem:$0x3FFE];
	[sflag:s23] =	ssyncadd.s32 $0xFFFFFFFF  }
0xa5: {  	s26 =	simm.s32 $execute0_lowered;
	[smem:$0x3FD2] =	sst s25  }
0xa6: {  	s4 =	sshll.u32 s26, $0x1;
	_ =	strace $0x8000005B;
	[dreg:$0x1] =	wrdreg $0xFFFFFFFF  }
0xa7: {  	s28 =	simm.s32 $_size_execute0_lowered;
	s2 =	sadd.s32 s2, s4;
	[dreg:$0x0] =	wrdreg $0x0  }
0xa8: {  	s4 =	sshll.u32 s28, $0x1;
	[dreg:$0x2] =	wrdreg s2  }
0xa9: {  	[dreg:$0x3] =	wrdreg s4  }
0xaa: {  	[dreg:$0x4] =	wrdreg $0xC0  }
0xab: {  	_ =	task [dreg:s6], $0x5FFFF  }
0xac: {  	[dreg:$0x1] =	wrdreg $0xFFFFFFFF  }
0xad: {  	[dreg:$0x0] =	wrdreg $0x60  }
0xae: {  	[dreg:$0x2] =	wrdreg s24  }
0xaf: {  	[dreg:$0x3] =	wrdreg $0x29000  }
0xb0: {  	[dreg:$0x4] =	wrdreg $0x9  }
0xb1: {  	_ =	task.clear_ibuf [dreg:s6], $0x5FFFF;
	_ =	strace $0x9000005B  }
0xb2: {  	s29 =	simm.s32 $0x9;
	_ =	strace $0x8000005D  }
0xb3: {  	_ =	swait.ge [sflag:s29], $0x1  }
0xb4: {  	[sflag:s29] =	ssyncadd.s32 $0xFFFFFFFF  }
0xb5: {  	_ =	strace $0x9000005D  }
0xb6: {  	_ =	sfence  }
0xb7: {  	s30 =	sld [smem:$0x0];
	_ =	sdelay $0x2  }
0xb8: {  	s31 =	sshll.u32 s1, $0xD;
	s1 =	sshrl.u32 s1, $0x2  }
0xb9: {  	s3 =	sand.u32 $0x4000, s31;
	s1 =	sadd.s32 s1, s30  }
0xba: {  	s0 =	sor.u32 s3, s0;
	s1 =	sshll.u32 s1, $0x11  }
0xbb: {  	s0 =	sor.u32 s1, s0  }
0xbc: {  	s0 =	sadd.s32 $0x8F2B, s0  }
0xbd: {  	[sflag:s0] =	ssyncadd.remote.s32 $0x1  }
0xbe: {  	_ =	sfence.sel $0xFFFF  }
0xbf: {  	[dreg:$0x0] =	wrdreg $0xFFFFFFFF;
	(pc) =	sbr.abs _section_cstart, $3  }
0xc0: {  	[dreg:$0x1] =	wrdreg $0xFFFFFFFF  }
0xc1: {  	_ =	task.clear_ibuf [dreg:s6], $0x2FFFF;
	_ =	strace $0x9FFFFFFF  }
0xc2: {  	(tm) =	ssettm $0x7FFFFFFF  }
0xc3: {  	_ =	shalt  }
tec
execute0_lowered:
.L_overlay_start_1:
0x0: {  	(tag) =	ssettag $0x1  }
0x1: {  	s6 =	rddreg [dreg:$0x0]  }
0x2: {  	s1 =	srdreg.scid;
	s0 =	stileid.u32  }
0x3: {  	s2 =	rddreg [dreg:$0x1];
	s4 =	smul.u32 $0x2710, s0  }
0x4: {  	s3 =	simm.s32 $0x0;
	s14 =	simm.s32 $0x50;
	s8 =	smul.u32 $0x4E2, s0  }
0x5: {  	s15 =	simm.s32 $0x100;
	s16 =	simm.s32 $0x1;
	s9 =	smul.u32 $0x2780, s0  }
0x6: {  	s7 =	sand.u32 $0x1, s1;
	s1 =	rddreg [dreg:$0x2];
	s28 =	smul.u32 $0x4F000, s0  }
0x7: {  	s17 =	simm.s32 $0x0;
	[smem:$0x7FF] =	sst s3;
	s5 =	smul.u32 $0x27100, s7  }
0x8: {  	s31 =	sshll.u32 s0, $0x6;
	s10 =	smul.u32 $0x27800, s7;
	s7 =	ssub.s32 $0x2, s7  }
0x9: {  	_ =	strace $0x8000005C;
	s12 =	sadd.s32 s8, s6;
	s29 =	sshrl.u32 s7, $0x1  }
0xa: {  	s8 =	sshrl.u32 s28, $0x2;
	s5 =	sadd.s32 s4, s5;
	s4 =	sadd.s32 $0x1F000, s6  }
0xb: {  	s9 =	sadd.s32 s9, s10;
	s30 =	ssub.s32 s7, s29;
	s13 =	sadd.s32 s8, s2  }
0xc: {  	s5 =	sshrl.u32 s5, $0x3;
	s9 =	sadd.s32 s9, s6;
	s8 =	smax.u32 s30, $0x1  }
0xd: {  	s11 =	sadd.s32 s5, s6;
	s5 =	sadd.s32 $0x6E000, s6;
	s6 =	sor.u32 $0x1C02, s31  }
0xe: {  	s7 =	sadd.s32 $0xBF800, s9;
	s9 =	sadd.s32 $0x10200, s12;
	s12 =	simm.s32 $0x2  }
0xf: {  	s10 =	sadd.s32 $0x15200, s11;
	s11 =	sshrl.u32 s13, $0x3;
	s13 =	simm.s32 $0x80  }
.LBB2_1:
0x10: {  	[spmem:s11], [sflag:s6] =	dma.local [hbm:s5], $0x2780  }
0x11: {  	_ =	swait.ge [sflag:s12], $0x2780  }
0x12: {  	[sflag:s12] =	ssyncset.done $0x0  }
0x13: {  	[sflag:s12] =	ssyncadd.s32 $0xFFFFD880  }
0x14: {  	s18 =	sadd.s32 $0x0, s10;
	[bflag:$0x0] =	sbarrier.arrive $0xFFFF  }
0x15: {  	[tilespmem:s3], [sflag:$0x2] =	stream.linear.gather [hbm4b:s18+s3], $0x50, $0x38;
	[tilespmem:$0x16500] =	vst v63  }
0x16: {  	_ =	swait.ge [sflag:s12], $0x50  }
0x17: {  	[sflag:s12] =	ssyncset.done $0x0  }
0x18: {  	s31 =	sadd.s32 $0x0, s9;
	[sflag:s12] =	ssyncadd.s32 $0xFFFFFFB0  }
0x19: {  	[tilespmem:s13], [sflag:$0x2] =	stream.linear.gather [hbm4b:s31+s3], $0x50, $0x38;
	[tilespmem:$0x16500] =	vst v63  }
0x1a: {  	_ =	swait.ge [sflag:s12], $0x50  }
0x1b: {  	[sflag:s12] =	ssyncset.done $0x0  }
0x1c: {  	[sflag:s12] =	ssyncadd.s32 $0xFFFFFFB0  }
0x1d: {  	[tilespmem:s15], [sflag:$0x1] =	stream.indirect.gather [hbm4b:s4+s14], $0x80, s3, s14, $0xb8;
	[tilespmem:$0x16500] =	vst v63  }
0x1e: {  	_ =	swait.ge [sflag:s16], $0x2800  }
0x1f: {  	[sflag:s16] =	ssyncset.done $0x0  }
0x20: {  	[sflag:s16] =	ssyncadd.s32 $0xFFFFD800  }
0x21: {  	[spmem:s2] =	stream.indirect.scatter.add.f32 [tilespmem:s15], [sflag:$0x2], $0x80, s13, s14, $0xb8;
	[tilespmem:$0x16500] =	vst v63  }
0x22: {  	_ =	swait.ge [sflag:s12], $0x2800  }
0x23: {  	s19 =	simm.s32 $0x14;
	s18 =	simm.s32 $0xA;
	[sflag:s12] =	ssyncset.done $0x0  }
.LBB2_2:
0x24: {  	s20 =	sadd.s32 s18, s10  }
0x25: {  	[sflag:s12] =	ssyncadd.s32 $0xFFFFD800;
	s21 =	smov.u32 s19;
	s22 =	sadd.s32 $0xA, s19  }
0x26: {  	[tilespmem:s3], [sflag:$0x2] =	stream.linear.gather [hbm4b:s20+s3], $0x50, $0x38;
	[tilespmem:$0x16500] =	vst v63  }
0x27: {  	p0 =	sne.s32 s19, $0x4D8;
	_ =	swait.ge [sflag:s12], $0x50  }
0x28: {  	[sflag:s12] =	ssyncset.done $0x0  }
0x29: {  	s19 =	sadd.s32 s18, s9;
	s18 =	smov.u32 s21;
	[sflag:s12] =	ssyncadd.s32 $0xFFFFFFB0  }
0x2a: {  	[tilespmem:s13], [sflag:$0x2] =	stream.linear.gather [hbm4b:s19+s3], $0x50, $0x38;
	[tilespmem:$0x16500] =	vst v63  }
0x2b: {  	_ =	swait.ge [sflag:s12], $0x50  }
0x2c: {  	[sflag:s12] =	ssyncset.done $0x0  }
0x2d: {  	[sflag:s12] =	ssyncadd.s32 $0xFFFFFFB0  }
0x2e: {  	[tilespmem:s15], [sflag:$0x1] =	stream.indirect.gather [hbm4b:s4+s14], $0x80, s3, s14, $0xb8;
	[tilespmem:$0x16500] =	vst v63  }
0x2f: {  	_ =	swait.ge [sflag:s16], $0x2800  }
.Ltmp0:
0x30: {  	[sflag:s16] =	ssyncset.done $0x0;
	(pc) =	sbr.rel @p0 .LBB2_2-.Ltmp0, $4  }
0x31: {  	[sflag:s16] =	ssyncadd.s32 $0xFFFFD800  }
0x32: {  	[spmem:s2] =	stream.indirect.scatter.add.f32 [tilespmem:s15], [sflag:$0x2], $0x80, s13, s14, $0xb8;
	[tilespmem:$0x16500] =	vst v63  }
0x33: {  	_ =	swait.ge [sflag:s12], $0x2800  }
0x34: {  	s19 =	smov.u32 s22;
	[sflag:s12] =	ssyncset.done $0x0  }
0x35: {  	s19 =	sadd.s32 s18, s10;
	[sflag:s12] =	ssyncadd.s32 $0xFFFFD800  }
0x36: {  	[tilespmem:s3], [sflag:$0x2] =	stream.linear.gather [hbm4b:s19+s3], $0x50, $0x38;
	[tilespmem:$0x16500] =	vst v63  }
0x37: {  	_ =	swait.ge [sflag:s12], $0x50  }
0x38: {  	[sflag:s12] =	ssyncset.done $0x0  }
0x39: {  	s31 =	sadd.s32 s18, s9;
	[sflag:s12] =	ssyncadd.s32 $0xFFFFFFB0  }
0x3a: {  	[tilespmem:s13], [sflag:$0x2] =	stream.linear.gather [hbm4b:s31+s3], $0x50, $0x38;
	[tilespmem:$0x16500] =	vst v63  }
0x3b: {  	_ =	swait.ge [sflag:s12], $0x50  }
0x3c: {  	[sflag:s12] =	ssyncset.done $0x0  }
0x3d: {  	[sflag:s12] =	ssyncadd.s32 $0xFFFFFFB0  }
0x3e: {  	[tilespmem:s15], [sflag:$0x1] =	stream.indirect.gather [hbm4b:s4+s14], $0x80, s3, s14, $0xb8;
	[tilespmem:$0x16500] =	vst v63  }
0x3f: {  	_ =	swait.ge [sflag:s16], $0x2800  }
0x40: {  	[sflag:s16] =	ssyncset.done $0x0  }
0x41: {  	[sflag:s16] =	ssyncadd.s32 $0xFFFFD800  }
0x42: {  	[spmem:s2] =	stream.indirect.scatter.add.f32 [tilespmem:s15], [sflag:$0x2], $0x80, s13, s14, $0xb8;
	[tilespmem:$0x16500] =	vst v63  }
0x43: {  	_ =	swait.ge [sflag:s12], $0x2800  }
0x44: {  	s17 =	sadd.s32 $0x1, s17;
	[sflag:s12] =	ssyncset.done $0x0  }
0x45: {  	p0 =	sne.s32 s17, s8;
	[sflag:s12] =	ssyncadd.s32 $0xFFFFD800  }
.Ltmp1:
0x46: {  	[bflag:$0x0] =	sbarrier.arrive $0xFFFF;
	(pc) =	sbr.rel @p0 .LBB2_1-.Ltmp1, $4  }
0x47: {  	[hbm:s7], [sflag:s6] =	dma.local [spmem:s11], $0x2780  }
0x48: {  	_ =	swait.ge [sflag:s12], $0x2780  }
0x49: {  	[sflag:s12] =	ssyncset.done $0x0  }
0x4a: {  	[sflag:s12] =	ssyncadd.s32 $0xFFFFD880  }
0x4b: {  	_ =	sfence.sel $0x180000  }
0x4c: {  	[bflag:$0x0] =	sbarrier.arrive $0xFFFF  }
0x4d: {  	p0 =	sne.s32 s0, $0x0;
	_ =	strace $0x9000005C  }
0x4e: {  	s0 =	sadd.s32 @!p0 $0x100000, s1;
	[bflag:$0x2] =	sbarrier.arrive $0xFFFF  }
0x4f: {  	[sflag:s0] =	ssyncadd.tile.s32 @!p0 $0x1;
	_ =	shalt  }
.Lfunc_end2:
_tile_overlayer_lowered:
.L_overlay_start_2:
0x50: {  	(tag) =	ssettag $0x2  }
0x51: {  	s0 =	rddreg [dreg:$0x0];
	s2 =	stileid.u32  }
0x52: {  	s1 =	rddreg [dreg:$0x1];
	p0 =	sne.s32 s2, $0x0  }
0x53: {  	s3 =	rddreg [dreg:$0x2];
	[bflag:$0x3] =	sbarrier.arrive $0xFFFF;
	s2 =	simm.s32 @!p0 $0x1C02  }
0x54: {  	[timem:s3], [sflag:s2] =	dma.local @!p0 [hbm:s0], s1  }
0x55: {  	s0 =	simm.s32 @!p0 $0x2  }
0x56: {  	_ =	swait.ge @!p0 [sflag:s0], s1  }
0x57: {  	s1 =	ssub.s32 @!p0 $0x0, s1;
	[sflag:s0] =	ssyncset.done @!p0 $0x0  }
0x58: {  	[sflag:s0] =	ssyncadd.s32 @!p0 s1  }
0x59: {  	[bflag:$0x3] =	sbarrier.arrive $0xFFFF  }
0x5a: {  	_ =	shalt  }

// kernel: kernel.52.cloned.1.call-start
scs
__scs_entry_jumppad:
0x0: {  	(pc) =	sbr.rel $0x88, $3  }
0x1: {  	(tag) =	ssettag $0x0;
	lr =	simm.s32 $0x1  }
0x2: {  	[smem:$0x3F95] =	sst lr;
	_ =	strace $0xD0000000  }
0x3: {  	_ = 	snop  }
0x4: {  	_ = 	snop  }
0x5: {  	_ = 	snop  }
0x6: {  	_ = 	snop  }
0x7: {  	_ = 	snop  }
__scs_overlays_trampoline_lowered:
0x8: {  	[smem:$0x3FA4] =	sst s0  }
0x9: {  	[smem:$0x3FA5] =	sst s1  }
0xa: {  	[smem:$0x3FA6] =	sst s2  }
0xb: {  	[smem:$0x3FA7] =	sst s3  }
0xc: {  	[smem:$0x3FA8] =	sst s4  }
0xd: {  	[smem:$0x3FA9] =	sst s5  }
0xe: {  	[smem:$0x3FAA] =	sst s6  }
0xf: {  	[smem:$0x3FAB] =	sst s7  }
0x10: {  	[smem:$0x3FAC] =	sst s8  }
0x11: {  	[smem:$0x3FAD] =	sst s9;
	s0 =	simm.s32 @!p0 $0x0  }
0x12: {  	s1 =	sld [smem:$0x3F93];
	s0 =	simm.s32 @p0 $0x1  }
0x13: {  	[smem:$0x3FAE] =	sst s0;
	s0 =	simm.s32 @!p1 $0x0  }
0x14: {  	s2 =	sld [smem:$0x3F92];
	s0 =	simm.s32 @p1 $0x1  }
0x15: {  	[smem:$0x3FAF] =	sst s0;
	s0 =	simm.s32 @!p2 $0x0  }
0x16: {  	s3 =	sld [smem:$0x3FDB];
	s0 =	simm.s32 @p2 $0x1  }
0x17: {  	s4 =	simm.s32 $0x1BF5;
	[smem:$0x3FB1] =	sst s0  }
0x18: {  	s0 =	sld [smem:$0x3F94];
	_ =	swait.ge [sflag:s4], $0x0  }
0x19: {  	s7 =	sld [smem:$0x3F95]  }
0x1a: {  	s8 =	sadd.s32 $0xFFFFE003, lr  }
0x1b: {  	s9 =	sadd.s32 $0xFFFFFEF7, lr;
	s5 =	simm.s32 $0xFFFFFFFF;
	p2 =	slt.u32 s8, $0xFFFFF086  }
0x1c: {  	p1 =	slt.u32 s9, $0xF7A;
	s5 =	simm.s32 @!p2 $0x0  }
0x1d: {  	s5 =	simm.s32 @p1 $0x1;
	p0 =	seq.s32 s7, s2  }
0x1e: {  	s7 =	smul.u32 @!p0 $0xF7A, s2;
	p2 =	seq.s32 @!p0 s5, $0x0  }
0x1f: {  	s9 =	smul.u32 $0xF7A, s1;
	s8 =	simm.s32 @!p0 $0x1BF5;
	p2 =	por !p2, p0  }
0x20: {  	[sflag:s8] =	ssyncset.s32 @!p0 $0xFFFFF086;
	s6 =	sadd.s32 @!p0 s3, s7;
	s7 =	simm.s32 @!p0 $0x108  }
0x21: {  	s3 =	sadd.s32 s3, s9;
	s6 =	sadd.s32 @!p0 $0x88, s6;
	s7 =	simm.s32 @p2 $0x1082  }
0x22: {  	[simem:s7], [sflag:s8] =	dma.local @!p0 [hbm:s6], $0xF7A  }
0x23: {  	s9 =	sor.u32 $0xD0000000, s2;
	s6 =	simm.s32 $0x108;
	_ =	swait.ge @!p0 [sflag:s8], $0x0  }
0x24: {  	s3 =	sadd.s32 $0x88, s3;
	s6 =	simm.s32 @!p1 $0x1082;
	[sflag:s4] =	ssyncset.s32 $0xFFFFF086  }
0x25: {  	[simem:s6], [sflag:s4] =	dma.local [hbm:s3], $0xF7A  }
0x26: {  	[smem:$0x3F95] =	sst s1;
	(tag) =	ssettag s2;
	_ =	strace s9  }
0x27: {  	s1 =	sld [smem:$0x3FA5]  }
0x28: {  	s2 =	sld [smem:$0x3FA6]  }
0x29: {  	s4 =	sld [smem:$0x3FA8]  }
0x2a: {  	p0 =	seq.s32 s5, $0x0;
	s5 =	sld [smem:$0x3FA9]  }
0x2b: {  	s6 =	sld [smem:$0x3FAA]  }
0x2c: {  	s7 =	sld [smem:$0x3FAB]  }
0x2d: {  	s3 =	simm.s32 $0x108;
	s8 =	sld [smem:$0x3FAC]  }
0x2e: {  	s3 =	simm.s32 @!p0 $0x1082;
	s9 =	sld [smem:$0x3FAD]  }
0x2f: {  	lr =	sadd.s32 s0, s3;
	s0 =	sld [smem:$0x3FA4]  }
0x30: {  	s3 =	sld [smem:$0x3FA7]  }
0x31: {  	[smem:$0x3FB0] =	sst s10  }
0x32: {  	s10 =	sld [smem:$0x3FAE];
	_ =	sdelay $0x3  }
0x33: {  	p0 =	seq.s32 s10, $0x1;
	s10 =	sld [smem:$0x3FB0];
	_ =	sdelay $0x3  }
0x34: {  	[smem:$0x3FB0] =	sst s10  }
0x35: {  	s10 =	sld [smem:$0x3FAF];
	_ =	sdelay $0x3  }
0x36: {  	p1 =	seq.s32 s10, $0x1;
	s10 =	sld [smem:$0x3FB0];
	_ =	sdelay $0x3  }
0x37: {  	[smem:$0x3FB0] =	sst s10  }
0x38: {  	s10 =	sld [smem:$0x3FB1]  }
0x39: {  	_ = 	snop;
	(pc) =	sbr.ind lr, $3  }
0x3a: {  	_ = 	snop  }
0x3b: {  	_ = 	snop  }
0x3c: {  	p2 =	seq.s32 s10, $0x1;
	s10 =	sld [smem:$0x3FB0]  }
0x3d: {  	_ =	shalt  }
0x3e: {  	_ =	shalt  }
0x3f: {  	_ =	shalt  }
0x40: {  	_ =	shalt  }
0x41: {  	_ =	shalt  }
0x42: {  	_ =	shalt  }
0x43: {  	_ =	shalt  }
0x44: {  	_ =	shalt  }
0x45: {  	_ =	shalt  }
0x46: {  	_ =	shalt  }
0x47: {  	_ =	shalt  }
0x48: {  	_ =	shalt  }
0x49: {  	_ =	shalt  }
0x4a: {  	_ =	shalt  }
0x4b: {  	_ =	shalt  }
0x4c: {  	_ =	shalt  }
0x4d: {  	_ =	shalt  }
0x4e: {  	_ =	shalt  }
0x4f: {  	_ =	shalt  }
0x50: {  	_ =	shalt  }
0x51: {  	_ =	shalt  }
0x52: {  	_ =	shalt  }
0x53: {  	_ =	shalt  }
0x54: {  	_ =	shalt  }
0x55: {  	_ =	shalt  }
0x56: {  	_ =	shalt  }
0x57: {  	_ =	shalt  }
0x58: {  	_ =	shalt  }
0x59: {  	_ =	shalt  }
0x5a: {  	_ =	shalt  }
0x5b: {  	_ =	shalt  }
0x5c: {  	_ =	shalt  }
0x5d: {  	_ =	shalt  }
0x5e: {  	_ =	shalt  }
0x5f: {  	_ =	shalt  }
0x60: {  	_ =	shalt  }
0x61: {  	_ =	shalt  }
0x62: {  	_ =	shalt  }
0x63: {  	_ =	shalt  }
0x64: {  	_ =	shalt  }
0x65: {  	_ =	shalt  }
0x66: {  	_ =	shalt  }
0x67: {  	_ =	shalt  }
0x68: {  	_ =	shalt  }
0x69: {  	_ =	shalt  }
0x6a: {  	_ =	shalt  }
0x6b: {  	_ =	shalt  }
0x6c: {  	_ =	shalt  }
0x6d: {  	_ =	shalt  }
0x6e: {  	_ =	shalt  }
0x6f: {  	_ =	shalt  }
0x70: {  	_ =	shalt  }
0x71: {  	_ =	shalt  }
0x72: {  	_ =	shalt  }
0x73: {  	_ =	shalt  }
0x74: {  	_ =	shalt  }
0x75: {  	_ =	shalt  }
0x76: {  	_ =	shalt  }
0x77: {  	_ =	shalt  }
0x78: {  	_ =	shalt  }
0x79: {  	_ =	shalt  }
0x7a: {  	_ =	shalt  }
0x7b: {  	_ =	shalt  }
0x7c: {  	_ =	shalt  }
0x7d: {  	_ =	shalt  }
0x7e: {  	_ =	shalt  }
0x7f: {  	_ =	shalt  }
0x80: {  	_ =	shalt  }
0x81: {  	_ =	shalt  }
0x82: {  	_ =	shalt  }
0x83: {  	_ =	shalt  }
0x84: {  	_ =	shalt  }
0x85: {  	_ =	shalt  }
0x86: {  	_ =	shalt  }
0x87: {  	_ =	shalt  }
.Lfunc_end0:
.L_simem_size_0:
called_computation.8_lowered:
.L_overlay_start_0:
0x88: {  	s2 =	sld [smem:$0x3FD9]  }
0x89: {  	s3 =	sld [smem:$0x3FFE];
	_ =	sdelay $0x1  }
0x8a: {  	s1 =	srdreg.scid  }
0x8b: {  	s0 =	sand.u32 $0x1, s1  }
0x8c: {  	s16 =	sshll.u32 s0, $0xA;
	s2 =	sadd.s32 s3, s2  }
0x8d: {  	s2 =	sadd.s32 s2, s16  }
0x8e: {  	[smem:$0x3FBC] =	sst s2  }
0x8f: {  	_ = 	snop  }
0x90: {  	(tm) =	ssettm $0x1  }
0x91: {  	s17 =	sld [smem:$0x3FFB];
	_ =	sdelay $0x3  }
0x92: {  	_ =	strace s17  }
0x93: {  	s2 =	sld [smem:$0x3FFC];
	_ =	sdelay $0x3  }
0x94: {  	_ =	strace s2  }
0x95: {  	s2 =	sld [smem:$0x3FFD];
	_ =	sdelay $0x3  }
0x96: {  	_ =	strace s2  }
0x97: {  	_ =	strace $0x8FFFFFFF  }
0x98: {  	s18 =	sld [smem:$0x3FDB];
	_ =	sdelay $0x1  }
0x99: {  	s19 =	simm.s32 $_scs_section_size  }
0x9a: {  	s4 =	simm.s32 $_size__tile_overlayer_lowered;
	s5 =	simm.s32 $_tile_overlayer_lowered  }
0x9b: {  	s22 =	simm.s32 $0x1BFF;
	s21 =	sshll.u32 s5, $0x1;
	s2 =	sadd.s32 s19, s18  }
0x9c: {  	s6 =	simm.s32 $0x0;
	s20 =	sshll.u32 s4, $0x1;
	s4 =	sadd.s32 s21, s2  }
0x9d: {  	[timem:s6], [sflag:s22] =	dma.local [hbm:s4], s20  }
0x9e: {  	_ =	swait.ge [sflag:s22], s20  }
0x9f: {  	s3 =	ssub.s32 $0x0, s20;
	[sflag:s22] =	ssyncset.done $0x0  }
0xa0: {  	[sflag:s22] =	ssyncadd.s32 s3;
	_ =	sdelay $0x1  }
0xa1: {  	s23 =	simm.s32 $0x1B8B  }
0xa2: {  	_ =	swait.ge [sflag:s23], $0x1  }
0xa3: {  	[sflag:s23] =	ssyncset.done $0x0  }
0xa4: {  	s25 =	simm.s32 $0x1B8E;
	s24 =	sld [smem:$0x3FFE];
	[sflag:s23] =	ssyncadd.s32 $0xFFFFFFFF  }
0xa5: {  	s26 =	simm.s32 $execute0_lowered;
	[smem:$0x3FD2] =	sst s25  }
0xa6: {  	s4 =	sshll.u32 s26, $0x1;
	_ =	strace $0x8000005E;
	[dreg:$0x1] =	wrdreg $0xFFFFFFFF  }
0xa7: {  	s28 =	simm.s32 $_size_execute0_lowered;
	s2 =	sadd.s32 s2, s4;
	[dreg:$0x0] =	wrdreg $0x0  }
0xa8: {  	s4 =	sshll.u32 s28, $0x1;
	[dreg:$0x2] =	wrdreg s2  }
0xa9: {  	[dreg:$0x3] =	wrdreg s4  }
0xaa: {  	[dreg:$0x4] =	wrdreg $0xC0  }
0xab: {  	_ =	task [dreg:s6], $0x5FFFF  }
0xac: {  	[dreg:$0x1] =	wrdreg $0xFFFFFFFF  }
0xad: {  	[dreg:$0x0] =	wrdreg $0x60  }
0xae: {  	[dreg:$0x2] =	wrdreg s24  }
0xaf: {  	[dreg:$0x3] =	wrdreg $0x29000  }
0xb0: {  	[dreg:$0x4] =	wrdreg $0x9  }
0xb1: {  	_ =	task.clear_ibuf [dreg:s6], $0x5FFFF;
	_ =	strace $0x9000005E  }
0xb2: {  	s29 =	simm.s32 $0x9;
	_ =	strace $0x80000060  }
0xb3: {  	_ =	swait.ge [sflag:s29], $0x1  }
0xb4: {  	[sflag:s29] =	ssyncadd.s32 $0xFFFFFFFF  }
0xb5: {  	_ =	strace $0x90000060  }
0xb6: {  	_ =	sfence  }
0xb7: {  	s30 =	sld [smem:$0x0];
	_ =	sdelay $0x2  }
0xb8: {  	s31 =	sshll.u32 s1, $0xD;
	s1 =	sshrl.u32 s1, $0x2  }
0xb9: {  	s3 =	sand.u32 $0x4000, s31;
	s1 =	sadd.s32 s1, s30  }
0xba: {  	s0 =	sor.u32 s3, s0;
	s1 =	sshll.u32 s1, $0x11  }
0xbb: {  	s0 =	sor.u32 s1, s0  }
0xbc: {  	s0 =	sadd.s32 $0x8F2B, s0  }
0xbd: {  	[sflag:s0] =	ssyncadd.remote.s32 $0x1  }
0xbe: {  	_ =	sfence.sel $0xFFFF  }
0xbf: {  	[dreg:$0x0] =	wrdreg $0xFFFFFFFF;
	(pc) =	sbr.abs _section_cstart, $3  }
0xc0: {  	[dreg:$0x1] =	wrdreg $0xFFFFFFFF  }
0xc1: {  	_ =	task.clear_ibuf [dreg:s6], $0x2FFFF;
	_ =	strace $0x9FFFFFFF  }
0xc2: {  	(tm) =	ssettm $0x7FFFFFFF  }
0xc3: {  	_ =	shalt  }
tec
execute0_lowered:
.L_overlay_start_1:
0x0: {  	(tag) =	ssettag $0x1  }
0x1: {  	s6 =	rddreg [dreg:$0x0]  }
0x2: {  	s1 =	srdreg.scid;
	s0 =	stileid.u32  }
0x3: {  	s2 =	rddreg [dreg:$0x1];
	s4 =	smul.u32 $0x2710, s0  }
0x4: {  	s3 =	simm.s32 $0x0;
	s14 =	simm.s32 $0x50;
	s8 =	smul.u32 $0x4E2, s0  }
0x5: {  	s15 =	simm.s32 $0x100;
	s16 =	simm.s32 $0x1;
	s9 =	smul.u32 $0x2780, s0  }
0x6: {  	s7 =	sand.u32 $0x1, s1;
	s1 =	rddreg [dreg:$0x2];
	s28 =	smul.u32 $0x4F000, s0  }
0x7: {  	s17 =	simm.s32 $0x0;
	[smem:$0x7FF] =	sst s3;
	s5 =	smul.u32 $0x27100, s7  }
0x8: {  	s31 =	sshll.u32 s0, $0x6;
	s10 =	smul.u32 $0x27800, s7;
	s7 =	ssub.s32 $0x2, s7  }
0x9: {  	_ =	strace $0x8000005F;
	s12 =	sadd.s32 s8, s6;
	s29 =	sshrl.u32 s7, $0x1  }
0xa: {  	s8 =	sshrl.u32 s28, $0x2;
	s5 =	sadd.s32 s4, s5;
	s4 =	sadd.s32 $0x1F000, s6  }
0xb: {  	s9 =	sadd.s32 s9, s10;
	s30 =	ssub.s32 s7, s29;
	s13 =	sadd.s32 s8, s2  }
0xc: {  	s5 =	sshrl.u32 s5, $0x3;
	s9 =	sadd.s32 s9, s6;
	s8 =	smax.u32 s30, $0x1  }
0xd: {  	s11 =	sadd.s32 s5, s6;
	s5 =	sadd.s32 $0x6E000, s6;
	s6 =	sor.u32 $0x1C02, s31  }
0xe: {  	s7 =	sadd.s32 $0x184A00, s9;
	s9 =	sadd.s32 $0x10200, s12;
	s12 =	simm.s32 $0x2  }
0xf: {  	s10 =	sadd.s32 $0x15200, s11;
	s11 =	sshrl.u32 s13, $0x3;
	s13 =	simm.s32 $0x80  }
.LBB2_1:
0x10: {  	[spmem:s11], [sflag:s6] =	dma.local [hbm:s5], $0x2780  }
0x11: {  	_ =	swait.ge [sflag:s12], $0x2780  }
0x12: {  	[sflag:s12] =	ssyncset.done $0x0  }
0x13: {  	[sflag:s12] =	ssyncadd.s32 $0xFFFFD880  }
0x14: {  	s18 =	sadd.s32 $0x0, s10;
	[bflag:$0x0] =	sbarrier.arrive $0xFFFF  }
0x15: {  	[tilespmem:s3], [sflag:$0x2] =	stream.linear.gather [hbm4b:s18+s3], $0x50, $0x38;
	[tilespmem:$0x16500] =	vst v63  }
0x16: {  	_ =	swait.ge [sflag:s12], $0x50  }
0x17: {  	[sflag:s12] =	ssyncset.done $0x0  }
0x18: {  	s31 =	sadd.s32 $0x0, s9;
	[sflag:s12] =	ssyncadd.s32 $0xFFFFFFB0  }
0x19: {  	[tilespmem:s13], [sflag:$0x2] =	stream.linear.gather [hbm4b:s31+s3], $0x50, $0x38;
	[tilespmem:$0x16500] =	vst v63  }
0x1a: {  	_ =	swait.ge [sflag:s12], $0x50  }
0x1b: {  	[sflag:s12] =	ssyncset.done $0x0  }
0x1c: {  	[sflag:s12] =	ssyncadd.s32 $0xFFFFFFB0  }
0x1d: {  	[tilespmem:s15], [sflag:$0x1] =	stream.indirect.gather [hbm4b:s4+s14], $0x80, s3, s14, $0xb8;
	[tilespmem:$0x16500] =	vst v63  }
0x1e: {  	_ =	swait.ge [sflag:s16], $0x2800  }
0x1f: {  	[sflag:s16] =	ssyncset.done $0x0  }
0x20: {  	[sflag:s16] =	ssyncadd.s32 $0xFFFFD800  }
0x21: {  	[spmem:s2] =	stream.indirect.scatter.add.f32 [tilespmem:s15], [sflag:$0x2], $0x80, s13, s14, $0xb8;
	[tilespmem:$0x16500] =	vst v63  }
0x22: {  	_ =	swait.ge [sflag:s12], $0x2800  }
0x23: {  	s19 =	simm.s32 $0x14;
	s18 =	simm.s32 $0xA;
	[sflag:s12] =	ssyncset.done $0x0  }
.LBB2_2:
0x24: {  	s20 =	sadd.s32 s18, s10  }
0x25: {  	[sflag:s12] =	ssyncadd.s32 $0xFFFFD800;
	s21 =	smov.u32 s19;
	s22 =	sadd.s32 $0xA, s19  }
0x26: {  	[tilespmem:s3], [sflag:$0x2] =	stream.linear.gather [hbm4b:s20+s3], $0x50, $0x38;
	[tilespmem:$0x16500] =	vst v63  }
0x27: {  	p0 =	sne.s32 s19, $0x4D8;
	_ =	swait.ge [sflag:s12], $0x50  }
0x28: {  	[sflag:s12] =	ssyncset.done $0x0  }
0x29: {  	s19 =	sadd.s32 s18, s9;
	s18 =	smov.u32 s21;
	[sflag:s12] =	ssyncadd.s32 $0xFFFFFFB0  }
0x2a: {  	[tilespmem:s13], [sflag:$0x2] =	stream.linear.gather [hbm4b:s19+s3], $0x50, $0x38;
	[tilespmem:$0x16500] =	vst v63  }
0x2b: {  	_ =	swait.ge [sflag:s12], $0x50  }
0x2c: {  	[sflag:s12] =	ssyncset.done $0x0  }
0x2d: {  	[sflag:s12] =	ssyncadd.s32 $0xFFFFFFB0  }
0x2e: {  	[tilespmem:s15], [sflag:$0x1] =	stream.indirect.gather [hbm4b:s4+s14], $0x80, s3, s14, $0xb8;
	[tilespmem:$0x16500] =	vst v63  }
0x2f: {  	_ =	swait.ge [sflag:s16], $0x2800  }
.Ltmp0:
0x30: {  	[sflag:s16] =	ssyncset.done $0x0;
	(pc) =	sbr.rel @p0 .LBB2_2-.Ltmp0, $4  }
0x31: {  	[sflag:s16] =	ssyncadd.s32 $0xFFFFD800  }
0x32: {  	[spmem:s2] =	stream.indirect.scatter.add.f32 [tilespmem:s15], [sflag:$0x2], $0x80, s13, s14, $0xb8;
	[tilespmem:$0x16500] =	vst v63  }
0x33: {  	_ =	swait.ge [sflag:s12], $0x2800  }
0x34: {  	s19 =	smov.u32 s22;
	[sflag:s12] =	ssyncset.done $0x0  }
0x35: {  	s19 =	sadd.s32 s18, s10;
	[sflag:s12] =	ssyncadd.s32 $0xFFFFD800  }
0x36: {  	[tilespmem:s3], [sflag:$0x2] =	stream.linear.gather [hbm4b:s19+s3], $0x50, $0x38;
	[tilespmem:$0x16500] =	vst v63  }
0x37: {  	_ =	swait.ge [sflag:s12], $0x50  }
0x38: {  	[sflag:s12] =	ssyncset.done $0x0  }
0x39: {  	s31 =	sadd.s32 s18, s9;
	[sflag:s12] =	ssyncadd.s32 $0xFFFFFFB0  }
0x3a: {  	[tilespmem:s13], [sflag:$0x2] =	stream.linear.gather [hbm4b:s31+s3], $0x50, $0x38;
	[tilespmem:$0x16500] =	vst v63  }
0x3b: {  	_ =	swait.ge [sflag:s12], $0x50  }
0x3c: {  	[sflag:s12] =	ssyncset.done $0x0  }
0x3d: {  	[sflag:s12] =	ssyncadd.s32 $0xFFFFFFB0  }
0x3e: {  	[tilespmem:s15], [sflag:$0x1] =	stream.indirect.gather [hbm4b:s4+s14], $0x80, s3, s14, $0xb8;
	[tilespmem:$0x16500] =	vst v63  }
0x3f: {  	_ =	swait.ge [sflag:s16], $0x2800  }
0x40: {  	[sflag:s16] =	ssyncset.done $0x0  }
0x41: {  	[sflag:s16] =	ssyncadd.s32 $0xFFFFD800  }
0x42: {  	[spmem:s2] =	stream.indirect.scatter.add.f32 [tilespmem:s15], [sflag:$0x2], $0x80, s13, s14, $0xb8;
	[tilespmem:$0x16500] =	vst v63  }
0x43: {  	_ =	swait.ge [sflag:s12], $0x2800  }
0x44: {  	s17 =	sadd.s32 $0x1, s17;
	[sflag:s12] =	ssyncset.done $0x0  }
0x45: {  	p0 =	sne.s32 s17, s8;
	[sflag:s12] =	ssyncadd.s32 $0xFFFFD800  }
.Ltmp1:
0x46: {  	[bflag:$0x0] =	sbarrier.arrive $0xFFFF;
	(pc) =	sbr.rel @p0 .LBB2_1-.Ltmp1, $4  }
0x47: {  	[hbm:s7], [sflag:s6] =	dma.local [spmem:s11], $0x2780  }
0x48: {  	_ =	swait.ge [sflag:s12], $0x2780  }
0x49: {  	[sflag:s12] =	ssyncset.done $0x0  }
0x4a: {  	[sflag:s12] =	ssyncadd.s32 $0xFFFFD880  }
0x4b: {  	_ =	sfence.sel $0x180000  }
0x4c: {  	[bflag:$0x0] =	sbarrier.arrive $0xFFFF  }
0x4d: {  	p0 =	sne.s32 s0, $0x0;
	_ =	strace $0x9000005F  }
0x4e: {  	s0 =	sadd.s32 @!p0 $0x100000, s1;
	[bflag:$0x2] =	sbarrier.arrive $0xFFFF  }
0x4f: {  	[sflag:s0] =	ssyncadd.tile.s32 @!p0 $0x1;
	_ =	shalt  }
.Lfunc_end2:
_tile_overlayer_lowered:
.L_overlay_start_2:
0x50: {  	(tag) =	ssettag $0x2  }
0x51: {  	s0 =	rddreg [dreg:$0x0];
	s2 =	stileid.u32  }
0x52: {  	s1 =	rddreg [dreg:$0x1];
	p0 =	sne.s32 s2, $0x0  }
0x53: {  	s3 =	rddreg [dreg:$0x2];
	[bflag:$0x3] =	sbarrier.arrive $0xFFFF;
	s2 =	simm.s32 @!p0 $0x1C02  }
0x54: {  	[timem:s3], [sflag:s2] =	dma.local @!p0 [hbm:s0], s1  }
0x55: {  	s0 =	simm.s32 @!p0 $0x2  }
0x56: {  	_ =	swait.ge @!p0 [sflag:s0], s1  }
0x57: {  	s1 =	ssub.s32 @!p0 $0x0, s1;
	[sflag:s0] =	ssyncset.done @!p0 $0x0  }
0x58: {  	[sflag:s0] =	ssyncadd.s32 @!p0 s1  }
0x59: {  	[bflag:$0x3] =	sbarrier.arrive $0xFFFF  }
0x5a: {  	_ =	shalt  }

// kernel: kernel.55.cloned.1.call-start
scs
__scs_entry_jumppad:
0x0: {  	(pc) =	sbr.rel $0x88, $3  }
0x1: {  	(tag) =	ssettag $0x0;
	lr =	simm.s32 $0x1  }
0x2: {  	[smem:$0x3F95] =	sst lr;
	_ =	strace $0xD0000000  }
0x3: {  	_ = 	snop  }
0x4: {  	_ = 	snop  }
0x5: {  	_ = 	snop  }
0x6: {  	_ = 	snop  }
0x7: {  	_ = 	snop  }
__scs_overlays_trampoline_lowered:
0x8: {  	[smem:$0x3FA4] =	sst s0  }
0x9: {  	[smem:$0x3FA5] =	sst s1  }
0xa: {  	[smem:$0x3FA6] =	sst s2  }
0xb: {  	[smem:$0x3FA7] =	sst s3  }
0xc: {  	[smem:$0x3FA8] =	sst s4  }
0xd: {  	[smem:$0x3FA9] =	sst s5  }
0xe: {  	[smem:$0x3FAA] =	sst s6  }
0xf: {  	[smem:$0x3FAB] =	sst s7  }
0x10: {  	[smem:$0x3FAC] =	sst s8  }
0x11: {  	[smem:$0x3FAD] =	sst s9;
	s0 =	simm.s32 @!p0 $0x0  }
0x12: {  	s1 =	sld [smem:$0x3F93];
	s0 =	simm.s32 @p0 $0x1  }
0x13: {  	[smem:$0x3FAE] =	sst s0;
	s0 =	simm.s32 @!p1 $0x0  }
0x14: {  	s2 =	sld [smem:$0x3F92];
	s0 =	simm.s32 @p1 $0x1  }
0x15: {  	[smem:$0x3FAF] =	sst s0;
	s0 =	simm.s32 @!p2 $0x0  }
0x16: {  	s3 =	sld [smem:$0x3FDB];
	s0 =	simm.s32 @p2 $0x1  }
0x17: {  	s4 =	simm.s32 $0x1BF5;
	[smem:$0x3FB1] =	sst s0  }
0x18: {  	s0 =	sld [smem:$0x3F94];
	_ =	swait.ge [sflag:s4], $0x0  }
0x19: {  	s7 =	sld [smem:$0x3F95]  }
0x1a: {  	s8 =	sadd.s32 $0xFFFFE003, lr  }
0x1b: {  	s9 =	sadd.s32 $0xFFFFFEF7, lr;
	s5 =	simm.s32 $0xFFFFFFFF;
	p2 =	slt.u32 s8, $0xFFFFF086  }
0x1c: {  	p1 =	slt.u32 s9, $0xF7A;
	s5 =	simm.s32 @!p2 $0x0  }
0x1d: {  	s5 =	simm.s32 @p1 $0x1;
	p0 =	seq.s32 s7, s2  }
0x1e: {  	s7 =	smul.u32 @!p0 $0xF7A, s2;
	p2 =	seq.s32 @!p0 s5, $0x0  }
0x1f: {  	s9 =	smul.u32 $0xF7A, s1;
	s8 =	simm.s32 @!p0 $0x1BF5;
	p2 =	por !p2, p0  }
0x20: {  	[sflag:s8] =	ssyncset.s32 @!p0 $0xFFFFF086;
	s6 =	sadd.s32 @!p0 s3, s7;
	s7 =	simm.s32 @!p0 $0x108  }
0x21: {  	s3 =	sadd.s32 s3, s9;
	s6 =	sadd.s32 @!p0 $0x88, s6;
	s7 =	simm.s32 @p2 $0x1082  }
0x22: {  	[simem:s7], [sflag:s8] =	dma.local @!p0 [hbm:s6], $0xF7A  }
0x23: {  	s9 =	sor.u32 $0xD0000000, s2;
	s6 =	simm.s32 $0x108;
	_ =	swait.ge @!p0 [sflag:s8], $0x0  }
0x24: {  	s3 =	sadd.s32 $0x88, s3;
	s6 =	simm.s32 @!p1 $0x1082;
	[sflag:s4] =	ssyncset.s32 $0xFFFFF086  }
0x25: {  	[simem:s6], [sflag:s4] =	dma.local [hbm:s3], $0xF7A  }
0x26: {  	[smem:$0x3F95] =	sst s1;
	(tag) =	ssettag s2;
	_ =	strace s9  }
0x27: {  	s1 =	sld [smem:$0x3FA5]  }
0x28: {  	s2 =	sld [smem:$0x3FA6]  }
0x29: {  	s4 =	sld [smem:$0x3FA8]  }
0x2a: {  	p0 =	seq.s32 s5, $0x0;
	s5 =	sld [smem:$0x3FA9]  }
0x2b: {  	s6 =	sld [smem:$0x3FAA]  }
0x2c: {  	s7 =	sld [smem:$0x3FAB]  }
0x2d: {  	s3 =	simm.s32 $0x108;
	s8 =	sld [smem:$0x3FAC]  }
0x2e: {  	s3 =	simm.s32 @!p0 $0x1082;
	s9 =	sld [smem:$0x3FAD]  }
0x2f: {  	lr =	sadd.s32 s0, s3;
	s0 =	sld [smem:$0x3FA4]  }
0x30: {  	s3 =	sld [smem:$0x3FA7]  }
0x31: {  	[smem:$0x3FB0] =	sst s10  }
0x32: {  	s10 =	sld [smem:$0x3FAE];
	_ =	sdelay $0x3  }
0x33: {  	p0 =	seq.s32 s10, $0x1;
	s10 =	sld [smem:$0x3FB0];
	_ =	sdelay $0x3  }
0x34: {  	[smem:$0x3FB0] =	sst s10  }
0x35: {  	s10 =	sld [smem:$0x3FAF];
	_ =	sdelay $0x3  }
0x36: {  	p1 =	seq.s32 s10, $0x1;
	s10 =	sld [smem:$0x3FB0];
	_ =	sdelay $0x3  }
0x37: {  	[smem:$0x3FB0] =	sst s10  }
0x38: {  	s10 =	sld [smem:$0x3FB1]  }
0x39: {  	_ = 	snop;
	(pc) =	sbr.ind lr, $3  }
0x3a: {  	_ = 	snop  }
0x3b: {  	_ = 	snop  }
0x3c: {  	p2 =	seq.s32 s10, $0x1;
	s10 =	sld [smem:$0x3FB0]  }
0x3d: {  	_ =	shalt  }
0x3e: {  	_ =	shalt  }
0x3f: {  	_ =	shalt  }
0x40: {  	_ =	shalt  }
0x41: {  	_ =	shalt  }
0x42: {  	_ =	shalt  }
0x43: {  	_ =	shalt  }
0x44: {  	_ =	shalt  }
0x45: {  	_ =	shalt  }
0x46: {  	_ =	shalt  }
0x47: {  	_ =	shalt  }
0x48: {  	_ =	shalt  }
0x49: {  	_ =	shalt  }
0x4a: {  	_ =	shalt  }
0x4b: {  	_ =	shalt  }
0x4c: {  	_ =	shalt  }
0x4d: {  	_ =	shalt  }
0x4e: {  	_ =	shalt  }
0x4f: {  	_ =	shalt  }
0x50: {  	_ =	shalt  }
0x51: {  	_ =	shalt  }
0x52: {  	_ =	shalt  }
0x53: {  	_ =	shalt  }
0x54: {  	_ =	shalt  }
0x55: {  	_ =	shalt  }
0x56: {  	_ =	shalt  }
0x57: {  	_ =	shalt  }
0x58: {  	_ =	shalt  }
0x59: {  	_ =	shalt  }
0x5a: {  	_ =	shalt  }
0x5b: {  	_ =	shalt  }
0x5c: {  	_ =	shalt  }
0x5d: {  	_ =	shalt  }
0x5e: {  	_ =	shalt  }
0x5f: {  	_ =	shalt  }
0x60: {  	_ =	shalt  }
0x61: {  	_ =	shalt  }
0x62: {  	_ =	shalt  }
0x63: {  	_ =	shalt  }
0x64: {  	_ =	shalt  }
0x65: {  	_ =	shalt  }
0x66: {  	_ =	shalt  }
0x67: {  	_ =	shalt  }
0x68: {  	_ =	shalt  }
0x69: {  	_ =	shalt  }
0x6a: {  	_ =	shalt  }
0x6b: {  	_ =	shalt  }
0x6c: {  	_ =	shalt  }
0x6d: {  	_ =	shalt  }
0x6e: {  	_ =	shalt  }
0x6f: {  	_ =	shalt  }
0x70: {  	_ =	shalt  }
0x71: {  	_ =	shalt  }
0x72: {  	_ =	shalt  }
0x73: {  	_ =	shalt  }
0x74: {  	_ =	shalt  }
0x75: {  	_ =	shalt  }
0x76: {  	_ =	shalt  }
0x77: {  	_ =	shalt  }
0x78: {  	_ =	shalt  }
0x79: {  	_ =	shalt  }
0x7a: {  	_ =	shalt  }
0x7b: {  	_ =	shalt  }
0x7c: {  	_ =	shalt  }
0x7d: {  	_ =	shalt  }
0x7e: {  	_ =	shalt  }
0x7f: {  	_ =	shalt  }
0x80: {  	_ =	shalt  }
0x81: {  	_ =	shalt  }
0x82: {  	_ =	shalt  }
0x83: {  	_ =	shalt  }
0x84: {  	_ =	shalt  }
0x85: {  	_ =	shalt  }
0x86: {  	_ =	shalt  }
0x87: {  	_ =	shalt  }
.Lfunc_end0:
.L_simem_size_0:
called_computation.9_lowered:
.L_overlay_start_0:
0x88: {  	s2 =	sld [smem:$0x3FD9]  }
0x89: {  	s3 =	sld [smem:$0x3FFE];
	_ =	sdelay $0x1  }
0x8a: {  	s1 =	srdreg.scid  }
0x8b: {  	s0 =	sand.u32 $0x1, s1  }
0x8c: {  	s16 =	sshll.u32 s0, $0xA;
	s2 =	sadd.s32 s3, s2  }
0x8d: {  	s2 =	sadd.s32 s2, s16  }
0x8e: {  	[smem:$0x3FBC] =	sst s2  }
0x8f: {  	_ = 	snop  }
0x90: {  	(tm) =	ssettm $0x1  }
0x91: {  	s17 =	sld [smem:$0x3FFB];
	_ =	sdelay $0x3  }
0x92: {  	_ =	strace s17  }
0x93: {  	s2 =	sld [smem:$0x3FFC];
	_ =	sdelay $0x3  }
0x94: {  	_ =	strace s2  }
0x95: {  	s2 =	sld [smem:$0x3FFD];
	_ =	sdelay $0x3  }
0x96: {  	_ =	strace s2  }
0x97: {  	_ =	strace $0x8FFFFFFF  }
0x98: {  	s18 =	sld [smem:$0x3FDB];
	_ =	sdelay $0x1  }
0x99: {  	s19 =	simm.s32 $_scs_section_size  }
0x9a: {  	s4 =	simm.s32 $_size__tile_overlayer_lowered;
	s5 =	simm.s32 $_tile_overlayer_lowered  }
0x9b: {  	s22 =	simm.s32 $0x1BFF;
	s21 =	sshll.u32 s5, $0x1;
	s2 =	sadd.s32 s19, s18  }
0x9c: {  	s6 =	simm.s32 $0x0;
	s20 =	sshll.u32 s4, $0x1;
	s4 =	sadd.s32 s21, s2  }
0x9d: {  	[timem:s6], [sflag:s22] =	dma.local [hbm:s4], s20  }
0x9e: {  	_ =	swait.ge [sflag:s22], s20  }
0x9f: {  	s3 =	ssub.s32 $0x0, s20;
	[sflag:s22] =	ssyncset.done $0x0  }
0xa0: {  	[sflag:s22] =	ssyncadd.s32 s3;
	_ =	sdelay $0x1  }
0xa1: {  	s23 =	simm.s32 $0x1B8B  }
0xa2: {  	_ =	swait.ge [sflag:s23], $0x1  }
0xa3: {  	[sflag:s23] =	ssyncset.done $0x0  }
0xa4: {  	s25 =	simm.s32 $0x1B8E;
	s24 =	sld [smem:$0x3FFE];
	[sflag:s23] =	ssyncadd.s32 $0xFFFFFFFF  }
0xa5: {  	s26 =	simm.s32 $execute0_lowered;
	[smem:$0x3FD2] =	sst s25  }
0xa6: {  	s4 =	sshll.u32 s26, $0x1;
	_ =	strace $0x80000061;
	[dreg:$0x1] =	wrdreg $0xFFFFFFFF  }
0xa7: {  	s28 =	simm.s32 $_size_execute0_lowered;
	s2 =	sadd.s32 s2, s4;
	[dreg:$0x0] =	wrdreg $0x0  }
0xa8: {  	s4 =	sshll.u32 s28, $0x1;
	[dreg:$0x2] =	wrdreg s2  }
0xa9: {  	[dreg:$0x3] =	wrdreg s4  }
0xaa: {  	[dreg:$0x4] =	wrdreg $0xC0  }
0xab: {  	_ =	task [dreg:s6], $0x5FFFF  }
0xac: {  	[dreg:$0x1] =	wrdreg $0xFFFFFFFF  }
0xad: {  	[dreg:$0x0] =	wrdreg $0x60  }
0xae: {  	[dreg:$0x2] =	wrdreg s24  }
0xaf: {  	[dreg:$0x3] =	wrdreg $0x29000  }
0xb0: {  	[dreg:$0x4] =	wrdreg $0x9  }
0xb1: {  	_ =	task.clear_ibuf [dreg:s6], $0x5FFFF;
	_ =	strace $0x90000061  }
0xb2: {  	s29 =	simm.s32 $0x9;
	_ =	strace $0x80000063  }
0xb3: {  	_ =	swait.ge [sflag:s29], $0x1  }
0xb4: {  	[sflag:s29] =	ssyncadd.s32 $0xFFFFFFFF  }
0xb5: {  	_ =	strace $0x90000063  }
0xb6: {  	_ =	sfence  }
0xb7: {  	s30 =	sld [smem:$0x0];
	_ =	sdelay $0x2  }
0xb8: {  	s31 =	sshll.u32 s1, $0xD;
	s1 =	sshrl.u32 s1, $0x2  }
0xb9: {  	s3 =	sand.u32 $0x4000, s31;
	s1 =	sadd.s32 s1, s30  }
0xba: {  	s0 =	sor.u32 s3, s0;
	s1 =	sshll.u32 s1, $0x11  }
0xbb: {  	s0 =	sor.u32 s1, s0  }
0xbc: {  	s0 =	sadd.s32 $0x8F2B, s0  }
0xbd: {  	[sflag:s0] =	ssyncadd.remote.s32 $0x1  }
0xbe: {  	_ =	sfence.sel $0xFFFF  }
0xbf: {  	[dreg:$0x0] =	wrdreg $0xFFFFFFFF;
	(pc) =	sbr.abs _section_cstart, $3  }
0xc0: {  	[dreg:$0x1] =	wrdreg $0xFFFFFFFF  }
0xc1: {  	_ =	task.clear_ibuf [dreg:s6], $0x2FFFF;
	_ =	strace $0x9FFFFFFF  }
0xc2: {  	(tm) =	ssettm $0x7FFFFFFF  }
0xc3: {  	_ =	shalt  }
tec
execute0_lowered:
.L_overlay_start_1:
0x0: {  	(tag) =	ssettag $0x1  }
0x1: {  	s6 =	rddreg [dreg:$0x0]  }
0x2: {  	s1 =	srdreg.scid;
	s0 =	stileid.u32  }
0x3: {  	s2 =	rddreg [dreg:$0x1];
	s4 =	smul.u32 $0x2710, s0  }
0x4: {  	s3 =	simm.s32 $0x0;
	s14 =	simm.s32 $0x50;
	s8 =	smul.u32 $0x4E2, s0  }
0x5: {  	s15 =	simm.s32 $0x100;
	s16 =	simm.s32 $0x1;
	s9 =	smul.u32 $0x2780, s0  }
0x6: {  	s7 =	sand.u32 $0x1, s1;
	s1 =	rddreg [dreg:$0x2];
	s28 =	smul.u32 $0x4F000, s0  }
0x7: {  	s17 =	simm.s32 $0x0;
	[smem:$0x7FF] =	sst s3;
	s5 =	smul.u32 $0x27100, s7  }
0x8: {  	s31 =	sshll.u32 s0, $0x6;
	s10 =	smul.u32 $0x27800, s7;
	s7 =	ssub.s32 $0x2, s7  }
0x9: {  	_ =	strace $0x80000062;
	s12 =	sadd.s32 s8, s6;
	s29 =	sshrl.u32 s7, $0x1  }
0xa: {  	s8 =	sshrl.u32 s28, $0x2;
	s5 =	sadd.s32 s4, s5;
	s4 =	sadd.s32 $0x1F000, s6  }
0xb: {  	s9 =	sadd.s32 s9, s10;
	s30 =	ssub.s32 s7, s29;
	s13 =	sadd.s32 s8, s2  }
0xc: {  	s5 =	sshrl.u32 s5, $0x3;
	s9 =	sadd.s32 s9, s6;
	s8 =	smax.u32 s30, $0x1  }
0xd: {  	s11 =	sadd.s32 s5, s6;
	s5 =	sadd.s32 $0x6E000, s6;
	s6 =	sor.u32 $0x1C02, s31  }
0xe: {  	s7 =	sadd.s32 $0x1D3A00, s9;
	s9 =	sadd.s32 $0x10200, s12;
	s12 =	simm.s32 $0x2  }
0xf: {  	s10 =	sadd.s32 $0x15200, s11;
	s11 =	sshrl.u32 s13, $0x3;
	s13 =	simm.s32 $0x80  }
.LBB2_1:
0x10: {  	[spmem:s11], [sflag:s6] =	dma.local [hbm:s5], $0x2780  }
0x11: {  	_ =	swait.ge [sflag:s12], $0x2780  }
0x12: {  	[sflag:s12] =	ssyncset.done $0x0  }
0x13: {  	[sflag:s12] =	ssyncadd.s32 $0xFFFFD880  }
0x14: {  	s18 =	sadd.s32 $0x0, s10;
	[bflag:$0x0] =	sbarrier.arrive $0xFFFF  }
0x15: {  	[tilespmem:s3], [sflag:$0x2] =	stream.linear.gather [hbm4b:s18+s3], $0x50, $0x38;
	[tilespmem:$0x16500] =	vst v63  }
0x16: {  	_ =	swait.ge [sflag:s12], $0x50  }
0x17: {  	[sflag:s12] =	ssyncset.done $0x0  }
0x18: {  	s31 =	sadd.s32 $0x0, s9;
	[sflag:s12] =	ssyncadd.s32 $0xFFFFFFB0  }
0x19: {  	[tilespmem:s13], [sflag:$0x2] =	stream.linear.gather [hbm4b:s31+s3], $0x50, $0x38;
	[tilespmem:$0x16500] =	vst v63  }
0x1a: {  	_ =	swait.ge [sflag:s12], $0x50  }
0x1b: {  	[sflag:s12] =	ssyncset.done $0x0  }
0x1c: {  	[sflag:s12] =	ssyncadd.s32 $0xFFFFFFB0  }
0x1d: {  	[tilespmem:s15], [sflag:$0x1] =	stream.indirect.gather [hbm4b:s4+s14], $0x80, s3, s14, $0xb8;
	[tilespmem:$0x16500] =	vst v63  }
0x1e: {  	_ =	swait.ge [sflag:s16], $0x2800  }
0x1f: {  	[sflag:s16] =	ssyncset.done $0x0  }
0x20: {  	[sflag:s16] =	ssyncadd.s32 $0xFFFFD800  }
0x21: {  	[spmem:s2] =	stream.indirect.scatter.add.f32 [tilespmem:s15], [sflag:$0x2], $0x80, s13, s14, $0xb8;
	[tilespmem:$0x16500] =	vst v63  }
0x22: {  	_ =	swait.ge [sflag:s12], $0x2800  }
0x23: {  	s19 =	simm.s32 $0x14;
	s18 =	simm.s32 $0xA;
	[sflag:s12] =	ssyncset.done $0x0  }
.LBB2_2:
0x24: {  	s20 =	sadd.s32 s18, s10  }
0x25: {  	[sflag:s12] =	ssyncadd.s32 $0xFFFFD800;
	s21 =	smov.u32 s19;
	s22 =	sadd.s32 $0xA, s19  }
0x26: {  	[tilespmem:s3], [sflag:$0x2] =	stream.linear.gather [hbm4b:s20+s3], $0x50, $0x38;
	[tilespmem:$0x16500] =	vst v63  }
0x27: {  	p0 =	sne.s32 s19, $0x4D8;
	_ =	swait.ge [sflag:s12], $0x50  }
0x28: {  	[sflag:s12] =	ssyncset.done $0x0  }
0x29: {  	s19 =	sadd.s32 s18, s9;
	s18 =	smov.u32 s21;
	[sflag:s12] =	ssyncadd.s32 $0xFFFFFFB0  }
0x2a: {  	[tilespmem:s13], [sflag:$0x2] =	stream.linear.gather [hbm4b:s19+s3], $0x50, $0x38;
	[tilespmem:$0x16500] =	vst v63  }
0x2b: {  	_ =	swait.ge [sflag:s12], $0x50  }
0x2c: {  	[sflag:s12] =	ssyncset.done $0x0  }
0x2d: {  	[sflag:s12] =	ssyncadd.s32 $0xFFFFFFB0  }
0x2e: {  	[tilespmem:s15], [sflag:$0x1] =	stream.indirect.gather [hbm4b:s4+s14], $0x80, s3, s14, $0xb8;
	[tilespmem:$0x16500] =	vst v63  }
0x2f: {  	_ =	swait.ge [sflag:s16], $0x2800  }
.Ltmp0:
0x30: {  	[sflag:s16] =	ssyncset.done $0x0;
	(pc) =	sbr.rel @p0 .LBB2_2-.Ltmp0, $4  }
0x31: {  	[sflag:s16] =	ssyncadd.s32 $0xFFFFD800  }
0x32: {  	[spmem:s2] =	stream.indirect.scatter.add.f32 [tilespmem:s15], [sflag:$0x2], $0x80, s13, s14, $0xb8;
	[tilespmem:$0x16500] =	vst v63  }
0x33: {  	_ =	swait.ge [sflag:s12], $0x2800  }
0x34: {  	s19 =	smov.u32 s22;
	[sflag:s12] =	ssyncset.done $0x0  }
0x35: {  	s19 =	sadd.s32 s18, s10;
	[sflag:s12] =	ssyncadd.s32 $0xFFFFD800  }
0x36: {  	[tilespmem:s3], [sflag:$0x2] =	stream.linear.gather [hbm4b:s19+s3], $0x50, $0x38;
	[tilespmem:$0x16500] =	vst v63  }
0x37: {  	_ =	swait.ge [sflag:s12], $0x50  }
0x38: {  	[sflag:s12] =	ssyncset.done $0x0  }
0x39: {  	s31 =	sadd.s32 s18, s9;
	[sflag:s12] =	ssyncadd.s32 $0xFFFFFFB0  }
0x3a: {  	[tilespmem:s13], [sflag:$0x2] =	stream.linear.gather [hbm4b:s31+s3], $0x50, $0x38;
	[tilespmem:$0x16500] =	vst v63  }
0x3b: {  	_ =	swait.ge [sflag:s12], $0x50  }
0x3c: {  	[sflag:s12] =	ssyncset.done $0x0  }
0x3d: {  	[sflag:s12] =	ssyncadd.s32 $0xFFFFFFB0  }
0x3e: {  	[tilespmem:s15], [sflag:$0x1] =	stream.indirect.gather [hbm4b:s4+s14], $0x80, s3, s14, $0xb8;
	[tilespmem:$0x16500] =	vst v63  }
0x3f: {  	_ =	swait.ge [sflag:s16], $0x2800  }
0x40: {  	[sflag:s16] =	ssyncset.done $0x0  }
0x41: {  	[sflag:s16] =	ssyncadd.s32 $0xFFFFD800  }
0x42: {  	[spmem:s2] =	stream.indirect.scatter.add.f32 [tilespmem:s15], [sflag:$0x2], $0x80, s13, s14, $0xb8;
	[tilespmem:$0x16500] =	vst v63  }
0x43: {  	_ =	swait.ge [sflag:s12], $0x2800  }
0x44: {  	s17 =	sadd.s32 $0x1, s17;
	[sflag:s12] =	ssyncset.done $0x0  }
0x45: {  	p0 =	sne.s32 s17, s8;
	[sflag:s12] =	ssyncadd.s32 $0xFFFFD800  }
.Ltmp1:
0x46: {  	[bflag:$0x0] =	sbarrier.arrive $0xFFFF;
	(pc) =	sbr.rel @p0 .LBB2_1-.Ltmp1, $4  }
0x47: {  	[hbm:s7], [sflag:s6] =	dma.local [spmem:s11], $0x2780  }
0x48: {  	_ =	swait.ge [sflag:s12], $0x2780  }
0x49: {  	[sflag:s12] =	ssyncset.done $0x0  }
0x4a: {  	[sflag:s12] =	ssyncadd.s32 $0xFFFFD880  }
0x4b: {  	_ =	sfence.sel $0x180000  }
0x4c: {  	[bflag:$0x0] =	sbarrier.arrive $0xFFFF  }
0x4d: {  	p0 =	sne.s32 s0, $0x0;
	_ =	strace $0x90000062  }
0x4e: {  	s0 =	sadd.s32 @!p0 $0x100000, s1;
	[bflag:$0x2] =	sbarrier.arrive $0xFFFF  }
0x4f: {  	[sflag:s0] =	ssyncadd.tile.s32 @!p0 $0x1;
	_ =	shalt  }
.Lfunc_end2:
_tile_overlayer_lowered:
.L_overlay_start_2:
0x50: {  	(tag) =	ssettag $0x2  }
0x51: {  	s0 =	rddreg [dreg:$0x0];
	s2 =	stileid.u32  }
0x52: {  	s1 =	rddreg [dreg:$0x1];
	p0 =	sne.s32 s2, $0x0  }
0x53: {  	s3 =	rddreg [dreg:$0x2];
	[bflag:$0x3] =	sbarrier.arrive $0xFFFF;
	s2 =	simm.s32 @!p0 $0x1C02  }
0x54: {  	[timem:s3], [sflag:s2] =	dma.local @!p0 [hbm:s0], s1  }
0x55: {  	s0 =	simm.s32 @!p0 $0x2  }
0x56: {  	_ =	swait.ge @!p0 [sflag:s0], s1  }
0x57: {  	s1 =	ssub.s32 @!p0 $0x0, s1;
	[sflag:s0] =	ssyncset.done @!p0 $0x0  }
0x58: {  	[sflag:s0] =	ssyncadd.s32 @!p0 s1  }
0x59: {  	[bflag:$0x3] =	sbarrier.arrive $0xFFFF  }
0x5a: {  	_ =	shalt  }

// kernel: kernel.58.cloned.1.call-start
scs
__scs_entry_jumppad:
0x0: {  	(pc) =	sbr.rel $0x88, $3  }
0x1: {  	(tag) =	ssettag $0x0;
	lr =	simm.s32 $0x1  }
0x2: {  	[smem:$0x3F95] =	sst lr;
	_ =	strace $0xD0000000  }
0x3: {  	_ = 	snop  }
0x4: {  	_ = 	snop  }
0x5: {  	_ = 	snop  }
0x6: {  	_ = 	snop  }
0x7: {  	_ = 	snop  }
__scs_overlays_trampoline_lowered:
0x8: {  	[smem:$0x3FA4] =	sst s0  }
0x9: {  	[smem:$0x3FA5] =	sst s1  }
0xa: {  	[smem:$0x3FA6] =	sst s2  }
0xb: {  	[smem:$0x3FA7] =	sst s3  }
0xc: {  	[smem:$0x3FA8] =	sst s4  }
0xd: {  	[smem:$0x3FA9] =	sst s5  }
0xe: {  	[smem:$0x3FAA] =	sst s6  }
0xf: {  	[smem:$0x3FAB] =	sst s7  }
0x10: {  	[smem:$0x3FAC] =	sst s8  }
0x11: {  	[smem:$0x3FAD] =	sst s9;
	s0 =	simm.s32 @!p0 $0x0  }
0x12: {  	s1 =	sld [smem:$0x3F93];
	s0 =	simm.s32 @p0 $0x1  }
0x13: {  	[smem:$0x3FAE] =	sst s0;
	s0 =	simm.s32 @!p1 $0x0  }
0x14: {  	s2 =	sld [smem:$0x3F92];
	s0 =	simm.s32 @p1 $0x1  }
0x15: {  	[smem:$0x3FAF] =	sst s0;
	s0 =	simm.s32 @!p2 $0x0  }
0x16: {  	s3 =	sld [smem:$0x3FDB];
	s0 =	simm.s32 @p2 $0x1  }
0x17: {  	s4 =	simm.s32 $0x1BF5;
	[smem:$0x3FB1] =	sst s0  }
0x18: {  	s0 =	sld [smem:$0x3F94];
	_ =	swait.ge [sflag:s4], $0x0  }
0x19: {  	s7 =	sld [smem:$0x3F95]  }
0x1a: {  	s8 =	sadd.s32 $0xFFFFE003, lr  }
0x1b: {  	s9 =	sadd.s32 $0xFFFFFEF7, lr;
	s5 =	simm.s32 $0xFFFFFFFF;
	p2 =	slt.u32 s8, $0xFFFFF086  }
0x1c: {  	p1 =	slt.u32 s9, $0xF7A;
	s5 =	simm.s32 @!p2 $0x0  }
0x1d: {  	s5 =	simm.s32 @p1 $0x1;
	p0 =	seq.s32 s7, s2  }
0x1e: {  	s7 =	smul.u32 @!p0 $0xF7A, s2;
	p2 =	seq.s32 @!p0 s5, $0x0  }
0x1f: {  	s9 =	smul.u32 $0xF7A, s1;
	s8 =	simm.s32 @!p0 $0x1BF5;
	p2 =	por !p2, p0  }
0x20: {  	[sflag:s8] =	ssyncset.s32 @!p0 $0xFFFFF086;
	s6 =	sadd.s32 @!p0 s3, s7;
	s7 =	simm.s32 @!p0 $0x108  }
0x21: {  	s3 =	sadd.s32 s3, s9;
	s6 =	sadd.s32 @!p0 $0x88, s6;
	s7 =	simm.s32 @p2 $0x1082  }
0x22: {  	[simem:s7], [sflag:s8] =	dma.local @!p0 [hbm:s6], $0xF7A  }
0x23: {  	s9 =	sor.u32 $0xD0000000, s2;
	s6 =	simm.s32 $0x108;
	_ =	swait.ge @!p0 [sflag:s8], $0x0  }
0x24: {  	s3 =	sadd.s32 $0x88, s3;
	s6 =	simm.s32 @!p1 $0x1082;
	[sflag:s4] =	ssyncset.s32 $0xFFFFF086  }
0x25: {  	[simem:s6], [sflag:s4] =	dma.local [hbm:s3], $0xF7A  }
0x26: {  	[smem:$0x3F95] =	sst s1;
	(tag) =	ssettag s2;
	_ =	strace s9  }
0x27: {  	s1 =	sld [smem:$0x3FA5]  }
0x28: {  	s2 =	sld [smem:$0x3FA6]  }
0x29: {  	s4 =	sld [smem:$0x3FA8]  }
0x2a: {  	p0 =	seq.s32 s5, $0x0;
	s5 =	sld [smem:$0x3FA9]  }
0x2b: {  	s6 =	sld [smem:$0x3FAA]  }
0x2c: {  	s7 =	sld [smem:$0x3FAB]  }
0x2d: {  	s3 =	simm.s32 $0x108;
	s8 =	sld [smem:$0x3FAC]  }
0x2e: {  	s3 =	simm.s32 @!p0 $0x1082;
	s9 =	sld [smem:$0x3FAD]  }
0x2f: {  	lr =	sadd.s32 s0, s3;
	s0 =	sld [smem:$0x3FA4]  }
0x30: {  	s3 =	sld [smem:$0x3FA7]  }
0x31: {  	[smem:$0x3FB0] =	sst s10  }
0x32: {  	s10 =	sld [smem:$0x3FAE];
	_ =	sdelay $0x3  }
0x33: {  	p0 =	seq.s32 s10, $0x1;
	s10 =	sld [smem:$0x3FB0];
	_ =	sdelay $0x3  }
0x34: {  	[smem:$0x3FB0] =	sst s10  }
0x35: {  	s10 =	sld [smem:$0x3FAF];
	_ =	sdelay $0x3  }
0x36: {  	p1 =	seq.s32 s10, $0x1;
	s10 =	sld [smem:$0x3FB0];
	_ =	sdelay $0x3  }
0x37: {  	[smem:$0x3FB0] =	sst s10  }
0x38: {  	s10 =	sld [smem:$0x3FB1]  }
0x39: {  	_ = 	snop;
	(pc) =	sbr.ind lr, $3  }
0x3a: {  	_ = 	snop  }
0x3b: {  	_ = 	snop  }
0x3c: {  	p2 =	seq.s32 s10, $0x1;
	s10 =	sld [smem:$0x3FB0]  }
0x3d: {  	_ =	shalt  }
0x3e: {  	_ =	shalt  }
0x3f: {  	_ =	shalt  }
0x40: {  	_ =	shalt  }
0x41: {  	_ =	shalt  }
0x42: {  	_ =	shalt  }
0x43: {  	_ =	shalt  }
0x44: {  	_ =	shalt  }
0x45: {  	_ =	shalt  }
0x46: {  	_ =	shalt  }
0x47: {  	_ =	shalt  }
0x48: {  	_ =	shalt  }
0x49: {  	_ =	shalt  }
0x4a: {  	_ =	shalt  }
0x4b: {  	_ =	shalt  }
0x4c: {  	_ =	shalt  }
0x4d: {  	_ =	shalt  }
0x4e: {  	_ =	shalt  }
0x4f: {  	_ =	shalt  }
0x50: {  	_ =	shalt  }
0x51: {  	_ =	shalt  }
0x52: {  	_ =	shalt  }
0x53: {  	_ =	shalt  }
0x54: {  	_ =	shalt  }
0x55: {  	_ =	shalt  }
0x56: {  	_ =	shalt  }
0x57: {  	_ =	shalt  }
0x58: {  	_ =	shalt  }
0x59: {  	_ =	shalt  }
0x5a: {  	_ =	shalt  }
0x5b: {  	_ =	shalt  }
0x5c: {  	_ =	shalt  }
0x5d: {  	_ =	shalt  }
0x5e: {  	_ =	shalt  }
0x5f: {  	_ =	shalt  }
0x60: {  	_ =	shalt  }
0x61: {  	_ =	shalt  }
0x62: {  	_ =	shalt  }
0x63: {  	_ =	shalt  }
0x64: {  	_ =	shalt  }
0x65: {  	_ =	shalt  }
0x66: {  	_ =	shalt  }
0x67: {  	_ =	shalt  }
0x68: {  	_ =	shalt  }
0x69: {  	_ =	shalt  }
0x6a: {  	_ =	shalt  }
0x6b: {  	_ =	shalt  }
0x6c: {  	_ =	shalt  }
0x6d: {  	_ =	shalt  }
0x6e: {  	_ =	shalt  }
0x6f: {  	_ =	shalt  }
0x70: {  	_ =	shalt  }
0x71: {  	_ =	shalt  }
0x72: {  	_ =	shalt  }
0x73: {  	_ =	shalt  }
0x74: {  	_ =	shalt  }
0x75: {  	_ =	shalt  }
0x76: {  	_ =	shalt  }
0x77: {  	_ =	shalt  }
0x78: {  	_ =	shalt  }
0x79: {  	_ =	shalt  }
0x7a: {  	_ =	shalt  }
0x7b: {  	_ =	shalt  }
0x7c: {  	_ =	shalt  }
0x7d: {  	_ =	shalt  }
0x7e: {  	_ =	shalt  }
0x7f: {  	_ =	shalt  }
0x80: {  	_ =	shalt  }
0x81: {  	_ =	shalt  }
0x82: {  	_ =	shalt  }
0x83: {  	_ =	shalt  }
0x84: {  	_ =	shalt  }
0x85: {  	_ =	shalt  }
0x86: {  	_ =	shalt  }
0x87: {  	_ =	shalt  }
.Lfunc_end0:
.L_simem_size_0:
called_computation.10_lowered:
.L_overlay_start_0:
0x88: {  	s2 =	sld [smem:$0x3FD9]  }
0x89: {  	s3 =	sld [smem:$0x3FFE];
	_ =	sdelay $0x1  }
0x8a: {  	s1 =	srdreg.scid  }
0x8b: {  	s0 =	sand.u32 $0x1, s1  }
0x8c: {  	s16 =	sshll.u32 s0, $0xA;
	s2 =	sadd.s32 s3, s2  }
0x8d: {  	s2 =	sadd.s32 s2, s16  }
0x8e: {  	[smem:$0x3FBC] =	sst s2  }
0x8f: {  	_ = 	snop  }
0x90: {  	(tm) =	ssettm $0x1  }
0x91: {  	s17 =	sld [smem:$0x3FFB];
	_ =	sdelay $0x3  }
0x92: {  	_ =	strace s17  }
0x93: {  	s2 =	sld [smem:$0x3FFC];
	_ =	sdelay $0x3  }
0x94: {  	_ =	strace s2  }
0x95: {  	s2 =	sld [smem:$0x3FFD];
	_ =	sdelay $0x3  }
0x96: {  	_ =	strace s2  }
0x97: {  	_ =	strace $0x8FFFFFFF  }
0x98: {  	s18 =	sld [smem:$0x3FDB];
	_ =	sdelay $0x1  }
0x99: {  	s19 =	simm.s32 $_scs_section_size  }
0x9a: {  	s4 =	simm.s32 $_size__tile_overlayer_lowered;
	s5 =	simm.s32 $_tile_overlayer_lowered  }
0x9b: {  	s22 =	simm.s32 $0x1BFF;
	s21 =	sshll.u32 s5, $0x1;
	s2 =	sadd.s32 s19, s18  }
0x9c: {  	s6 =	simm.s32 $0x0;
	s20 =	sshll.u32 s4, $0x1;
	s4 =	sadd.s32 s21, s2  }
0x9d: {  	[timem:s6], [sflag:s22] =	dma.local [hbm:s4], s20  }
0x9e: {  	_ =	swait.ge [sflag:s22], s20  }
0x9f: {  	s3 =	ssub.s32 $0x0, s20;
	[sflag:s22] =	ssyncset.done $0x0  }
0xa0: {  	[sflag:s22] =	ssyncadd.s32 s3;
	_ =	sdelay $0x1  }
0xa1: {  	s23 =	simm.s32 $0x1B8B  }
0xa2: {  	_ =	swait.ge [sflag:s23], $0x1  }
0xa3: {  	[sflag:s23] =	ssyncset.done $0x0  }
0xa4: {  	s25 =	simm.s32 $0x1B8E;
	s24 =	sld [smem:$0x3FFE];
	[sflag:s23] =	ssyncadd.s32 $0xFFFFFFFF  }
0xa5: {  	s26 =	simm.s32 $execute0_lowered;
	[smem:$0x3FD2] =	sst s25  }
0xa6: {  	s4 =	sshll.u32 s26, $0x1;
	_ =	strace $0x80000064;
	[dreg:$0x1] =	wrdreg $0xFFFFFFFF  }
0xa7: {  	s28 =	simm.s32 $_size_execute0_lowered;
	s2 =	sadd.s32 s2, s4;
	[dreg:$0x0] =	wrdreg $0x0  }
0xa8: {  	s4 =	sshll.u32 s28, $0x1;
	[dreg:$0x2] =	wrdreg s2  }
0xa9: {  	[dreg:$0x3] =	wrdreg s4  }
0xaa: {  	[dreg:$0x4] =	wrdreg $0xC0  }
0xab: {  	_ =	task [dreg:s6], $0x5FFFF  }
0xac: {  	[dreg:$0x1] =	wrdreg $0xFFFFFFFF  }
0xad: {  	[dreg:$0x0] =	wrdreg $0x60  }
0xae: {  	[dreg:$0x2] =	wrdreg s24  }
0xaf: {  	[dreg:$0x3] =	wrdreg $0x29000  }
0xb0: {  	[dreg:$0x4] =	wrdreg $0x9  }
0xb1: {  	_ =	task.clear_ibuf [dreg:s6], $0x5FFFF;
	_ =	strace $0x90000064  }
0xb2: {  	s29 =	simm.s32 $0x9;
	_ =	strace $0x80000066  }
0xb3: {  	_ =	swait.ge [sflag:s29], $0x1  }
0xb4: {  	[sflag:s29] =	ssyncadd.s32 $0xFFFFFFFF  }
0xb5: {  	_ =	strace $0x90000066  }
0xb6: {  	_ =	sfence  }
0xb7: {  	s30 =	sld [smem:$0x0];
	_ =	sdelay $0x2  }
0xb8: {  	s31 =	sshll.u32 s1, $0xD;
	s1 =	sshrl.u32 s1, $0x2  }
0xb9: {  	s3 =	sand.u32 $0x4000, s31;
	s1 =	sadd.s32 s1, s30  }
0xba: {  	s0 =	sor.u32 s3, s0;
	s1 =	sshll.u32 s1, $0x11  }
0xbb: {  	s0 =	sor.u32 s1, s0  }
0xbc: {  	s0 =	sadd.s32 $0x8F2B, s0  }
0xbd: {  	[sflag:s0] =	ssyncadd.remote.s32 $0x1  }
0xbe: {  	_ =	sfence.sel $0xFFFF  }
0xbf: {  	[dreg:$0x0] =	wrdreg $0xFFFFFFFF;
	(pc) =	sbr.abs _section_cstart, $3  }
0xc0: {  	[dreg:$0x1] =	wrdreg $0xFFFFFFFF  }
0xc1: {  	_ =	task.clear_ibuf [dreg:s6], $0x2FFFF;
	_ =	strace $0x9FFFFFFF  }
0xc2: {  	(tm) =	ssettm $0x7FFFFFFF  }
0xc3: {  	_ =	shalt  }
tec
execute0_lowered:
.L_overlay_start_1:
0x0: {  	(tag) =	ssettag $0x1  }
0x1: {  	s6 =	rddreg [dreg:$0x0]  }
0x2: {  	s1 =	srdreg.scid;
	s0 =	stileid.u32  }
0x3: {  	s2 =	rddreg [dreg:$0x1];
	s4 =	smul.u32 $0x2710, s0  }
0x4: {  	s3 =	simm.s32 $0x0;
	s14 =	simm.s32 $0x50;
	s8 =	smul.u32 $0x4E2, s0  }
0x5: {  	s15 =	simm.s32 $0x100;
	s16 =	simm.s32 $0x1;
	s9 =	smul.u32 $0x2780, s0  }
0x6: {  	s7 =	sand.u32 $0x1, s1;
	s1 =	rddreg [dreg:$0x2];
	s28 =	smul.u32 $0x4F000, s0  }
0x7: {  	s17 =	simm.s32 $0x0;
	[smem:$0x7FF] =	sst s3;
	s5 =	smul.u32 $0x27100, s7  }
0x8: {  	s31 =	sshll.u32 s0, $0x6;
	s10 =	smul.u32 $0x27800, s7;
	s7 =	ssub.s32 $0x2, s7  }
0x9: {  	_ =	strace $0x80000065;
	s12 =	sadd.s32 s8, s6;
	s29 =	sshrl.u32 s7, $0x1  }
0xa: {  	s8 =	sshrl.u32 s28, $0x2;
	s5 =	sadd.s32 s4, s5;
	s4 =	sadd.s32 $0x1F000, s6  }
0xb: {  	s9 =	sadd.s32 s9, s10;
	s30 =	ssub.s32 s7, s29;
	s13 =	sadd.s32 s8, s2  }
0xc: {  	s5 =	sshrl.u32 s5, $0x3;
	s9 =	sadd.s32 s9, s6;
	s8 =	smax.u32 s30, $0x1  }
0xd: {  	s11 =	sadd.s32 s5, s6;
	s5 =	sadd.s32 $0x6E000, s6;
	s6 =	sor.u32 $0x1C02, s31  }
0xe: {  	s7 =	sadd.s32 $0x222A00, s9;
	s9 =	sadd.s32 $0x10200, s12;
	s12 =	simm.s32 $0x2  }
0xf: {  	s10 =	sadd.s32 $0x15200, s11;
	s11 =	sshrl.u32 s13, $0x3;
	s13 =	simm.s32 $0x80  }
.LBB2_1:
0x10: {  	[spmem:s11], [sflag:s6] =	dma.local [hbm:s5], $0x2780  }
0x11: {  	_ =	swait.ge [sflag:s12], $0x2780  }
0x12: {  	[sflag:s12] =	ssyncset.done $0x0  }
0x13: {  	[sflag:s12] =	ssyncadd.s32 $0xFFFFD880  }
0x14: {  	s18 =	sadd.s32 $0x0, s10;
	[bflag:$0x0] =	sbarrier.arrive $0xFFFF  }
0x15: {  	[tilespmem:s3], [sflag:$0x2] =	stream.linear.gather [hbm4b:s18+s3], $0x50, $0x38;
	[tilespmem:$0x16500] =	vst v63  }
0x16: {  	_ =	swait.ge [sflag:s12], $0x50  }
0x17: {  	[sflag:s12] =	ssyncset.done $0x0  }
0x18: {  	s31 =	sadd.s32 $0x0, s9;
	[sflag:s12] =	ssyncadd.s32 $0xFFFFFFB0  }
0x19: {  	[tilespmem:s13], [sflag:$0x2] =	stream.linear.gather [hbm4b:s31+s3], $0x50, $0x38;
	[tilespmem:$0x16500] =	vst v63  }
0x1a: {  	_ =	swait.ge [sflag:s12], $0x50  }
0x1b: {  	[sflag:s12] =	ssyncset.done $0x0  }
0x1c: {  	[sflag:s12] =	ssyncadd.s32 $0xFFFFFFB0  }
0x1d: {  	[tilespmem:s15], [sflag:$0x1] =	stream.indirect.gather [hbm4b:s4+s14], $0x80, s3, s14, $0xb8;
	[tilespmem:$0x16500] =	vst v63  }
0x1e: {  	_ =	swait.ge [sflag:s16], $0x2800  }
0x1f: {  	[sflag:s16] =	ssyncset.done $0x0  }
0x20: {  	[sflag:s16] =	ssyncadd.s32 $0xFFFFD800  }
0x21: {  	[spmem:s2] =	stream.indirect.scatter.add.f32 [tilespmem:s15], [sflag:$0x2], $0x80, s13, s14, $0xb8;
	[tilespmem:$0x16500] =	vst v63  }
0x22: {  	_ =	swait.ge [sflag:s12], $0x2800  }
0x23: {  	s19 =	simm.s32 $0x14;
	s18 =	simm.s32 $0xA;
	[sflag:s12] =	ssyncset.done $0x0  }
.LBB2_2:
0x24: {  	s20 =	sadd.s32 s18, s10  }
0x25: {  	[sflag:s12] =	ssyncadd.s32 $0xFFFFD800;
	s21 =	smov.u32 s19;
	s22 =	sadd.s32 $0xA, s19  }
0x26: {  	[tilespmem:s3], [sflag:$0x2] =	stream.linear.gather [hbm4b:s20+s3], $0x50, $0x38;
	[tilespmem:$0x16500] =	vst v63  }
0x27: {  	p0 =	sne.s32 s19, $0x4D8;
	_ =	swait.ge [sflag:s12], $0x50  }
0x28: {  	[sflag:s12] =	ssyncset.done $0x0  }
0x29: {  	s19 =	sadd.s32 s18, s9;
	s18 =	smov.u32 s21;
	[sflag:s12] =	ssyncadd.s32 $0xFFFFFFB0  }
0x2a: {  	[tilespmem:s13], [sflag:$0x2] =	stream.linear.gather [hbm4b:s19+s3], $0x50, $0x38;
	[tilespmem:$0x16500] =	vst v63  }
0x2b: {  	_ =	swait.ge [sflag:s12], $0x50  }
0x2c: {  	[sflag:s12] =	ssyncset.done $0x0  }
0x2d: {  	[sflag:s12] =	ssyncadd.s32 $0xFFFFFFB0  }
0x2e: {  	[tilespmem:s15], [sflag:$0x1] =	stream.indirect.gather [hbm4b:s4+s14], $0x80, s3, s14, $0xb8;
	[tilespmem:$0x16500] =	vst v63  }
0x2f: {  	_ =	swait.ge [sflag:s16], $0x2800  }
.Ltmp0:
0x30: {  	[sflag:s16] =	ssyncset.done $0x0;
	(pc) =	sbr.rel @p0 .LBB2_2-.Ltmp0, $4  }
0x31: {  	[sflag:s16] =	ssyncadd.s32 $0xFFFFD800  }
0x32: {  	[spmem:s2] =	stream.indirect.scatter.add.f32 [tilespmem:s15], [sflag:$0x2], $0x80, s13, s14, $0xb8;
	[tilespmem:$0x16500] =	vst v63  }
0x33: {  	_ =	swait.ge [sflag:s12], $0x2800  }
0x34: {  	s19 =	smov.u32 s22;
	[sflag:s12] =	ssyncset.done $0x0  }
0x35: {  	s19 =	sadd.s32 s18, s10;
	[sflag:s12] =	ssyncadd.s32 $0xFFFFD800  }
0x36: {  	[tilespmem:s3], [sflag:$0x2] =	stream.linear.gather [hbm4b:s19+s3], $0x50, $0x38;
	[tilespmem:$0x16500] =	vst v63  }
0x37: {  	_ =	swait.ge [sflag:s12], $0x50  }
0x38: {  	[sflag:s12] =	ssyncset.done $0x0  }
0x39: {  	s31 =	sadd.s32 s18, s9;
	[sflag:s12] =	ssyncadd.s32 $0xFFFFFFB0  }
0x3a: {  	[tilespmem:s13], [sflag:$0x2] =	stream.linear.gather [hbm4b:s31+s3], $0x50, $0x38;
	[tilespmem:$0x16500] =	vst v63  }
0x3b: {  	_ =	swait.ge [sflag:s12], $0x50  }
0x3c: {  	[sflag:s12] =	ssyncset.done $0x0  }
0x3d: {  	[sflag:s12] =	ssyncadd.s32 $0xFFFFFFB0  }
0x3e: {  	[tilespmem:s15], [sflag:$0x1] =	stream.indirect.gather [hbm4b:s4+s14], $0x80, s3, s14, $0xb8;
	[tilespmem:$0x16500] =	vst v63  }
0x3f: {  	_ =	swait.ge [sflag:s16], $0x2800  }
0x40: {  	[sflag:s16] =	ssyncset.done $0x0  }
0x41: {  	[sflag:s16] =	ssyncadd.s32 $0xFFFFD800  }
0x42: {  	[spmem:s2] =	stream.indirect.scatter.add.f32 [tilespmem:s15], [sflag:$0x2], $0x80, s13, s14, $0xb8;
	[tilespmem:$0x16500] =	vst v63  }
0x43: {  	_ =	swait.ge [sflag:s12], $0x2800  }
0x44: {  	s17 =	sadd.s32 $0x1, s17;
	[sflag:s12] =	ssyncset.done $0x0  }
0x45: {  	p0 =	sne.s32 s17, s8;
	[sflag:s12] =	ssyncadd.s32 $0xFFFFD800  }
.Ltmp1:
0x46: {  	[bflag:$0x0] =	sbarrier.arrive $0xFFFF;
	(pc) =	sbr.rel @p0 .LBB2_1-.Ltmp1, $4  }
0x47: {  	[hbm:s7], [sflag:s6] =	dma.local [spmem:s11], $0x2780  }
0x48: {  	_ =	swait.ge [sflag:s12], $0x2780  }
0x49: {  	[sflag:s12] =	ssyncset.done $0x0  }
0x4a: {  	[sflag:s12] =	ssyncadd.s32 $0xFFFFD880  }
0x4b: {  	_ =	sfence.sel $0x180000  }
0x4c: {  	[bflag:$0x0] =	sbarrier.arrive $0xFFFF  }
0x4d: {  	p0 =	sne.s32 s0, $0x0;
	_ =	strace $0x90000065  }
0x4e: {  	s0 =	sadd.s32 @!p0 $0x100000, s1;
	[bflag:$0x2] =	sbarrier.arrive $0xFFFF  }
0x4f: {  	[sflag:s0] =	ssyncadd.tile.s32 @!p0 $0x1;
	_ =	shalt  }
.Lfunc_end2:
_tile_overlayer_lowered:
.L_overlay_start_2:
0x50: {  	(tag) =	ssettag $0x2  }
0x51: {  	s0 =	rddreg [dreg:$0x0];
	s2 =	stileid.u32  }
0x52: {  	s1 =	rddreg [dreg:$0x1];
	p0 =	sne.s32 s2, $0x0  }
0x53: {  	s3 =	rddreg [dreg:$0x2];
	[bflag:$0x3] =	sbarrier.arrive $0xFFFF;
	s2 =	simm.s32 @!p0 $0x1C02  }
0x54: {  	[timem:s3], [sflag:s2] =	dma.local @!p0 [hbm:s0], s1  }
0x55: {  	s0 =	simm.s32 @!p0 $0x2  }
0x56: {  	_ =	swait.ge @!p0 [sflag:s0], s1  }
0x57: {  	s1 =	ssub.s32 @!p0 $0x0, s1;
	[sflag:s0] =	ssyncset.done @!p0 $0x0  }
0x58: {  	[sflag:s0] =	ssyncadd.s32 @!p0 s1  }
0x59: {  	[bflag:$0x3] =	sbarrier.arrive $0xFFFF  }
0x5a: {  	_ =	shalt  }

</sc_bundles>
